<compile_context>
chip_gen: v7x
topology: tpu7x:2x2x1
jax: 0.10.2.dev20260603
libtpu: 0.0.44.dev20260713+nightly
codegen_flags: <defaults>
</compile_context>

<pallas_src>
import functools

import jax
import jax.numpy as jnp
from jax import lax
from jax.experimental import pallas as pl
from jax.experimental.pallas import tpu as pltpu
from jax.experimental.pallas import tpu_sc as plsc

P_DIM = 128
K_DIM = 32
N_ROWS = 1000000
B_DIM = 16384
_NC, _NS = 2, 16
_NW = _NC * _NS
_CHUNK = 1024
_LASTW = 512
_COLS_MAIN = 999936
_ITEMS = 977
_OUT_ROWS = B_DIM + 128
_NSLOT = 4


def _sc_gather_body(idx_hbm, zt_hbm, out_hbm, idx_v, hits_v, buf_v, clc_v,
                    stage_v, sin0, sin1, so0, so1, so2, so3):
    t = lax.axis_index("s") * _NC + lax.axis_index("c")
    start_item = 30 * t + jnp.minimum(t, 17)
    n_items = jnp.where(t < 17, 31, 30)
    lo = start_item * _CHUNK
    hi = jnp.minimum((start_item + n_items) * _CHUNK, _COLS_MAIN)
    out_sems = (so0, so1, so2, so3)

    iota16 = lax.iota(jnp.int32, 16)

    def fire_load(j):
        item = start_item + j
        c0 = item * _CHUNK
        is_last = item == _ITEMS - 1
        for p, sem in ((0, sin0), (1, sin1)):
            @pl.when((j % 2 == p) & jnp.logical_not(is_last))
            def _(p=p, sem=sem, c0=c0):
                pltpu.async_copy(
                    zt_hbm.at[:, pl.ds(c0, _CHUNK)],
                    buf_v.at[pl.ds(p * K_DIM, K_DIM)], sem)

            @pl.when((j % 2 == p) & is_last)
            def _(p=p, sem=sem, c0=c0):
                pltpu.async_copy(
                    zt_hbm.at[:, pl.ds(c0, _LASTW)],
                    buf_v.at[pl.ds(p * K_DIM, K_DIM), pl.ds(0, _LASTW)], sem)

    def wait_load(j):
        item = start_item + j
        c0 = item * _CHUNK
        is_last = item == _ITEMS - 1
        for p, sem in ((0, sin0), (1, sin1)):
            @pl.when((j % 2 == p) & jnp.logical_not(is_last))
            def _(p=p, sem=sem, c0=c0):
                pltpu.make_async_copy(
                    zt_hbm.at[:, pl.ds(c0, _CHUNK)],
                    buf_v.at[pl.ds(p * K_DIM, K_DIM)], sem).wait()

            @pl.when((j % 2 == p) & is_last)
            def _(p=p, sem=sem, c0=c0):
                pltpu.make_async_copy(
                    zt_hbm.at[:, pl.ds(c0, _LASTW)],
                    buf_v.at[pl.ds(p * K_DIM, K_DIM), pl.ds(0, _LASTW)],
                    sem).wait()

    fire_load(0)

    pltpu.sync_copy(idx_hbm, idx_v)

    def scan_body(v, cnt):
        iv = idx_v[pl.ds(v * 16, 16)]
        m = (iv >= lo) & (iv < hi)
        packed = ((v * 16 + iota16) << 15) | (iv - lo)
        _, sv = plsc.sort_key_val(jnp.where(m, iota16, 9999), packed)
        plsc.store_scatter(hits_v, [cnt + iota16], sv)
        return cnt + plsc.all_reduce_population_count(m)[0]

    cnt = lax.fori_loop(0, B_DIM // 16, scan_body, jnp.int32(0))
    plsc.store_scatter(hits_v, [cnt + iota16], iota16 * 0 + 0x7FFF)

    def chunk_step(j, g):
        item = start_item + j

        @pl.when(j + 1 < n_items)
        def _():
            fire_load(j + 1)

        wait_load(j)

        c0 = item * _CHUNK
        is_last = item == _ITEMS - 1
        width = jnp.where(is_last, _LASTW, _CHUNK)
        c0l = c0 - lo
        pbase = (j % 2) * K_DIM

        def resc_body(h, ccnt):
            pk = hits_v[pl.ds(h * 16, 16)]
            il = pk & 0x7FFF
            m2 = (il >= c0l) & (il < c0l + width)
            pk2 = ((pk >> 15) << 10) | (il - c0l)
            _, sv = plsc.sort_key_val(jnp.where(m2, iota16, 9999), pk2)
            plsc.store_scatter(clc_v, [ccnt + iota16], sv)
            return ccnt + plsc.all_reduce_population_count(m2)[0]

        ccnt = lax.fori_loop(0, (cnt + 15) // 16, resc_body, jnp.int32(0))
        plsc.store_scatter(clc_v, [ccnt + iota16],
                           iota16 * 0 + ((B_DIM + t) << 10))

        def ext_body(e, gg):
            pk2 = clc_v[pl.ds(e * 16, 16)]
            lc = pk2 & 0x3FF
            bv = pk2 >> 10
            slot = gg % _NSLOT
            for s, sem in enumerate(out_sems):
                @pl.when((slot == s) & (gg >= _NSLOT))
                def _(s=s, sem=sem):
                    pltpu.make_async_copy(
                        stage_v.at[pl.ds(s * 16, 16)],
                        out_hbm.at[bv], sem).wait()
            for k in range(K_DIM):
                rk = iota16 * 0 + (pbase + k)
                vk = plsc.load_gather(buf_v, [rk, lc])
                plsc.store_scatter(stage_v, [slot * 16 + iota16, rk * 0 + k],
                                   vk)
            for s, sem in enumerate(out_sems):
                @pl.when(slot == s)
                def _(s=s, sem=sem):
                    pltpu.async_copy(stage_v.at[pl.ds(s * 16, 16)],
                                     out_hbm.at[bv], sem)
            return gg + 1

        return lax.fori_loop(0, (ccnt + 15) // 16, ext_body, g)

    g = lax.fori_loop(0, n_items, chunk_step, jnp.int32(0))

    dump_bv = iota16 * 0 + (B_DIM + t)
    for s, sem in enumerate(out_sems):
        @pl.when(g > s)
        def _(s=s, sem=sem):
            pltpu.make_async_copy(stage_v.at[pl.ds(s * 16, 16)],
                                  out_hbm.at[dump_bv], sem).wait()


@functools.partial(
    pl.kernel,
    out_type=jax.ShapeDtypeStruct((_OUT_ROWS, P_DIM), jnp.float32),
    mesh=plsc.VectorSubcoreMesh(core_axis_name="c", subcore_axis_name="s"),
    scratch_types=[
        pltpu.VMEM((B_DIM,), jnp.int32),
        pltpu.VMEM((B_DIM + 128,), jnp.int32),
        pltpu.VMEM((2 * K_DIM, _CHUNK), jnp.float32),
        pltpu.VMEM((B_DIM + 128,), jnp.int32),
        pltpu.VMEM((_NSLOT * 16, P_DIM), jnp.float32),
        pltpu.SemaphoreType.DMA,
        pltpu.SemaphoreType.DMA,
        pltpu.SemaphoreType.DMA,
        pltpu.SemaphoreType.DMA,
        pltpu.SemaphoreType.DMA,
        pltpu.SemaphoreType.DMA,
    ],
    compiler_params=pltpu.CompilerParams(needs_layout_passes=False),
)
def _sc_gather(idx_hbm, zt_hbm, out_hbm, idx_v, hits_v, buf_v, clc_v,
               stage_v, sin0, sin1, so0, so1, so2, so3):
    _sc_gather_body(idx_hbm, zt_hbm, out_hbm, idx_v, hits_v, buf_v, clc_v,
                    stage_v, sin0, sin1, so0, so1, so2, so3)


_BLK_B = 8192


def _mm_body(zp_ref, idx_ref, ztail_ref, w_ref, mu_ref, o_ref):
    zi = zp_ref[:, :K_DIM]
    iv = idx_ref[...]
    fix = iv >= _COLS_MAIN
    lc = iv - _COLS_MAIN
    oh = (
        lc == lax.broadcasted_iota(jnp.int32, (_BLK_B, N_ROWS - _COLS_MAIN), 1)
    ) & fix
    zi_fix = lax.dot_general(
        oh.astype(jnp.float32),
        ztail_ref[...],
        dimension_numbers=(((1,), (0,)), ((), ())),
        preferred_element_type=jnp.float32,
    )
    zi_use = jnp.where(fix, zi_fix, zi)
    o_ref[...] = (
        lax.dot_general(
            zi_use,
            w_ref[...],
            dimension_numbers=(((1,), (1,)), ((), ())),
            preferred_element_type=jnp.float32,
        )
        + mu_ref[...]
    )


def _matmul(zi_pad, idx_col, ztail, W, mu2d):
    ntail = N_ROWS - _COLS_MAIN
    return pl.pallas_call(
        _mm_body,
        grid=(B_DIM // _BLK_B,),
        in_specs=[
            pl.BlockSpec((_BLK_B, P_DIM), lambda i: (i, 0)),
            pl.BlockSpec((_BLK_B, 1), lambda i: (i, 0)),
            pl.BlockSpec((ntail, K_DIM), lambda i: (0, 0)),
            pl.BlockSpec((P_DIM, K_DIM), lambda i: (0, 0)),
            pl.BlockSpec((1, P_DIM), lambda i: (0, 0)),
        ],
        out_specs=pl.BlockSpec((_BLK_B, P_DIM), lambda i: (i, 0)),
        out_shape=jax.ShapeDtypeStruct((B_DIM, P_DIM), jnp.float32),
    )(zi_pad, idx_col, ztail, W, mu2d)


def kernel(X, indices, z, W, mu):
    zt = z.T
    zi_pad = _sc_gather(indices, zt)
    idx_col = indices.reshape(B_DIM, 1)
    ztail = z[_COLS_MAIN:, :]
    return _matmul(zi_pad, idx_col, ztail, W, mu.reshape(1, P_DIM))

# --- scband reference (transcript-rebuilt; emitter-appended) ---
"""Pipeline reference for scband-mfmodule-42434276884601 (READ-ONLY COPY).

The authoritative reference and input builder live on the scoring server;
editing this copy changes nothing except your own understanding.
"""

import jax, jax.numpy as jnp
import numpy as np

N, P, K, B = 1000000, 128, 32, 16384

def setup_inputs(seed: int = 0) -> dict:
    key = jax.random.key(seed)
    kx, ki, kz, kw, km = jax.random.split(key, 5)
    X = jax.random.normal(kx, (B, P), dtype=jnp.float32)
    indices = jax.random.randint(ki, (B,), 0, N, dtype=jnp.int32)
    z = jax.random.normal(kz, (N, K), dtype=jnp.float32)
    W = jax.random.normal(kw, (P, K), dtype=jnp.float32)
    mu = jax.random.normal(km, (P,), dtype=jnp.float32)
    return {"X": X, "indices": indices, "z": z, "W": W, "mu": mu}

def reference(X, indices, z, W, mu):
    # z[indices, :] @ W.T + mu  (X is accepted but unused, matching the torch forward)
    zi = jnp.take(z, indices, axis=0)
    return zi @ W.T + mu

if __name__ == "__main__":
    import jax
    _d = setup_inputs()
    print(jax.jit(kernel)(*tuple(_d.values())))

</pallas_src>

<mosaic_0001>
#map = affine_map<(d0, d1) -> (0)>
#map1 = affine_map<(d0, d1) -> (0, 0)>
module attributes {stable_mosaic.version = 14 : i64} {
  func.func @_sc_gather(%arg0: i32, %arg1: i32, %arg2: memref<16384xi32, #tpu.memory_space<hbm>>, %arg3: memref<32x1000000xf32, #tpu.memory_space<hbm>>, %arg4: memref<16512x128xf32, #tpu.memory_space<hbm>>, %arg5: memref<16384xi32, #tpu.memory_space<vmem>>, %arg6: memref<16512xi32, #tpu.memory_space<vmem>>, %arg7: memref<64x1024xf32, #tpu.memory_space<vmem>>, %arg8: memref<16512xi32, #tpu.memory_space<vmem>>, %arg9: memref<64x128xf32, #tpu.memory_space<vmem>>, %arg10: memref<!tpu.dma_semaphore, #tpu.memory_space<semaphore_mem>>, %arg11: memref<!tpu.dma_semaphore, #tpu.memory_space<semaphore_mem>>, %arg12: memref<!tpu.dma_semaphore, #tpu.memory_space<semaphore_mem>>, %arg13: memref<!tpu.dma_semaphore, #tpu.memory_space<semaphore_mem>>, %arg14: memref<!tpu.dma_semaphore, #tpu.memory_space<semaphore_mem>>, %arg15: memref<!tpu.dma_semaphore, #tpu.memory_space<semaphore_mem>>) attributes {dimension_semantics = [#tpu.dimension_semantics<core_parallel>, #tpu.dimension_semantics<subcore_parallel>], iteration_bounds = array<i64: 2, 16>, scalar_prefetch = 0 : i64, scratch_operands = 11 : i64, tpu.core_type = #tpu.core_type<sc_vector_subcore>, window_params = [{transform_indices = #map}, {transform_indices = #map1}, {transform_indices = #map1}]} {
    %mul3A = arith.constant 2 : i32
    %mul3A_0 = arith.muli %arg1, %mul3A : i32
    %add3A = arith.addi %mul3A_0, %arg0 : i32
    %mul3A_1 = arith.constant 30 : i32
    %mul3A_2 = arith.muli %mul3A_1, %add3A : i32
    %min3A = arith.constant 17 : i32
    %min3A_3 = arith.minsi %add3A, %min3A : i32
    %add3A_4 = arith.addi %mul3A_2, %min3A_3 : i32
    %lt3A = arith.constant 17 : i32
    %lt3A_5 = arith.cmpi slt, %add3A, %lt3A : i32
    %jit3A = arith.constant 31 : i32
    %jit3A_6 = arith.constant 30 : i32
    %select_n3A = arith.select %lt3A_5, %jit3A, %jit3A_6 : i32
    %mul3A_7 = arith.constant 1024 : i32
    %mul3A_8 = arith.muli %add3A_4, %mul3A_7 : i32
    %add3A_9 = arith.addi %add3A_4, %select_n3A : i32
    %mul3A_10 = arith.constant 1024 : i32
    %mul3A_11 = arith.muli %add3A_9, %mul3A_10 : i32
    %min3A_12 = arith.constant 999936 : i32
    %min3A_13 = arith.minsi %mul3A_11, %min3A_12 : i32
    %iota3A = tpu.iota {dimensions = array<i32: 0>} : vector<16xi32>
    %add3A_14 = arith.constant 0 : i32
    %add3A_15 = arith.addi %add3A_4, %add3A_14 : i32
    %mul3A_16 = arith.constant 1024 : i32
    %mul3A_17 = arith.muli %add3A_15, %mul3A_16 : i32
    %eq3A = arith.constant 976 : i32
    %eq3A_18 = arith.cmpi eq, %add3A_15, %eq3A : i32
    %not3A = arith.constant true
    %not3A_19 = arith.xori %eq3A_18, %not3A : i1
    %and3A = arith.constant true
    %and3A_20 = arith.andi %and3A, %not3A_19 : i1
    %convert_element_type3A = arith.extui %and3A_20 : i1 to i32
    %cond3A = arith.constant 0 : i32
    %cond3A_21 = arith.cmpi ne, %convert_element_type3A, %cond3A : i32
    scf.if %cond3A_21 {
      %dma_start3A = arith.constant 0 : i32
      %dma_start3A_90 = arith.constant 0 : i32
      %dma_start3A_91 = tpu.memref_slice %arg7[%dma_start3A, %dma_start3A_90] : memref<64x1024xf32, #tpu.memory_space<vmem>> -> memref<32x1024xf32, #tpu.memory_space<vmem>>
      %dma_start3A_92 = arith.constant 0 : i32
      %dma_start3A_93 = tpu.memref_slice %arg3[%dma_start3A_92, %mul3A_17] : memref<32x1000000xf32, #tpu.memory_space<hbm>> -> memref<32x1024xf32, #tpu.memory_space<hbm>>
      %dma_start3A_94 = arith.constant 0 : i32
      %dma_start3A_95 = arith.constant 0 : i32
      %dma_start3A_96 = tpu.memref_slice %arg7[%dma_start3A_94, %dma_start3A_95] : memref<64x1024xf32, #tpu.memory_space<vmem>> -> memref<32x1024xf32, #tpu.memory_space<vmem>>
      %dma_start3A_97 = arith.constant 0 : i32
      %dma_start3A_98 = tpu.memref_slice %arg3[%dma_start3A_97, %mul3A_17] : memref<32x1000000xf32, #tpu.memory_space<hbm>> -> memref<32x1024xf32, #tpu.memory_space<hbm>>
      tpu.enqueue_dma source(%dma_start3A_98 : memref<32x1024xf32, #tpu.memory_space<hbm>>) target(%dma_start3A_96 : memref<32x1024xf32, #tpu.memory_space<vmem>>) target_semaphore(%arg10 : memref<!tpu.dma_semaphore, #tpu.memory_space<semaphore_mem>>)
    } else {
    }
    %and3A_22 = arith.constant true
    %and3A_23 = arith.andi %and3A_22, %eq3A_18 : i1
    %convert_element_type3A_24 = arith.extui %and3A_23 : i1 to i32
    %cond3A_25 = arith.constant 0 : i32
    %cond3A_26 = arith.cmpi ne, %convert_element_type3A_24, %cond3A_25 : i32
    scf.if %cond3A_26 {
      %dma_start3A = arith.constant 0 : i32
      %dma_start3A_90 = arith.constant 0 : i32
      %dma_start3A_91 = tpu.memref_slice %arg7[%dma_start3A, %dma_start3A_90] : memref<64x1024xf32, #tpu.memory_space<vmem>> -> memref<32x512xf32, #tpu.memory_space<vmem>>
      %dma_start3A_92 = arith.constant 0 : i32
      %dma_start3A_93 = tpu.memref_slice %arg3[%dma_start3A_92, %mul3A_17] : memref<32x1000000xf32, #tpu.memory_space<hbm>> -> memref<32x512xf32, #tpu.memory_space<hbm>>
      %dma_start3A_94 = arith.constant 0 : i32
      %dma_start3A_95 = arith.constant 0 : i32
      %dma_start3A_96 = tpu.memref_slice %arg7[%dma_start3A_94, %dma_start3A_95] : memref<64x1024xf32, #tpu.memory_space<vmem>> -> memref<32x512xf32, #tpu.memory_space<vmem>>
      %dma_start3A_97 = arith.constant 0 : i32
      %dma_start3A_98 = tpu.memref_slice %arg3[%dma_start3A_97, %mul3A_17] : memref<32x1000000xf32, #tpu.memory_space<hbm>> -> memref<32x512xf32, #tpu.memory_space<hbm>>
      tpu.enqueue_dma source(%dma_start3A_98 : memref<32x512xf32, #tpu.memory_space<hbm>>) target(%dma_start3A_96 : memref<32x512xf32, #tpu.memory_space<vmem>>) target_semaphore(%arg10 : memref<!tpu.dma_semaphore, #tpu.memory_space<semaphore_mem>>)
    } else {
    }
    %not3A_27 = arith.constant true
    %not3A_28 = arith.xori %eq3A_18, %not3A_27 : i1
    %and3A_29 = arith.constant false
    %and3A_30 = arith.andi %and3A_29, %not3A_28 : i1
    %convert_element_type3A_31 = arith.extui %and3A_30 : i1 to i32
    %cond3A_32 = arith.constant 0 : i32
    %cond3A_33 = arith.cmpi ne, %convert_element_type3A_31, %cond3A_32 : i32
    scf.if %cond3A_33 {
      %dma_start3A = arith.constant 32 : i32
      %dma_start3A_90 = arith.constant 0 : i32
      %dma_start3A_91 = tpu.memref_slice %arg7[%dma_start3A, %dma_start3A_90] : memref<64x1024xf32, #tpu.memory_space<vmem>> -> memref<32x1024xf32, #tpu.memory_space<vmem>>
      %dma_start3A_92 = arith.constant 0 : i32
      %dma_start3A_93 = tpu.memref_slice %arg3[%dma_start3A_92, %mul3A_17] : memref<32x1000000xf32, #tpu.memory_space<hbm>> -> memref<32x1024xf32, #tpu.memory_space<hbm>>
      %dma_start3A_94 = arith.constant 32 : i32
      %dma_start3A_95 = arith.constant 0 : i32
      %dma_start3A_96 = tpu.memref_slice %arg7[%dma_start3A_94, %dma_start3A_95] : memref<64x1024xf32, #tpu.memory_space<vmem>> -> memref<32x1024xf32, #tpu.memory_space<vmem>>
      %dma_start3A_97 = arith.constant 0 : i32
      %dma_start3A_98 = tpu.memref_slice %arg3[%dma_start3A_97, %mul3A_17] : memref<32x1000000xf32, #tpu.memory_space<hbm>> -> memref<32x1024xf32, #tpu.memory_space<hbm>>
      tpu.enqueue_dma source(%dma_start3A_98 : memref<32x1024xf32, #tpu.memory_space<hbm>>) target(%dma_start3A_96 : memref<32x1024xf32, #tpu.memory_space<vmem>>) target_semaphore(%arg11 : memref<!tpu.dma_semaphore, #tpu.memory_space<semaphore_mem>>)
    } else {
    }
    %and3A_34 = arith.constant false
    %and3A_35 = arith.andi %and3A_34, %eq3A_18 : i1
    %convert_element_type3A_36 = arith.extui %and3A_35 : i1 to i32
    %cond3A_37 = arith.constant 0 : i32
    %cond3A_38 = arith.cmpi ne, %convert_element_type3A_36, %cond3A_37 : i32
    scf.if %cond3A_38 {
      %dma_start3A = arith.constant 32 : i32
      %dma_start3A_90 = arith.constant 0 : i32
      %dma_start3A_91 = tpu.memref_slice %arg7[%dma_start3A, %dma_start3A_90] : memref<64x1024xf32, #tpu.memory_space<vmem>> -> memref<32x512xf32, #tpu.memory_space<vmem>>
      %dma_start3A_92 = arith.constant 0 : i32
      %dma_start3A_93 = tpu.memref_slice %arg3[%dma_start3A_92, %mul3A_17] : memref<32x1000000xf32, #tpu.memory_space<hbm>> -> memref<32x512xf32, #tpu.memory_space<hbm>>
      %dma_start3A_94 = arith.constant 32 : i32
      %dma_start3A_95 = arith.constant 0 : i32
      %dma_start3A_96 = tpu.memref_slice %arg7[%dma_start3A_94, %dma_start3A_95] : memref<64x1024xf32, #tpu.memory_space<vmem>> -> memref<32x512xf32, #tpu.memory_space<vmem>>
      %dma_start3A_97 = arith.constant 0 : i32
      %dma_start3A_98 = tpu.memref_slice %arg3[%dma_start3A_97, %mul3A_17] : memref<32x1000000xf32, #tpu.memory_space<hbm>> -> memref<32x512xf32, #tpu.memory_space<hbm>>
      tpu.enqueue_dma source(%dma_start3A_98 : memref<32x512xf32, #tpu.memory_space<hbm>>) target(%dma_start3A_96 : memref<32x512xf32, #tpu.memory_space<vmem>>) target_semaphore(%arg11 : memref<!tpu.dma_semaphore, #tpu.memory_space<semaphore_mem>>)
    } else {
    }
    "tpu.region"() ({
      %run_scoped3A = tpu.sem_alloc : memref<!tpu.dma_semaphore, #tpu.memory_space<semaphore_mem>>
      tpu.enqueue_dma source(%arg2 : memref<16384xi32, #tpu.memory_space<hbm>>) target(%arg5 : memref<16384xi32, #tpu.memory_space<vmem>>) target_semaphore(%run_scoped3A : memref<!tpu.dma_semaphore, #tpu.memory_space<semaphore_mem>>)
      tpu.wait_dma2 semaphore(%run_scoped3A : memref<!tpu.dma_semaphore, #tpu.memory_space<semaphore_mem>>) src(%arg2 : memref<16384xi32, #tpu.memory_space<hbm>>) dst(%arg5 : memref<16384xi32, #tpu.memory_space<vmem>>)
      tpu.yield
    }) : () -> ()
    %scan3A = arith.constant 0 : i32
    %scan3A_39 = arith.constant 0 : i32
    %scan3A_40 = arith.constant 1024 : i32
    %scan3A_41 = arith.addi %scan3A_39, %scan3A_40 : i32
    %scan3A_42 = arith.constant 1 : i32
    %scan3A_43 = scf.for %scan3A_90 = %scan3A_39 to %scan3A_41 step %scan3A_42 iter_args(%scan3A_91 = %scan3A) -> (i32)  : i32 {
      %mul3A_92 = arith.constant 16 : i32
      %mul3A_93 = arith.muli %scan3A_90, %mul3A_92 : i32
      %get3A = arith.index_cast %mul3A_93 : i32 to index
      %get3A_94 = tpu.vector_load %arg5[%get3A] {strides = array<i32>} : memref<16384xi32, #tpu.memory_space<vmem>>, vector<16xi32>,
      %ge3A = vector.broadcast %mul3A_8 : i32 to vector<16xi32>
      %ge3A_95 = arith.cmpi sge, %get3A_94, %ge3A : vector<16xi32>
      %lt3A_96 = vector.broadcast %min3A_13 : i32 to vector<16xi32>
      %lt3A_97 = arith.cmpi slt, %get3A_94, %lt3A_96 : vector<16xi32>
      %and3A_98 = arith.andi %ge3A_95, %lt3A_97 : vector<16xi1>
      %mul3A_99 = arith.constant 16 : i32
      %mul3A_100 = arith.muli %scan3A_90, %mul3A_99 : i32
      %add3A_101 = vector.broadcast %mul3A_100 : i32 to vector<16xi32>
      %add3A_102 = arith.addi %add3A_101, %iota3A : vector<16xi32>
      %shift_left3A = arith.constant 15 : i32
      %shift_left3A_103 = vector.broadcast %shift_left3A : i32 to vector<16xi32>
      %shift_left3A_104 = arith.shli %add3A_102, %shift_left3A_103 : vector<16xi32>
      %sub3A = vector.broadcast %mul3A_8 : i32 to vector<16xi32>
      %sub3A_105 = arith.subi %get3A_94, %sub3A : vector<16xi32>
      %or3A = arith.ori %shift_left3A_104, %sub3A_105 : vector<16xi32>
      %jit3A_106 = arith.constant 9999 : i32
      %broadcast_in_dim3A = vector.broadcast %jit3A_106 : i32 to vector<16xi32>
      %select_n3A_107 = arith.select %and3A_98, %iota3A, %broadcast_in_dim3A : vector<16xi1>, vector<16xi32>
      %masked_sort3A = arith.constant dense<true> : vector<16xi1>
      %masked_sort3A_108 = arith.constant -2147483648 : i32
      %masked_sort3A_109 = vector.broadcast %masked_sort3A_108 : i32 to vector<16xi32>
      %masked_sort3A_110 = arith.xori %select_n3A_107, %masked_sort3A_109 : vector<16xi32>
      %masked_sort3A_111, %masked_sort3A_112, %masked_sort3A_113 = tpu.sort %masked_sort3A_110, %or3A masked %masked_sort3A : (vector<16xi32>, vector<16xi32>, vector<16xi1>) -> (vector<16xi1>, vector<16xi32>, vector<16xi32>)
      %masked_sort3A_114 = arith.xori %masked_sort3A_112, %masked_sort3A_109 : vector<16xi32>
      %add3A_115 = vector.broadcast %scan3A_91 : i32 to vector<16xi32>
      %add3A_116 = arith.addi %add3A_115, %iota3A : vector<16xi32>
      tpu.vector_store_idx %arg6[%add3A_116], %masked_sort3A_113 : memref<16512xi32, #tpu.memory_space<vmem>>[vector<16xi32>], vector<16xi32>,
      %all_reduce_population_count3A = tpu.all_reduce %and3A_98 {dim = 0 : i64, kind = #tpu.reduction_kind<sum>} : vector<16xi1> -> vector<16xi32>
      %slice3A = vector.extract_strided_slice %all_reduce_population_count3A {offsets = [0], sizes = [1], strides = [1]} : vector<16xi32> to vector<1xi32>
      %squeeze3A = vector.extract %slice3A[0] : i32 from vector<1xi32>
      %add3A_117 = arith.addi %scan3A_91, %squeeze3A : i32
      scf.yield %add3A_117 : i32
    }
    %scan3A_44 = arith.constant 1024 : i32
    %add3A_45 = vector.broadcast %scan3A_43 : i32 to vector<16xi32>
    %add3A_46 = arith.addi %add3A_45, %iota3A : vector<16xi32>
    %mul3A_47 = arith.constant 0 : i32
    %mul3A_48 = vector.broadcast %mul3A_47 : i32 to vector<16xi32>
    %mul3A_49 = arith.muli %iota3A, %mul3A_48 : vector<16xi32>
    %add3A_50 = arith.constant 32767 : i32
    %add3A_51 = vector.broadcast %add3A_50 : i32 to vector<16xi32>
    %add3A_52 = arith.addi %mul3A_49, %add3A_51 : vector<16xi32>
    tpu.vector_store_idx %arg6[%add3A_46], %add3A_52 : memref<16512xi32, #tpu.memory_space<vmem>>[vector<16xi32>], vector<16xi32>,
    %while3A = arith.constant 0 : i32
    %while3A_53 = arith.constant 0 : i32
    %while3A_54 = arith.subi %select_n3A, %while3A : i32
    %while3A_55 = arith.addi %while3A, %while3A_54 : i32
    %while3A_56 = arith.constant 1 : i32
    %while3A_57 = arith.divsi %while3A_54, %while3A_56 : i32
    %while3A_58 = arith.muli %while3A_57, %while3A_56 : i32
    %while3A_59 = arith.addi %while3A, %while3A_58 : i32
    %while3A_60 = arith.constant 1 : i32
    %while3A_61 = scf.for %while3A_90 = %while3A to %while3A_59 step %while3A_60 iter_args(%while3A_91 = %while3A_53) -> (i32)  : i32 {
      %add3A_92 = arith.addi %add3A_4, %while3A_90 : i32
      %add3A_93 = arith.constant 1 : i32
      %add3A_94 = arith.addi %while3A_90, %add3A_93 : i32
      %lt3A_95 = arith.cmpi slt, %add3A_94, %select_n3A : i32
      %convert_element_type3A_96 = arith.extui %lt3A_95 : i1 to i32
      %cond3A_97 = arith.constant 0 : i32
      %cond3A_98 = arith.cmpi ne, %convert_element_type3A_96, %cond3A_97 : i32
      scf.if %cond3A_98 {
        %add3A_302 = arith.constant 1 : i32
        %add3A_303 = arith.addi %while3A_90, %add3A_302 : i32
        %add3A_304 = arith.addi %add3A_4, %add3A_303 : i32
        %mul3A_305 = arith.constant 1024 : i32
        %mul3A_306 = arith.muli %add3A_304, %mul3A_305 : i32
        %eq3A_307 = arith.constant 976 : i32
        %eq3A_308 = arith.cmpi eq, %add3A_304, %eq3A_307 : i32
        %jit3A_309 = arith.constant 2 : i32
        %eq3A_310 = arith.constant 0 : i32
        %eq3A_311 = arith.cmpi eq, %jit3A_309, %eq3A_310 : i32
        %jit3A_312 = arith.constant 1 : i32
        %select_n3A_313 = arith.select %eq3A_311, %jit3A_312, %jit3A_309 : i32
        %rem3A_314 = arith.remsi %add3A_303, %select_n3A_313 : i32
        %ne3A_315 = arith.constant 0 : i32
        %ne3A_316 = arith.cmpi ne, %rem3A_314, %ne3A_315 : i32
        %lt3A_317 = arith.constant 0 : i32
        %lt3A_318 = arith.cmpi slt, %rem3A_314, %lt3A_317 : i32
        %lt3A_319 = arith.constant 0 : i32
        %lt3A_320 = arith.cmpi slt, %select_n3A_313, %lt3A_319 : i32
        %ne3A_321 = arith.xori %lt3A_318, %lt3A_320 : i1
        %and3A_322 = arith.andi %ne3A_321, %ne3A_316 : i1
        %add3A_323 = arith.addi %rem3A_314, %select_n3A_313 : i32
        %select_n3A_324 = arith.select %and3A_322, %add3A_323, %rem3A_314 : i32
        %eq3A_325 = arith.constant 0 : i32
        %eq3A_326 = arith.cmpi eq, %select_n3A_324, %eq3A_325 : i32
        %not3A_327 = arith.constant true
        %not3A_328 = arith.xori %eq3A_308, %not3A_327 : i1
        %and3A_329 = arith.andi %eq3A_326, %not3A_328 : i1
        %convert_element_type3A_330 = arith.extui %and3A_329 : i1 to i32
        %cond3A_331 = arith.constant 0 : i32
        %cond3A_332 = arith.cmpi ne, %convert_element_type3A_330, %cond3A_331 : i32
        scf.if %cond3A_332 {
          %dma_start3A = arith.constant 0 : i32
          %dma_start3A_401 = arith.constant 0 : i32
          %dma_start3A_402 = tpu.memref_slice %arg7[%dma_start3A, %dma_start3A_401] : memref<64x1024xf32, #tpu.memory_space<vmem>> -> memref<32x1024xf32, #tpu.memory_space<vmem>>
          %dma_start3A_403 = arith.constant 0 : i32
          %dma_start3A_404 = tpu.memref_slice %arg3[%dma_start3A_403, %mul3A_306] : memref<32x1000000xf32, #tpu.memory_space<hbm>> -> memref<32x1024xf32, #tpu.memory_space<hbm>>
          %dma_start3A_405 = arith.constant 0 : i32
          %dma_start3A_406 = arith.constant 0 : i32
          %dma_start3A_407 = tpu.memref_slice %arg7[%dma_start3A_405, %dma_start3A_406] : memref<64x1024xf32, #tpu.memory_space<vmem>> -> memref<32x1024xf32, #tpu.memory_space<vmem>>
          %dma_start3A_408 = arith.constant 0 : i32
          %dma_start3A_409 = tpu.memref_slice %arg3[%dma_start3A_408, %mul3A_306] : memref<32x1000000xf32, #tpu.memory_space<hbm>> -> memref<32x1024xf32, #tpu.memory_space<hbm>>
          tpu.enqueue_dma source(%dma_start3A_409 : memref<32x1024xf32, #tpu.memory_space<hbm>>) target(%dma_start3A_407 : memref<32x1024xf32, #tpu.memory_space<vmem>>) target_semaphore(%arg10 : memref<!tpu.dma_semaphore, #tpu.memory_space<semaphore_mem>>)
        } else {
        }
        %jit3A_333 = arith.constant 2 : i32
        %eq3A_334 = arith.constant 0 : i32
        %eq3A_335 = arith.cmpi eq, %jit3A_333, %eq3A_334 : i32
        %jit3A_336 = arith.constant 1 : i32
        %select_n3A_337 = arith.select %eq3A_335, %jit3A_336, %jit3A_333 : i32
        %rem3A_338 = arith.remsi %add3A_303, %select_n3A_337 : i32
        %ne3A_339 = arith.constant 0 : i32
        %ne3A_340 = arith.cmpi ne, %rem3A_338, %ne3A_339 : i32
        %lt3A_341 = arith.constant 0 : i32
        %lt3A_342 = arith.cmpi slt, %rem3A_338, %lt3A_341 : i32
        %lt3A_343 = arith.constant 0 : i32
        %lt3A_344 = arith.cmpi slt, %select_n3A_337, %lt3A_343 : i32
        %ne3A_345 = arith.xori %lt3A_342, %lt3A_344 : i1
        %and3A_346 = arith.andi %ne3A_345, %ne3A_340 : i1
        %add3A_347 = arith.addi %rem3A_338, %select_n3A_337 : i32
        %select_n3A_348 = arith.select %and3A_346, %add3A_347, %rem3A_338 : i32
        %eq3A_349 = arith.constant 0 : i32
        %eq3A_350 = arith.cmpi eq, %select_n3A_348, %eq3A_349 : i32
        %and3A_351 = arith.andi %eq3A_350, %eq3A_308 : i1
        %convert_element_type3A_352 = arith.extui %and3A_351 : i1 to i32
        %cond3A_353 = arith.constant 0 : i32
        %cond3A_354 = arith.cmpi ne, %convert_element_type3A_352, %cond3A_353 : i32
        scf.if %cond3A_354 {
          %dma_start3A = arith.constant 0 : i32
          %dma_start3A_401 = arith.constant 0 : i32
          %dma_start3A_402 = tpu.memref_slice %arg7[%dma_start3A, %dma_start3A_401] : memref<64x1024xf32, #tpu.memory_space<vmem>> -> memref<32x512xf32, #tpu.memory_space<vmem>>
          %dma_start3A_403 = arith.constant 0 : i32
          %dma_start3A_404 = tpu.memref_slice %arg3[%dma_start3A_403, %mul3A_306] : memref<32x1000000xf32, #tpu.memory_space<hbm>> -> memref<32x512xf32, #tpu.memory_space<hbm>>
          %dma_start3A_405 = arith.constant 0 : i32
          %dma_start3A_406 = arith.constant 0 : i32
          %dma_start3A_407 = tpu.memref_slice %arg7[%dma_start3A_405, %dma_start3A_406] : memref<64x1024xf32, #tpu.memory_space<vmem>> -> memref<32x512xf32, #tpu.memory_space<vmem>>
          %dma_start3A_408 = arith.constant 0 : i32
          %dma_start3A_409 = tpu.memref_slice %arg3[%dma_start3A_408, %mul3A_306] : memref<32x1000000xf32, #tpu.memory_space<hbm>> -> memref<32x512xf32, #tpu.memory_space<hbm>>
          tpu.enqueue_dma source(%dma_start3A_409 : memref<32x512xf32, #tpu.memory_space<hbm>>) target(%dma_start3A_407 : memref<32x512xf32, #tpu.memory_space<vmem>>) target_semaphore(%arg10 : memref<!tpu.dma_semaphore, #tpu.memory_space<semaphore_mem>>)
        } else {
        }
        %jit3A_355 = arith.constant 2 : i32
        %eq3A_356 = arith.constant 0 : i32
        %eq3A_357 = arith.cmpi eq, %jit3A_355, %eq3A_356 : i32
        %jit3A_358 = arith.constant 1 : i32
        %select_n3A_359 = arith.select %eq3A_357, %jit3A_358, %jit3A_355 : i32
        %rem3A_360 = arith.remsi %add3A_303, %select_n3A_359 : i32
        %ne3A_361 = arith.constant 0 : i32
        %ne3A_362 = arith.cmpi ne, %rem3A_360, %ne3A_361 : i32
        %lt3A_363 = arith.constant 0 : i32
        %lt3A_364 = arith.cmpi slt, %rem3A_360, %lt3A_363 : i32
        %lt3A_365 = arith.constant 0 : i32
        %lt3A_366 = arith.cmpi slt, %select_n3A_359, %lt3A_365 : i32
        %ne3A_367 = arith.xori %lt3A_364, %lt3A_366 : i1
        %and3A_368 = arith.andi %ne3A_367, %ne3A_362 : i1
        %add3A_369 = arith.addi %rem3A_360, %select_n3A_359 : i32
        %select_n3A_370 = arith.select %and3A_368, %add3A_369, %rem3A_360 : i32
        %eq3A_371 = arith.constant 1 : i32
        %eq3A_372 = arith.cmpi eq, %select_n3A_370, %eq3A_371 : i32
        %not3A_373 = arith.constant true
        %not3A_374 = arith.xori %eq3A_308, %not3A_373 : i1
        %and3A_375 = arith.andi %eq3A_372, %not3A_374 : i1
        %convert_element_type3A_376 = arith.extui %and3A_375 : i1 to i32
        %cond3A_377 = arith.constant 0 : i32
        %cond3A_378 = arith.cmpi ne, %convert_element_type3A_376, %cond3A_377 : i32
        scf.if %cond3A_378 {
          %dma_start3A = arith.constant 32 : i32
          %dma_start3A_401 = arith.constant 0 : i32
          %dma_start3A_402 = tpu.memref_slice %arg7[%dma_start3A, %dma_start3A_401] : memref<64x1024xf32, #tpu.memory_space<vmem>> -> memref<32x1024xf32, #tpu.memory_space<vmem>>
          %dma_start3A_403 = arith.constant 0 : i32
          %dma_start3A_404 = tpu.memref_slice %arg3[%dma_start3A_403, %mul3A_306] : memref<32x1000000xf32, #tpu.memory_space<hbm>> -> memref<32x1024xf32, #tpu.memory_space<hbm>>
          %dma_start3A_405 = arith.constant 32 : i32
          %dma_start3A_406 = arith.constant 0 : i32
          %dma_start3A_407 = tpu.memref_slice %arg7[%dma_start3A_405, %dma_start3A_406] : memref<64x1024xf32, #tpu.memory_space<vmem>> -> memref<32x1024xf32, #tpu.memory_space<vmem>>
          %dma_start3A_408 = arith.constant 0 : i32
          %dma_start3A_409 = tpu.memref_slice %arg3[%dma_start3A_408, %mul3A_306] : memref<32x1000000xf32, #tpu.memory_space<hbm>> -> memref<32x1024xf32, #tpu.memory_space<hbm>>
          tpu.enqueue_dma source(%dma_start3A_409 : memref<32x1024xf32, #tpu.memory_space<hbm>>) target(%dma_start3A_407 : memref<32x1024xf32, #tpu.memory_space<vmem>>) target_semaphore(%arg11 : memref<!tpu.dma_semaphore, #tpu.memory_space<semaphore_mem>>)
        } else {
        }
        %jit3A_379 = arith.constant 2 : i32
        %eq3A_380 = arith.constant 0 : i32
        %eq3A_381 = arith.cmpi eq, %jit3A_379, %eq3A_380 : i32
        %jit3A_382 = arith.constant 1 : i32
        %select_n3A_383 = arith.select %eq3A_381, %jit3A_382, %jit3A_379 : i32
        %rem3A_384 = arith.remsi %add3A_303, %select_n3A_383 : i32
        %ne3A_385 = arith.constant 0 : i32
        %ne3A_386 = arith.cmpi ne, %rem3A_384, %ne3A_385 : i32
        %lt3A_387 = arith.constant 0 : i32
        %lt3A_388 = arith.cmpi slt, %rem3A_384, %lt3A_387 : i32
        %lt3A_389 = arith.constant 0 : i32
        %lt3A_390 = arith.cmpi slt, %select_n3A_383, %lt3A_389 : i32
        %ne3A_391 = arith.xori %lt3A_388, %lt3A_390 : i1
        %and3A_392 = arith.andi %ne3A_391, %ne3A_386 : i1
        %add3A_393 = arith.addi %rem3A_384, %select_n3A_383 : i32
        %select_n3A_394 = arith.select %and3A_392, %add3A_393, %rem3A_384 : i32
        %eq3A_395 = arith.constant 1 : i32
        %eq3A_396 = arith.cmpi eq, %select_n3A_394, %eq3A_395 : i32
        %and3A_397 = arith.andi %eq3A_396, %eq3A_308 : i1
        %convert_element_type3A_398 = arith.extui %and3A_397 : i1 to i32
        %cond3A_399 = arith.constant 0 : i32
        %cond3A_400 = arith.cmpi ne, %convert_element_type3A_398, %cond3A_399 : i32
        scf.if %cond3A_400 {
          %dma_start3A = arith.constant 32 : i32
          %dma_start3A_401 = arith.constant 0 : i32
          %dma_start3A_402 = tpu.memref_slice %arg7[%dma_start3A, %dma_start3A_401] : memref<64x1024xf32, #tpu.memory_space<vmem>> -> memref<32x512xf32, #tpu.memory_space<vmem>>
          %dma_start3A_403 = arith.constant 0 : i32
          %dma_start3A_404 = tpu.memref_slice %arg3[%dma_start3A_403, %mul3A_306] : memref<32x1000000xf32, #tpu.memory_space<hbm>> -> memref<32x512xf32, #tpu.memory_space<hbm>>
          %dma_start3A_405 = arith.constant 32 : i32
          %dma_start3A_406 = arith.constant 0 : i32
          %dma_start3A_407 = tpu.memref_slice %arg7[%dma_start3A_405, %dma_start3A_406] : memref<64x1024xf32, #tpu.memory_space<vmem>> -> memref<32x512xf32, #tpu.memory_space<vmem>>
          %dma_start3A_408 = arith.constant 0 : i32
          %dma_start3A_409 = tpu.memref_slice %arg3[%dma_start3A_408, %mul3A_306] : memref<32x1000000xf32, #tpu.memory_space<hbm>> -> memref<32x512xf32, #tpu.memory_space<hbm>>
          tpu.enqueue_dma source(%dma_start3A_409 : memref<32x512xf32, #tpu.memory_space<hbm>>) target(%dma_start3A_407 : memref<32x512xf32, #tpu.memory_space<vmem>>) target_semaphore(%arg11 : memref<!tpu.dma_semaphore, #tpu.memory_space<semaphore_mem>>)
        } else {
        }
      } else {
      }
      %add3A_99 = arith.addi %add3A_4, %while3A_90 : i32
      %mul3A_100 = arith.constant 1024 : i32
      %mul3A_101 = arith.muli %add3A_99, %mul3A_100 : i32
      %eq3A_102 = arith.constant 976 : i32
      %eq3A_103 = arith.cmpi eq, %add3A_99, %eq3A_102 : i32
      %jit3A_104 = arith.constant 2 : i32
      %eq3A_105 = arith.constant 0 : i32
      %eq3A_106 = arith.cmpi eq, %jit3A_104, %eq3A_105 : i32
      %jit3A_107 = arith.constant 1 : i32
      %select_n3A_108 = arith.select %eq3A_106, %jit3A_107, %jit3A_104 : i32
      %rem3A = arith.remsi %while3A_90, %select_n3A_108 : i32
      %ne3A = arith.constant 0 : i32
      %ne3A_109 = arith.cmpi ne, %rem3A, %ne3A : i32
      %lt3A_110 = arith.constant 0 : i32
      %lt3A_111 = arith.cmpi slt, %rem3A, %lt3A_110 : i32
      %lt3A_112 = arith.constant 0 : i32
      %lt3A_113 = arith.cmpi slt, %select_n3A_108, %lt3A_112 : i32
      %ne3A_114 = arith.xori %lt3A_111, %lt3A_113 : i1
      %and3A_115 = arith.andi %ne3A_114, %ne3A_109 : i1
      %add3A_116 = arith.addi %rem3A, %select_n3A_108 : i32
      %select_n3A_117 = arith.select %and3A_115, %add3A_116, %rem3A : i32
      %eq3A_118 = arith.constant 0 : i32
      %eq3A_119 = arith.cmpi eq, %select_n3A_117, %eq3A_118 : i32
      %not3A_120 = arith.constant true
      %not3A_121 = arith.xori %eq3A_103, %not3A_120 : i1
      %and3A_122 = arith.andi %eq3A_119, %not3A_121 : i1
      %convert_element_type3A_123 = arith.extui %and3A_122 : i1 to i32
      %cond3A_124 = arith.constant 0 : i32
      %cond3A_125 = arith.cmpi ne, %convert_element_type3A_123, %cond3A_124 : i32
      scf.if %cond3A_125 {
        %dma_wait3A = arith.constant 0 : i32
        %dma_wait3A_302 = arith.constant 0 : i32
        %dma_wait3A_303 = tpu.memref_slice %arg7[%dma_wait3A, %dma_wait3A_302] : memref<64x1024xf32, #tpu.memory_space<vmem>> -> memref<32x1024xf32, #tpu.memory_space<vmem>>
        %dma_wait3A_304 = arith.constant 0 : i32
        %dma_wait3A_305 = tpu.memref_slice %arg3[%dma_wait3A_304, %mul3A_101] : memref<32x1000000xf32, #tpu.memory_space<hbm>> -> memref<32x1024xf32, #tpu.memory_space<hbm>>
        %dma_wait3A_306 = arith.constant 0 : i32
        %dma_wait3A_307 = arith.constant 0 : i32
        %dma_wait3A_308 = tpu.memref_slice %arg7[%dma_wait3A_306, %dma_wait3A_307] : memref<64x1024xf32, #tpu.memory_space<vmem>> -> memref<32x1024xf32, #tpu.memory_space<vmem>>
        %dma_wait3A_309 = arith.constant 0 : i32
        %dma_wait3A_310 = tpu.memref_slice %arg3[%dma_wait3A_309, %mul3A_101] : memref<32x1000000xf32, #tpu.memory_space<hbm>> -> memref<32x1024xf32, #tpu.memory_space<hbm>>
        tpu.wait_dma2 semaphore(%arg10 : memref<!tpu.dma_semaphore, #tpu.memory_space<semaphore_mem>>) src(%dma_wait3A_310 : memref<32x1024xf32, #tpu.memory_space<hbm>>) dst(%dma_wait3A_308 : memref<32x1024xf32, #tpu.memory_space<vmem>>)
      } else {
      }
      %jit3A_126 = arith.constant 2 : i32
      %eq3A_127 = arith.constant 0 : i32
      %eq3A_128 = arith.cmpi eq, %jit3A_126, %eq3A_127 : i32
      %jit3A_129 = arith.constant 1 : i32
      %select_n3A_130 = arith.select %eq3A_128, %jit3A_129, %jit3A_126 : i32
      %rem3A_131 = arith.remsi %while3A_90, %select_n3A_130 : i32
      %ne3A_132 = arith.constant 0 : i32
      %ne3A_133 = arith.cmpi ne, %rem3A_131, %ne3A_132 : i32
      %lt3A_134 = arith.constant 0 : i32
      %lt3A_135 = arith.cmpi slt, %rem3A_131, %lt3A_134 : i32
      %lt3A_136 = arith.constant 0 : i32
      %lt3A_137 = arith.cmpi slt, %select_n3A_130, %lt3A_136 : i32
      %ne3A_138 = arith.xori %lt3A_135, %lt3A_137 : i1
      %and3A_139 = arith.andi %ne3A_138, %ne3A_133 : i1
      %add3A_140 = arith.addi %rem3A_131, %select_n3A_130 : i32
      %select_n3A_141 = arith.select %and3A_139, %add3A_140, %rem3A_131 : i32
      %eq3A_142 = arith.constant 0 : i32
      %eq3A_143 = arith.cmpi eq, %select_n3A_141, %eq3A_142 : i32
      %and3A_144 = arith.andi %eq3A_143, %eq3A_103 : i1
      %convert_element_type3A_145 = arith.extui %and3A_144 : i1 to i32
      %cond3A_146 = arith.constant 0 : i32
      %cond3A_147 = arith.cmpi ne, %convert_element_type3A_145, %cond3A_146 : i32
      scf.if %cond3A_147 {
        %dma_wait3A = arith.constant 0 : i32
        %dma_wait3A_302 = arith.constant 0 : i32
        %dma_wait3A_303 = tpu.memref_slice %arg7[%dma_wait3A, %dma_wait3A_302] : memref<64x1024xf32, #tpu.memory_space<vmem>> -> memref<32x512xf32, #tpu.memory_space<vmem>>
        %dma_wait3A_304 = arith.constant 0 : i32
        %dma_wait3A_305 = tpu.memref_slice %arg3[%dma_wait3A_304, %mul3A_101] : memref<32x1000000xf32, #tpu.memory_space<hbm>> -> memref<32x512xf32, #tpu.memory_space<hbm>>
        %dma_wait3A_306 = arith.constant 0 : i32
        %dma_wait3A_307 = arith.constant 0 : i32
        %dma_wait3A_308 = tpu.memref_slice %arg7[%dma_wait3A_306, %dma_wait3A_307] : memref<64x1024xf32, #tpu.memory_space<vmem>> -> memref<32x512xf32, #tpu.memory_space<vmem>>
        %dma_wait3A_309 = arith.constant 0 : i32
        %dma_wait3A_310 = tpu.memref_slice %arg3[%dma_wait3A_309, %mul3A_101] : memref<32x1000000xf32, #tpu.memory_space<hbm>> -> memref<32x512xf32, #tpu.memory_space<hbm>>
        tpu.wait_dma2 semaphore(%arg10 : memref<!tpu.dma_semaphore, #tpu.memory_space<semaphore_mem>>) src(%dma_wait3A_310 : memref<32x512xf32, #tpu.memory_space<hbm>>) dst(%dma_wait3A_308 : memref<32x512xf32, #tpu.memory_space<vmem>>)
      } else {
      }
      %jit3A_148 = arith.constant 2 : i32
      %eq3A_149 = arith.constant 0 : i32
      %eq3A_150 = arith.cmpi eq, %jit3A_148, %eq3A_149 : i32
      %jit3A_151 = arith.constant 1 : i32
      %select_n3A_152 = arith.select %eq3A_150, %jit3A_151, %jit3A_148 : i32
      %rem3A_153 = arith.remsi %while3A_90, %select_n3A_152 : i32
      %ne3A_154 = arith.constant 0 : i32
      %ne3A_155 = arith.cmpi ne, %rem3A_153, %ne3A_154 : i32
      %lt3A_156 = arith.constant 0 : i32
      %lt3A_157 = arith.cmpi slt, %rem3A_153, %lt3A_156 : i32
      %lt3A_158 = arith.constant 0 : i32
      %lt3A_159 = arith.cmpi slt, %select_n3A_152, %lt3A_158 : i32
      %ne3A_160 = arith.xori %lt3A_157, %lt3A_159 : i1
      %and3A_161 = arith.andi %ne3A_160, %ne3A_155 : i1
      %add3A_162 = arith.addi %rem3A_153, %select_n3A_152 : i32
      %select_n3A_163 = arith.select %and3A_161, %add3A_162, %rem3A_153 : i32
      %eq3A_164 = arith.constant 1 : i32
      %eq3A_165 = arith.cmpi eq, %select_n3A_163, %eq3A_164 : i32
      %not3A_166 = arith.constant true
      %not3A_167 = arith.xori %eq3A_103, %not3A_166 : i1
      %and3A_168 = arith.andi %eq3A_165, %not3A_167 : i1
      %convert_element_type3A_169 = arith.extui %and3A_168 : i1 to i32
      %cond3A_170 = arith.constant 0 : i32
      %cond3A_171 = arith.cmpi ne, %convert_element_type3A_169, %cond3A_170 : i32
      scf.if %cond3A_171 {
        %dma_wait3A = arith.constant 32 : i32
        %dma_wait3A_302 = arith.constant 0 : i32
        %dma_wait3A_303 = tpu.memref_slice %arg7[%dma_wait3A, %dma_wait3A_302] : memref<64x1024xf32, #tpu.memory_space<vmem>> -> memref<32x1024xf32, #tpu.memory_space<vmem>>
        %dma_wait3A_304 = arith.constant 0 : i32
        %dma_wait3A_305 = tpu.memref_slice %arg3[%dma_wait3A_304, %mul3A_101] : memref<32x1000000xf32, #tpu.memory_space<hbm>> -> memref<32x1024xf32, #tpu.memory_space<hbm>>
        %dma_wait3A_306 = arith.constant 32 : i32
        %dma_wait3A_307 = arith.constant 0 : i32
        %dma_wait3A_308 = tpu.memref_slice %arg7[%dma_wait3A_306, %dma_wait3A_307] : memref<64x1024xf32, #tpu.memory_space<vmem>> -> memref<32x1024xf32, #tpu.memory_space<vmem>>
        %dma_wait3A_309 = arith.constant 0 : i32
        %dma_wait3A_310 = tpu.memref_slice %arg3[%dma_wait3A_309, %mul3A_101] : memref<32x1000000xf32, #tpu.memory_space<hbm>> -> memref<32x1024xf32, #tpu.memory_space<hbm>>
        tpu.wait_dma2 semaphore(%arg11 : memref<!tpu.dma_semaphore, #tpu.memory_space<semaphore_mem>>) src(%dma_wait3A_310 : memref<32x1024xf32, #tpu.memory_space<hbm>>) dst(%dma_wait3A_308 : memref<32x1024xf32, #tpu.memory_space<vmem>>)
      } else {
      }
      %jit3A_172 = arith.constant 2 : i32
      %eq3A_173 = arith.constant 0 : i32
      %eq3A_174 = arith.cmpi eq, %jit3A_172, %eq3A_173 : i32
      %jit3A_175 = arith.constant 1 : i32
      %select_n3A_176 = arith.select %eq3A_174, %jit3A_175, %jit3A_172 : i32
      %rem3A_177 = arith.remsi %while3A_90, %select_n3A_176 : i32
      %ne3A_178 = arith.constant 0 : i32
      %ne3A_179 = arith.cmpi ne, %rem3A_177, %ne3A_178 : i32
      %lt3A_180 = arith.constant 0 : i32
      %lt3A_181 = arith.cmpi slt, %rem3A_177, %lt3A_180 : i32
      %lt3A_182 = arith.constant 0 : i32
      %lt3A_183 = arith.cmpi slt, %select_n3A_176, %lt3A_182 : i32
      %ne3A_184 = arith.xori %lt3A_181, %lt3A_183 : i1
      %and3A_185 = arith.andi %ne3A_184, %ne3A_179 : i1
      %add3A_186 = arith.addi %rem3A_177, %select_n3A_176 : i32
      %select_n3A_187 = arith.select %and3A_185, %add3A_186, %rem3A_177 : i32
      %eq3A_188 = arith.constant 1 : i32
      %eq3A_189 = arith.cmpi eq, %select_n3A_187, %eq3A_188 : i32
      %and3A_190 = arith.andi %eq3A_189, %eq3A_103 : i1
      %convert_element_type3A_191 = arith.extui %and3A_190 : i1 to i32
      %cond3A_192 = arith.constant 0 : i32
      %cond3A_193 = arith.cmpi ne, %convert_element_type3A_191, %cond3A_192 : i32
      scf.if %cond3A_193 {
        %dma_wait3A = arith.constant 32 : i32
        %dma_wait3A_302 = arith.constant 0 : i32
        %dma_wait3A_303 = tpu.memref_slice %arg7[%dma_wait3A, %dma_wait3A_302] : memref<64x1024xf32, #tpu.memory_space<vmem>> -> memref<32x512xf32, #tpu.memory_space<vmem>>
        %dma_wait3A_304 = arith.constant 0 : i32
        %dma_wait3A_305 = tpu.memref_slice %arg3[%dma_wait3A_304, %mul3A_101] : memref<32x1000000xf32, #tpu.memory_space<hbm>> -> memref<32x512xf32, #tpu.memory_space<hbm>>
        %dma_wait3A_306 = arith.constant 32 : i32
        %dma_wait3A_307 = arith.constant 0 : i32
        %dma_wait3A_308 = tpu.memref_slice %arg7[%dma_wait3A_306, %dma_wait3A_307] : memref<64x1024xf32, #tpu.memory_space<vmem>> -> memref<32x512xf32, #tpu.memory_space<vmem>>
        %dma_wait3A_309 = arith.constant 0 : i32
        %dma_wait3A_310 = tpu.memref_slice %arg3[%dma_wait3A_309, %mul3A_101] : memref<32x1000000xf32, #tpu.memory_space<hbm>> -> memref<32x512xf32, #tpu.memory_space<hbm>>
        tpu.wait_dma2 semaphore(%arg11 : memref<!tpu.dma_semaphore, #tpu.memory_space<semaphore_mem>>) src(%dma_wait3A_310 : memref<32x512xf32, #tpu.memory_space<hbm>>) dst(%dma_wait3A_308 : memref<32x512xf32, #tpu.memory_space<vmem>>)
      } else {
      }
      %mul3A_194 = arith.constant 1024 : i32
      %mul3A_195 = arith.muli %add3A_92, %mul3A_194 : i32
      %eq3A_196 = arith.constant 976 : i32
      %eq3A_197 = arith.cmpi eq, %add3A_92, %eq3A_196 : i32
      %jit3A_198 = arith.constant 512 : i32
      %jit3A_199 = arith.constant 1024 : i32
      %select_n3A_200 = arith.select %eq3A_197, %jit3A_198, %jit3A_199 : i32
      %sub3A = arith.subi %mul3A_195, %mul3A_8 : i32
      %jit3A_201 = arith.constant 2 : i32
      %eq3A_202 = arith.constant 0 : i32
      %eq3A_203 = arith.cmpi eq, %jit3A_201, %eq3A_202 : i32
      %jit3A_204 = arith.constant 1 : i32
      %select_n3A_205 = arith.select %eq3A_203, %jit3A_204, %jit3A_201 : i32
      %rem3A_206 = arith.remsi %while3A_90, %select_n3A_205 : i32
      %ne3A_207 = arith.constant 0 : i32
      %ne3A_208 = arith.cmpi ne, %rem3A_206, %ne3A_207 : i32
      %lt3A_209 = arith.constant 0 : i32
      %lt3A_210 = arith.cmpi slt, %rem3A_206, %lt3A_209 : i32
      %lt3A_211 = arith.constant 0 : i32
      %lt3A_212 = arith.cmpi slt, %select_n3A_205, %lt3A_211 : i32
      %ne3A_213 = arith.xori %lt3A_210, %lt3A_212 : i1
      %and3A_214 = arith.andi %ne3A_213, %ne3A_208 : i1
      %add3A_215 = arith.addi %rem3A_206, %select_n3A_205 : i32
      %select_n3A_216 = arith.select %and3A_214, %add3A_215, %rem3A_206 : i32
      %mul3A_217 = arith.constant 32 : i32
      %mul3A_218 = arith.muli %select_n3A_216, %mul3A_217 : i32
      %add3A_219 = arith.constant 15 : i32
      %add3A_220 = arith.addi %scan3A_43, %add3A_219 : i32
      %jit3A_221 = arith.constant 16 : i32
      %div3A = arith.divsi %add3A_220, %jit3A_221 : i32
      %sign3A = arith.constant 0 : i32
      %sign3A_222 = arith.cmpi sgt, %add3A_220, %sign3A : i32
      %sign3A_223 = arith.extui %sign3A_222 : i1 to i32
      %sign3A_224 = arith.constant 0 : i32
      %sign3A_225 = arith.cmpi slt, %add3A_220, %sign3A_224 : i32
      %sign3A_226 = arith.extui %sign3A_225 : i1 to i32
      %sign3A_227 = arith.subi %sign3A_223, %sign3A_226 : i32
      %sign3A_228 = arith.constant 0 : i32
      %sign3A_229 = arith.cmpi sgt, %jit3A_221, %sign3A_228 : i32
      %sign3A_230 = arith.extui %sign3A_229 : i1 to i32
      %sign3A_231 = arith.constant 0 : i32
      %sign3A_232 = arith.cmpi slt, %jit3A_221, %sign3A_231 : i32
      %sign3A_233 = arith.extui %sign3A_232 : i1 to i32
      %sign3A_234 = arith.subi %sign3A_230, %sign3A_233 : i32
      %ne3A_235 = arith.cmpi ne, %sign3A_227, %sign3A_234 : i32
      %rem3A_236 = arith.remsi %add3A_220, %jit3A_221 : i32
      %ne3A_237 = arith.constant 0 : i32
      %ne3A_238 = arith.cmpi ne, %rem3A_236, %ne3A_237 : i32
      %and3A_239 = arith.andi %ne3A_235, %ne3A_238 : i1
      %sub3A_240 = arith.constant 1 : i32
      %sub3A_241 = arith.subi %div3A, %sub3A_240 : i32
      %select_n3A_242 = arith.select %and3A_239, %sub3A_241, %div3A : i32
      %while3A_243 = arith.constant 0 : i32
      %while3A_244 = arith.constant 0 : i32
      %while3A_245 = arith.subi %select_n3A_242, %while3A_243 : i32
      %while3A_246 = arith.addi %while3A_243, %while3A_245 : i32
      %while3A_247 = arith.constant 1 : i32
      %while3A_248 = arith.divsi %while3A_245, %while3A_247 : i32
      %while3A_249 = arith.muli %while3A_248, %while3A_247 : i32
      %while3A_250 = arith.addi %while3A_243, %while3A_249 : i32
      %while3A_251 = arith.constant 1 : i32
      %while3A_252 = scf.for %while3A_302 = %while3A_243 to %while3A_250 step %while3A_251 iter_args(%while3A_303 = %while3A_244) -> (i32)  : i32 {
        %mul3A_304 = arith.constant 16 : i32
        %mul3A_305 = arith.muli %while3A_302, %mul3A_304 : i32
        %get3A = arith.index_cast %mul3A_305 : i32 to index
        %get3A_306 = tpu.vector_load %arg6[%get3A] {strides = array<i32>} : memref<16512xi32, #tpu.memory_space<vmem>>, vector<16xi32>,
        %and3A_307 = arith.constant 32767 : i32
        %and3A_308 = vector.broadcast %and3A_307 : i32 to vector<16xi32>
        %and3A_309 = arith.andi %get3A_306, %and3A_308 : vector<16xi32>
        %ge3A = vector.broadcast %sub3A : i32 to vector<16xi32>
        %ge3A_310 = arith.cmpi sge, %and3A_309, %ge3A : vector<16xi32>
        %add3A_311 = arith.addi %sub3A, %select_n3A_200 : i32
        %lt3A_312 = vector.broadcast %add3A_311 : i32 to vector<16xi32>
        %lt3A_313 = arith.cmpi slt, %and3A_309, %lt3A_312 : vector<16xi32>
        %and3A_314 = arith.andi %ge3A_310, %lt3A_313 : vector<16xi1>
        %shift_right_arithmetic3A = arith.constant 15 : i32
        %shift_right_arithmetic3A_315 = vector.broadcast %shift_right_arithmetic3A : i32 to vector<16xi32>
        %shift_right_arithmetic3A_316 = arith.shrsi %get3A_306, %shift_right_arithmetic3A_315 : vector<16xi32>
        %shift_left3A_317 = arith.constant 10 : i32
        %shift_left3A_318 = vector.broadcast %shift_left3A_317 : i32 to vector<16xi32>
        %shift_left3A_319 = arith.shli %shift_right_arithmetic3A_316, %shift_left3A_318 : vector<16xi32>
        %sub3A_320 = vector.broadcast %sub3A : i32 to vector<16xi32>
        %sub3A_321 = arith.subi %and3A_309, %sub3A_320 : vector<16xi32>
        %or3A = arith.ori %shift_left3A_319, %sub3A_321 : vector<16xi32>
        %jit3A_322 = arith.constant 9999 : i32
        %broadcast_in_dim3A = vector.broadcast %jit3A_322 : i32 to vector<16xi32>
        %select_n3A_323 = arith.select %and3A_314, %iota3A, %broadcast_in_dim3A : vector<16xi1>, vector<16xi32>
        %masked_sort3A = arith.constant dense<true> : vector<16xi1>
        %masked_sort3A_324 = arith.constant -2147483648 : i32
        %masked_sort3A_325 = vector.broadcast %masked_sort3A_324 : i32 to vector<16xi32>
        %masked_sort3A_326 = arith.xori %select_n3A_323, %masked_sort3A_325 : vector<16xi32>
        %masked_sort3A_327, %masked_sort3A_328, %masked_sort3A_329 = tpu.sort %masked_sort3A_326, %or3A masked %masked_sort3A : (vector<16xi32>, vector<16xi32>, vector<16xi1>) -> (vector<16xi1>, vector<16xi32>, vector<16xi32>)
        %masked_sort3A_330 = arith.xori %masked_sort3A_328, %masked_sort3A_325 : vector<16xi32>
        %add3A_331 = vector.broadcast %while3A_303 : i32 to vector<16xi32>
        %add3A_332 = arith.addi %add3A_331, %iota3A : vector<16xi32>
        tpu.vector_store_idx %arg8[%add3A_332], %masked_sort3A_329 : memref<16512xi32, #tpu.memory_space<vmem>>[vector<16xi32>], vector<16xi32>,
        %all_reduce_population_count3A = tpu.all_reduce %and3A_314 {dim = 0 : i64, kind = #tpu.reduction_kind<sum>} : vector<16xi1> -> vector<16xi32>
        %slice3A = vector.extract_strided_slice %all_reduce_population_count3A {offsets = [0], sizes = [1], strides = [1]} : vector<16xi32> to vector<1xi32>
        %squeeze3A = vector.extract %slice3A[0] : i32 from vector<1xi32>
        %add3A_333 = arith.addi %while3A_303, %squeeze3A : i32
        scf.yield %add3A_333 : i32
      }
      %while3A_253 = arith.constant 1 : i32
      %while3A_254 = scf.for %while3A_302 = %while3A_250 to %while3A_246 step %while3A_253 iter_args(%while3A_303 = %while3A_252) -> (i32)  : i32 {
        %mul3A_304 = arith.constant 16 : i32
        %mul3A_305 = arith.muli %while3A_302, %mul3A_304 : i32
        %get3A = arith.index_cast %mul3A_305 : i32 to index
        %get3A_306 = tpu.vector_load %arg6[%get3A] {strides = array<i32>} : memref<16512xi32, #tpu.memory_space<vmem>>, vector<16xi32>,
        %and3A_307 = arith.constant 32767 : i32
        %and3A_308 = vector.broadcast %and3A_307 : i32 to vector<16xi32>
        %and3A_309 = arith.andi %get3A_306, %and3A_308 : vector<16xi32>
        %ge3A = vector.broadcast %sub3A : i32 to vector<16xi32>
        %ge3A_310 = arith.cmpi sge, %and3A_309, %ge3A : vector<16xi32>
        %add3A_311 = arith.addi %sub3A, %select_n3A_200 : i32
        %lt3A_312 = vector.broadcast %add3A_311 : i32 to vector<16xi32>
        %lt3A_313 = arith.cmpi slt, %and3A_309, %lt3A_312 : vector<16xi32>
        %and3A_314 = arith.andi %ge3A_310, %lt3A_313 : vector<16xi1>
        %shift_right_arithmetic3A = arith.constant 15 : i32
        %shift_right_arithmetic3A_315 = vector.broadcast %shift_right_arithmetic3A : i32 to vector<16xi32>
        %shift_right_arithmetic3A_316 = arith.shrsi %get3A_306, %shift_right_arithmetic3A_315 : vector<16xi32>
        %shift_left3A_317 = arith.constant 10 : i32
        %shift_left3A_318 = vector.broadcast %shift_left3A_317 : i32 to vector<16xi32>
        %shift_left3A_319 = arith.shli %shift_right_arithmetic3A_316, %shift_left3A_318 : vector<16xi32>
        %sub3A_320 = vector.broadcast %sub3A : i32 to vector<16xi32>
        %sub3A_321 = arith.subi %and3A_309, %sub3A_320 : vector<16xi32>
        %or3A = arith.ori %shift_left3A_319, %sub3A_321 : vector<16xi32>
        %jit3A_322 = arith.constant 9999 : i32
        %broadcast_in_dim3A = vector.broadcast %jit3A_322 : i32 to vector<16xi32>
        %select_n3A_323 = arith.select %and3A_314, %iota3A, %broadcast_in_dim3A : vector<16xi1>, vector<16xi32>
        %masked_sort3A = arith.constant dense<true> : vector<16xi1>
        %masked_sort3A_324 = arith.constant -2147483648 : i32
        %masked_sort3A_325 = vector.broadcast %masked_sort3A_324 : i32 to vector<16xi32>
        %masked_sort3A_326 = arith.xori %select_n3A_323, %masked_sort3A_325 : vector<16xi32>
        %masked_sort3A_327, %masked_sort3A_328, %masked_sort3A_329 = tpu.sort %masked_sort3A_326, %or3A masked %masked_sort3A : (vector<16xi32>, vector<16xi32>, vector<16xi1>) -> (vector<16xi1>, vector<16xi32>, vector<16xi32>)
        %masked_sort3A_330 = arith.xori %masked_sort3A_328, %masked_sort3A_325 : vector<16xi32>
        %add3A_331 = vector.broadcast %while3A_303 : i32 to vector<16xi32>
        %add3A_332 = arith.addi %add3A_331, %iota3A : vector<16xi32>
        tpu.vector_store_idx %arg8[%add3A_332], %masked_sort3A_329 : memref<16512xi32, #tpu.memory_space<vmem>>[vector<16xi32>], vector<16xi32>,
        %all_reduce_population_count3A = tpu.all_reduce %and3A_314 {dim = 0 : i64, kind = #tpu.reduction_kind<sum>} : vector<16xi1> -> vector<16xi32>
        %slice3A = vector.extract_strided_slice %all_reduce_population_count3A {offsets = [0], sizes = [1], strides = [1]} : vector<16xi32> to vector<1xi32>
        %squeeze3A = vector.extract %slice3A[0] : i32 from vector<1xi32>
        %add3A_333 = arith.addi %while3A_303, %squeeze3A : i32
        scf.yield %add3A_333 : i32
      }
      %add3A_255 = vector.broadcast %while3A_254 : i32 to vector<16xi32>
      %add3A_256 = arith.addi %add3A_255, %iota3A : vector<16xi32>
      %mul3A_257 = arith.constant 0 : i32
      %mul3A_258 = vector.broadcast %mul3A_257 : i32 to vector<16xi32>
      %mul3A_259 = arith.muli %iota3A, %mul3A_258 : vector<16xi32>
      %add3A_260 = arith.constant 16384 : i32
      %add3A_261 = arith.addi %add3A_260, %add3A : i32
      %shift_left3A = arith.constant 10 : i32
      %shift_left3A_262 = arith.shli %add3A_261, %shift_left3A : i32
      %add3A_263 = vector.broadcast %shift_left3A_262 : i32 to vector<16xi32>
      %add3A_264 = arith.addi %mul3A_259, %add3A_263 : vector<16xi32>
      tpu.vector_store_idx %arg8[%add3A_256], %add3A_264 : memref<16512xi32, #tpu.memory_space<vmem>>[vector<16xi32>], vector<16xi32>,
      %add3A_265 = arith.constant 15 : i32
      %add3A_266 = arith.addi %while3A_254, %add3A_265 : i32
      %jit3A_267 = arith.constant 16 : i32
      %div3A_268 = arith.divsi %add3A_266, %jit3A_267 : i32
      %sign3A_269 = arith.constant 0 : i32
      %sign3A_270 = arith.cmpi sgt, %add3A_266, %sign3A_269 : i32
      %sign3A_271 = arith.extui %sign3A_270 : i1 to i32
      %sign3A_272 = arith.constant 0 : i32
      %sign3A_273 = arith.cmpi slt, %add3A_266, %sign3A_272 : i32
      %sign3A_274 = arith.extui %sign3A_273 : i1 to i32
      %sign3A_275 = arith.subi %sign3A_271, %sign3A_274 : i32
      %sign3A_276 = arith.constant 0 : i32
      %sign3A_277 = arith.cmpi sgt, %jit3A_267, %sign3A_276 : i32
      %sign3A_278 = arith.extui %sign3A_277 : i1 to i32
      %sign3A_279 = arith.constant 0 : i32
      %sign3A_280 = arith.cmpi slt, %jit3A_267, %sign3A_279 : i32
      %sign3A_281 = arith.extui %sign3A_280 : i1 to i32
      %sign3A_282 = arith.subi %sign3A_278, %sign3A_281 : i32
      %ne3A_283 = arith.cmpi ne, %sign3A_275, %sign3A_282 : i32
      %rem3A_284 = arith.remsi %add3A_266, %jit3A_267 : i32
      %ne3A_285 = arith.constant 0 : i32
      %ne3A_286 = arith.cmpi ne, %rem3A_284, %ne3A_285 : i32
      %and3A_287 = arith.andi %ne3A_283, %ne3A_286 : i1
      %sub3A_288 = arith.constant 1 : i32
      %sub3A_289 = arith.subi %div3A_268, %sub3A_288 : i32
      %select_n3A_290 = arith.select %and3A_287, %sub3A_289, %div3A_268 : i32
      %while3A_291 = arith.constant 0 : i32
      %while3A_292 = arith.subi %select_n3A_290, %while3A_291 : i32
      %while3A_293 = arith.addi %while3A_291, %while3A_292 : i32
      %while3A_294 = arith.constant 1 : i32
      %while3A_295 = arith.divsi %while3A_292, %while3A_294 : i32
      %while3A_296 = arith.muli %while3A_295, %while3A_294 : i32
      %while3A_297 = arith.addi %while3A_291, %while3A_296 : i32
      %while3A_298 = arith.constant 1 : i32
      %while3A_299 = scf.for %while3A_302 = %while3A_291 to %while3A_297 step %while3A_298 iter_args(%while3A_303 = %while3A_91) -> (i32)  : i32 {
        %mul3A_304 = arith.constant 16 : i32
        %mul3A_305 = arith.muli %while3A_302, %mul3A_304 : i32
        %get3A = arith.index_cast %mul3A_305 : i32 to index
        %get3A_306 = tpu.vector_load %arg8[%get3A] {strides = array<i32>} : memref<16512xi32, #tpu.memory_space<vmem>>, vector<16xi32>,
        %and3A_307 = arith.constant 1023 : i32
        %and3A_308 = vector.broadcast %and3A_307 : i32 to vector<16xi32>
        %and3A_309 = arith.andi %get3A_306, %and3A_308 : vector<16xi32>
        %shift_right_arithmetic3A = arith.constant 10 : i32
        %shift_right_arithmetic3A_310 = vector.broadcast %shift_right_arithmetic3A : i32 to vector<16xi32>
        %shift_right_arithmetic3A_311 = arith.shrsi %get3A_306, %shift_right_arithmetic3A_310 : vector<16xi32>
        %jit3A_312 = arith.constant 4 : i32
        %eq3A_313 = arith.constant 0 : i32
        %eq3A_314 = arith.cmpi eq, %jit3A_312, %eq3A_313 : i32
        %jit3A_315 = arith.constant 1 : i32
        %select_n3A_316 = arith.select %eq3A_314, %jit3A_315, %jit3A_312 : i32
        %rem3A_317 = arith.remsi %while3A_303, %select_n3A_316 : i32
        %ne3A_318 = arith.constant 0 : i32
        %ne3A_319 = arith.cmpi ne, %rem3A_317, %ne3A_318 : i32
        %lt3A_320 = arith.constant 0 : i32
        %lt3A_321 = arith.cmpi slt, %rem3A_317, %lt3A_320 : i32
        %lt3A_322 = arith.constant 0 : i32
        %lt3A_323 = arith.cmpi slt, %select_n3A_316, %lt3A_322 : i32
        %ne3A_324 = arith.xori %lt3A_321, %lt3A_323 : i1
        %and3A_325 = arith.andi %ne3A_324, %ne3A_319 : i1
        %add3A_326 = arith.addi %rem3A_317, %select_n3A_316 : i32
        %select_n3A_327 = arith.select %and3A_325, %add3A_326, %rem3A_317 : i32
        %eq3A_328 = arith.constant 0 : i32
        %eq3A_329 = arith.cmpi eq, %select_n3A_327, %eq3A_328 : i32
        %ge3A = arith.constant 4 : i32
        %ge3A_330 = arith.cmpi sge, %while3A_303, %ge3A : i32
        %and3A_331 = arith.andi %eq3A_329, %ge3A_330 : i1
        %convert_element_type3A_332 = arith.extui %and3A_331 : i1 to i32
        %cond3A_333 = arith.constant 0 : i32
        %cond3A_334 = arith.cmpi ne, %convert_element_type3A_332, %cond3A_333 : i32
        scf.if %cond3A_334 {
          %dma_wait3A = arith.constant 0 : i32
          %dma_wait3A_956 = arith.constant 0 : i32
          %dma_wait3A_957 = tpu.memref_slice %arg9[%dma_wait3A, %dma_wait3A_956] : memref<64x128xf32, #tpu.memory_space<vmem>> -> memref<16x128xf32, #tpu.memory_space<vmem>>
          %dma_wait3A_958 = arith.constant 0 : i32
          %dma_wait3A_959 = arith.constant 0 : i32
          %dma_wait3A_960 = tpu.memref_slice %arg4[%dma_wait3A_958, %dma_wait3A_959] : memref<16512x128xf32, #tpu.memory_space<hbm>> -> memref<16512x128xf32, #tpu.memory_space<hbm>>
          tpu.wait_indirect_dma semaphore(%arg12 : memref<!tpu.dma_semaphore, #tpu.memory_space<semaphore_mem>>) src(%dma_wait3A_957 : memref<16x128xf32, #tpu.memory_space<vmem>>) dst(%dma_wait3A_960 : memref<16512x128xf32, #tpu.memory_space<hbm>>)
        } else {
        }
        %eq3A_335 = arith.constant 1 : i32
        %eq3A_336 = arith.cmpi eq, %select_n3A_327, %eq3A_335 : i32
        %ge3A_337 = arith.constant 4 : i32
        %ge3A_338 = arith.cmpi sge, %while3A_303, %ge3A_337 : i32
        %and3A_339 = arith.andi %eq3A_336, %ge3A_338 : i1
        %convert_element_type3A_340 = arith.extui %and3A_339 : i1 to i32
        %cond3A_341 = arith.constant 0 : i32
        %cond3A_342 = arith.cmpi ne, %convert_element_type3A_340, %cond3A_341 : i32
        scf.if %cond3A_342 {
          %dma_wait3A = arith.constant 16 : i32
          %dma_wait3A_956 = arith.constant 0 : i32
          %dma_wait3A_957 = tpu.memref_slice %arg9[%dma_wait3A, %dma_wait3A_956] : memref<64x128xf32, #tpu.memory_space<vmem>> -> memref<16x128xf32, #tpu.memory_space<vmem>>
          %dma_wait3A_958 = arith.constant 0 : i32
          %dma_wait3A_959 = arith.constant 0 : i32
          %dma_wait3A_960 = tpu.memref_slice %arg4[%dma_wait3A_958, %dma_wait3A_959] : memref<16512x128xf32, #tpu.memory_space<hbm>> -> memref<16512x128xf32, #tpu.memory_space<hbm>>
          tpu.wait_indirect_dma semaphore(%arg13 : memref<!tpu.dma_semaphore, #tpu.memory_space<semaphore_mem>>) src(%dma_wait3A_957 : memref<16x128xf32, #tpu.memory_space<vmem>>) dst(%dma_wait3A_960 : memref<16512x128xf32, #tpu.memory_space<hbm>>)
        } else {
        }
        %eq3A_343 = arith.constant 2 : i32
        %eq3A_344 = arith.cmpi eq, %select_n3A_327, %eq3A_343 : i32
        %ge3A_345 = arith.constant 4 : i32
        %ge3A_346 = arith.cmpi sge, %while3A_303, %ge3A_345 : i32
        %and3A_347 = arith.andi %eq3A_344, %ge3A_346 : i1
        %convert_element_type3A_348 = arith.extui %and3A_347 : i1 to i32
        %cond3A_349 = arith.constant 0 : i32
        %cond3A_350 = arith.cmpi ne, %convert_element_type3A_348, %cond3A_349 : i32
        scf.if %cond3A_350 {
          %dma_wait3A = arith.constant 32 : i32
          %dma_wait3A_956 = arith.constant 0 : i32
          %dma_wait3A_957 = tpu.memref_slice %arg9[%dma_wait3A, %dma_wait3A_956] : memref<64x128xf32, #tpu.memory_space<vmem>> -> memref<16x128xf32, #tpu.memory_space<vmem>>
          %dma_wait3A_958 = arith.constant 0 : i32
          %dma_wait3A_959 = arith.constant 0 : i32
          %dma_wait3A_960 = tpu.memref_slice %arg4[%dma_wait3A_958, %dma_wait3A_959] : memref<16512x128xf32, #tpu.memory_space<hbm>> -> memref<16512x128xf32, #tpu.memory_space<hbm>>
          tpu.wait_indirect_dma semaphore(%arg14 : memref<!tpu.dma_semaphore, #tpu.memory_space<semaphore_mem>>) src(%dma_wait3A_957 : memref<16x128xf32, #tpu.memory_space<vmem>>) dst(%dma_wait3A_960 : memref<16512x128xf32, #tpu.memory_space<hbm>>)
        } else {
        }
        %eq3A_351 = arith.constant 3 : i32
        %eq3A_352 = arith.cmpi eq, %select_n3A_327, %eq3A_351 : i32
        %ge3A_353 = arith.constant 4 : i32
        %ge3A_354 = arith.cmpi sge, %while3A_303, %ge3A_353 : i32
        %and3A_355 = arith.andi %eq3A_352, %ge3A_354 : i1
        %convert_element_type3A_356 = arith.extui %and3A_355 : i1 to i32
        %cond3A_357 = arith.constant 0 : i32
        %cond3A_358 = arith.cmpi ne, %convert_element_type3A_356, %cond3A_357 : i32
        scf.if %cond3A_358 {
          %dma_wait3A = arith.constant 48 : i32
          %dma_wait3A_956 = arith.constant 0 : i32
          %dma_wait3A_957 = tpu.memref_slice %arg9[%dma_wait3A, %dma_wait3A_956] : memref<64x128xf32, #tpu.memory_space<vmem>> -> memref<16x128xf32, #tpu.memory_space<vmem>>
          %dma_wait3A_958 = arith.constant 0 : i32
          %dma_wait3A_959 = arith.constant 0 : i32
          %dma_wait3A_960 = tpu.memref_slice %arg4[%dma_wait3A_958, %dma_wait3A_959] : memref<16512x128xf32, #tpu.memory_space<hbm>> -> memref<16512x128xf32, #tpu.memory_space<hbm>>
          tpu.wait_indirect_dma semaphore(%arg15 : memref<!tpu.dma_semaphore, #tpu.memory_space<semaphore_mem>>) src(%dma_wait3A_957 : memref<16x128xf32, #tpu.memory_space<vmem>>) dst(%dma_wait3A_960 : memref<16512x128xf32, #tpu.memory_space<hbm>>)
        } else {
        }
        %mul3A_359 = arith.constant 0 : i32
        %mul3A_360 = vector.broadcast %mul3A_359 : i32 to vector<16xi32>
        %mul3A_361 = arith.muli %iota3A, %mul3A_360 : vector<16xi32>
        %add3A_362 = arith.constant 0 : i32
        %add3A_363 = arith.addi %mul3A_218, %add3A_362 : i32
        %add3A_364 = vector.broadcast %add3A_363 : i32 to vector<16xi32>
        %add3A_365 = arith.addi %mul3A_361, %add3A_364 : vector<16xi32>
        %gather3A = tpu.vector_load_idx %arg7[%add3A_365, %and3A_309] : memref<64x1024xf32, #tpu.memory_space<vmem>>[vector<16xi32>, vector<16xi32>], vector<16xf32>,
        %mul3A_366 = arith.constant 16 : i32
        %mul3A_367 = arith.muli %select_n3A_327, %mul3A_366 : i32
        %add3A_368 = vector.broadcast %mul3A_367 : i32 to vector<16xi32>
        %add3A_369 = arith.addi %add3A_368, %iota3A : vector<16xi32>
        %mul3A_370 = arith.constant 0 : i32
        %mul3A_371 = vector.broadcast %mul3A_370 : i32 to vector<16xi32>
        %mul3A_372 = arith.muli %add3A_365, %mul3A_371 : vector<16xi32>
        %add3A_373 = arith.constant 0 : i32
        %add3A_374 = vector.broadcast %add3A_373 : i32 to vector<16xi32>
        %add3A_375 = arith.addi %mul3A_372, %add3A_374 : vector<16xi32>
        tpu.vector_store_idx %arg9[%add3A_369, %add3A_375], %gather3A : memref<64x128xf32, #tpu.memory_space<vmem>>[vector<16xi32>, vector<16xi32>], vector<16xf32>,
        %mul3A_376 = arith.constant 0 : i32
        %mul3A_377 = vector.broadcast %mul3A_376 : i32 to vector<16xi32>
        %mul3A_378 = arith.muli %iota3A, %mul3A_377 : vector<16xi32>
        %add3A_379 = arith.constant 1 : i32
        %add3A_380 = arith.addi %mul3A_218, %add3A_379 : i32
        %add3A_381 = vector.broadcast %add3A_380 : i32 to vector<16xi32>
        %add3A_382 = arith.addi %mul3A_378, %add3A_381 : vector<16xi32>
        %gather3A_383 = tpu.vector_load_idx %arg7[%add3A_382, %and3A_309] : memref<64x1024xf32, #tpu.memory_space<vmem>>[vector<16xi32>, vector<16xi32>], vector<16xf32>,
        %mul3A_384 = arith.constant 16 : i32
        %mul3A_385 = arith.muli %select_n3A_327, %mul3A_384 : i32
        %add3A_386 = vector.broadcast %mul3A_385 : i32 to vector<16xi32>
        %add3A_387 = arith.addi %add3A_386, %iota3A : vector<16xi32>
        %mul3A_388 = arith.constant 0 : i32
        %mul3A_389 = vector.broadcast %mul3A_388 : i32 to vector<16xi32>
        %mul3A_390 = arith.muli %add3A_382, %mul3A_389 : vector<16xi32>
        %add3A_391 = arith.constant 1 : i32
        %add3A_392 = vector.broadcast %add3A_391 : i32 to vector<16xi32>
        %add3A_393 = arith.addi %mul3A_390, %add3A_392 : vector<16xi32>
        tpu.vector_store_idx %arg9[%add3A_387, %add3A_393], %gather3A_383 : memref<64x128xf32, #tpu.memory_space<vmem>>[vector<16xi32>, vector<16xi32>], vector<16xf32>,
        %mul3A_394 = arith.constant 0 : i32
        %mul3A_395 = vector.broadcast %mul3A_394 : i32 to vector<16xi32>
        %mul3A_396 = arith.muli %iota3A, %mul3A_395 : vector<16xi32>
        %add3A_397 = arith.constant 2 : i32
        %add3A_398 = arith.addi %mul3A_218, %add3A_397 : i32
        %add3A_399 = vector.broadcast %add3A_398 : i32 to vector<16xi32>
        %add3A_400 = arith.addi %mul3A_396, %add3A_399 : vector<16xi32>
        %gather3A_401 = tpu.vector_load_idx %arg7[%add3A_400, %and3A_309] : memref<64x1024xf32, #tpu.memory_space<vmem>>[vector<16xi32>, vector<16xi32>], vector<16xf32>,
        %mul3A_402 = arith.constant 16 : i32
        %mul3A_403 = arith.muli %select_n3A_327, %mul3A_402 : i32
        %add3A_404 = vector.broadcast %mul3A_403 : i32 to vector<16xi32>
        %add3A_405 = arith.addi %add3A_404, %iota3A : vector<16xi32>
        %mul3A_406 = arith.constant 0 : i32
        %mul3A_407 = vector.broadcast %mul3A_406 : i32 to vector<16xi32>
        %mul3A_408 = arith.muli %add3A_400, %mul3A_407 : vector<16xi32>
        %add3A_409 = arith.constant 2 : i32
        %add3A_410 = vector.broadcast %add3A_409 : i32 to vector<16xi32>
        %add3A_411 = arith.addi %mul3A_408, %add3A_410 : vector<16xi32>
        tpu.vector_store_idx %arg9[%add3A_405, %add3A_411], %gather3A_401 : memref<64x128xf32, #tpu.memory_space<vmem>>[vector<16xi32>, vector<16xi32>], vector<16xf32>,
        %mul3A_412 = arith.constant 0 : i32
        %mul3A_413 = vector.broadcast %mul3A_412 : i32 to vector<16xi32>
        %mul3A_414 = arith.muli %iota3A, %mul3A_413 : vector<16xi32>
        %add3A_415 = arith.constant 3 : i32
        %add3A_416 = arith.addi %mul3A_218, %add3A_415 : i32
        %add3A_417 = vector.broadcast %add3A_416 : i32 to vector<16xi32>
        %add3A_418 = arith.addi %mul3A_414, %add3A_417 : vector<16xi32>
        %gather3A_419 = tpu.vector_load_idx %arg7[%add3A_418, %and3A_309] : memref<64x1024xf32, #tpu.memory_space<vmem>>[vector<16xi32>, vector<16xi32>], vector<16xf32>,
        %mul3A_420 = arith.constant 16 : i32
        %mul3A_421 = arith.muli %select_n3A_327, %mul3A_420 : i32
        %add3A_422 = vector.broadcast %mul3A_421 : i32 to vector<16xi32>
        %add3A_423 = arith.addi %add3A_422, %iota3A : vector<16xi32>
        %mul3A_424 = arith.constant 0 : i32
        %mul3A_425 = vector.broadcast %mul3A_424 : i32 to vector<16xi32>
        %mul3A_426 = arith.muli %add3A_418, %mul3A_425 : vector<16xi32>
        %add3A_427 = arith.constant 3 : i32
        %add3A_428 = vector.broadcast %add3A_427 : i32 to vector<16xi32>
        %add3A_429 = arith.addi %mul3A_426, %add3A_428 : vector<16xi32>
        tpu.vector_store_idx %arg9[%add3A_423, %add3A_429], %gather3A_419 : memref<64x128xf32, #tpu.memory_space<vmem>>[vector<16xi32>, vector<16xi32>], vector<16xf32>,
        %mul3A_430 = arith.constant 0 : i32
        %mul3A_431 = vector.broadcast %mul3A_430 : i32 to vector<16xi32>
        %mul3A_432 = arith.muli %iota3A, %mul3A_431 : vector<16xi32>
        %add3A_433 = arith.constant 4 : i32
        %add3A_434 = arith.addi %mul3A_218, %add3A_433 : i32
        %add3A_435 = vector.broadcast %add3A_434 : i32 to vector<16xi32>
        %add3A_436 = arith.addi %mul3A_432, %add3A_435 : vector<16xi32>
        %gather3A_437 = tpu.vector_load_idx %arg7[%add3A_436, %and3A_309] : memref<64x1024xf32, #tpu.memory_space<vmem>>[vector<16xi32>, vector<16xi32>], vector<16xf32>,
        %mul3A_438 = arith.constant 16 : i32
        %mul3A_439 = arith.muli %select_n3A_327, %mul3A_438 : i32
        %add3A_440 = vector.broadcast %mul3A_439 : i32 to vector<16xi32>
        %add3A_441 = arith.addi %add3A_440, %iota3A : vector<16xi32>
        %mul3A_442 = arith.constant 0 : i32
        %mul3A_443 = vector.broadcast %mul3A_442 : i32 to vector<16xi32>
        %mul3A_444 = arith.muli %add3A_436, %mul3A_443 : vector<16xi32>
        %add3A_445 = arith.constant 4 : i32
        %add3A_446 = vector.broadcast %add3A_445 : i32 to vector<16xi32>
        %add3A_447 = arith.addi %mul3A_444, %add3A_446 : vector<16xi32>
        tpu.vector_store_idx %arg9[%add3A_441, %add3A_447], %gather3A_437 : memref<64x128xf32, #tpu.memory_space<vmem>>[vector<16xi32>, vector<16xi32>], vector<16xf32>,
        %mul3A_448 = arith.constant 0 : i32
        %mul3A_449 = vector.broadcast %mul3A_448 : i32 to vector<16xi32>
        %mul3A_450 = arith.muli %iota3A, %mul3A_449 : vector<16xi32>
        %add3A_451 = arith.constant 5 : i32
        %add3A_452 = arith.addi %mul3A_218, %add3A_451 : i32
        %add3A_453 = vector.broadcast %add3A_452 : i32 to vector<16xi32>
        %add3A_454 = arith.addi %mul3A_450, %add3A_453 : vector<16xi32>
        %gather3A_455 = tpu.vector_load_idx %arg7[%add3A_454, %and3A_309] : memref<64x1024xf32, #tpu.memory_space<vmem>>[vector<16xi32>, vector<16xi32>], vector<16xf32>,
        %mul3A_456 = arith.constant 16 : i32
        %mul3A_457 = arith.muli %select_n3A_327, %mul3A_456 : i32
        %add3A_458 = vector.broadcast %mul3A_457 : i32 to vector<16xi32>
        %add3A_459 = arith.addi %add3A_458, %iota3A : vector<16xi32>
        %mul3A_460 = arith.constant 0 : i32
        %mul3A_461 = vector.broadcast %mul3A_460 : i32 to vector<16xi32>
        %mul3A_462 = arith.muli %add3A_454, %mul3A_461 : vector<16xi32>
        %add3A_463 = arith.constant 5 : i32
        %add3A_464 = vector.broadcast %add3A_463 : i32 to vector<16xi32>
        %add3A_465 = arith.addi %mul3A_462, %add3A_464 : vector<16xi32>
        tpu.vector_store_idx %arg9[%add3A_459, %add3A_465], %gather3A_455 : memref<64x128xf32, #tpu.memory_space<vmem>>[vector<16xi32>, vector<16xi32>], vector<16xf32>,
        %mul3A_466 = arith.constant 0 : i32
        %mul3A_467 = vector.broadcast %mul3A_466 : i32 to vector<16xi32>
        %mul3A_468 = arith.muli %iota3A, %mul3A_467 : vector<16xi32>
        %add3A_469 = arith.constant 6 : i32
        %add3A_470 = arith.addi %mul3A_218, %add3A_469 : i32
        %add3A_471 = vector.broadcast %add3A_470 : i32 to vector<16xi32>
        %add3A_472 = arith.addi %mul3A_468, %add3A_471 : vector<16xi32>
        %gather3A_473 = tpu.vector_load_idx %arg7[%add3A_472, %and3A_309] : memref<64x1024xf32, #tpu.memory_space<vmem>>[vector<16xi32>, vector<16xi32>], vector<16xf32>,
        %mul3A_474 = arith.constant 16 : i32
        %mul3A_475 = arith.muli %select_n3A_327, %mul3A_474 : i32
        %add3A_476 = vector.broadcast %mul3A_475 : i32 to vector<16xi32>
        %add3A_477 = arith.addi %add3A_476, %iota3A : vector<16xi32>
        %mul3A_478 = arith.constant 0 : i32
        %mul3A_479 = vector.broadcast %mul3A_478 : i32 to vector<16xi32>
        %mul3A_480 = arith.muli %add3A_472, %mul3A_479 : vector<16xi32>
        %add3A_481 = arith.constant 6 : i32
        %add3A_482 = vector.broadcast %add3A_481 : i32 to vector<16xi32>
        %add3A_483 = arith.addi %mul3A_480, %add3A_482 : vector<16xi32>
        tpu.vector_store_idx %arg9[%add3A_477, %add3A_483], %gather3A_473 : memref<64x128xf32, #tpu.memory_space<vmem>>[vector<16xi32>, vector<16xi32>], vector<16xf32>,
        %mul3A_484 = arith.constant 0 : i32
        %mul3A_485 = vector.broadcast %mul3A_484 : i32 to vector<16xi32>
        %mul3A_486 = arith.muli %iota3A, %mul3A_485 : vector<16xi32>
        %add3A_487 = arith.constant 7 : i32
        %add3A_488 = arith.addi %mul3A_218, %add3A_487 : i32
        %add3A_489 = vector.broadcast %add3A_488 : i32 to vector<16xi32>
        %add3A_490 = arith.addi %mul3A_486, %add3A_489 : vector<16xi32>
        %gather3A_491 = tpu.vector_load_idx %arg7[%add3A_490, %and3A_309] : memref<64x1024xf32, #tpu.memory_space<vmem>>[vector<16xi32>, vector<16xi32>], vector<16xf32>,
        %mul3A_492 = arith.constant 16 : i32
        %mul3A_493 = arith.muli %select_n3A_327, %mul3A_492 : i32
        %add3A_494 = vector.broadcast %mul3A_493 : i32 to vector<16xi32>
        %add3A_495 = arith.addi %add3A_494, %iota3A : vector<16xi32>
        %mul3A_496 = arith.constant 0 : i32
        %mul3A_497 = vector.broadcast %mul3A_496 : i32 to vector<16xi32>
        %mul3A_498 = arith.muli %add3A_490, %mul3A_497 : vector<16xi32>
        %add3A_499 = arith.constant 7 : i32
        %add3A_500 = vector.broadcast %add3A_499 : i32 to vector<16xi32>
        %add3A_501 = arith.addi %mul3A_498, %add3A_500 : vector<16xi32>
        tpu.vector_store_idx %arg9[%add3A_495, %add3A_501], %gather3A_491 : memref<64x128xf32, #tpu.memory_space<vmem>>[vector<16xi32>, vector<16xi32>], vector<16xf32>,
        %mul3A_502 = arith.constant 0 : i32
        %mul3A_503 = vector.broadcast %mul3A_502 : i32 to vector<16xi32>
        %mul3A_504 = arith.muli %iota3A, %mul3A_503 : vector<16xi32>
        %add3A_505 = arith.constant 8 : i32
        %add3A_506 = arith.addi %mul3A_218, %add3A_505 : i32
        %add3A_507 = vector.broadcast %add3A_506 : i32 to vector<16xi32>
        %add3A_508 = arith.addi %mul3A_504, %add3A_507 : vector<16xi32>
        %gather3A_509 = tpu.vector_load_idx %arg7[%add3A_508, %and3A_309] : memref<64x1024xf32, #tpu.memory_space<vmem>>[vector<16xi32>, vector<16xi32>], vector<16xf32>,
        %mul3A_510 = arith.constant 16 : i32
        %mul3A_511 = arith.muli %select_n3A_327, %mul3A_510 : i32
        %add3A_512 = vector.broadcast %mul3A_511 : i32 to vector<16xi32>
        %add3A_513 = arith.addi %add3A_512, %iota3A : vector<16xi32>
        %mul3A_514 = arith.constant 0 : i32
        %mul3A_515 = vector.broadcast %mul3A_514 : i32 to vector<16xi32>
        %mul3A_516 = arith.muli %add3A_508, %mul3A_515 : vector<16xi32>
        %add3A_517 = arith.constant 8 : i32
        %add3A_518 = vector.broadcast %add3A_517 : i32 to vector<16xi32>
        %add3A_519 = arith.addi %mul3A_516, %add3A_518 : vector<16xi32>
        tpu.vector_store_idx %arg9[%add3A_513, %add3A_519], %gather3A_509 : memref<64x128xf32, #tpu.memory_space<vmem>>[vector<16xi32>, vector<16xi32>], vector<16xf32>,
        %mul3A_520 = arith.constant 0 : i32
        %mul3A_521 = vector.broadcast %mul3A_520 : i32 to vector<16xi32>
        %mul3A_522 = arith.muli %iota3A, %mul3A_521 : vector<16xi32>
        %add3A_523 = arith.constant 9 : i32
        %add3A_524 = arith.addi %mul3A_218, %add3A_523 : i32
        %add3A_525 = vector.broadcast %add3A_524 : i32 to vector<16xi32>
        %add3A_526 = arith.addi %mul3A_522, %add3A_525 : vector<16xi32>
        %gather3A_527 = tpu.vector_load_idx %arg7[%add3A_526, %and3A_309] : memref<64x1024xf32, #tpu.memory_space<vmem>>[vector<16xi32>, vector<16xi32>], vector<16xf32>,
        %mul3A_528 = arith.constant 16 : i32
        %mul3A_529 = arith.muli %select_n3A_327, %mul3A_528 : i32
        %add3A_530 = vector.broadcast %mul3A_529 : i32 to vector<16xi32>
        %add3A_531 = arith.addi %add3A_530, %iota3A : vector<16xi32>
        %mul3A_532 = arith.constant 0 : i32
        %mul3A_533 = vector.broadcast %mul3A_532 : i32 to vector<16xi32>
        %mul3A_534 = arith.muli %add3A_526, %mul3A_533 : vector<16xi32>
        %add3A_535 = arith.constant 9 : i32
        %add3A_536 = vector.broadcast %add3A_535 : i32 to vector<16xi32>
        %add3A_537 = arith.addi %mul3A_534, %add3A_536 : vector<16xi32>
        tpu.vector_store_idx %arg9[%add3A_531, %add3A_537], %gather3A_527 : memref<64x128xf32, #tpu.memory_space<vmem>>[vector<16xi32>, vector<16xi32>], vector<16xf32>,
        %mul3A_538 = arith.constant 0 : i32
        %mul3A_539 = vector.broadcast %mul3A_538 : i32 to vector<16xi32>
        %mul3A_540 = arith.muli %iota3A, %mul3A_539 : vector<16xi32>
        %add3A_541 = arith.constant 10 : i32
        %add3A_542 = arith.addi %mul3A_218, %add3A_541 : i32
        %add3A_543 = vector.broadcast %add3A_542 : i32 to vector<16xi32>
        %add3A_544 = arith.addi %mul3A_540, %add3A_543 : vector<16xi32>
        %gather3A_545 = tpu.vector_load_idx %arg7[%add3A_544, %and3A_309] : memref<64x1024xf32, #tpu.memory_space<vmem>>[vector<16xi32>, vector<16xi32>], vector<16xf32>,
        %mul3A_546 = arith.constant 16 : i32
        %mul3A_547 = arith.muli %select_n3A_327, %mul3A_546 : i32
        %add3A_548 = vector.broadcast %mul3A_547 : i32 to vector<16xi32>
        %add3A_549 = arith.addi %add3A_548, %iota3A : vector<16xi32>
        %mul3A_550 = arith.constant 0 : i32
        %mul3A_551 = vector.broadcast %mul3A_550 : i32 to vector<16xi32>
        %mul3A_552 = arith.muli %add3A_544, %mul3A_551 : vector<16xi32>
        %add3A_553 = arith.constant 10 : i32
        %add3A_554 = vector.broadcast %add3A_553 : i32 to vector<16xi32>
        %add3A_555 = arith.addi %mul3A_552, %add3A_554 : vector<16xi32>
        tpu.vector_store_idx %arg9[%add3A_549, %add3A_555], %gather3A_545 : memref<64x128xf32, #tpu.memory_space<vmem>>[vector<16xi32>, vector<16xi32>], vector<16xf32>,
        %mul3A_556 = arith.constant 0 : i32
        %mul3A_557 = vector.broadcast %mul3A_556 : i32 to vector<16xi32>
        %mul3A_558 = arith.muli %iota3A, %mul3A_557 : vector<16xi32>
        %add3A_559 = arith.constant 11 : i32
        %add3A_560 = arith.addi %mul3A_218, %add3A_559 : i32
        %add3A_561 = vector.broadcast %add3A_560 : i32 to vector<16xi32>
        %add3A_562 = arith.addi %mul3A_558, %add3A_561 : vector<16xi32>
        %gather3A_563 = tpu.vector_load_idx %arg7[%add3A_562, %and3A_309] : memref<64x1024xf32, #tpu.memory_space<vmem>>[vector<16xi32>, vector<16xi32>], vector<16xf32>,
        %mul3A_564 = arith.constant 16 : i32
        %mul3A_565 = arith.muli %select_n3A_327, %mul3A_564 : i32
        %add3A_566 = vector.broadcast %mul3A_565 : i32 to vector<16xi32>
        %add3A_567 = arith.addi %add3A_566, %iota3A : vector<16xi32>
        %mul3A_568 = arith.constant 0 : i32
        %mul3A_569 = vector.broadcast %mul3A_568 : i32 to vector<16xi32>
        %mul3A_570 = arith.muli %add3A_562, %mul3A_569 : vector<16xi32>
        %add3A_571 = arith.constant 11 : i32
        %add3A_572 = vector.broadcast %add3A_571 : i32 to vector<16xi32>
        %add3A_573 = arith.addi %mul3A_570, %add3A_572 : vector<16xi32>
        tpu.vector_store_idx %arg9[%add3A_567, %add3A_573], %gather3A_563 : memref<64x128xf32, #tpu.memory_space<vmem>>[vector<16xi32>, vector<16xi32>], vector<16xf32>,
        %mul3A_574 = arith.constant 0 : i32
        %mul3A_575 = vector.broadcast %mul3A_574 : i32 to vector<16xi32>
        %mul3A_576 = arith.muli %iota3A, %mul3A_575 : vector<16xi32>
        %add3A_577 = arith.constant 12 : i32
        %add3A_578 = arith.addi %mul3A_218, %add3A_577 : i32
        %add3A_579 = vector.broadcast %add3A_578 : i32 to vector<16xi32>
        %add3A_580 = arith.addi %mul3A_576, %add3A_579 : vector<16xi32>
        %gather3A_581 = tpu.vector_load_idx %arg7[%add3A_580, %and3A_309] : memref<64x1024xf32, #tpu.memory_space<vmem>>[vector<16xi32>, vector<16xi32>], vector<16xf32>,
        %mul3A_582 = arith.constant 16 : i32
        %mul3A_583 = arith.muli %select_n3A_327, %mul3A_582 : i32
        %add3A_584 = vector.broadcast %mul3A_583 : i32 to vector<16xi32>
        %add3A_585 = arith.addi %add3A_584, %iota3A : vector<16xi32>
        %mul3A_586 = arith.constant 0 : i32
        %mul3A_587 = vector.broadcast %mul3A_586 : i32 to vector<16xi32>
        %mul3A_588 = arith.muli %add3A_580, %mul3A_587 : vector<16xi32>
        %add3A_589 = arith.constant 12 : i32
        %add3A_590 = vector.broadcast %add3A_589 : i32 to vector<16xi32>
        %add3A_591 = arith.addi %mul3A_588, %add3A_590 : vector<16xi32>
        tpu.vector_store_idx %arg9[%add3A_585, %add3A_591], %gather3A_581 : memref<64x128xf32, #tpu.memory_space<vmem>>[vector<16xi32>, vector<16xi32>], vector<16xf32>,
        %mul3A_592 = arith.constant 0 : i32
        %mul3A_593 = vector.broadcast %mul3A_592 : i32 to vector<16xi32>
        %mul3A_594 = arith.muli %iota3A, %mul3A_593 : vector<16xi32>
        %add3A_595 = arith.constant 13 : i32
        %add3A_596 = arith.addi %mul3A_218, %add3A_595 : i32
        %add3A_597 = vector.broadcast %add3A_596 : i32 to vector<16xi32>
        %add3A_598 = arith.addi %mul3A_594, %add3A_597 : vector<16xi32>
        %gather3A_599 = tpu.vector_load_idx %arg7[%add3A_598, %and3A_309] : memref<64x1024xf32, #tpu.memory_space<vmem>>[vector<16xi32>, vector<16xi32>], vector<16xf32>,
        %mul3A_600 = arith.constant 16 : i32
        %mul3A_601 = arith.muli %select_n3A_327, %mul3A_600 : i32
        %add3A_602 = vector.broadcast %mul3A_601 : i32 to vector<16xi32>
        %add3A_603 = arith.addi %add3A_602, %iota3A : vector<16xi32>
        %mul3A_604 = arith.constant 0 : i32
        %mul3A_605 = vector.broadcast %mul3A_604 : i32 to vector<16xi32>
        %mul3A_606 = arith.muli %add3A_598, %mul3A_605 : vector<16xi32>
        %add3A_607 = arith.constant 13 : i32
        %add3A_608 = vector.broadcast %add3A_607 : i32 to vector<16xi32>
        %add3A_609 = arith.addi %mul3A_606, %add3A_608 : vector<16xi32>
        tpu.vector_store_idx %arg9[%add3A_603, %add3A_609], %gather3A_599 : memref<64x128xf32, #tpu.memory_space<vmem>>[vector<16xi32>, vector<16xi32>], vector<16xf32>,
        %mul3A_610 = arith.constant 0 : i32
        %mul3A_611 = vector.broadcast %mul3A_610 : i32 to vector<16xi32>
        %mul3A_612 = arith.muli %iota3A, %mul3A_611 : vector<16xi32>
        %add3A_613 = arith.constant 14 : i32
        %add3A_614 = arith.addi %mul3A_218, %add3A_613 : i32
        %add3A_615 = vector.broadcast %add3A_614 : i32 to vector<16xi32>
        %add3A_616 = arith.addi %mul3A_612, %add3A_615 : vector<16xi32>
        %gather3A_617 = tpu.vector_load_idx %arg7[%add3A_616, %and3A_309] : memref<64x1024xf32, #tpu.memory_space<vmem>>[vector<16xi32>, vector<16xi32>], vector<16xf32>,
        %mul3A_618 = arith.constant 16 : i32
        %mul3A_619 = arith.muli %select_n3A_327, %mul3A_618 : i32
        %add3A_620 = vector.broadcast %mul3A_619 : i32 to vector<16xi32>
        %add3A_621 = arith.addi %add3A_620, %iota3A : vector<16xi32>
        %mul3A_622 = arith.constant 0 : i32
        %mul3A_623 = vector.broadcast %mul3A_622 : i32 to vector<16xi32>
        %mul3A_624 = arith.muli %add3A_616, %mul3A_623 : vector<16xi32>
        %add3A_625 = arith.constant 14 : i32
        %add3A_626 = vector.broadcast %add3A_625 : i32 to vector<16xi32>
        %add3A_627 = arith.addi %mul3A_624, %add3A_626 : vector<16xi32>
        tpu.vector_store_idx %arg9[%add3A_621, %add3A_627], %gather3A_617 : memref<64x128xf32, #tpu.memory_space<vmem>>[vector<16xi32>, vector<16xi32>], vector<16xf32>,
        %mul3A_628 = arith.constant 0 : i32
        %mul3A_629 = vector.broadcast %mul3A_628 : i32 to vector<16xi32>
        %mul3A_630 = arith.muli %iota3A, %mul3A_629 : vector<16xi32>
        %add3A_631 = arith.constant 15 : i32
        %add3A_632 = arith.addi %mul3A_218, %add3A_631 : i32
        %add3A_633 = vector.broadcast %add3A_632 : i32 to vector<16xi32>
        %add3A_634 = arith.addi %mul3A_630, %add3A_633 : vector<16xi32>
        %gather3A_635 = tpu.vector_load_idx %arg7[%add3A_634, %and3A_309] : memref<64x1024xf32, #tpu.memory_space<vmem>>[vector<16xi32>, vector<16xi32>], vector<16xf32>,
        %mul3A_636 = arith.constant 16 : i32
        %mul3A_637 = arith.muli %select_n3A_327, %mul3A_636 : i32
        %add3A_638 = vector.broadcast %mul3A_637 : i32 to vector<16xi32>
        %add3A_639 = arith.addi %add3A_638, %iota3A : vector<16xi32>
        %mul3A_640 = arith.constant 0 : i32
        %mul3A_641 = vector.broadcast %mul3A_640 : i32 to vector<16xi32>
        %mul3A_642 = arith.muli %add3A_634, %mul3A_641 : vector<16xi32>
        %add3A_643 = arith.constant 15 : i32
        %add3A_644 = vector.broadcast %add3A_643 : i32 to vector<16xi32>
        %add3A_645 = arith.addi %mul3A_642, %add3A_644 : vector<16xi32>
        tpu.vector_store_idx %arg9[%add3A_639, %add3A_645], %gather3A_635 : memref<64x128xf32, #tpu.memory_space<vmem>>[vector<16xi32>, vector<16xi32>], vector<16xf32>,
        %mul3A_646 = arith.constant 0 : i32
        %mul3A_647 = vector.broadcast %mul3A_646 : i32 to vector<16xi32>
        %mul3A_648 = arith.muli %iota3A, %mul3A_647 : vector<16xi32>
        %add3A_649 = arith.constant 16 : i32
        %add3A_650 = arith.addi %mul3A_218, %add3A_649 : i32
        %add3A_651 = vector.broadcast %add3A_650 : i32 to vector<16xi32>
        %add3A_652 = arith.addi %mul3A_648, %add3A_651 : vector<16xi32>
        %gather3A_653 = tpu.vector_load_idx %arg7[%add3A_652, %and3A_309] : memref<64x1024xf32, #tpu.memory_space<vmem>>[vector<16xi32>, vector<16xi32>], vector<16xf32>,
        %mul3A_654 = arith.constant 16 : i32
        %mul3A_655 = arith.muli %select_n3A_327, %mul3A_654 : i32
        %add3A_656 = vector.broadcast %mul3A_655 : i32 to vector<16xi32>
        %add3A_657 = arith.addi %add3A_656, %iota3A : vector<16xi32>
        %mul3A_658 = arith.constant 0 : i32
        %mul3A_659 = vector.broadcast %mul3A_658 : i32 to vector<16xi32>
        %mul3A_660 = arith.muli %add3A_652, %mul3A_659 : vector<16xi32>
        %add3A_661 = arith.constant 16 : i32
        %add3A_662 = vector.broadcast %add3A_661 : i32 to vector<16xi32>
        %add3A_663 = arith.addi %mul3A_660, %add3A_662 : vector<16xi32>
        tpu.vector_store_idx %arg9[%add3A_657, %add3A_663], %gather3A_653 : memref<64x128xf32, #tpu.memory_space<vmem>>[vector<16xi32>, vector<16xi32>], vector<16xf32>,
        %mul3A_664 = arith.constant 0 : i32
        %mul3A_665 = vector.broadcast %mul3A_664 : i32 to vector<16xi32>
        %mul3A_666 = arith.muli %iota3A, %mul3A_665 : vector<16xi32>
        %add3A_667 = arith.constant 17 : i32
        %add3A_668 = arith.addi %mul3A_218, %add3A_667 : i32
        %add3A_669 = vector.broadcast %add3A_668 : i32 to vector<16xi32>
        %add3A_670 = arith.addi %mul3A_666, %add3A_669 : vector<16xi32>
        %gather3A_671 = tpu.vector_load_idx %arg7[%add3A_670, %and3A_309] : memref<64x1024xf32, #tpu.memory_space<vmem>>[vector<16xi32>, vector<16xi32>], vector<16xf32>,
        %mul3A_672 = arith.constant 16 : i32
        %mul3A_673 = arith.muli %select_n3A_327, %mul3A_672 : i32
        %add3A_674 = vector.broadcast %mul3A_673 : i32 to vector<16xi32>
        %add3A_675 = arith.addi %add3A_674, %iota3A : vector<16xi32>
        %mul3A_676 = arith.constant 0 : i32
        %mul3A_677 = vector.broadcast %mul3A_676 : i32 to vector<16xi32>
        %mul3A_678 = arith.muli %add3A_670, %mul3A_677 : vector<16xi32>
        %add3A_679 = arith.constant 17 : i32
        %add3A_680 = vector.broadcast %add3A_679 : i32 to vector<16xi32>
        %add3A_681 = arith.addi %mul3A_678, %add3A_680 : vector<16xi32>
        tpu.vector_store_idx %arg9[%add3A_675, %add3A_681], %gather3A_671 : memref<64x128xf32, #tpu.memory_space<vmem>>[vector<16xi32>, vector<16xi32>], vector<16xf32>,
        %mul3A_682 = arith.constant 0 : i32
        %mul3A_683 = vector.broadcast %mul3A_682 : i32 to vector<16xi32>
        %mul3A_684 = arith.muli %iota3A, %mul3A_683 : vector<16xi32>
        %add3A_685 = arith.constant 18 : i32
        %add3A_686 = arith.addi %mul3A_218, %add3A_685 : i32
        %add3A_687 = vector.broadcast %add3A_686 : i32 to vector<16xi32>
        %add3A_688 = arith.addi %mul3A_684, %add3A_687 : vector<16xi32>
        %gather3A_689 = tpu.vector_load_idx %arg7[%add3A_688, %and3A_309] : memref<64x1024xf32, #tpu.memory_space<vmem>>[vector<16xi32>, vector<16xi32>], vector<16xf32>,
        %mul3A_690 = arith.constant 16 : i32
        %mul3A_691 = arith.muli %select_n3A_327, %mul3A_690 : i32
        %add3A_692 = vector.broadcast %mul3A_691 : i32 to vector<16xi32>
        %add3A_693 = arith.addi %add3A_692, %iota3A : vector<16xi32>
        %mul3A_694 = arith.constant 0 : i32
        %mul3A_695 = vector.broadcast %mul3A_694 : i32 to vector<16xi32>
        %mul3A_696 = arith.muli %add3A_688, %mul3A_695 : vector<16xi32>
        %add3A_697 = arith.constant 18 : i32
        %add3A_698 = vector.broadcast %add3A_697 : i32 to vector<16xi32>
        %add3A_699 = arith.addi %mul3A_696, %add3A_698 : vector<16xi32>
        tpu.vector_store_idx %arg9[%add3A_693, %add3A_699], %gather3A_689 : memref<64x128xf32, #tpu.memory_space<vmem>>[vector<16xi32>, vector<16xi32>], vector<16xf32>,
        %mul3A_700 = arith.constant 0 : i32
        %mul3A_701 = vector.broadcast %mul3A_700 : i32 to vector<16xi32>
        %mul3A_702 = arith.muli %iota3A, %mul3A_701 : vector<16xi32>
        %add3A_703 = arith.constant 19 : i32
        %add3A_704 = arith.addi %mul3A_218, %add3A_703 : i32
        %add3A_705 = vector.broadcast %add3A_704 : i32 to vector<16xi32>
        %add3A_706 = arith.addi %mul3A_702, %add3A_705 : vector<16xi32>
        %gather3A_707 = tpu.vector_load_idx %arg7[%add3A_706, %and3A_309] : memref<64x1024xf32, #tpu.memory_space<vmem>>[vector<16xi32>, vector<16xi32>], vector<16xf32>,
        %mul3A_708 = arith.constant 16 : i32
        %mul3A_709 = arith.muli %select_n3A_327, %mul3A_708 : i32
        %add3A_710 = vector.broadcast %mul3A_709 : i32 to vector<16xi32>
        %add3A_711 = arith.addi %add3A_710, %iota3A : vector<16xi32>
        %mul3A_712 = arith.constant 0 : i32
        %mul3A_713 = vector.broadcast %mul3A_712 : i32 to vector<16xi32>
        %mul3A_714 = arith.muli %add3A_706, %mul3A_713 : vector<16xi32>
        %add3A_715 = arith.constant 19 : i32
        %add3A_716 = vector.broadcast %add3A_715 : i32 to vector<16xi32>
        %add3A_717 = arith.addi %mul3A_714, %add3A_716 : vector<16xi32>
        tpu.vector_store_idx %arg9[%add3A_711, %add3A_717], %gather3A_707 : memref<64x128xf32, #tpu.memory_space<vmem>>[vector<16xi32>, vector<16xi32>], vector<16xf32>,
        %mul3A_718 = arith.constant 0 : i32
        %mul3A_719 = vector.broadcast %mul3A_718 : i32 to vector<16xi32>
        %mul3A_720 = arith.muli %iota3A, %mul3A_719 : vector<16xi32>
        %add3A_721 = arith.constant 20 : i32
        %add3A_722 = arith.addi %mul3A_218, %add3A_721 : i32
        %add3A_723 = vector.broadcast %add3A_722 : i32 to vector<16xi32>
        %add3A_724 = arith.addi %mul3A_720, %add3A_723 : vector<16xi32>
        %gather3A_725 = tpu.vector_load_idx %arg7[%add3A_724, %and3A_309] : memref<64x1024xf32, #tpu.memory_space<vmem>>[vector<16xi32>, vector<16xi32>], vector<16xf32>,
        %mul3A_726 = arith.constant 16 : i32
        %mul3A_727 = arith.muli %select_n3A_327, %mul3A_726 : i32
        %add3A_728 = vector.broadcast %mul3A_727 : i32 to vector<16xi32>
        %add3A_729 = arith.addi %add3A_728, %iota3A : vector<16xi32>
        %mul3A_730 = arith.constant 0 : i32
        %mul3A_731 = vector.broadcast %mul3A_730 : i32 to vector<16xi32>
        %mul3A_732 = arith.muli %add3A_724, %mul3A_731 : vector<16xi32>
        %add3A_733 = arith.constant 20 : i32
        %add3A_734 = vector.broadcast %add3A_733 : i32 to vector<16xi32>
        %add3A_735 = arith.addi %mul3A_732, %add3A_734 : vector<16xi32>
        tpu.vector_store_idx %arg9[%add3A_729, %add3A_735], %gather3A_725 : memref<64x128xf32, #tpu.memory_space<vmem>>[vector<16xi32>, vector<16xi32>], vector<16xf32>,
        %mul3A_736 = arith.constant 0 : i32
        %mul3A_737 = vector.broadcast %mul3A_736 : i32 to vector<16xi32>
        %mul3A_738 = arith.muli %iota3A, %mul3A_737 : vector<16xi32>
        %add3A_739 = arith.constant 21 : i32
        %add3A_740 = arith.addi %mul3A_218, %add3A_739 : i32
        %add3A_741 = vector.broadcast %add3A_740 : i32 to vector<16xi32>
        %add3A_742 = arith.addi %mul3A_738, %add3A_741 : vector<16xi32>
        %gather3A_743 = tpu.vector_load_idx %arg7[%add3A_742, %and3A_309] : memref<64x1024xf32, #tpu.memory_space<vmem>>[vector<16xi32>, vector<16xi32>], vector<16xf32>,
        %mul3A_744 = arith.constant 16 : i32
        %mul3A_745 = arith.muli %select_n3A_327, %mul3A_744 : i32
        %add3A_746 = vector.broadcast %mul3A_745 : i32 to vector<16xi32>
        %add3A_747 = arith.addi %add3A_746, %iota3A : vector<16xi32>
        %mul3A_748 = arith.constant 0 : i32
        %mul3A_749 = vector.broadcast %mul3A_748 : i32 to vector<16xi32>
        %mul3A_750 = arith.muli %add3A_742, %mul3A_749 : vector<16xi32>
        %add3A_751 = arith.constant 21 : i32
        %add3A_752 = vector.broadcast %add3A_751 : i32 to vector<16xi32>
        %add3A_753 = arith.addi %mul3A_750, %add3A_752 : vector<16xi32>
        tpu.vector_store_idx %arg9[%add3A_747, %add3A_753], %gather3A_743 : memref<64x128xf32, #tpu.memory_space<vmem>>[vector<16xi32>, vector<16xi32>], vector<16xf32>,
        %mul3A_754 = arith.constant 0 : i32
        %mul3A_755 = vector.broadcast %mul3A_754 : i32 to vector<16xi32>
        %mul3A_756 = arith.muli %iota3A, %mul3A_755 : vector<16xi32>
        %add3A_757 = arith.constant 22 : i32
        %add3A_758 = arith.addi %mul3A_218, %add3A_757 : i32
        %add3A_759 = vector.broadcast %add3A_758 : i32 to vector<16xi32>
        %add3A_760 = arith.addi %mul3A_756, %add3A_759 : vector<16xi32>
        %gather3A_761 = tpu.vector_load_idx %arg7[%add3A_760, %and3A_309] : memref<64x1024xf32, #tpu.memory_space<vmem>>[vector<16xi32>, vector<16xi32>], vector<16xf32>,
        %mul3A_762 = arith.constant 16 : i32
        %mul3A_763 = arith.muli %select_n3A_327, %mul3A_762 : i32
        %add3A_764 = vector.broadcast %mul3A_763 : i32 to vector<16xi32>
        %add3A_765 = arith.addi %add3A_764, %iota3A : vector<16xi32>
        %mul3A_766 = arith.constant 0 : i32
        %mul3A_767 = vector.broadcast %mul3A_766 : i32 to vector<16xi32>
        %mul3A_768 = arith.muli %add3A_760, %mul3A_767 : vector<16xi32>
        %add3A_769 = arith.constant 22 : i32
        %add3A_770 = vector.broadcast %add3A_769 : i32 to vector<16xi32>
        %add3A_771 = arith.addi %mul3A_768, %add3A_770 : vector<16xi32>
        tpu.vector_store_idx %arg9[%add3A_765, %add3A_771], %gather3A_761 : memref<64x128xf32, #tpu.memory_space<vmem>>[vector<16xi32>, vector<16xi32>], vector<16xf32>,
        %mul3A_772 = arith.constant 0 : i32
        %mul3A_773 = vector.broadcast %mul3A_772 : i32 to vector<16xi32>
        %mul3A_774 = arith.muli %iota3A, %mul3A_773 : vector<16xi32>
        %add3A_775 = arith.constant 23 : i32
        %add3A_776 = arith.addi %mul3A_218, %add3A_775 : i32
        %add3A_777 = vector.broadcast %add3A_776 : i32 to vector<16xi32>
        %add3A_778 = arith.addi %mul3A_774, %add3A_777 : vector<16xi32>
        %gather3A_779 = tpu.vector_load_idx %arg7[%add3A_778, %and3A_309] : memref<64x1024xf32, #tpu.memory_space<vmem>>[vector<16xi32>, vector<16xi32>], vector<16xf32>,
        %mul3A_780 = arith.constant 16 : i32
        %mul3A_781 = arith.muli %select_n3A_327, %mul3A_780 : i32
        %add3A_782 = vector.broadcast %mul3A_781 : i32 to vector<16xi32>
        %add3A_783 = arith.addi %add3A_782, %iota3A : vector<16xi32>
        %mul3A_784 = arith.constant 0 : i32
        %mul3A_785 = vector.broadcast %mul3A_784 : i32 to vector<16xi32>
        %mul3A_786 = arith.muli %add3A_778, %mul3A_785 : vector<16xi32>
        %add3A_787 = arith.constant 23 : i32
        %add3A_788 = vector.broadcast %add3A_787 : i32 to vector<16xi32>
        %add3A_789 = arith.addi %mul3A_786, %add3A_788 : vector<16xi32>
        tpu.vector_store_idx %arg9[%add3A_783, %add3A_789], %gather3A_779 : memref<64x128xf32, #tpu.memory_space<vmem>>[vector<16xi32>, vector<16xi32>], vector<16xf32>,
        %mul3A_790 = arith.constant 0 : i32
        %mul3A_791 = vector.broadcast %mul3A_790 : i32 to vector<16xi32>
        %mul3A_792 = arith.muli %iota3A, %mul3A_791 : vector<16xi32>
        %add3A_793 = arith.constant 24 : i32
        %add3A_794 = arith.addi %mul3A_218, %add3A_793 : i32
        %add3A_795 = vector.broadcast %add3A_794 : i32 to vector<16xi32>
        %add3A_796 = arith.addi %mul3A_792, %add3A_795 : vector<16xi32>
        %gather3A_797 = tpu.vector_load_idx %arg7[%add3A_796, %and3A_309] : memref<64x1024xf32, #tpu.memory_space<vmem>>[vector<16xi32>, vector<16xi32>], vector<16xf32>,
        %mul3A_798 = arith.constant 16 : i32
        %mul3A_799 = arith.muli %select_n3A_327, %mul3A_798 : i32
        %add3A_800 = vector.broadcast %mul3A_799 : i32 to vector<16xi32>
        %add3A_801 = arith.addi %add3A_800, %iota3A : vector<16xi32>
        %mul3A_802 = arith.constant 0 : i32
        %mul3A_803 = vector.broadcast %mul3A_802 : i32 to vector<16xi32>
        %mul3A_804 = arith.muli %add3A_796, %mul3A_803 : vector<16xi32>
        %add3A_805 = arith.constant 24 : i32
        %add3A_806 = vector.broadcast %add3A_805 : i32 to vector<16xi32>
        %add3A_807 = arith.addi %mul3A_804, %add3A_806 : vector<16xi32>
        tpu.vector_store_idx %arg9[%add3A_801, %add3A_807], %gather3A_797 : memref<64x128xf32, #tpu.memory_space<vmem>>[vector<16xi32>, vector<16xi32>], vector<16xf32>,
        %mul3A_808 = arith.constant 0 : i32
        %mul3A_809 = vector.broadcast %mul3A_808 : i32 to vector<16xi32>
        %mul3A_810 = arith.muli %iota3A, %mul3A_809 : vector<16xi32>
        %add3A_811 = arith.constant 25 : i32
        %add3A_812 = arith.addi %mul3A_218, %add3A_811 : i32
        %add3A_813 = vector.broadcast %add3A_812 : i32 to vector<16xi32>
        %add3A_814 = arith.addi %mul3A_810, %add3A_813 : vector<16xi32>
        %gather3A_815 = tpu.vector_load_idx %arg7[%add3A_814, %and3A_309] : memref<64x1024xf32, #tpu.memory_space<vmem>>[vector<16xi32>, vector<16xi32>], vector<16xf32>,
        %mul3A_816 = arith.constant 16 : i32
        %mul3A_817 = arith.muli %select_n3A_327, %mul3A_816 : i32
        %add3A_818 = vector.broadcast %mul3A_817 : i32 to vector<16xi32>
        %add3A_819 = arith.addi %add3A_818, %iota3A : vector<16xi32>
        %mul3A_820 = arith.constant 0 : i32
        %mul3A_821 = vector.broadcast %mul3A_820 : i32 to vector<16xi32>
        %mul3A_822 = arith.muli %add3A_814, %mul3A_821 : vector<16xi32>
        %add3A_823 = arith.constant 25 : i32
        %add3A_824 = vector.broadcast %add3A_823 : i32 to vector<16xi32>
        %add3A_825 = arith.addi %mul3A_822, %add3A_824 : vector<16xi32>
        tpu.vector_store_idx %arg9[%add3A_819, %add3A_825], %gather3A_815 : memref<64x128xf32, #tpu.memory_space<vmem>>[vector<16xi32>, vector<16xi32>], vector<16xf32>,
        %mul3A_826 = arith.constant 0 : i32
        %mul3A_827 = vector.broadcast %mul3A_826 : i32 to vector<16xi32>
        %mul3A_828 = arith.muli %iota3A, %mul3A_827 : vector<16xi32>
        %add3A_829 = arith.constant 26 : i32
        %add3A_830 = arith.addi %mul3A_218, %add3A_829 : i32
        %add3A_831 = vector.broadcast %add3A_830 : i32 to vector<16xi32>
        %add3A_832 = arith.addi %mul3A_828, %add3A_831 : vector<16xi32>
        %gather3A_833 = tpu.vector_load_idx %arg7[%add3A_832, %and3A_309] : memref<64x1024xf32, #tpu.memory_space<vmem>>[vector<16xi32>, vector<16xi32>], vector<16xf32>,
        %mul3A_834 = arith.constant 16 : i32
        %mul3A_835 = arith.muli %select_n3A_327, %mul3A_834 : i32
        %add3A_836 = vector.broadcast %mul3A_835 : i32 to vector<16xi32>
        %add3A_837 = arith.addi %add3A_836, %iota3A : vector<16xi32>
        %mul3A_838 = arith.constant 0 : i32
        %mul3A_839 = vector.broadcast %mul3A_838 : i32 to vector<16xi32>
        %mul3A_840 = arith.muli %add3A_832, %mul3A_839 : vector<16xi32>
        %add3A_841 = arith.constant 26 : i32
        %add3A_842 = vector.broadcast %add3A_841 : i32 to vector<16xi32>
        %add3A_843 = arith.addi %mul3A_840, %add3A_842 : vector<16xi32>
        tpu.vector_store_idx %arg9[%add3A_837, %add3A_843], %gather3A_833 : memref<64x128xf32, #tpu.memory_space<vmem>>[vector<16xi32>, vector<16xi32>], vector<16xf32>,
        %mul3A_844 = arith.constant 0 : i32
        %mul3A_845 = vector.broadcast %mul3A_844 : i32 to vector<16xi32>
        %mul3A_846 = arith.muli %iota3A, %mul3A_845 : vector<16xi32>
        %add3A_847 = arith.constant 27 : i32
        %add3A_848 = arith.addi %mul3A_218, %add3A_847 : i32
        %add3A_849 = vector.broadcast %add3A_848 : i32 to vector<16xi32>
        %add3A_850 = arith.addi %mul3A_846, %add3A_849 : vector<16xi32>
        %gather3A_851 = tpu.vector_load_idx %arg7[%add3A_850, %and3A_309] : memref<64x1024xf32, #tpu.memory_space<vmem>>[vector<16xi32>, vector<16xi32>], vector<16xf32>,
        %mul3A_852 = arith.constant 16 : i32
        %mul3A_853 = arith.muli %select_n3A_327, %mul3A_852 : i32
        %add3A_854 = vector.broadcast %mul3A_853 : i32 to vector<16xi32>
        %add3A_855 = arith.addi %add3A_854, %iota3A : vector<16xi32>
        %mul3A_856 = arith.constant 0 : i32
        %mul3A_857 = vector.broadcast %mul3A_856 : i32 to vector<16xi32>
        %mul3A_858 = arith.muli %add3A_850, %mul3A_857 : vector<16xi32>
        %add3A_859 = arith.constant 27 : i32
        %add3A_860 = vector.broadcast %add3A_859 : i32 to vector<16xi32>
        %add3A_861 = arith.addi %mul3A_858, %add3A_860 : vector<16xi32>
        tpu.vector_store_idx %arg9[%add3A_855, %add3A_861], %gather3A_851 : memref<64x128xf32, #tpu.memory_space<vmem>>[vector<16xi32>, vector<16xi32>], vector<16xf32>,
        %mul3A_862 = arith.constant 0 : i32
        %mul3A_863 = vector.broadcast %mul3A_862 : i32 to vector<16xi32>
        %mul3A_864 = arith.muli %iota3A, %mul3A_863 : vector<16xi32>
        %add3A_865 = arith.constant 28 : i32
        %add3A_866 = arith.addi %mul3A_218, %add3A_865 : i32
        %add3A_867 = vector.broadcast %add3A_866 : i32 to vector<16xi32>
        %add3A_868 = arith.addi %mul3A_864, %add3A_867 : vector<16xi32>
        %gather3A_869 = tpu.vector_load_idx %arg7[%add3A_868, %and3A_309] : memref<64x1024xf32, #tpu.memory_space<vmem>>[vector<16xi32>, vector<16xi32>], vector<16xf32>,
        %mul3A_870 = arith.constant 16 : i32
        %mul3A_871 = arith.muli %select_n3A_327, %mul3A_870 : i32
        %add3A_872 = vector.broadcast %mul3A_871 : i32 to vector<16xi32>
        %add3A_873 = arith.addi %add3A_872, %iota3A : vector<16xi32>
        %mul3A_874 = arith.constant 0 : i32
        %mul3A_875 = vector.broadcast %mul3A_874 : i32 to vector<16xi32>
        %mul3A_876 = arith.muli %add3A_868, %mul3A_875 : vector<16xi32>
        %add3A_877 = arith.constant 28 : i32
        %add3A_878 = vector.broadcast %add3A_877 : i32 to vector<16xi32>
        %add3A_879 = arith.addi %mul3A_876, %add3A_878 : vector<16xi32>
        tpu.vector_store_idx %arg9[%add3A_873, %add3A_879], %gather3A_869 : memref<64x128xf32, #tpu.memory_space<vmem>>[vector<16xi32>, vector<16xi32>], vector<16xf32>,
        %mul3A_880 = arith.constant 0 : i32
        %mul3A_881 = vector.broadcast %mul3A_880 : i32 to vector<16xi32>
        %mul3A_882 = arith.muli %iota3A, %mul3A_881 : vector<16xi32>
        %add3A_883 = arith.constant 29 : i32
        %add3A_884 = arith.addi %mul3A_218, %add3A_883 : i32
        %add3A_885 = vector.broadcast %add3A_884 : i32 to vector<16xi32>
        %add3A_886 = arith.addi %mul3A_882, %add3A_885 : vector<16xi32>
        %gather3A_887 = tpu.vector_load_idx %arg7[%add3A_886, %and3A_309] : memref<64x1024xf32, #tpu.memory_space<vmem>>[vector<16xi32>, vector<16xi32>], vector<16xf32>,
        %mul3A_888 = arith.constant 16 : i32
        %mul3A_889 = arith.muli %select_n3A_327, %mul3A_888 : i32
        %add3A_890 = vector.broadcast %mul3A_889 : i32 to vector<16xi32>
        %add3A_891 = arith.addi %add3A_890, %iota3A : vector<16xi32>
        %mul3A_892 = arith.constant 0 : i32
        %mul3A_893 = vector.broadcast %mul3A_892 : i32 to vector<16xi32>
        %mul3A_894 = arith.muli %add3A_886, %mul3A_893 : vector<16xi32>
        %add3A_895 = arith.constant 29 : i32
        %add3A_896 = vector.broadcast %add3A_895 : i32 to vector<16xi32>
        %add3A_897 = arith.addi %mul3A_894, %add3A_896 : vector<16xi32>
        tpu.vector_store_idx %arg9[%add3A_891, %add3A_897], %gather3A_887 : memref<64x128xf32, #tpu.memory_space<vmem>>[vector<16xi32>, vector<16xi32>], vector<16xf32>,
        %mul3A_898 = arith.constant 0 : i32
        %mul3A_899 = vector.broadcast %mul3A_898 : i32 to vector<16xi32>
        %mul3A_900 = arith.muli %iota3A, %mul3A_899 : vector<16xi32>
        %add3A_901 = arith.constant 30 : i32
        %add3A_902 = arith.addi %mul3A_218, %add3A_901 : i32
        %add3A_903 = vector.broadcast %add3A_902 : i32 to vector<16xi32>
        %add3A_904 = arith.addi %mul3A_900, %add3A_903 : vector<16xi32>
        %gather3A_905 = tpu.vector_load_idx %arg7[%add3A_904, %and3A_309] : memref<64x1024xf32, #tpu.memory_space<vmem>>[vector<16xi32>, vector<16xi32>], vector<16xf32>,
        %mul3A_906 = arith.constant 16 : i32
        %mul3A_907 = arith.muli %select_n3A_327, %mul3A_906 : i32
        %add3A_908 = vector.broadcast %mul3A_907 : i32 to vector<16xi32>
        %add3A_909 = arith.addi %add3A_908, %iota3A : vector<16xi32>
        %mul3A_910 = arith.constant 0 : i32
        %mul3A_911 = vector.broadcast %mul3A_910 : i32 to vector<16xi32>
        %mul3A_912 = arith.muli %add3A_904, %mul3A_911 : vector<16xi32>
        %add3A_913 = arith.constant 30 : i32
        %add3A_914 = vector.broadcast %add3A_913 : i32 to vector<16xi32>
        %add3A_915 = arith.addi %mul3A_912, %add3A_914 : vector<16xi32>
        tpu.vector_store_idx %arg9[%add3A_909, %add3A_915], %gather3A_905 : memref<64x128xf32, #tpu.memory_space<vmem>>[vector<16xi32>, vector<16xi32>], vector<16xf32>,
        %mul3A_916 = arith.constant 0 : i32
        %mul3A_917 = vector.broadcast %mul3A_916 : i32 to vector<16xi32>
        %mul3A_918 = arith.muli %iota3A, %mul3A_917 : vector<16xi32>
        %add3A_919 = arith.constant 31 : i32
        %add3A_920 = arith.addi %mul3A_218, %add3A_919 : i32
        %add3A_921 = vector.broadcast %add3A_920 : i32 to vector<16xi32>
        %add3A_922 = arith.addi %mul3A_918, %add3A_921 : vector<16xi32>
        %gather3A_923 = tpu.vector_load_idx %arg7[%add3A_922, %and3A_309] : memref<64x1024xf32, #tpu.memory_space<vmem>>[vector<16xi32>, vector<16xi32>], vector<16xf32>,
        %mul3A_924 = arith.constant 16 : i32
        %mul3A_925 = arith.muli %select_n3A_327, %mul3A_924 : i32
        %add3A_926 = vector.broadcast %mul3A_925 : i32 to vector<16xi32>
        %add3A_927 = arith.addi %add3A_926, %iota3A : vector<16xi32>
        %mul3A_928 = arith.constant 0 : i32
        %mul3A_929 = vector.broadcast %mul3A_928 : i32 to vector<16xi32>
        %mul3A_930 = arith.muli %add3A_922, %mul3A_929 : vector<16xi32>
        %add3A_931 = arith.constant 31 : i32
        %add3A_932 = vector.broadcast %add3A_931 : i32 to vector<16xi32>
        %add3A_933 = arith.addi %mul3A_930, %add3A_932 : vector<16xi32>
        tpu.vector_store_idx %arg9[%add3A_927, %add3A_933], %gather3A_923 : memref<64x128xf32, #tpu.memory_space<vmem>>[vector<16xi32>, vector<16xi32>], vector<16xf32>,
        %eq3A_934 = arith.constant 0 : i32
        %eq3A_935 = arith.cmpi eq, %select_n3A_327, %eq3A_934 : i32
        %convert_element_type3A_936 = arith.extui %eq3A_935 : i1 to i32
        %cond3A_937 = arith.constant 0 : i32
        %cond3A_938 = arith.cmpi ne, %convert_element_type3A_936, %cond3A_937 : i32
        scf.if %cond3A_938 {
          %dma_start3A = arith.constant 0 : i32
          %dma_start3A_956 = arith.constant 0 : i32
          %dma_start3A_957 = tpu.memref_slice %arg9[%dma_start3A, %dma_start3A_956] : memref<64x128xf32, #tpu.memory_space<vmem>> -> memref<16x128xf32, #tpu.memory_space<vmem>>
          %dma_start3A_958 = arith.constant 0 : i32
          %dma_start3A_959 = arith.constant 0 : i32
          %dma_start3A_960 = tpu.memref_slice %arg4[%dma_start3A_958, %dma_start3A_959] : memref<16512x128xf32, #tpu.memory_space<hbm>> -> memref<16512x128xf32, #tpu.memory_space<hbm>>
          tpu.enqueue_indirect_dma source(%dma_start3A_957 : memref<16x128xf32, #tpu.memory_space<vmem>>) target(%dma_start3A_960 : memref<16512x128xf32, #tpu.memory_space<hbm>>) offsets(%shift_right_arithmetic3A_311 : vector<16xi32>) semaphore(%arg12 : memref<!tpu.dma_semaphore, #tpu.memory_space<semaphore_mem>>)
        } else {
        }
        %eq3A_939 = arith.constant 1 : i32
        %eq3A_940 = arith.cmpi eq, %select_n3A_327, %eq3A_939 : i32
        %convert_element_type3A_941 = arith.extui %eq3A_940 : i1 to i32
        %cond3A_942 = arith.constant 0 : i32
        %cond3A_943 = arith.cmpi ne, %convert_element_type3A_941, %cond3A_942 : i32
        scf.if %cond3A_943 {
          %dma_start3A = arith.constant 16 : i32
          %dma_start3A_956 = arith.constant 0 : i32
          %dma_start3A_957 = tpu.memref_slice %arg9[%dma_start3A, %dma_start3A_956] : memref<64x128xf32, #tpu.memory_space<vmem>> -> memref<16x128xf32, #tpu.memory_space<vmem>>
          %dma_start3A_958 = arith.constant 0 : i32
          %dma_start3A_959 = arith.constant 0 : i32
          %dma_start3A_960 = tpu.memref_slice %arg4[%dma_start3A_958, %dma_start3A_959] : memref<16512x128xf32, #tpu.memory_space<hbm>> -> memref<16512x128xf32, #tpu.memory_space<hbm>>
          tpu.enqueue_indirect_dma source(%dma_start3A_957 : memref<16x128xf32, #tpu.memory_space<vmem>>) target(%dma_start3A_960 : memref<16512x128xf32, #tpu.memory_space<hbm>>) offsets(%shift_right_arithmetic3A_311 : vector<16xi32>) semaphore(%arg13 : memref<!tpu.dma_semaphore, #tpu.memory_space<semaphore_mem>>)
        } else {
        }
        %eq3A_944 = arith.constant 2 : i32
        %eq3A_945 = arith.cmpi eq, %select_n3A_327, %eq3A_944 : i32
        %convert_element_type3A_946 = arith.extui %eq3A_945 : i1 to i32
        %cond3A_947 = arith.constant 0 : i32
        %cond3A_948 = arith.cmpi ne, %convert_element_type3A_946, %cond3A_947 : i32
        scf.if %cond3A_948 {
          %dma_start3A = arith.constant 32 : i32
          %dma_start3A_956 = arith.constant 0 : i32
          %dma_start3A_957 = tpu.memref_slice %arg9[%dma_start3A, %dma_start3A_956] : memref<64x128xf32, #tpu.memory_space<vmem>> -> memref<16x128xf32, #tpu.memory_space<vmem>>
          %dma_start3A_958 = arith.constant 0 : i32
          %dma_start3A_959 = arith.constant 0 : i32
          %dma_start3A_960 = tpu.memref_slice %arg4[%dma_start3A_958, %dma_start3A_959] : memref<16512x128xf32, #tpu.memory_space<hbm>> -> memref<16512x128xf32, #tpu.memory_space<hbm>>
          tpu.enqueue_indirect_dma source(%dma_start3A_957 : memref<16x128xf32, #tpu.memory_space<vmem>>) target(%dma_start3A_960 : memref<16512x128xf32, #tpu.memory_space<hbm>>) offsets(%shift_right_arithmetic3A_311 : vector<16xi32>) semaphore(%arg14 : memref<!tpu.dma_semaphore, #tpu.memory_space<semaphore_mem>>)
        } else {
        }
        %eq3A_949 = arith.constant 3 : i32
        %eq3A_950 = arith.cmpi eq, %select_n3A_327, %eq3A_949 : i32
        %convert_element_type3A_951 = arith.extui %eq3A_950 : i1 to i32
        %cond3A_952 = arith.constant 0 : i32
        %cond3A_953 = arith.cmpi ne, %convert_element_type3A_951, %cond3A_952 : i32
        scf.if %cond3A_953 {
          %dma_start3A = arith.constant 48 : i32
          %dma_start3A_956 = arith.constant 0 : i32
          %dma_start3A_957 = tpu.memref_slice %arg9[%dma_start3A, %dma_start3A_956] : memref<64x128xf32, #tpu.memory_space<vmem>> -> memref<16x128xf32, #tpu.memory_space<vmem>>
          %dma_start3A_958 = arith.constant 0 : i32
          %dma_start3A_959 = arith.constant 0 : i32
          %dma_start3A_960 = tpu.memref_slice %arg4[%dma_start3A_958, %dma_start3A_959] : memref<16512x128xf32, #tpu.memory_space<hbm>> -> memref<16512x128xf32, #tpu.memory_space<hbm>>
          tpu.enqueue_indirect_dma source(%dma_start3A_957 : memref<16x128xf32, #tpu.memory_space<vmem>>) target(%dma_start3A_960 : memref<16512x128xf32, #tpu.memory_space<hbm>>) offsets(%shift_right_arithmetic3A_311 : vector<16xi32>) semaphore(%arg15 : memref<!tpu.dma_semaphore, #tpu.memory_space<semaphore_mem>>)
        } else {
        }
        %add3A_954 = arith.constant 1 : i32
        %add3A_955 = arith.addi %while3A_303, %add3A_954 : i32
        scf.yield %add3A_955 : i32
      }
      %while3A_300 = arith.constant 1 : i32
      %while3A_301 = scf.for %while3A_302 = %while3A_297 to %while3A_293 step %while3A_300 iter_args(%while3A_303 = %while3A_299) -> (i32)  : i32 {
        %mul3A_304 = arith.constant 16 : i32
        %mul3A_305 = arith.muli %while3A_302, %mul3A_304 : i32
        %get3A = arith.index_cast %mul3A_305 : i32 to index
        %get3A_306 = tpu.vector_load %arg8[%get3A] {strides = array<i32>} : memref<16512xi32, #tpu.memory_space<vmem>>, vector<16xi32>,
        %and3A_307 = arith.constant 1023 : i32
        %and3A_308 = vector.broadcast %and3A_307 : i32 to vector<16xi32>
        %and3A_309 = arith.andi %get3A_306, %and3A_308 : vector<16xi32>
        %shift_right_arithmetic3A = arith.constant 10 : i32
        %shift_right_arithmetic3A_310 = vector.broadcast %shift_right_arithmetic3A : i32 to vector<16xi32>
        %shift_right_arithmetic3A_311 = arith.shrsi %get3A_306, %shift_right_arithmetic3A_310 : vector<16xi32>
        %jit3A_312 = arith.constant 4 : i32
        %eq3A_313 = arith.constant 0 : i32
        %eq3A_314 = arith.cmpi eq, %jit3A_312, %eq3A_313 : i32
        %jit3A_315 = arith.constant 1 : i32
        %select_n3A_316 = arith.select %eq3A_314, %jit3A_315, %jit3A_312 : i32
        %rem3A_317 = arith.remsi %while3A_303, %select_n3A_316 : i32
        %ne3A_318 = arith.constant 0 : i32
        %ne3A_319 = arith.cmpi ne, %rem3A_317, %ne3A_318 : i32
        %lt3A_320 = arith.constant 0 : i32
        %lt3A_321 = arith.cmpi slt, %rem3A_317, %lt3A_320 : i32
        %lt3A_322 = arith.constant 0 : i32
        %lt3A_323 = arith.cmpi slt, %select_n3A_316, %lt3A_322 : i32
        %ne3A_324 = arith.xori %lt3A_321, %lt3A_323 : i1
        %and3A_325 = arith.andi %ne3A_324, %ne3A_319 : i1
        %add3A_326 = arith.addi %rem3A_317, %select_n3A_316 : i32
        %select_n3A_327 = arith.select %and3A_325, %add3A_326, %rem3A_317 : i32
        %eq3A_328 = arith.constant 0 : i32
        %eq3A_329 = arith.cmpi eq, %select_n3A_327, %eq3A_328 : i32
        %ge3A = arith.constant 4 : i32
        %ge3A_330 = arith.cmpi sge, %while3A_303, %ge3A : i32
        %and3A_331 = arith.andi %eq3A_329, %ge3A_330 : i1
        %convert_element_type3A_332 = arith.extui %and3A_331 : i1 to i32
        %cond3A_333 = arith.constant 0 : i32
        %cond3A_334 = arith.cmpi ne, %convert_element_type3A_332, %cond3A_333 : i32
        scf.if %cond3A_334 {
          %dma_wait3A = arith.constant 0 : i32
          %dma_wait3A_956 = arith.constant 0 : i32
          %dma_wait3A_957 = tpu.memref_slice %arg9[%dma_wait3A, %dma_wait3A_956] : memref<64x128xf32, #tpu.memory_space<vmem>> -> memref<16x128xf32, #tpu.memory_space<vmem>>
          %dma_wait3A_958 = arith.constant 0 : i32
          %dma_wait3A_959 = arith.constant 0 : i32
          %dma_wait3A_960 = tpu.memref_slice %arg4[%dma_wait3A_958, %dma_wait3A_959] : memref<16512x128xf32, #tpu.memory_space<hbm>> -> memref<16512x128xf32, #tpu.memory_space<hbm>>
          tpu.wait_indirect_dma semaphore(%arg12 : memref<!tpu.dma_semaphore, #tpu.memory_space<semaphore_mem>>) src(%dma_wait3A_957 : memref<16x128xf32, #tpu.memory_space<vmem>>) dst(%dma_wait3A_960 : memref<16512x128xf32, #tpu.memory_space<hbm>>)
        } else {
        }
        %eq3A_335 = arith.constant 1 : i32
        %eq3A_336 = arith.cmpi eq, %select_n3A_327, %eq3A_335 : i32
        %ge3A_337 = arith.constant 4 : i32
        %ge3A_338 = arith.cmpi sge, %while3A_303, %ge3A_337 : i32
        %and3A_339 = arith.andi %eq3A_336, %ge3A_338 : i1
        %convert_element_type3A_340 = arith.extui %and3A_339 : i1 to i32
        %cond3A_341 = arith.constant 0 : i32
        %cond3A_342 = arith.cmpi ne, %convert_element_type3A_340, %cond3A_341 : i32
        scf.if %cond3A_342 {
          %dma_wait3A = arith.constant 16 : i32
          %dma_wait3A_956 = arith.constant 0 : i32
          %dma_wait3A_957 = tpu.memref_slice %arg9[%dma_wait3A, %dma_wait3A_956] : memref<64x128xf32, #tpu.memory_space<vmem>> -> memref<16x128xf32, #tpu.memory_space<vmem>>
          %dma_wait3A_958 = arith.constant 0 : i32
          %dma_wait3A_959 = arith.constant 0 : i32
          %dma_wait3A_960 = tpu.memref_slice %arg4[%dma_wait3A_958, %dma_wait3A_959] : memref<16512x128xf32, #tpu.memory_space<hbm>> -> memref<16512x128xf32, #tpu.memory_space<hbm>>
          tpu.wait_indirect_dma semaphore(%arg13 : memref<!tpu.dma_semaphore, #tpu.memory_space<semaphore_mem>>) src(%dma_wait3A_957 : memref<16x128xf32, #tpu.memory_space<vmem>>) dst(%dma_wait3A_960 : memref<16512x128xf32, #tpu.memory_space<hbm>>)
        } else {
        }
        %eq3A_343 = arith.constant 2 : i32
        %eq3A_344 = arith.cmpi eq, %select_n3A_327, %eq3A_343 : i32
        %ge3A_345 = arith.constant 4 : i32
        %ge3A_346 = arith.cmpi sge, %while3A_303, %ge3A_345 : i32
        %and3A_347 = arith.andi %eq3A_344, %ge3A_346 : i1
        %convert_element_type3A_348 = arith.extui %and3A_347 : i1 to i32
        %cond3A_349 = arith.constant 0 : i32
        %cond3A_350 = arith.cmpi ne, %convert_element_type3A_348, %cond3A_349 : i32
        scf.if %cond3A_350 {
          %dma_wait3A = arith.constant 32 : i32
          %dma_wait3A_956 = arith.constant 0 : i32
          %dma_wait3A_957 = tpu.memref_slice %arg9[%dma_wait3A, %dma_wait3A_956] : memref<64x128xf32, #tpu.memory_space<vmem>> -> memref<16x128xf32, #tpu.memory_space<vmem>>
          %dma_wait3A_958 = arith.constant 0 : i32
          %dma_wait3A_959 = arith.constant 0 : i32
          %dma_wait3A_960 = tpu.memref_slice %arg4[%dma_wait3A_958, %dma_wait3A_959] : memref<16512x128xf32, #tpu.memory_space<hbm>> -> memref<16512x128xf32, #tpu.memory_space<hbm>>
          tpu.wait_indirect_dma semaphore(%arg14 : memref<!tpu.dma_semaphore, #tpu.memory_space<semaphore_mem>>) src(%dma_wait3A_957 : memref<16x128xf32, #tpu.memory_space<vmem>>) dst(%dma_wait3A_960 : memref<16512x128xf32, #tpu.memory_space<hbm>>)
        } else {
        }
        %eq3A_351 = arith.constant 3 : i32
        %eq3A_352 = arith.cmpi eq, %select_n3A_327, %eq3A_351 : i32
        %ge3A_353 = arith.constant 4 : i32
        %ge3A_354 = arith.cmpi sge, %while3A_303, %ge3A_353 : i32
        %and3A_355 = arith.andi %eq3A_352, %ge3A_354 : i1
        %convert_element_type3A_356 = arith.extui %and3A_355 : i1 to i32
        %cond3A_357 = arith.constant 0 : i32
        %cond3A_358 = arith.cmpi ne, %convert_element_type3A_356, %cond3A_357 : i32
        scf.if %cond3A_358 {
          %dma_wait3A = arith.constant 48 : i32
          %dma_wait3A_956 = arith.constant 0 : i32
          %dma_wait3A_957 = tpu.memref_slice %arg9[%dma_wait3A, %dma_wait3A_956] : memref<64x128xf32, #tpu.memory_space<vmem>> -> memref<16x128xf32, #tpu.memory_space<vmem>>
          %dma_wait3A_958 = arith.constant 0 : i32
          %dma_wait3A_959 = arith.constant 0 : i32
          %dma_wait3A_960 = tpu.memref_slice %arg4[%dma_wait3A_958, %dma_wait3A_959] : memref<16512x128xf32, #tpu.memory_space<hbm>> -> memref<16512x128xf32, #tpu.memory_space<hbm>>
          tpu.wait_indirect_dma semaphore(%arg15 : memref<!tpu.dma_semaphore, #tpu.memory_space<semaphore_mem>>) src(%dma_wait3A_957 : memref<16x128xf32, #tpu.memory_space<vmem>>) dst(%dma_wait3A_960 : memref<16512x128xf32, #tpu.memory_space<hbm>>)
        } else {
        }
        %mul3A_359 = arith.constant 0 : i32
        %mul3A_360 = vector.broadcast %mul3A_359 : i32 to vector<16xi32>
        %mul3A_361 = arith.muli %iota3A, %mul3A_360 : vector<16xi32>
        %add3A_362 = arith.constant 0 : i32
        %add3A_363 = arith.addi %mul3A_218, %add3A_362 : i32
        %add3A_364 = vector.broadcast %add3A_363 : i32 to vector<16xi32>
        %add3A_365 = arith.addi %mul3A_361, %add3A_364 : vector<16xi32>
        %gather3A = tpu.vector_load_idx %arg7[%add3A_365, %and3A_309] : memref<64x1024xf32, #tpu.memory_space<vmem>>[vector<16xi32>, vector<16xi32>], vector<16xf32>,
        %mul3A_366 = arith.constant 16 : i32
        %mul3A_367 = arith.muli %select_n3A_327, %mul3A_366 : i32
        %add3A_368 = vector.broadcast %mul3A_367 : i32 to vector<16xi32>
        %add3A_369 = arith.addi %add3A_368, %iota3A : vector<16xi32>
        %mul3A_370 = arith.constant 0 : i32
        %mul3A_371 = vector.broadcast %mul3A_370 : i32 to vector<16xi32>
        %mul3A_372 = arith.muli %add3A_365, %mul3A_371 : vector<16xi32>
        %add3A_373 = arith.constant 0 : i32
        %add3A_374 = vector.broadcast %add3A_373 : i32 to vector<16xi32>
        %add3A_375 = arith.addi %mul3A_372, %add3A_374 : vector<16xi32>
        tpu.vector_store_idx %arg9[%add3A_369, %add3A_375], %gather3A : memref<64x128xf32, #tpu.memory_space<vmem>>[vector<16xi32>, vector<16xi32>], vector<16xf32>,
        %mul3A_376 = arith.constant 0 : i32
        %mul3A_377 = vector.broadcast %mul3A_376 : i32 to vector<16xi32>
        %mul3A_378 = arith.muli %iota3A, %mul3A_377 : vector<16xi32>
        %add3A_379 = arith.constant 1 : i32
        %add3A_380 = arith.addi %mul3A_218, %add3A_379 : i32
        %add3A_381 = vector.broadcast %add3A_380 : i32 to vector<16xi32>
        %add3A_382 = arith.addi %mul3A_378, %add3A_381 : vector<16xi32>
        %gather3A_383 = tpu.vector_load_idx %arg7[%add3A_382, %and3A_309] : memref<64x1024xf32, #tpu.memory_space<vmem>>[vector<16xi32>, vector<16xi32>], vector<16xf32>,
        %mul3A_384 = arith.constant 16 : i32
        %mul3A_385 = arith.muli %select_n3A_327, %mul3A_384 : i32
        %add3A_386 = vector.broadcast %mul3A_385 : i32 to vector<16xi32>
        %add3A_387 = arith.addi %add3A_386, %iota3A : vector<16xi32>
        %mul3A_388 = arith.constant 0 : i32
        %mul3A_389 = vector.broadcast %mul3A_388 : i32 to vector<16xi32>
        %mul3A_390 = arith.muli %add3A_382, %mul3A_389 : vector<16xi32>
        %add3A_391 = arith.constant 1 : i32
        %add3A_392 = vector.broadcast %add3A_391 : i32 to vector<16xi32>
        %add3A_393 = arith.addi %mul3A_390, %add3A_392 : vector<16xi32>
        tpu.vector_store_idx %arg9[%add3A_387, %add3A_393], %gather3A_383 : memref<64x128xf32, #tpu.memory_space<vmem>>[vector<16xi32>, vector<16xi32>], vector<16xf32>,
        %mul3A_394 = arith.constant 0 : i32
        %mul3A_395 = vector.broadcast %mul3A_394 : i32 to vector<16xi32>
        %mul3A_396 = arith.muli %iota3A, %mul3A_395 : vector<16xi32>
        %add3A_397 = arith.constant 2 : i32
        %add3A_398 = arith.addi %mul3A_218, %add3A_397 : i32
        %add3A_399 = vector.broadcast %add3A_398 : i32 to vector<16xi32>
        %add3A_400 = arith.addi %mul3A_396, %add3A_399 : vector<16xi32>
        %gather3A_401 = tpu.vector_load_idx %arg7[%add3A_400, %and3A_309] : memref<64x1024xf32, #tpu.memory_space<vmem>>[vector<16xi32>, vector<16xi32>], vector<16xf32>,
        %mul3A_402 = arith.constant 16 : i32
        %mul3A_403 = arith.muli %select_n3A_327, %mul3A_402 : i32
        %add3A_404 = vector.broadcast %mul3A_403 : i32 to vector<16xi32>
        %add3A_405 = arith.addi %add3A_404, %iota3A : vector<16xi32>
        %mul3A_406 = arith.constant 0 : i32
        %mul3A_407 = vector.broadcast %mul3A_406 : i32 to vector<16xi32>
        %mul3A_408 = arith.muli %add3A_400, %mul3A_407 : vector<16xi32>
        %add3A_409 = arith.constant 2 : i32
        %add3A_410 = vector.broadcast %add3A_409 : i32 to vector<16xi32>
        %add3A_411 = arith.addi %mul3A_408, %add3A_410 : vector<16xi32>
        tpu.vector_store_idx %arg9[%add3A_405, %add3A_411], %gather3A_401 : memref<64x128xf32, #tpu.memory_space<vmem>>[vector<16xi32>, vector<16xi32>], vector<16xf32>,
        %mul3A_412 = arith.constant 0 : i32
        %mul3A_413 = vector.broadcast %mul3A_412 : i32 to vector<16xi32>
        %mul3A_414 = arith.muli %iota3A, %mul3A_413 : vector<16xi32>
        %add3A_415 = arith.constant 3 : i32
        %add3A_416 = arith.addi %mul3A_218, %add3A_415 : i32
        %add3A_417 = vector.broadcast %add3A_416 : i32 to vector<16xi32>
        %add3A_418 = arith.addi %mul3A_414, %add3A_417 : vector<16xi32>
        %gather3A_419 = tpu.vector_load_idx %arg7[%add3A_418, %and3A_309] : memref<64x1024xf32, #tpu.memory_space<vmem>>[vector<16xi32>, vector<16xi32>], vector<16xf32>,
        %mul3A_420 = arith.constant 16 : i32
        %mul3A_421 = arith.muli %select_n3A_327, %mul3A_420 : i32
        %add3A_422 = vector.broadcast %mul3A_421 : i32 to vector<16xi32>
        %add3A_423 = arith.addi %add3A_422, %iota3A : vector<16xi32>
        %mul3A_424 = arith.constant 0 : i32
        %mul3A_425 = vector.broadcast %mul3A_424 : i32 to vector<16xi32>
        %mul3A_426 = arith.muli %add3A_418, %mul3A_425 : vector<16xi32>
        %add3A_427 = arith.constant 3 : i32
        %add3A_428 = vector.broadcast %add3A_427 : i32 to vector<16xi32>
        %add3A_429 = arith.addi %mul3A_426, %add3A_428 : vector<16xi32>
        tpu.vector_store_idx %arg9[%add3A_423, %add3A_429], %gather3A_419 : memref<64x128xf32, #tpu.memory_space<vmem>>[vector<16xi32>, vector<16xi32>], vector<16xf32>,
        %mul3A_430 = arith.constant 0 : i32
        %mul3A_431 = vector.broadcast %mul3A_430 : i32 to vector<16xi32>
        %mul3A_432 = arith.muli %iota3A, %mul3A_431 : vector<16xi32>
        %add3A_433 = arith.constant 4 : i32
        %add3A_434 = arith.addi %mul3A_218, %add3A_433 : i32
        %add3A_435 = vector.broadcast %add3A_434 : i32 to vector<16xi32>
        %add3A_436 = arith.addi %mul3A_432, %add3A_435 : vector<16xi32>
        %gather3A_437 = tpu.vector_load_idx %arg7[%add3A_436, %and3A_309] : memref<64x1024xf32, #tpu.memory_space<vmem>>[vector<16xi32>, vector<16xi32>], vector<16xf32>,
        %mul3A_438 = arith.constant 16 : i32
        %mul3A_439 = arith.muli %select_n3A_327, %mul3A_438 : i32
        %add3A_440 = vector.broadcast %mul3A_439 : i32 to vector<16xi32>
        %add3A_441 = arith.addi %add3A_440, %iota3A : vector<16xi32>
        %mul3A_442 = arith.constant 0 : i32
        %mul3A_443 = vector.broadcast %mul3A_442 : i32 to vector<16xi32>
        %mul3A_444 = arith.muli %add3A_436, %mul3A_443 : vector<16xi32>
        %add3A_445 = arith.constant 4 : i32
        %add3A_446 = vector.broadcast %add3A_445 : i32 to vector<16xi32>
        %add3A_447 = arith.addi %mul3A_444, %add3A_446 : vector<16xi32>
        tpu.vector_store_idx %arg9[%add3A_441, %add3A_447], %gather3A_437 : memref<64x128xf32, #tpu.memory_space<vmem>>[vector<16xi32>, vector<16xi32>], vector<16xf32>,
        %mul3A_448 = arith.constant 0 : i32
        %mul3A_449 = vector.broadcast %mul3A_448 : i32 to vector<16xi32>
        %mul3A_450 = arith.muli %iota3A, %mul3A_449 : vector<16xi32>
        %add3A_451 = arith.constant 5 : i32
        %add3A_452 = arith.addi %mul3A_218, %add3A_451 : i32
        %add3A_453 = vector.broadcast %add3A_452 : i32 to vector<16xi32>
        %add3A_454 = arith.addi %mul3A_450, %add3A_453 : vector<16xi32>
        %gather3A_455 = tpu.vector_load_idx %arg7[%add3A_454, %and3A_309] : memref<64x1024xf32, #tpu.memory_space<vmem>>[vector<16xi32>, vector<16xi32>], vector<16xf32>,
        %mul3A_456 = arith.constant 16 : i32
        %mul3A_457 = arith.muli %select_n3A_327, %mul3A_456 : i32
        %add3A_458 = vector.broadcast %mul3A_457 : i32 to vector<16xi32>
        %add3A_459 = arith.addi %add3A_458, %iota3A : vector<16xi32>
        %mul3A_460 = arith.constant 0 : i32
        %mul3A_461 = vector.broadcast %mul3A_460 : i32 to vector<16xi32>
        %mul3A_462 = arith.muli %add3A_454, %mul3A_461 : vector<16xi32>
        %add3A_463 = arith.constant 5 : i32
        %add3A_464 = vector.broadcast %add3A_463 : i32 to vector<16xi32>
        %add3A_465 = arith.addi %mul3A_462, %add3A_464 : vector<16xi32>
        tpu.vector_store_idx %arg9[%add3A_459, %add3A_465], %gather3A_455 : memref<64x128xf32, #tpu.memory_space<vmem>>[vector<16xi32>, vector<16xi32>], vector<16xf32>,
        %mul3A_466 = arith.constant 0 : i32
        %mul3A_467 = vector.broadcast %mul3A_466 : i32 to vector<16xi32>
        %mul3A_468 = arith.muli %iota3A, %mul3A_467 : vector<16xi32>
        %add3A_469 = arith.constant 6 : i32
        %add3A_470 = arith.addi %mul3A_218, %add3A_469 : i32
        %add3A_471 = vector.broadcast %add3A_470 : i32 to vector<16xi32>
        %add3A_472 = arith.addi %mul3A_468, %add3A_471 : vector<16xi32>
        %gather3A_473 = tpu.vector_load_idx %arg7[%add3A_472, %and3A_309] : memref<64x1024xf32, #tpu.memory_space<vmem>>[vector<16xi32>, vector<16xi32>], vector<16xf32>,
        %mul3A_474 = arith.constant 16 : i32
        %mul3A_475 = arith.muli %select_n3A_327, %mul3A_474 : i32
        %add3A_476 = vector.broadcast %mul3A_475 : i32 to vector<16xi32>
        %add3A_477 = arith.addi %add3A_476, %iota3A : vector<16xi32>
        %mul3A_478 = arith.constant 0 : i32
        %mul3A_479 = vector.broadcast %mul3A_478 : i32 to vector<16xi32>
        %mul3A_480 = arith.muli %add3A_472, %mul3A_479 : vector<16xi32>
        %add3A_481 = arith.constant 6 : i32
        %add3A_482 = vector.broadcast %add3A_481 : i32 to vector<16xi32>
        %add3A_483 = arith.addi %mul3A_480, %add3A_482 : vector<16xi32>
        tpu.vector_store_idx %arg9[%add3A_477, %add3A_483], %gather3A_473 : memref<64x128xf32, #tpu.memory_space<vmem>>[vector<16xi32>, vector<16xi32>], vector<16xf32>,
        %mul3A_484 = arith.constant 0 : i32
        %mul3A_485 = vector.broadcast %mul3A_484 : i32 to vector<16xi32>
        %mul3A_486 = arith.muli %iota3A, %mul3A_485 : vector<16xi32>
        %add3A_487 = arith.constant 7 : i32
        %add3A_488 = arith.addi %mul3A_218, %add3A_487 : i32
        %add3A_489 = vector.broadcast %add3A_488 : i32 to vector<16xi32>
        %add3A_490 = arith.addi %mul3A_486, %add3A_489 : vector<16xi32>
        %gather3A_491 = tpu.vector_load_idx %arg7[%add3A_490, %and3A_309] : memref<64x1024xf32, #tpu.memory_space<vmem>>[vector<16xi32>, vector<16xi32>], vector<16xf32>,
        %mul3A_492 = arith.constant 16 : i32
        %mul3A_493 = arith.muli %select_n3A_327, %mul3A_492 : i32
        %add3A_494 = vector.broadcast %mul3A_493 : i32 to vector<16xi32>
        %add3A_495 = arith.addi %add3A_494, %iota3A : vector<16xi32>
        %mul3A_496 = arith.constant 0 : i32
        %mul3A_497 = vector.broadcast %mul3A_496 : i32 to vector<16xi32>
        %mul3A_498 = arith.muli %add3A_490, %mul3A_497 : vector<16xi32>
        %add3A_499 = arith.constant 7 : i32
        %add3A_500 = vector.broadcast %add3A_499 : i32 to vector<16xi32>
        %add3A_501 = arith.addi %mul3A_498, %add3A_500 : vector<16xi32>
        tpu.vector_store_idx %arg9[%add3A_495, %add3A_501], %gather3A_491 : memref<64x128xf32, #tpu.memory_space<vmem>>[vector<16xi32>, vector<16xi32>], vector<16xf32>,
        %mul3A_502 = arith.constant 0 : i32
        %mul3A_503 = vector.broadcast %mul3A_502 : i32 to vector<16xi32>
        %mul3A_504 = arith.muli %iota3A, %mul3A_503 : vector<16xi32>
        %add3A_505 = arith.constant 8 : i32
        %add3A_506 = arith.addi %mul3A_218, %add3A_505 : i32
        %add3A_507 = vector.broadcast %add3A_506 : i32 to vector<16xi32>
        %add3A_508 = arith.addi %mul3A_504, %add3A_507 : vector<16xi32>
        %gather3A_509 = tpu.vector_load_idx %arg7[%add3A_508, %and3A_309] : memref<64x1024xf32, #tpu.memory_space<vmem>>[vector<16xi32>, vector<16xi32>], vector<16xf32>,
        %mul3A_510 = arith.constant 16 : i32
        %mul3A_511 = arith.muli %select_n3A_327, %mul3A_510 : i32
        %add3A_512 = vector.broadcast %mul3A_511 : i32 to vector<16xi32>
        %add3A_513 = arith.addi %add3A_512, %iota3A : vector<16xi32>
        %mul3A_514 = arith.constant 0 : i32
        %mul3A_515 = vector.broadcast %mul3A_514 : i32 to vector<16xi32>
        %mul3A_516 = arith.muli %add3A_508, %mul3A_515 : vector<16xi32>
        %add3A_517 = arith.constant 8 : i32
        %add3A_518 = vector.broadcast %add3A_517 : i32 to vector<16xi32>
        %add3A_519 = arith.addi %mul3A_516, %add3A_518 : vector<16xi32>
        tpu.vector_store_idx %arg9[%add3A_513, %add3A_519], %gather3A_509 : memref<64x128xf32, #tpu.memory_space<vmem>>[vector<16xi32>, vector<16xi32>], vector<16xf32>,
        %mul3A_520 = arith.constant 0 : i32
        %mul3A_521 = vector.broadcast %mul3A_520 : i32 to vector<16xi32>
        %mul3A_522 = arith.muli %iota3A, %mul3A_521 : vector<16xi32>
        %add3A_523 = arith.constant 9 : i32
        %add3A_524 = arith.addi %mul3A_218, %add3A_523 : i32
        %add3A_525 = vector.broadcast %add3A_524 : i32 to vector<16xi32>
        %add3A_526 = arith.addi %mul3A_522, %add3A_525 : vector<16xi32>
        %gather3A_527 = tpu.vector_load_idx %arg7[%add3A_526, %and3A_309] : memref<64x1024xf32, #tpu.memory_space<vmem>>[vector<16xi32>, vector<16xi32>], vector<16xf32>,
        %mul3A_528 = arith.constant 16 : i32
        %mul3A_529 = arith.muli %select_n3A_327, %mul3A_528 : i32
        %add3A_530 = vector.broadcast %mul3A_529 : i32 to vector<16xi32>
        %add3A_531 = arith.addi %add3A_530, %iota3A : vector<16xi32>
        %mul3A_532 = arith.constant 0 : i32
        %mul3A_533 = vector.broadcast %mul3A_532 : i32 to vector<16xi32>
        %mul3A_534 = arith.muli %add3A_526, %mul3A_533 : vector<16xi32>
        %add3A_535 = arith.constant 9 : i32
        %add3A_536 = vector.broadcast %add3A_535 : i32 to vector<16xi32>
        %add3A_537 = arith.addi %mul3A_534, %add3A_536 : vector<16xi32>
        tpu.vector_store_idx %arg9[%add3A_531, %add3A_537], %gather3A_527 : memref<64x128xf32, #tpu.memory_space<vmem>>[vector<16xi32>, vector<16xi32>], vector<16xf32>,
        %mul3A_538 = arith.constant 0 : i32
        %mul3A_539 = vector.broadcast %mul3A_538 : i32 to vector<16xi32>
        %mul3A_540 = arith.muli %iota3A, %mul3A_539 : vector<16xi32>
        %add3A_541 = arith.constant 10 : i32
        %add3A_542 = arith.addi %mul3A_218, %add3A_541 : i32
        %add3A_543 = vector.broadcast %add3A_542 : i32 to vector<16xi32>
        %add3A_544 = arith.addi %mul3A_540, %add3A_543 : vector<16xi32>
        %gather3A_545 = tpu.vector_load_idx %arg7[%add3A_544, %and3A_309] : memref<64x1024xf32, #tpu.memory_space<vmem>>[vector<16xi32>, vector<16xi32>], vector<16xf32>,
        %mul3A_546 = arith.constant 16 : i32
        %mul3A_547 = arith.muli %select_n3A_327, %mul3A_546 : i32
        %add3A_548 = vector.broadcast %mul3A_547 : i32 to vector<16xi32>
        %add3A_549 = arith.addi %add3A_548, %iota3A : vector<16xi32>
        %mul3A_550 = arith.constant 0 : i32
        %mul3A_551 = vector.broadcast %mul3A_550 : i32 to vector<16xi32>
        %mul3A_552 = arith.muli %add3A_544, %mul3A_551 : vector<16xi32>
        %add3A_553 = arith.constant 10 : i32
        %add3A_554 = vector.broadcast %add3A_553 : i32 to vector<16xi32>
        %add3A_555 = arith.addi %mul3A_552, %add3A_554 : vector<16xi32>
        tpu.vector_store_idx %arg9[%add3A_549, %add3A_555], %gather3A_545 : memref<64x128xf32, #tpu.memory_space<vmem>>[vector<16xi32>, vector<16xi32>], vector<16xf32>,
        %mul3A_556 = arith.constant 0 : i32
        %mul3A_557 = vector.broadcast %mul3A_556 : i32 to vector<16xi32>
        %mul3A_558 = arith.muli %iota3A, %mul3A_557 : vector<16xi32>
        %add3A_559 = arith.constant 11 : i32
        %add3A_560 = arith.addi %mul3A_218, %add3A_559 : i32
        %add3A_561 = vector.broadcast %add3A_560 : i32 to vector<16xi32>
        %add3A_562 = arith.addi %mul3A_558, %add3A_561 : vector<16xi32>
        %gather3A_563 = tpu.vector_load_idx %arg7[%add3A_562, %and3A_309] : memref<64x1024xf32, #tpu.memory_space<vmem>>[vector<16xi32>, vector<16xi32>], vector<16xf32>,
        %mul3A_564 = arith.constant 16 : i32
        %mul3A_565 = arith.muli %select_n3A_327, %mul3A_564 : i32
        %add3A_566 = vector.broadcast %mul3A_565 : i32 to vector<16xi32>
        %add3A_567 = arith.addi %add3A_566, %iota3A : vector<16xi32>
        %mul3A_568 = arith.constant 0 : i32
        %mul3A_569 = vector.broadcast %mul3A_568 : i32 to vector<16xi32>
        %mul3A_570 = arith.muli %add3A_562, %mul3A_569 : vector<16xi32>
        %add3A_571 = arith.constant 11 : i32
        %add3A_572 = vector.broadcast %add3A_571 : i32 to vector<16xi32>
        %add3A_573 = arith.addi %mul3A_570, %add3A_572 : vector<16xi32>
        tpu.vector_store_idx %arg9[%add3A_567, %add3A_573], %gather3A_563 : memref<64x128xf32, #tpu.memory_space<vmem>>[vector<16xi32>, vector<16xi32>], vector<16xf32>,
        %mul3A_574 = arith.constant 0 : i32
        %mul3A_575 = vector.broadcast %mul3A_574 : i32 to vector<16xi32>
        %mul3A_576 = arith.muli %iota3A, %mul3A_575 : vector<16xi32>
        %add3A_577 = arith.constant 12 : i32
        %add3A_578 = arith.addi %mul3A_218, %add3A_577 : i32
        %add3A_579 = vector.broadcast %add3A_578 : i32 to vector<16xi32>
        %add3A_580 = arith.addi %mul3A_576, %add3A_579 : vector<16xi32>
        %gather3A_581 = tpu.vector_load_idx %arg7[%add3A_580, %and3A_309] : memref<64x1024xf32, #tpu.memory_space<vmem>>[vector<16xi32>, vector<16xi32>], vector<16xf32>,
        %mul3A_582 = arith.constant 16 : i32
        %mul3A_583 = arith.muli %select_n3A_327, %mul3A_582 : i32
        %add3A_584 = vector.broadcast %mul3A_583 : i32 to vector<16xi32>
        %add3A_585 = arith.addi %add3A_584, %iota3A : vector<16xi32>
        %mul3A_586 = arith.constant 0 : i32
        %mul3A_587 = vector.broadcast %mul3A_586 : i32 to vector<16xi32>
        %mul3A_588 = arith.muli %add3A_580, %mul3A_587 : vector<16xi32>
        %add3A_589 = arith.constant 12 : i32
        %add3A_590 = vector.broadcast %add3A_589 : i32 to vector<16xi32>
        %add3A_591 = arith.addi %mul3A_588, %add3A_590 : vector<16xi32>
        tpu.vector_store_idx %arg9[%add3A_585, %add3A_591], %gather3A_581 : memref<64x128xf32, #tpu.memory_space<vmem>>[vector<16xi32>, vector<16xi32>], vector<16xf32>,
        %mul3A_592 = arith.constant 0 : i32
        %mul3A_593 = vector.broadcast %mul3A_592 : i32 to vector<16xi32>
        %mul3A_594 = arith.muli %iota3A, %mul3A_593 : vector<16xi32>
        %add3A_595 = arith.constant 13 : i32
        %add3A_596 = arith.addi %mul3A_218, %add3A_595 : i32
        %add3A_597 = vector.broadcast %add3A_596 : i32 to vector<16xi32>
        %add3A_598 = arith.addi %mul3A_594, %add3A_597 : vector<16xi32>
        %gather3A_599 = tpu.vector_load_idx %arg7[%add3A_598, %and3A_309] : memref<64x1024xf32, #tpu.memory_space<vmem>>[vector<16xi32>, vector<16xi32>], vector<16xf32>,
        %mul3A_600 = arith.constant 16 : i32
        %mul3A_601 = arith.muli %select_n3A_327, %mul3A_600 : i32
        %add3A_602 = vector.broadcast %mul3A_601 : i32 to vector<16xi32>
        %add3A_603 = arith.addi %add3A_602, %iota3A : vector<16xi32>
        %mul3A_604 = arith.constant 0 : i32
        %mul3A_605 = vector.broadcast %mul3A_604 : i32 to vector<16xi32>
        %mul3A_606 = arith.muli %add3A_598, %mul3A_605 : vector<16xi32>
        %add3A_607 = arith.constant 13 : i32
        %add3A_608 = vector.broadcast %add3A_607 : i32 to vector<16xi32>
        %add3A_609 = arith.addi %mul3A_606, %add3A_608 : vector<16xi32>
        tpu.vector_store_idx %arg9[%add3A_603, %add3A_609], %gather3A_599 : memref<64x128xf32, #tpu.memory_space<vmem>>[vector<16xi32>, vector<16xi32>], vector<16xf32>,
        %mul3A_610 = arith.constant 0 : i32
        %mul3A_611 = vector.broadcast %mul3A_610 : i32 to vector<16xi32>
        %mul3A_612 = arith.muli %iota3A, %mul3A_611 : vector<16xi32>
        %add3A_613 = arith.constant 14 : i32
        %add3A_614 = arith.addi %mul3A_218, %add3A_613 : i32
        %add3A_615 = vector.broadcast %add3A_614 : i32 to vector<16xi32>
        %add3A_616 = arith.addi %mul3A_612, %add3A_615 : vector<16xi32>
        %gather3A_617 = tpu.vector_load_idx %arg7[%add3A_616, %and3A_309] : memref<64x1024xf32, #tpu.memory_space<vmem>>[vector<16xi32>, vector<16xi32>], vector<16xf32>,
        %mul3A_618 = arith.constant 16 : i32
        %mul3A_619 = arith.muli %select_n3A_327, %mul3A_618 : i32
        %add3A_620 = vector.broadcast %mul3A_619 : i32 to vector<16xi32>
        %add3A_621 = arith.addi %add3A_620, %iota3A : vector<16xi32>
        %mul3A_622 = arith.constant 0 : i32
        %mul3A_623 = vector.broadcast %mul3A_622 : i32 to vector<16xi32>
        %mul3A_624 = arith.muli %add3A_616, %mul3A_623 : vector<16xi32>
        %add3A_625 = arith.constant 14 : i32
        %add3A_626 = vector.broadcast %add3A_625 : i32 to vector<16xi32>
        %add3A_627 = arith.addi %mul3A_624, %add3A_626 : vector<16xi32>
        tpu.vector_store_idx %arg9[%add3A_621, %add3A_627], %gather3A_617 : memref<64x128xf32, #tpu.memory_space<vmem>>[vector<16xi32>, vector<16xi32>], vector<16xf32>,
        %mul3A_628 = arith.constant 0 : i32
        %mul3A_629 = vector.broadcast %mul3A_628 : i32 to vector<16xi32>
        %mul3A_630 = arith.muli %iota3A, %mul3A_629 : vector<16xi32>
        %add3A_631 = arith.constant 15 : i32
        %add3A_632 = arith.addi %mul3A_218, %add3A_631 : i32
        %add3A_633 = vector.broadcast %add3A_632 : i32 to vector<16xi32>
        %add3A_634 = arith.addi %mul3A_630, %add3A_633 : vector<16xi32>
        %gather3A_635 = tpu.vector_load_idx %arg7[%add3A_634, %and3A_309] : memref<64x1024xf32, #tpu.memory_space<vmem>>[vector<16xi32>, vector<16xi32>], vector<16xf32>,
        %mul3A_636 = arith.constant 16 : i32
        %mul3A_637 = arith.muli %select_n3A_327, %mul3A_636 : i32
        %add3A_638 = vector.broadcast %mul3A_637 : i32 to vector<16xi32>
        %add3A_639 = arith.addi %add3A_638, %iota3A : vector<16xi32>
        %mul3A_640 = arith.constant 0 : i32
        %mul3A_641 = vector.broadcast %mul3A_640 : i32 to vector<16xi32>
        %mul3A_642 = arith.muli %add3A_634, %mul3A_641 : vector<16xi32>
        %add3A_643 = arith.constant 15 : i32
        %add3A_644 = vector.broadcast %add3A_643 : i32 to vector<16xi32>
        %add3A_645 = arith.addi %mul3A_642, %add3A_644 : vector<16xi32>
        tpu.vector_store_idx %arg9[%add3A_639, %add3A_645], %gather3A_635 : memref<64x128xf32, #tpu.memory_space<vmem>>[vector<16xi32>, vector<16xi32>], vector<16xf32>,
        %mul3A_646 = arith.constant 0 : i32
        %mul3A_647 = vector.broadcast %mul3A_646 : i32 to vector<16xi32>
        %mul3A_648 = arith.muli %iota3A, %mul3A_647 : vector<16xi32>
        %add3A_649 = arith.constant 16 : i32
        %add3A_650 = arith.addi %mul3A_218, %add3A_649 : i32
        %add3A_651 = vector.broadcast %add3A_650 : i32 to vector<16xi32>
        %add3A_652 = arith.addi %mul3A_648, %add3A_651 : vector<16xi32>
        %gather3A_653 = tpu.vector_load_idx %arg7[%add3A_652, %and3A_309] : memref<64x1024xf32, #tpu.memory_space<vmem>>[vector<16xi32>, vector<16xi32>], vector<16xf32>,
        %mul3A_654 = arith.constant 16 : i32
        %mul3A_655 = arith.muli %select_n3A_327, %mul3A_654 : i32
        %add3A_656 = vector.broadcast %mul3A_655 : i32 to vector<16xi32>
        %add3A_657 = arith.addi %add3A_656, %iota3A : vector<16xi32>
        %mul3A_658 = arith.constant 0 : i32
        %mul3A_659 = vector.broadcast %mul3A_658 : i32 to vector<16xi32>
        %mul3A_660 = arith.muli %add3A_652, %mul3A_659 : vector<16xi32>
        %add3A_661 = arith.constant 16 : i32
        %add3A_662 = vector.broadcast %add3A_661 : i32 to vector<16xi32>
        %add3A_663 = arith.addi %mul3A_660, %add3A_662 : vector<16xi32>
        tpu.vector_store_idx %arg9[%add3A_657, %add3A_663], %gather3A_653 : memref<64x128xf32, #tpu.memory_space<vmem>>[vector<16xi32>, vector<16xi32>], vector<16xf32>,
        %mul3A_664 = arith.constant 0 : i32
        %mul3A_665 = vector.broadcast %mul3A_664 : i32 to vector<16xi32>
        %mul3A_666 = arith.muli %iota3A, %mul3A_665 : vector<16xi32>
        %add3A_667 = arith.constant 17 : i32
        %add3A_668 = arith.addi %mul3A_218, %add3A_667 : i32
        %add3A_669 = vector.broadcast %add3A_668 : i32 to vector<16xi32>
        %add3A_670 = arith.addi %mul3A_666, %add3A_669 : vector<16xi32>
        %gather3A_671 = tpu.vector_load_idx %arg7[%add3A_670, %and3A_309] : memref<64x1024xf32, #tpu.memory_space<vmem>>[vector<16xi32>, vector<16xi32>], vector<16xf32>,
        %mul3A_672 = arith.constant 16 : i32
        %mul3A_673 = arith.muli %select_n3A_327, %mul3A_672 : i32
        %add3A_674 = vector.broadcast %mul3A_673 : i32 to vector<16xi32>
        %add3A_675 = arith.addi %add3A_674, %iota3A : vector<16xi32>
        %mul3A_676 = arith.constant 0 : i32
        %mul3A_677 = vector.broadcast %mul3A_676 : i32 to vector<16xi32>
        %mul3A_678 = arith.muli %add3A_670, %mul3A_677 : vector<16xi32>
        %add3A_679 = arith.constant 17 : i32
        %add3A_680 = vector.broadcast %add3A_679 : i32 to vector<16xi32>
        %add3A_681 = arith.addi %mul3A_678, %add3A_680 : vector<16xi32>
        tpu.vector_store_idx %arg9[%add3A_675, %add3A_681], %gather3A_671 : memref<64x128xf32, #tpu.memory_space<vmem>>[vector<16xi32>, vector<16xi32>], vector<16xf32>,
        %mul3A_682 = arith.constant 0 : i32
        %mul3A_683 = vector.broadcast %mul3A_682 : i32 to vector<16xi32>
        %mul3A_684 = arith.muli %iota3A, %mul3A_683 : vector<16xi32>
        %add3A_685 = arith.constant 18 : i32
        %add3A_686 = arith.addi %mul3A_218, %add3A_685 : i32
        %add3A_687 = vector.broadcast %add3A_686 : i32 to vector<16xi32>
        %add3A_688 = arith.addi %mul3A_684, %add3A_687 : vector<16xi32>
        %gather3A_689 = tpu.vector_load_idx %arg7[%add3A_688, %and3A_309] : memref<64x1024xf32, #tpu.memory_space<vmem>>[vector<16xi32>, vector<16xi32>], vector<16xf32>,
        %mul3A_690 = arith.constant 16 : i32
        %mul3A_691 = arith.muli %select_n3A_327, %mul3A_690 : i32
        %add3A_692 = vector.broadcast %mul3A_691 : i32 to vector<16xi32>
        %add3A_693 = arith.addi %add3A_692, %iota3A : vector<16xi32>
        %mul3A_694 = arith.constant 0 : i32
        %mul3A_695 = vector.broadcast %mul3A_694 : i32 to vector<16xi32>
        %mul3A_696 = arith.muli %add3A_688, %mul3A_695 : vector<16xi32>
        %add3A_697 = arith.constant 18 : i32
        %add3A_698 = vector.broadcast %add3A_697 : i32 to vector<16xi32>
        %add3A_699 = arith.addi %mul3A_696, %add3A_698 : vector<16xi32>
        tpu.vector_store_idx %arg9[%add3A_693, %add3A_699], %gather3A_689 : memref<64x128xf32, #tpu.memory_space<vmem>>[vector<16xi32>, vector<16xi32>], vector<16xf32>,
        %mul3A_700 = arith.constant 0 : i32
        %mul3A_701 = vector.broadcast %mul3A_700 : i32 to vector<16xi32>
        %mul3A_702 = arith.muli %iota3A, %mul3A_701 : vector<16xi32>
        %add3A_703 = arith.constant 19 : i32
        %add3A_704 = arith.addi %mul3A_218, %add3A_703 : i32
        %add3A_705 = vector.broadcast %add3A_704 : i32 to vector<16xi32>
        %add3A_706 = arith.addi %mul3A_702, %add3A_705 : vector<16xi32>
        %gather3A_707 = tpu.vector_load_idx %arg7[%add3A_706, %and3A_309] : memref<64x1024xf32, #tpu.memory_space<vmem>>[vector<16xi32>, vector<16xi32>], vector<16xf32>,
        %mul3A_708 = arith.constant 16 : i32
        %mul3A_709 = arith.muli %select_n3A_327, %mul3A_708 : i32
        %add3A_710 = vector.broadcast %mul3A_709 : i32 to vector<16xi32>
        %add3A_711 = arith.addi %add3A_710, %iota3A : vector<16xi32>
        %mul3A_712 = arith.constant 0 : i32
        %mul3A_713 = vector.broadcast %mul3A_712 : i32 to vector<16xi32>
        %mul3A_714 = arith.muli %add3A_706, %mul3A_713 : vector<16xi32>
        %add3A_715 = arith.constant 19 : i32
        %add3A_716 = vector.broadcast %add3A_715 : i32 to vector<16xi32>
        %add3A_717 = arith.addi %mul3A_714, %add3A_716 : vector<16xi32>
        tpu.vector_store_idx %arg9[%add3A_711, %add3A_717], %gather3A_707 : memref<64x128xf32, #tpu.memory_space<vmem>>[vector<16xi32>, vector<16xi32>], vector<16xf32>,
        %mul3A_718 = arith.constant 0 : i32
        %mul3A_719 = vector.broadcast %mul3A_718 : i32 to vector<16xi32>
        %mul3A_720 = arith.muli %iota3A, %mul3A_719 : vector<16xi32>
        %add3A_721 = arith.constant 20 : i32
        %add3A_722 = arith.addi %mul3A_218, %add3A_721 : i32
        %add3A_723 = vector.broadcast %add3A_722 : i32 to vector<16xi32>
        %add3A_724 = arith.addi %mul3A_720, %add3A_723 : vector<16xi32>
        %gather3A_725 = tpu.vector_load_idx %arg7[%add3A_724, %and3A_309] : memref<64x1024xf32, #tpu.memory_space<vmem>>[vector<16xi32>, vector<16xi32>], vector<16xf32>,
        %mul3A_726 = arith.constant 16 : i32
        %mul3A_727 = arith.muli %select_n3A_327, %mul3A_726 : i32
        %add3A_728 = vector.broadcast %mul3A_727 : i32 to vector<16xi32>
        %add3A_729 = arith.addi %add3A_728, %iota3A : vector<16xi32>
        %mul3A_730 = arith.constant 0 : i32
        %mul3A_731 = vector.broadcast %mul3A_730 : i32 to vector<16xi32>
        %mul3A_732 = arith.muli %add3A_724, %mul3A_731 : vector<16xi32>
        %add3A_733 = arith.constant 20 : i32
        %add3A_734 = vector.broadcast %add3A_733 : i32 to vector<16xi32>
        %add3A_735 = arith.addi %mul3A_732, %add3A_734 : vector<16xi32>
        tpu.vector_store_idx %arg9[%add3A_729, %add3A_735], %gather3A_725 : memref<64x128xf32, #tpu.memory_space<vmem>>[vector<16xi32>, vector<16xi32>], vector<16xf32>,
        %mul3A_736 = arith.constant 0 : i32
        %mul3A_737 = vector.broadcast %mul3A_736 : i32 to vector<16xi32>
        %mul3A_738 = arith.muli %iota3A, %mul3A_737 : vector<16xi32>
        %add3A_739 = arith.constant 21 : i32
        %add3A_740 = arith.addi %mul3A_218, %add3A_739 : i32
        %add3A_741 = vector.broadcast %add3A_740 : i32 to vector<16xi32>
        %add3A_742 = arith.addi %mul3A_738, %add3A_741 : vector<16xi32>
        %gather3A_743 = tpu.vector_load_idx %arg7[%add3A_742, %and3A_309] : memref<64x1024xf32, #tpu.memory_space<vmem>>[vector<16xi32>, vector<16xi32>], vector<16xf32>,
        %mul3A_744 = arith.constant 16 : i32
        %mul3A_745 = arith.muli %select_n3A_327, %mul3A_744 : i32
        %add3A_746 = vector.broadcast %mul3A_745 : i32 to vector<16xi32>
        %add3A_747 = arith.addi %add3A_746, %iota3A : vector<16xi32>
        %mul3A_748 = arith.constant 0 : i32
        %mul3A_749 = vector.broadcast %mul3A_748 : i32 to vector<16xi32>
        %mul3A_750 = arith.muli %add3A_742, %mul3A_749 : vector<16xi32>
        %add3A_751 = arith.constant 21 : i32
        %add3A_752 = vector.broadcast %add3A_751 : i32 to vector<16xi32>
        %add3A_753 = arith.addi %mul3A_750, %add3A_752 : vector<16xi32>
        tpu.vector_store_idx %arg9[%add3A_747, %add3A_753], %gather3A_743 : memref<64x128xf32, #tpu.memory_space<vmem>>[vector<16xi32>, vector<16xi32>], vector<16xf32>,
        %mul3A_754 = arith.constant 0 : i32
        %mul3A_755 = vector.broadcast %mul3A_754 : i32 to vector<16xi32>
        %mul3A_756 = arith.muli %iota3A, %mul3A_755 : vector<16xi32>
        %add3A_757 = arith.constant 22 : i32
        %add3A_758 = arith.addi %mul3A_218, %add3A_757 : i32
        %add3A_759 = vector.broadcast %add3A_758 : i32 to vector<16xi32>
        %add3A_760 = arith.addi %mul3A_756, %add3A_759 : vector<16xi32>
        %gather3A_761 = tpu.vector_load_idx %arg7[%add3A_760, %and3A_309] : memref<64x1024xf32, #tpu.memory_space<vmem>>[vector<16xi32>, vector<16xi32>], vector<16xf32>,
        %mul3A_762 = arith.constant 16 : i32
        %mul3A_763 = arith.muli %select_n3A_327, %mul3A_762 : i32
        %add3A_764 = vector.broadcast %mul3A_763 : i32 to vector<16xi32>
        %add3A_765 = arith.addi %add3A_764, %iota3A : vector<16xi32>
        %mul3A_766 = arith.constant 0 : i32
        %mul3A_767 = vector.broadcast %mul3A_766 : i32 to vector<16xi32>
        %mul3A_768 = arith.muli %add3A_760, %mul3A_767 : vector<16xi32>
        %add3A_769 = arith.constant 22 : i32
        %add3A_770 = vector.broadcast %add3A_769 : i32 to vector<16xi32>
        %add3A_771 = arith.addi %mul3A_768, %add3A_770 : vector<16xi32>
        tpu.vector_store_idx %arg9[%add3A_765, %add3A_771], %gather3A_761 : memref<64x128xf32, #tpu.memory_space<vmem>>[vector<16xi32>, vector<16xi32>], vector<16xf32>,
        %mul3A_772 = arith.constant 0 : i32
        %mul3A_773 = vector.broadcast %mul3A_772 : i32 to vector<16xi32>
        %mul3A_774 = arith.muli %iota3A, %mul3A_773 : vector<16xi32>
        %add3A_775 = arith.constant 23 : i32
        %add3A_776 = arith.addi %mul3A_218, %add3A_775 : i32
        %add3A_777 = vector.broadcast %add3A_776 : i32 to vector<16xi32>
        %add3A_778 = arith.addi %mul3A_774, %add3A_777 : vector<16xi32>
        %gather3A_779 = tpu.vector_load_idx %arg7[%add3A_778, %and3A_309] : memref<64x1024xf32, #tpu.memory_space<vmem>>[vector<16xi32>, vector<16xi32>], vector<16xf32>,
        %mul3A_780 = arith.constant 16 : i32
        %mul3A_781 = arith.muli %select_n3A_327, %mul3A_780 : i32
        %add3A_782 = vector.broadcast %mul3A_781 : i32 to vector<16xi32>
        %add3A_783 = arith.addi %add3A_782, %iota3A : vector<16xi32>
        %mul3A_784 = arith.constant 0 : i32
        %mul3A_785 = vector.broadcast %mul3A_784 : i32 to vector<16xi32>
        %mul3A_786 = arith.muli %add3A_778, %mul3A_785 : vector<16xi32>
        %add3A_787 = arith.constant 23 : i32
        %add3A_788 = vector.broadcast %add3A_787 : i32 to vector<16xi32>
        %add3A_789 = arith.addi %mul3A_786, %add3A_788 : vector<16xi32>
        tpu.vector_store_idx %arg9[%add3A_783, %add3A_789], %gather3A_779 : memref<64x128xf32, #tpu.memory_space<vmem>>[vector<16xi32>, vector<16xi32>], vector<16xf32>,
        %mul3A_790 = arith.constant 0 : i32
        %mul3A_791 = vector.broadcast %mul3A_790 : i32 to vector<16xi32>
        %mul3A_792 = arith.muli %iota3A, %mul3A_791 : vector<16xi32>
        %add3A_793 = arith.constant 24 : i32
        %add3A_794 = arith.addi %mul3A_218, %add3A_793 : i32
        %add3A_795 = vector.broadcast %add3A_794 : i32 to vector<16xi32>
        %add3A_796 = arith.addi %mul3A_792, %add3A_795 : vector<16xi32>
        %gather3A_797 = tpu.vector_load_idx %arg7[%add3A_796, %and3A_309] : memref<64x1024xf32, #tpu.memory_space<vmem>>[vector<16xi32>, vector<16xi32>], vector<16xf32>,
        %mul3A_798 = arith.constant 16 : i32
        %mul3A_799 = arith.muli %select_n3A_327, %mul3A_798 : i32
        %add3A_800 = vector.broadcast %mul3A_799 : i32 to vector<16xi32>
        %add3A_801 = arith.addi %add3A_800, %iota3A : vector<16xi32>
        %mul3A_802 = arith.constant 0 : i32
        %mul3A_803 = vector.broadcast %mul3A_802 : i32 to vector<16xi32>
        %mul3A_804 = arith.muli %add3A_796, %mul3A_803 : vector<16xi32>
        %add3A_805 = arith.constant 24 : i32
        %add3A_806 = vector.broadcast %add3A_805 : i32 to vector<16xi32>
        %add3A_807 = arith.addi %mul3A_804, %add3A_806 : vector<16xi32>
        tpu.vector_store_idx %arg9[%add3A_801, %add3A_807], %gather3A_797 : memref<64x128xf32, #tpu.memory_space<vmem>>[vector<16xi32>, vector<16xi32>], vector<16xf32>,
        %mul3A_808 = arith.constant 0 : i32
        %mul3A_809 = vector.broadcast %mul3A_808 : i32 to vector<16xi32>
        %mul3A_810 = arith.muli %iota3A, %mul3A_809 : vector<16xi32>
        %add3A_811 = arith.constant 25 : i32
        %add3A_812 = arith.addi %mul3A_218, %add3A_811 : i32
        %add3A_813 = vector.broadcast %add3A_812 : i32 to vector<16xi32>
        %add3A_814 = arith.addi %mul3A_810, %add3A_813 : vector<16xi32>
        %gather3A_815 = tpu.vector_load_idx %arg7[%add3A_814, %and3A_309] : memref<64x1024xf32, #tpu.memory_space<vmem>>[vector<16xi32>, vector<16xi32>], vector<16xf32>,
        %mul3A_816 = arith.constant 16 : i32
        %mul3A_817 = arith.muli %select_n3A_327, %mul3A_816 : i32
        %add3A_818 = vector.broadcast %mul3A_817 : i32 to vector<16xi32>
        %add3A_819 = arith.addi %add3A_818, %iota3A : vector<16xi32>
        %mul3A_820 = arith.constant 0 : i32
        %mul3A_821 = vector.broadcast %mul3A_820 : i32 to vector<16xi32>
        %mul3A_822 = arith.muli %add3A_814, %mul3A_821 : vector<16xi32>
        %add3A_823 = arith.constant 25 : i32
        %add3A_824 = vector.broadcast %add3A_823 : i32 to vector<16xi32>
        %add3A_825 = arith.addi %mul3A_822, %add3A_824 : vector<16xi32>
        tpu.vector_store_idx %arg9[%add3A_819, %add3A_825], %gather3A_815 : memref<64x128xf32, #tpu.memory_space<vmem>>[vector<16xi32>, vector<16xi32>], vector<16xf32>,
        %mul3A_826 = arith.constant 0 : i32
        %mul3A_827 = vector.broadcast %mul3A_826 : i32 to vector<16xi32>
        %mul3A_828 = arith.muli %iota3A, %mul3A_827 : vector<16xi32>
        %add3A_829 = arith.constant 26 : i32
        %add3A_830 = arith.addi %mul3A_218, %add3A_829 : i32
        %add3A_831 = vector.broadcast %add3A_830 : i32 to vector<16xi32>
        %add3A_832 = arith.addi %mul3A_828, %add3A_831 : vector<16xi32>
        %gather3A_833 = tpu.vector_load_idx %arg7[%add3A_832, %and3A_309] : memref<64x1024xf32, #tpu.memory_space<vmem>>[vector<16xi32>, vector<16xi32>], vector<16xf32>,
        %mul3A_834 = arith.constant 16 : i32
        %mul3A_835 = arith.muli %select_n3A_327, %mul3A_834 : i32
        %add3A_836 = vector.broadcast %mul3A_835 : i32 to vector<16xi32>
        %add3A_837 = arith.addi %add3A_836, %iota3A : vector<16xi32>
        %mul3A_838 = arith.constant 0 : i32
        %mul3A_839 = vector.broadcast %mul3A_838 : i32 to vector<16xi32>
        %mul3A_840 = arith.muli %add3A_832, %mul3A_839 : vector<16xi32>
        %add3A_841 = arith.constant 26 : i32
        %add3A_842 = vector.broadcast %add3A_841 : i32 to vector<16xi32>
        %add3A_843 = arith.addi %mul3A_840, %add3A_842 : vector<16xi32>
        tpu.vector_store_idx %arg9[%add3A_837, %add3A_843], %gather3A_833 : memref<64x128xf32, #tpu.memory_space<vmem>>[vector<16xi32>, vector<16xi32>], vector<16xf32>,
        %mul3A_844 = arith.constant 0 : i32
        %mul3A_845 = vector.broadcast %mul3A_844 : i32 to vector<16xi32>
        %mul3A_846 = arith.muli %iota3A, %mul3A_845 : vector<16xi32>
        %add3A_847 = arith.constant 27 : i32
        %add3A_848 = arith.addi %mul3A_218, %add3A_847 : i32
        %add3A_849 = vector.broadcast %add3A_848 : i32 to vector<16xi32>
        %add3A_850 = arith.addi %mul3A_846, %add3A_849 : vector<16xi32>
        %gather3A_851 = tpu.vector_load_idx %arg7[%add3A_850, %and3A_309] : memref<64x1024xf32, #tpu.memory_space<vmem>>[vector<16xi32>, vector<16xi32>], vector<16xf32>,
        %mul3A_852 = arith.constant 16 : i32
        %mul3A_853 = arith.muli %select_n3A_327, %mul3A_852 : i32
        %add3A_854 = vector.broadcast %mul3A_853 : i32 to vector<16xi32>
        %add3A_855 = arith.addi %add3A_854, %iota3A : vector<16xi32>
        %mul3A_856 = arith.constant 0 : i32
        %mul3A_857 = vector.broadcast %mul3A_856 : i32 to vector<16xi32>
        %mul3A_858 = arith.muli %add3A_850, %mul3A_857 : vector<16xi32>
        %add3A_859 = arith.constant 27 : i32
        %add3A_860 = vector.broadcast %add3A_859 : i32 to vector<16xi32>
        %add3A_861 = arith.addi %mul3A_858, %add3A_860 : vector<16xi32>
        tpu.vector_store_idx %arg9[%add3A_855, %add3A_861], %gather3A_851 : memref<64x128xf32, #tpu.memory_space<vmem>>[vector<16xi32>, vector<16xi32>], vector<16xf32>,
        %mul3A_862 = arith.constant 0 : i32
        %mul3A_863 = vector.broadcast %mul3A_862 : i32 to vector<16xi32>
        %mul3A_864 = arith.muli %iota3A, %mul3A_863 : vector<16xi32>
        %add3A_865 = arith.constant 28 : i32
        %add3A_866 = arith.addi %mul3A_218, %add3A_865 : i32
        %add3A_867 = vector.broadcast %add3A_866 : i32 to vector<16xi32>
        %add3A_868 = arith.addi %mul3A_864, %add3A_867 : vector<16xi32>
        %gather3A_869 = tpu.vector_load_idx %arg7[%add3A_868, %and3A_309] : memref<64x1024xf32, #tpu.memory_space<vmem>>[vector<16xi32>, vector<16xi32>], vector<16xf32>,
        %mul3A_870 = arith.constant 16 : i32
        %mul3A_871 = arith.muli %select_n3A_327, %mul3A_870 : i32
        %add3A_872 = vector.broadcast %mul3A_871 : i32 to vector<16xi32>
        %add3A_873 = arith.addi %add3A_872, %iota3A : vector<16xi32>
        %mul3A_874 = arith.constant 0 : i32
        %mul3A_875 = vector.broadcast %mul3A_874 : i32 to vector<16xi32>
        %mul3A_876 = arith.muli %add3A_868, %mul3A_875 : vector<16xi32>
        %add3A_877 = arith.constant 28 : i32
        %add3A_878 = vector.broadcast %add3A_877 : i32 to vector<16xi32>
        %add3A_879 = arith.addi %mul3A_876, %add3A_878 : vector<16xi32>
        tpu.vector_store_idx %arg9[%add3A_873, %add3A_879], %gather3A_869 : memref<64x128xf32, #tpu.memory_space<vmem>>[vector<16xi32>, vector<16xi32>], vector<16xf32>,
        %mul3A_880 = arith.constant 0 : i32
        %mul3A_881 = vector.broadcast %mul3A_880 : i32 to vector<16xi32>
        %mul3A_882 = arith.muli %iota3A, %mul3A_881 : vector<16xi32>
        %add3A_883 = arith.constant 29 : i32
        %add3A_884 = arith.addi %mul3A_218, %add3A_883 : i32
        %add3A_885 = vector.broadcast %add3A_884 : i32 to vector<16xi32>
        %add3A_886 = arith.addi %mul3A_882, %add3A_885 : vector<16xi32>
        %gather3A_887 = tpu.vector_load_idx %arg7[%add3A_886, %and3A_309] : memref<64x1024xf32, #tpu.memory_space<vmem>>[vector<16xi32>, vector<16xi32>], vector<16xf32>,
        %mul3A_888 = arith.constant 16 : i32
        %mul3A_889 = arith.muli %select_n3A_327, %mul3A_888 : i32
        %add3A_890 = vector.broadcast %mul3A_889 : i32 to vector<16xi32>
        %add3A_891 = arith.addi %add3A_890, %iota3A : vector<16xi32>
        %mul3A_892 = arith.constant 0 : i32
        %mul3A_893 = vector.broadcast %mul3A_892 : i32 to vector<16xi32>
        %mul3A_894 = arith.muli %add3A_886, %mul3A_893 : vector<16xi32>
        %add3A_895 = arith.constant 29 : i32
        %add3A_896 = vector.broadcast %add3A_895 : i32 to vector<16xi32>
        %add3A_897 = arith.addi %mul3A_894, %add3A_896 : vector<16xi32>
        tpu.vector_store_idx %arg9[%add3A_891, %add3A_897], %gather3A_887 : memref<64x128xf32, #tpu.memory_space<vmem>>[vector<16xi32>, vector<16xi32>], vector<16xf32>,
        %mul3A_898 = arith.constant 0 : i32
        %mul3A_899 = vector.broadcast %mul3A_898 : i32 to vector<16xi32>
        %mul3A_900 = arith.muli %iota3A, %mul3A_899 : vector<16xi32>
        %add3A_901 = arith.constant 30 : i32
        %add3A_902 = arith.addi %mul3A_218, %add3A_901 : i32
        %add3A_903 = vector.broadcast %add3A_902 : i32 to vector<16xi32>
        %add3A_904 = arith.addi %mul3A_900, %add3A_903 : vector<16xi32>
        %gather3A_905 = tpu.vector_load_idx %arg7[%add3A_904, %and3A_309] : memref<64x1024xf32, #tpu.memory_space<vmem>>[vector<16xi32>, vector<16xi32>], vector<16xf32>,
        %mul3A_906 = arith.constant 16 : i32
        %mul3A_907 = arith.muli %select_n3A_327, %mul3A_906 : i32
        %add3A_908 = vector.broadcast %mul3A_907 : i32 to vector<16xi32>
        %add3A_909 = arith.addi %add3A_908, %iota3A : vector<16xi32>
        %mul3A_910 = arith.constant 0 : i32
        %mul3A_911 = vector.broadcast %mul3A_910 : i32 to vector<16xi32>
        %mul3A_912 = arith.muli %add3A_904, %mul3A_911 : vector<16xi32>
        %add3A_913 = arith.constant 30 : i32
        %add3A_914 = vector.broadcast %add3A_913 : i32 to vector<16xi32>
        %add3A_915 = arith.addi %mul3A_912, %add3A_914 : vector<16xi32>
        tpu.vector_store_idx %arg9[%add3A_909, %add3A_915], %gather3A_905 : memref<64x128xf32, #tpu.memory_space<vmem>>[vector<16xi32>, vector<16xi32>], vector<16xf32>,
        %mul3A_916 = arith.constant 0 : i32
        %mul3A_917 = vector.broadcast %mul3A_916 : i32 to vector<16xi32>
        %mul3A_918 = arith.muli %iota3A, %mul3A_917 : vector<16xi32>
        %add3A_919 = arith.constant 31 : i32
        %add3A_920 = arith.addi %mul3A_218, %add3A_919 : i32
        %add3A_921 = vector.broadcast %add3A_920 : i32 to vector<16xi32>
        %add3A_922 = arith.addi %mul3A_918, %add3A_921 : vector<16xi32>
        %gather3A_923 = tpu.vector_load_idx %arg7[%add3A_922, %and3A_309] : memref<64x1024xf32, #tpu.memory_space<vmem>>[vector<16xi32>, vector<16xi32>], vector<16xf32>,
        %mul3A_924 = arith.constant 16 : i32
        %mul3A_925 = arith.muli %select_n3A_327, %mul3A_924 : i32
        %add3A_926 = vector.broadcast %mul3A_925 : i32 to vector<16xi32>
        %add3A_927 = arith.addi %add3A_926, %iota3A : vector<16xi32>
        %mul3A_928 = arith.constant 0 : i32
        %mul3A_929 = vector.broadcast %mul3A_928 : i32 to vector<16xi32>
        %mul3A_930 = arith.muli %add3A_922, %mul3A_929 : vector<16xi32>
        %add3A_931 = arith.constant 31 : i32
        %add3A_932 = vector.broadcast %add3A_931 : i32 to vector<16xi32>
        %add3A_933 = arith.addi %mul3A_930, %add3A_932 : vector<16xi32>
        tpu.vector_store_idx %arg9[%add3A_927, %add3A_933], %gather3A_923 : memref<64x128xf32, #tpu.memory_space<vmem>>[vector<16xi32>, vector<16xi32>], vector<16xf32>,
        %eq3A_934 = arith.constant 0 : i32
        %eq3A_935 = arith.cmpi eq, %select_n3A_327, %eq3A_934 : i32
        %convert_element_type3A_936 = arith.extui %eq3A_935 : i1 to i32
        %cond3A_937 = arith.constant 0 : i32
        %cond3A_938 = arith.cmpi ne, %convert_element_type3A_936, %cond3A_937 : i32
        scf.if %cond3A_938 {
          %dma_start3A = arith.constant 0 : i32
          %dma_start3A_956 = arith.constant 0 : i32
          %dma_start3A_957 = tpu.memref_slice %arg9[%dma_start3A, %dma_start3A_956] : memref<64x128xf32, #tpu.memory_space<vmem>> -> memref<16x128xf32, #tpu.memory_space<vmem>>
          %dma_start3A_958 = arith.constant 0 : i32
          %dma_start3A_959 = arith.constant 0 : i32
          %dma_start3A_960 = tpu.memref_slice %arg4[%dma_start3A_958, %dma_start3A_959] : memref<16512x128xf32, #tpu.memory_space<hbm>> -> memref<16512x128xf32, #tpu.memory_space<hbm>>
          tpu.enqueue_indirect_dma source(%dma_start3A_957 : memref<16x128xf32, #tpu.memory_space<vmem>>) target(%dma_start3A_960 : memref<16512x128xf32, #tpu.memory_space<hbm>>) offsets(%shift_right_arithmetic3A_311 : vector<16xi32>) semaphore(%arg12 : memref<!tpu.dma_semaphore, #tpu.memory_space<semaphore_mem>>)
        } else {
        }
        %eq3A_939 = arith.constant 1 : i32
        %eq3A_940 = arith.cmpi eq, %select_n3A_327, %eq3A_939 : i32
        %convert_element_type3A_941 = arith.extui %eq3A_940 : i1 to i32
        %cond3A_942 = arith.constant 0 : i32
        %cond3A_943 = arith.cmpi ne, %convert_element_type3A_941, %cond3A_942 : i32
        scf.if %cond3A_943 {
          %dma_start3A = arith.constant 16 : i32
          %dma_start3A_956 = arith.constant 0 : i32
          %dma_start3A_957 = tpu.memref_slice %arg9[%dma_start3A, %dma_start3A_956] : memref<64x128xf32, #tpu.memory_space<vmem>> -> memref<16x128xf32, #tpu.memory_space<vmem>>
          %dma_start3A_958 = arith.constant 0 : i32
          %dma_start3A_959 = arith.constant 0 : i32
          %dma_start3A_960 = tpu.memref_slice %arg4[%dma_start3A_958, %dma_start3A_959] : memref<16512x128xf32, #tpu.memory_space<hbm>> -> memref<16512x128xf32, #tpu.memory_space<hbm>>
          tpu.enqueue_indirect_dma source(%dma_start3A_957 : memref<16x128xf32, #tpu.memory_space<vmem>>) target(%dma_start3A_960 : memref<16512x128xf32, #tpu.memory_space<hbm>>) offsets(%shift_right_arithmetic3A_311 : vector<16xi32>) semaphore(%arg13 : memref<!tpu.dma_semaphore, #tpu.memory_space<semaphore_mem>>)
        } else {
        }
        %eq3A_944 = arith.constant 2 : i32
        %eq3A_945 = arith.cmpi eq, %select_n3A_327, %eq3A_944 : i32
        %convert_element_type3A_946 = arith.extui %eq3A_945 : i1 to i32
        %cond3A_947 = arith.constant 0 : i32
        %cond3A_948 = arith.cmpi ne, %convert_element_type3A_946, %cond3A_947 : i32
        scf.if %cond3A_948 {
          %dma_start3A = arith.constant 32 : i32
          %dma_start3A_956 = arith.constant 0 : i32
          %dma_start3A_957 = tpu.memref_slice %arg9[%dma_start3A, %dma_start3A_956] : memref<64x128xf32, #tpu.memory_space<vmem>> -> memref<16x128xf32, #tpu.memory_space<vmem>>
          %dma_start3A_958 = arith.constant 0 : i32
          %dma_start3A_959 = arith.constant 0 : i32
          %dma_start3A_960 = tpu.memref_slice %arg4[%dma_start3A_958, %dma_start3A_959] : memref<16512x128xf32, #tpu.memory_space<hbm>> -> memref<16512x128xf32, #tpu.memory_space<hbm>>
          tpu.enqueue_indirect_dma source(%dma_start3A_957 : memref<16x128xf32, #tpu.memory_space<vmem>>) target(%dma_start3A_960 : memref<16512x128xf32, #tpu.memory_space<hbm>>) offsets(%shift_right_arithmetic3A_311 : vector<16xi32>) semaphore(%arg14 : memref<!tpu.dma_semaphore, #tpu.memory_space<semaphore_mem>>)
        } else {
        }
        %eq3A_949 = arith.constant 3 : i32
        %eq3A_950 = arith.cmpi eq, %select_n3A_327, %eq3A_949 : i32
        %convert_element_type3A_951 = arith.extui %eq3A_950 : i1 to i32
        %cond3A_952 = arith.constant 0 : i32
        %cond3A_953 = arith.cmpi ne, %convert_element_type3A_951, %cond3A_952 : i32
        scf.if %cond3A_953 {
          %dma_start3A = arith.constant 48 : i32
          %dma_start3A_956 = arith.constant 0 : i32
          %dma_start3A_957 = tpu.memref_slice %arg9[%dma_start3A, %dma_start3A_956] : memref<64x128xf32, #tpu.memory_space<vmem>> -> memref<16x128xf32, #tpu.memory_space<vmem>>
          %dma_start3A_958 = arith.constant 0 : i32
          %dma_start3A_959 = arith.constant 0 : i32
          %dma_start3A_960 = tpu.memref_slice %arg4[%dma_start3A_958, %dma_start3A_959] : memref<16512x128xf32, #tpu.memory_space<hbm>> -> memref<16512x128xf32, #tpu.memory_space<hbm>>
          tpu.enqueue_indirect_dma source(%dma_start3A_957 : memref<16x128xf32, #tpu.memory_space<vmem>>) target(%dma_start3A_960 : memref<16512x128xf32, #tpu.memory_space<hbm>>) offsets(%shift_right_arithmetic3A_311 : vector<16xi32>) semaphore(%arg15 : memref<!tpu.dma_semaphore, #tpu.memory_space<semaphore_mem>>)
        } else {
        }
        %add3A_954 = arith.constant 1 : i32
        %add3A_955 = arith.addi %while3A_303, %add3A_954 : i32
        scf.yield %add3A_955 : i32
      }
      scf.yield %while3A_301 : i32
    }
    %while3A_62 = arith.constant 1 : i32
    %while3A_63 = scf.for %while3A_90 = %while3A_59 to %while3A_55 step %while3A_62 iter_args(%while3A_91 = %while3A_61) -> (i32)  : i32 {
      %add3A_92 = arith.addi %add3A_4, %while3A_90 : i32
      %add3A_93 = arith.constant 1 : i32
      %add3A_94 = arith.addi %while3A_90, %add3A_93 : i32
      %lt3A_95 = arith.cmpi slt, %add3A_94, %select_n3A : i32
      %convert_element_type3A_96 = arith.extui %lt3A_95 : i1 to i32
      %cond3A_97 = arith.constant 0 : i32
      %cond3A_98 = arith.cmpi ne, %convert_element_type3A_96, %cond3A_97 : i32
      scf.if %cond3A_98 {
        %add3A_302 = arith.constant 1 : i32
        %add3A_303 = arith.addi %while3A_90, %add3A_302 : i32
        %add3A_304 = arith.addi %add3A_4, %add3A_303 : i32
        %mul3A_305 = arith.constant 1024 : i32
        %mul3A_306 = arith.muli %add3A_304, %mul3A_305 : i32
        %eq3A_307 = arith.constant 976 : i32
        %eq3A_308 = arith.cmpi eq, %add3A_304, %eq3A_307 : i32
        %jit3A_309 = arith.constant 2 : i32
        %eq3A_310 = arith.constant 0 : i32
        %eq3A_311 = arith.cmpi eq, %jit3A_309, %eq3A_310 : i32
        %jit3A_312 = arith.constant 1 : i32
        %select_n3A_313 = arith.select %eq3A_311, %jit3A_312, %jit3A_309 : i32
        %rem3A_314 = arith.remsi %add3A_303, %select_n3A_313 : i32
        %ne3A_315 = arith.constant 0 : i32
        %ne3A_316 = arith.cmpi ne, %rem3A_314, %ne3A_315 : i32
        %lt3A_317 = arith.constant 0 : i32
        %lt3A_318 = arith.cmpi slt, %rem3A_314, %lt3A_317 : i32
        %lt3A_319 = arith.constant 0 : i32
        %lt3A_320 = arith.cmpi slt, %select_n3A_313, %lt3A_319 : i32
        %ne3A_321 = arith.xori %lt3A_318, %lt3A_320 : i1
        %and3A_322 = arith.andi %ne3A_321, %ne3A_316 : i1
        %add3A_323 = arith.addi %rem3A_314, %select_n3A_313 : i32
        %select_n3A_324 = arith.select %and3A_322, %add3A_323, %rem3A_314 : i32
        %eq3A_325 = arith.constant 0 : i32
        %eq3A_326 = arith.cmpi eq, %select_n3A_324, %eq3A_325 : i32
        %not3A_327 = arith.constant true
        %not3A_328 = arith.xori %eq3A_308, %not3A_327 : i1
        %and3A_329 = arith.andi %eq3A_326, %not3A_328 : i1
        %convert_element_type3A_330 = arith.extui %and3A_329 : i1 to i32
        %cond3A_331 = arith.constant 0 : i32
        %cond3A_332 = arith.cmpi ne, %convert_element_type3A_330, %cond3A_331 : i32
        scf.if %cond3A_332 {
          %dma_start3A = arith.constant 0 : i32
          %dma_start3A_401 = arith.constant 0 : i32
          %dma_start3A_402 = tpu.memref_slice %arg7[%dma_start3A, %dma_start3A_401] : memref<64x1024xf32, #tpu.memory_space<vmem>> -> memref<32x1024xf32, #tpu.memory_space<vmem>>
          %dma_start3A_403 = arith.constant 0 : i32
          %dma_start3A_404 = tpu.memref_slice %arg3[%dma_start3A_403, %mul3A_306] : memref<32x1000000xf32, #tpu.memory_space<hbm>> -> memref<32x1024xf32, #tpu.memory_space<hbm>>
          %dma_start3A_405 = arith.constant 0 : i32
          %dma_start3A_406 = arith.constant 0 : i32
          %dma_start3A_407 = tpu.memref_slice %arg7[%dma_start3A_405, %dma_start3A_406] : memref<64x1024xf32, #tpu.memory_space<vmem>> -> memref<32x1024xf32, #tpu.memory_space<vmem>>
          %dma_start3A_408 = arith.constant 0 : i32
          %dma_start3A_409 = tpu.memref_slice %arg3[%dma_start3A_408, %mul3A_306] : memref<32x1000000xf32, #tpu.memory_space<hbm>> -> memref<32x1024xf32, #tpu.memory_space<hbm>>
          tpu.enqueue_dma source(%dma_start3A_409 : memref<32x1024xf32, #tpu.memory_space<hbm>>) target(%dma_start3A_407 : memref<32x1024xf32, #tpu.memory_space<vmem>>) target_semaphore(%arg10 : memref<!tpu.dma_semaphore, #tpu.memory_space<semaphore_mem>>)
        } else {
        }
        %jit3A_333 = arith.constant 2 : i32
        %eq3A_334 = arith.constant 0 : i32
        %eq3A_335 = arith.cmpi eq, %jit3A_333, %eq3A_334 : i32
        %jit3A_336 = arith.constant 1 : i32
        %select_n3A_337 = arith.select %eq3A_335, %jit3A_336, %jit3A_333 : i32
        %rem3A_338 = arith.remsi %add3A_303, %select_n3A_337 : i32
        %ne3A_339 = arith.constant 0 : i32
        %ne3A_340 = arith.cmpi ne, %rem3A_338, %ne3A_339 : i32
        %lt3A_341 = arith.constant 0 : i32
        %lt3A_342 = arith.cmpi slt, %rem3A_338, %lt3A_341 : i32
        %lt3A_343 = arith.constant 0 : i32
        %lt3A_344 = arith.cmpi slt, %select_n3A_337, %lt3A_343 : i32
        %ne3A_345 = arith.xori %lt3A_342, %lt3A_344 : i1
        %and3A_346 = arith.andi %ne3A_345, %ne3A_340 : i1
        %add3A_347 = arith.addi %rem3A_338, %select_n3A_337 : i32
        %select_n3A_348 = arith.select %and3A_346, %add3A_347, %rem3A_338 : i32
        %eq3A_349 = arith.constant 0 : i32
        %eq3A_350 = arith.cmpi eq, %select_n3A_348, %eq3A_349 : i32
        %and3A_351 = arith.andi %eq3A_350, %eq3A_308 : i1
        %convert_element_type3A_352 = arith.extui %and3A_351 : i1 to i32
        %cond3A_353 = arith.constant 0 : i32
        %cond3A_354 = arith.cmpi ne, %convert_element_type3A_352, %cond3A_353 : i32
        scf.if %cond3A_354 {
          %dma_start3A = arith.constant 0 : i32
          %dma_start3A_401 = arith.constant 0 : i32
          %dma_start3A_402 = tpu.memref_slice %arg7[%dma_start3A, %dma_start3A_401] : memref<64x1024xf32, #tpu.memory_space<vmem>> -> memref<32x512xf32, #tpu.memory_space<vmem>>
          %dma_start3A_403 = arith.constant 0 : i32
          %dma_start3A_404 = tpu.memref_slice %arg3[%dma_start3A_403, %mul3A_306] : memref<32x1000000xf32, #tpu.memory_space<hbm>> -> memref<32x512xf32, #tpu.memory_space<hbm>>
          %dma_start3A_405 = arith.constant 0 : i32
          %dma_start3A_406 = arith.constant 0 : i32
          %dma_start3A_407 = tpu.memref_slice %arg7[%dma_start3A_405, %dma_start3A_406] : memref<64x1024xf32, #tpu.memory_space<vmem>> -> memref<32x512xf32, #tpu.memory_space<vmem>>
          %dma_start3A_408 = arith.constant 0 : i32
          %dma_start3A_409 = tpu.memref_slice %arg3[%dma_start3A_408, %mul3A_306] : memref<32x1000000xf32, #tpu.memory_space<hbm>> -> memref<32x512xf32, #tpu.memory_space<hbm>>
          tpu.enqueue_dma source(%dma_start3A_409 : memref<32x512xf32, #tpu.memory_space<hbm>>) target(%dma_start3A_407 : memref<32x512xf32, #tpu.memory_space<vmem>>) target_semaphore(%arg10 : memref<!tpu.dma_semaphore, #tpu.memory_space<semaphore_mem>>)
        } else {
        }
        %jit3A_355 = arith.constant 2 : i32
        %eq3A_356 = arith.constant 0 : i32
        %eq3A_357 = arith.cmpi eq, %jit3A_355, %eq3A_356 : i32
        %jit3A_358 = arith.constant 1 : i32
        %select_n3A_359 = arith.select %eq3A_357, %jit3A_358, %jit3A_355 : i32
        %rem3A_360 = arith.remsi %add3A_303, %select_n3A_359 : i32
        %ne3A_361 = arith.constant 0 : i32
        %ne3A_362 = arith.cmpi ne, %rem3A_360, %ne3A_361 : i32
        %lt3A_363 = arith.constant 0 : i32
        %lt3A_364 = arith.cmpi slt, %rem3A_360, %lt3A_363 : i32
        %lt3A_365 = arith.constant 0 : i32
        %lt3A_366 = arith.cmpi slt, %select_n3A_359, %lt3A_365 : i32
        %ne3A_367 = arith.xori %lt3A_364, %lt3A_366 : i1
        %and3A_368 = arith.andi %ne3A_367, %ne3A_362 : i1
        %add3A_369 = arith.addi %rem3A_360, %select_n3A_359 : i32
        %select_n3A_370 = arith.select %and3A_368, %add3A_369, %rem3A_360 : i32
        %eq3A_371 = arith.constant 1 : i32
        %eq3A_372 = arith.cmpi eq, %select_n3A_370, %eq3A_371 : i32
        %not3A_373 = arith.constant true
        %not3A_374 = arith.xori %eq3A_308, %not3A_373 : i1
        %and3A_375 = arith.andi %eq3A_372, %not3A_374 : i1
        %convert_element_type3A_376 = arith.extui %and3A_375 : i1 to i32
        %cond3A_377 = arith.constant 0 : i32
        %cond3A_378 = arith.cmpi ne, %convert_element_type3A_376, %cond3A_377 : i32
        scf.if %cond3A_378 {
          %dma_start3A = arith.constant 32 : i32
          %dma_start3A_401 = arith.constant 0 : i32
          %dma_start3A_402 = tpu.memref_slice %arg7[%dma_start3A, %dma_start3A_401] : memref<64x1024xf32, #tpu.memory_space<vmem>> -> memref<32x1024xf32, #tpu.memory_space<vmem>>
          %dma_start3A_403 = arith.constant 0 : i32
          %dma_start3A_404 = tpu.memref_slice %arg3[%dma_start3A_403, %mul3A_306] : memref<32x1000000xf32, #tpu.memory_space<hbm>> -> memref<32x1024xf32, #tpu.memory_space<hbm>>
          %dma_start3A_405 = arith.constant 32 : i32
          %dma_start3A_406 = arith.constant 0 : i32
          %dma_start3A_407 = tpu.memref_slice %arg7[%dma_start3A_405, %dma_start3A_406] : memref<64x1024xf32, #tpu.memory_space<vmem>> -> memref<32x1024xf32, #tpu.memory_space<vmem>>
          %dma_start3A_408 = arith.constant 0 : i32
          %dma_start3A_409 = tpu.memref_slice %arg3[%dma_start3A_408, %mul3A_306] : memref<32x1000000xf32, #tpu.memory_space<hbm>> -> memref<32x1024xf32, #tpu.memory_space<hbm>>
          tpu.enqueue_dma source(%dma_start3A_409 : memref<32x1024xf32, #tpu.memory_space<hbm>>) target(%dma_start3A_407 : memref<32x1024xf32, #tpu.memory_space<vmem>>) target_semaphore(%arg11 : memref<!tpu.dma_semaphore, #tpu.memory_space<semaphore_mem>>)
        } else {
        }
        %jit3A_379 = arith.constant 2 : i32
        %eq3A_380 = arith.constant 0 : i32
        %eq3A_381 = arith.cmpi eq, %jit3A_379, %eq3A_380 : i32
        %jit3A_382 = arith.constant 1 : i32
        %select_n3A_383 = arith.select %eq3A_381, %jit3A_382, %jit3A_379 : i32
        %rem3A_384 = arith.remsi %add3A_303, %select_n3A_383 : i32
        %ne3A_385 = arith.constant 0 : i32
        %ne3A_386 = arith.cmpi ne, %rem3A_384, %ne3A_385 : i32
        %lt3A_387 = arith.constant 0 : i32
        %lt3A_388 = arith.cmpi slt, %rem3A_384, %lt3A_387 : i32
        %lt3A_389 = arith.constant 0 : i32
        %lt3A_390 = arith.cmpi slt, %select_n3A_383, %lt3A_389 : i32
        %ne3A_391 = arith.xori %lt3A_388, %lt3A_390 : i1
        %and3A_392 = arith.andi %ne3A_391, %ne3A_386 : i1
        %add3A_393 = arith.addi %rem3A_384, %select_n3A_383 : i32
        %select_n3A_394 = arith.select %and3A_392, %add3A_393, %rem3A_384 : i32
        %eq3A_395 = arith.constant 1 : i32
        %eq3A_396 = arith.cmpi eq, %select_n3A_394, %eq3A_395 : i32
        %and3A_397 = arith.andi %eq3A_396, %eq3A_308 : i1
        %convert_element_type3A_398 = arith.extui %and3A_397 : i1 to i32
        %cond3A_399 = arith.constant 0 : i32
        %cond3A_400 = arith.cmpi ne, %convert_element_type3A_398, %cond3A_399 : i32
        scf.if %cond3A_400 {
          %dma_start3A = arith.constant 32 : i32
          %dma_start3A_401 = arith.constant 0 : i32
          %dma_start3A_402 = tpu.memref_slice %arg7[%dma_start3A, %dma_start3A_401] : memref<64x1024xf32, #tpu.memory_space<vmem>> -> memref<32x512xf32, #tpu.memory_space<vmem>>
          %dma_start3A_403 = arith.constant 0 : i32
          %dma_start3A_404 = tpu.memref_slice %arg3[%dma_start3A_403, %mul3A_306] : memref<32x1000000xf32, #tpu.memory_space<hbm>> -> memref<32x512xf32, #tpu.memory_space<hbm>>
          %dma_start3A_405 = arith.constant 32 : i32
          %dma_start3A_406 = arith.constant 0 : i32
          %dma_start3A_407 = tpu.memref_slice %arg7[%dma_start3A_405, %dma_start3A_406] : memref<64x1024xf32, #tpu.memory_space<vmem>> -> memref<32x512xf32, #tpu.memory_space<vmem>>
          %dma_start3A_408 = arith.constant 0 : i32
          %dma_start3A_409 = tpu.memref_slice %arg3[%dma_start3A_408, %mul3A_306] : memref<32x1000000xf32, #tpu.memory_space<hbm>> -> memref<32x512xf32, #tpu.memory_space<hbm>>
          tpu.enqueue_dma source(%dma_start3A_409 : memref<32x512xf32, #tpu.memory_space<hbm>>) target(%dma_start3A_407 : memref<32x512xf32, #tpu.memory_space<vmem>>) target_semaphore(%arg11 : memref<!tpu.dma_semaphore, #tpu.memory_space<semaphore_mem>>)
        } else {
        }
      } else {
      }
      %add3A_99 = arith.addi %add3A_4, %while3A_90 : i32
      %mul3A_100 = arith.constant 1024 : i32
      %mul3A_101 = arith.muli %add3A_99, %mul3A_100 : i32
      %eq3A_102 = arith.constant 976 : i32
      %eq3A_103 = arith.cmpi eq, %add3A_99, %eq3A_102 : i32
      %jit3A_104 = arith.constant 2 : i32
      %eq3A_105 = arith.constant 0 : i32
      %eq3A_106 = arith.cmpi eq, %jit3A_104, %eq3A_105 : i32
      %jit3A_107 = arith.constant 1 : i32
      %select_n3A_108 = arith.select %eq3A_106, %jit3A_107, %jit3A_104 : i32
      %rem3A = arith.remsi %while3A_90, %select_n3A_108 : i32
      %ne3A = arith.constant 0 : i32
      %ne3A_109 = arith.cmpi ne, %rem3A, %ne3A : i32
      %lt3A_110 = arith.constant 0 : i32
      %lt3A_111 = arith.cmpi slt, %rem3A, %lt3A_110 : i32
      %lt3A_112 = arith.constant 0 : i32
      %lt3A_113 = arith.cmpi slt, %select_n3A_108, %lt3A_112 : i32
      %ne3A_114 = arith.xori %lt3A_111, %lt3A_113 : i1
      %and3A_115 = arith.andi %ne3A_114, %ne3A_109 : i1
      %add3A_116 = arith.addi %rem3A, %select_n3A_108 : i32
      %select_n3A_117 = arith.select %and3A_115, %add3A_116, %rem3A : i32
      %eq3A_118 = arith.constant 0 : i32
      %eq3A_119 = arith.cmpi eq, %select_n3A_117, %eq3A_118 : i32
      %not3A_120 = arith.constant true
      %not3A_121 = arith.xori %eq3A_103, %not3A_120 : i1
      %and3A_122 = arith.andi %eq3A_119, %not3A_121 : i1
      %convert_element_type3A_123 = arith.extui %and3A_122 : i1 to i32
      %cond3A_124 = arith.constant 0 : i32
      %cond3A_125 = arith.cmpi ne, %convert_element_type3A_123, %cond3A_124 : i32
      scf.if %cond3A_125 {
        %dma_wait3A = arith.constant 0 : i32
        %dma_wait3A_302 = arith.constant 0 : i32
        %dma_wait3A_303 = tpu.memref_slice %arg7[%dma_wait3A, %dma_wait3A_302] : memref<64x1024xf32, #tpu.memory_space<vmem>> -> memref<32x1024xf32, #tpu.memory_space<vmem>>
        %dma_wait3A_304 = arith.constant 0 : i32
        %dma_wait3A_305 = tpu.memref_slice %arg3[%dma_wait3A_304, %mul3A_101] : memref<32x1000000xf32, #tpu.memory_space<hbm>> -> memref<32x1024xf32, #tpu.memory_space<hbm>>
        %dma_wait3A_306 = arith.constant 0 : i32
        %dma_wait3A_307 = arith.constant 0 : i32
        %dma_wait3A_308 = tpu.memref_slice %arg7[%dma_wait3A_306, %dma_wait3A_307] : memref<64x1024xf32, #tpu.memory_space<vmem>> -> memref<32x1024xf32, #tpu.memory_space<vmem>>
        %dma_wait3A_309 = arith.constant 0 : i32
        %dma_wait3A_310 = tpu.memref_slice %arg3[%dma_wait3A_309, %mul3A_101] : memref<32x1000000xf32, #tpu.memory_space<hbm>> -> memref<32x1024xf32, #tpu.memory_space<hbm>>
        tpu.wait_dma2 semaphore(%arg10 : memref<!tpu.dma_semaphore, #tpu.memory_space<semaphore_mem>>) src(%dma_wait3A_310 : memref<32x1024xf32, #tpu.memory_space<hbm>>) dst(%dma_wait3A_308 : memref<32x1024xf32, #tpu.memory_space<vmem>>)
      } else {
      }
      %jit3A_126 = arith.constant 2 : i32
      %eq3A_127 = arith.constant 0 : i32
      %eq3A_128 = arith.cmpi eq, %jit3A_126, %eq3A_127 : i32
      %jit3A_129 = arith.constant 1 : i32
      %select_n3A_130 = arith.select %eq3A_128, %jit3A_129, %jit3A_126 : i32
      %rem3A_131 = arith.remsi %while3A_90, %select_n3A_130 : i32
      %ne3A_132 = arith.constant 0 : i32
      %ne3A_133 = arith.cmpi ne, %rem3A_131, %ne3A_132 : i32
      %lt3A_134 = arith.constant 0 : i32
      %lt3A_135 = arith.cmpi slt, %rem3A_131, %lt3A_134 : i32
      %lt3A_136 = arith.constant 0 : i32
      %lt3A_137 = arith.cmpi slt, %select_n3A_130, %lt3A_136 : i32
      %ne3A_138 = arith.xori %lt3A_135, %lt3A_137 : i1
      %and3A_139 = arith.andi %ne3A_138, %ne3A_133 : i1
      %add3A_140 = arith.addi %rem3A_131, %select_n3A_130 : i32
      %select_n3A_141 = arith.select %and3A_139, %add3A_140, %rem3A_131 : i32
      %eq3A_142 = arith.constant 0 : i32
      %eq3A_143 = arith.cmpi eq, %select_n3A_141, %eq3A_142 : i32
      %and3A_144 = arith.andi %eq3A_143, %eq3A_103 : i1
      %convert_element_type3A_145 = arith.extui %and3A_144 : i1 to i32
      %cond3A_146 = arith.constant 0 : i32
      %cond3A_147 = arith.cmpi ne, %convert_element_type3A_145, %cond3A_146 : i32
      scf.if %cond3A_147 {
        %dma_wait3A = arith.constant 0 : i32
        %dma_wait3A_302 = arith.constant 0 : i32
        %dma_wait3A_303 = tpu.memref_slice %arg7[%dma_wait3A, %dma_wait3A_302] : memref<64x1024xf32, #tpu.memory_space<vmem>> -> memref<32x512xf32, #tpu.memory_space<vmem>>
        %dma_wait3A_304 = arith.constant 0 : i32
        %dma_wait3A_305 = tpu.memref_slice %arg3[%dma_wait3A_304, %mul3A_101] : memref<32x1000000xf32, #tpu.memory_space<hbm>> -> memref<32x512xf32, #tpu.memory_space<hbm>>
        %dma_wait3A_306 = arith.constant 0 : i32
        %dma_wait3A_307 = arith.constant 0 : i32
        %dma_wait3A_308 = tpu.memref_slice %arg7[%dma_wait3A_306, %dma_wait3A_307] : memref<64x1024xf32, #tpu.memory_space<vmem>> -> memref<32x512xf32, #tpu.memory_space<vmem>>
        %dma_wait3A_309 = arith.constant 0 : i32
        %dma_wait3A_310 = tpu.memref_slice %arg3[%dma_wait3A_309, %mul3A_101] : memref<32x1000000xf32, #tpu.memory_space<hbm>> -> memref<32x512xf32, #tpu.memory_space<hbm>>
        tpu.wait_dma2 semaphore(%arg10 : memref<!tpu.dma_semaphore, #tpu.memory_space<semaphore_mem>>) src(%dma_wait3A_310 : memref<32x512xf32, #tpu.memory_space<hbm>>) dst(%dma_wait3A_308 : memref<32x512xf32, #tpu.memory_space<vmem>>)
      } else {
      }
      %jit3A_148 = arith.constant 2 : i32
      %eq3A_149 = arith.constant 0 : i32
      %eq3A_150 = arith.cmpi eq, %jit3A_148, %eq3A_149 : i32
      %jit3A_151 = arith.constant 1 : i32
      %select_n3A_152 = arith.select %eq3A_150, %jit3A_151, %jit3A_148 : i32
      %rem3A_153 = arith.remsi %while3A_90, %select_n3A_152 : i32
      %ne3A_154 = arith.constant 0 : i32
      %ne3A_155 = arith.cmpi ne, %rem3A_153, %ne3A_154 : i32
      %lt3A_156 = arith.constant 0 : i32
      %lt3A_157 = arith.cmpi slt, %rem3A_153, %lt3A_156 : i32
      %lt3A_158 = arith.constant 0 : i32
      %lt3A_159 = arith.cmpi slt, %select_n3A_152, %lt3A_158 : i32
      %ne3A_160 = arith.xori %lt3A_157, %lt3A_159 : i1
      %and3A_161 = arith.andi %ne3A_160, %ne3A_155 : i1
      %add3A_162 = arith.addi %rem3A_153, %select_n3A_152 : i32
      %select_n3A_163 = arith.select %and3A_161, %add3A_162, %rem3A_153 : i32
      %eq3A_164 = arith.constant 1 : i32
      %eq3A_165 = arith.cmpi eq, %select_n3A_163, %eq3A_164 : i32
      %not3A_166 = arith.constant true
      %not3A_167 = arith.xori %eq3A_103, %not3A_166 : i1
      %and3A_168 = arith.andi %eq3A_165, %not3A_167 : i1
      %convert_element_type3A_169 = arith.extui %and3A_168 : i1 to i32
      %cond3A_170 = arith.constant 0 : i32
      %cond3A_171 = arith.cmpi ne, %convert_element_type3A_169, %cond3A_170 : i32
      scf.if %cond3A_171 {
        %dma_wait3A = arith.constant 32 : i32
        %dma_wait3A_302 = arith.constant 0 : i32
        %dma_wait3A_303 = tpu.memref_slice %arg7[%dma_wait3A, %dma_wait3A_302] : memref<64x1024xf32, #tpu.memory_space<vmem>> -> memref<32x1024xf32, #tpu.memory_space<vmem>>
        %dma_wait3A_304 = arith.constant 0 : i32
        %dma_wait3A_305 = tpu.memref_slice %arg3[%dma_wait3A_304, %mul3A_101] : memref<32x1000000xf32, #tpu.memory_space<hbm>> -> memref<32x1024xf32, #tpu.memory_space<hbm>>
        %dma_wait3A_306 = arith.constant 32 : i32
        %dma_wait3A_307 = arith.constant 0 : i32
        %dma_wait3A_308 = tpu.memref_slice %arg7[%dma_wait3A_306, %dma_wait3A_307] : memref<64x1024xf32, #tpu.memory_space<vmem>> -> memref<32x1024xf32, #tpu.memory_space<vmem>>
        %dma_wait3A_309 = arith.constant 0 : i32
        %dma_wait3A_310 = tpu.memref_slice %arg3[%dma_wait3A_309, %mul3A_101] : memref<32x1000000xf32, #tpu.memory_space<hbm>> -> memref<32x1024xf32, #tpu.memory_space<hbm>>
        tpu.wait_dma2 semaphore(%arg11 : memref<!tpu.dma_semaphore, #tpu.memory_space<semaphore_mem>>) src(%dma_wait3A_310 : memref<32x1024xf32, #tpu.memory_space<hbm>>) dst(%dma_wait3A_308 : memref<32x1024xf32, #tpu.memory_space<vmem>>)
      } else {
      }
      %jit3A_172 = arith.constant 2 : i32
      %eq3A_173 = arith.constant 0 : i32
      %eq3A_174 = arith.cmpi eq, %jit3A_172, %eq3A_173 : i32
      %jit3A_175 = arith.constant 1 : i32
      %select_n3A_176 = arith.select %eq3A_174, %jit3A_175, %jit3A_172 : i32
      %rem3A_177 = arith.remsi %while3A_90, %select_n3A_176 : i32
      %ne3A_178 = arith.constant 0 : i32
      %ne3A_179 = arith.cmpi ne, %rem3A_177, %ne3A_178 : i32
      %lt3A_180 = arith.constant 0 : i32
      %lt3A_181 = arith.cmpi slt, %rem3A_177, %lt3A_180 : i32
      %lt3A_182 = arith.constant 0 : i32
      %lt3A_183 = arith.cmpi slt, %select_n3A_176, %lt3A_182 : i32
      %ne3A_184 = arith.xori %lt3A_181, %lt3A_183 : i1
      %and3A_185 = arith.andi %ne3A_184, %ne3A_179 : i1
      %add3A_186 = arith.addi %rem3A_177, %select_n3A_176 : i32
      %select_n3A_187 = arith.select %and3A_185, %add3A_186, %rem3A_177 : i32
      %eq3A_188 = arith.constant 1 : i32
      %eq3A_189 = arith.cmpi eq, %select_n3A_187, %eq3A_188 : i32
      %and3A_190 = arith.andi %eq3A_189, %eq3A_103 : i1
      %convert_element_type3A_191 = arith.extui %and3A_190 : i1 to i32
      %cond3A_192 = arith.constant 0 : i32
      %cond3A_193 = arith.cmpi ne, %convert_element_type3A_191, %cond3A_192 : i32
      scf.if %cond3A_193 {
        %dma_wait3A = arith.constant 32 : i32
        %dma_wait3A_302 = arith.constant 0 : i32
        %dma_wait3A_303 = tpu.memref_slice %arg7[%dma_wait3A, %dma_wait3A_302] : memref<64x1024xf32, #tpu.memory_space<vmem>> -> memref<32x512xf32, #tpu.memory_space<vmem>>
        %dma_wait3A_304 = arith.constant 0 : i32
        %dma_wait3A_305 = tpu.memref_slice %arg3[%dma_wait3A_304, %mul3A_101] : memref<32x1000000xf32, #tpu.memory_space<hbm>> -> memref<32x512xf32, #tpu.memory_space<hbm>>
        %dma_wait3A_306 = arith.constant 32 : i32
        %dma_wait3A_307 = arith.constant 0 : i32
        %dma_wait3A_308 = tpu.memref_slice %arg7[%dma_wait3A_306, %dma_wait3A_307] : memref<64x1024xf32, #tpu.memory_space<vmem>> -> memref<32x512xf32, #tpu.memory_space<vmem>>
        %dma_wait3A_309 = arith.constant 0 : i32
        %dma_wait3A_310 = tpu.memref_slice %arg3[%dma_wait3A_309, %mul3A_101] : memref<32x1000000xf32, #tpu.memory_space<hbm>> -> memref<32x512xf32, #tpu.memory_space<hbm>>
        tpu.wait_dma2 semaphore(%arg11 : memref<!tpu.dma_semaphore, #tpu.memory_space<semaphore_mem>>) src(%dma_wait3A_310 : memref<32x512xf32, #tpu.memory_space<hbm>>) dst(%dma_wait3A_308 : memref<32x512xf32, #tpu.memory_space<vmem>>)
      } else {
      }
      %mul3A_194 = arith.constant 1024 : i32
      %mul3A_195 = arith.muli %add3A_92, %mul3A_194 : i32
      %eq3A_196 = arith.constant 976 : i32
      %eq3A_197 = arith.cmpi eq, %add3A_92, %eq3A_196 : i32
      %jit3A_198 = arith.constant 512 : i32
      %jit3A_199 = arith.constant 1024 : i32
      %select_n3A_200 = arith.select %eq3A_197, %jit3A_198, %jit3A_199 : i32
      %sub3A = arith.subi %mul3A_195, %mul3A_8 : i32
      %jit3A_201 = arith.constant 2 : i32
      %eq3A_202 = arith.constant 0 : i32
      %eq3A_203 = arith.cmpi eq, %jit3A_201, %eq3A_202 : i32
      %jit3A_204 = arith.constant 1 : i32
      %select_n3A_205 = arith.select %eq3A_203, %jit3A_204, %jit3A_201 : i32
      %rem3A_206 = arith.remsi %while3A_90, %select_n3A_205 : i32
      %ne3A_207 = arith.constant 0 : i32
      %ne3A_208 = arith.cmpi ne, %rem3A_206, %ne3A_207 : i32
      %lt3A_209 = arith.constant 0 : i32
      %lt3A_210 = arith.cmpi slt, %rem3A_206, %lt3A_209 : i32
      %lt3A_211 = arith.constant 0 : i32
      %lt3A_212 = arith.cmpi slt, %select_n3A_205, %lt3A_211 : i32
      %ne3A_213 = arith.xori %lt3A_210, %lt3A_212 : i1
      %and3A_214 = arith.andi %ne3A_213, %ne3A_208 : i1
      %add3A_215 = arith.addi %rem3A_206, %select_n3A_205 : i32
      %select_n3A_216 = arith.select %and3A_214, %add3A_215, %rem3A_206 : i32
      %mul3A_217 = arith.constant 32 : i32
      %mul3A_218 = arith.muli %select_n3A_216, %mul3A_217 : i32
      %add3A_219 = arith.constant 15 : i32
      %add3A_220 = arith.addi %scan3A_43, %add3A_219 : i32
      %jit3A_221 = arith.constant 16 : i32
      %div3A = arith.divsi %add3A_220, %jit3A_221 : i32
      %sign3A = arith.constant 0 : i32
      %sign3A_222 = arith.cmpi sgt, %add3A_220, %sign3A : i32
      %sign3A_223 = arith.extui %sign3A_222 : i1 to i32
      %sign3A_224 = arith.constant 0 : i32
      %sign3A_225 = arith.cmpi slt, %add3A_220, %sign3A_224 : i32
      %sign3A_226 = arith.extui %sign3A_225 : i1 to i32
      %sign3A_227 = arith.subi %sign3A_223, %sign3A_226 : i32
      %sign3A_228 = arith.constant 0 : i32
      %sign3A_229 = arith.cmpi sgt, %jit3A_221, %sign3A_228 : i32
      %sign3A_230 = arith.extui %sign3A_229 : i1 to i32
      %sign3A_231 = arith.constant 0 : i32
      %sign3A_232 = arith.cmpi slt, %jit3A_221, %sign3A_231 : i32
      %sign3A_233 = arith.extui %sign3A_232 : i1 to i32
      %sign3A_234 = arith.subi %sign3A_230, %sign3A_233 : i32
      %ne3A_235 = arith.cmpi ne, %sign3A_227, %sign3A_234 : i32
      %rem3A_236 = arith.remsi %add3A_220, %jit3A_221 : i32
      %ne3A_237 = arith.constant 0 : i32
      %ne3A_238 = arith.cmpi ne, %rem3A_236, %ne3A_237 : i32
      %and3A_239 = arith.andi %ne3A_235, %ne3A_238 : i1
      %sub3A_240 = arith.constant 1 : i32
      %sub3A_241 = arith.subi %div3A, %sub3A_240 : i32
      %select_n3A_242 = arith.select %and3A_239, %sub3A_241, %div3A : i32
      %while3A_243 = arith.constant 0 : i32
      %while3A_244 = arith.constant 0 : i32
      %while3A_245 = arith.subi %select_n3A_242, %while3A_243 : i32
      %while3A_246 = arith.addi %while3A_243, %while3A_245 : i32
      %while3A_247 = arith.constant 1 : i32
      %while3A_248 = arith.divsi %while3A_245, %while3A_247 : i32
      %while3A_249 = arith.muli %while3A_248, %while3A_247 : i32
      %while3A_250 = arith.addi %while3A_243, %while3A_249 : i32
      %while3A_251 = arith.constant 1 : i32
      %while3A_252 = scf.for %while3A_302 = %while3A_243 to %while3A_250 step %while3A_251 iter_args(%while3A_303 = %while3A_244) -> (i32)  : i32 {
        %mul3A_304 = arith.constant 16 : i32
        %mul3A_305 = arith.muli %while3A_302, %mul3A_304 : i32
        %get3A = arith.index_cast %mul3A_305 : i32 to index
        %get3A_306 = tpu.vector_load %arg6[%get3A] {strides = array<i32>} : memref<16512xi32, #tpu.memory_space<vmem>>, vector<16xi32>,
        %and3A_307 = arith.constant 32767 : i32
        %and3A_308 = vector.broadcast %and3A_307 : i32 to vector<16xi32>
        %and3A_309 = arith.andi %get3A_306, %and3A_308 : vector<16xi32>
        %ge3A = vector.broadcast %sub3A : i32 to vector<16xi32>
        %ge3A_310 = arith.cmpi sge, %and3A_309, %ge3A : vector<16xi32>
        %add3A_311 = arith.addi %sub3A, %select_n3A_200 : i32
        %lt3A_312 = vector.broadcast %add3A_311 : i32 to vector<16xi32>
        %lt3A_313 = arith.cmpi slt, %and3A_309, %lt3A_312 : vector<16xi32>
        %and3A_314 = arith.andi %ge3A_310, %lt3A_313 : vector<16xi1>
        %shift_right_arithmetic3A = arith.constant 15 : i32
        %shift_right_arithmetic3A_315 = vector.broadcast %shift_right_arithmetic3A : i32 to vector<16xi32>
        %shift_right_arithmetic3A_316 = arith.shrsi %get3A_306, %shift_right_arithmetic3A_315 : vector<16xi32>
        %shift_left3A_317 = arith.constant 10 : i32
        %shift_left3A_318 = vector.broadcast %shift_left3A_317 : i32 to vector<16xi32>
        %shift_left3A_319 = arith.shli %shift_right_arithmetic3A_316, %shift_left3A_318 : vector<16xi32>
        %sub3A_320 = vector.broadcast %sub3A : i32 to vector<16xi32>
        %sub3A_321 = arith.subi %and3A_309, %sub3A_320 : vector<16xi32>
        %or3A = arith.ori %shift_left3A_319, %sub3A_321 : vector<16xi32>
        %jit3A_322 = arith.constant 9999 : i32
        %broadcast_in_dim3A = vector.broadcast %jit3A_322 : i32 to vector<16xi32>
        %select_n3A_323 = arith.select %and3A_314, %iota3A, %broadcast_in_dim3A : vector<16xi1>, vector<16xi32>
        %masked_sort3A = arith.constant dense<true> : vector<16xi1>
        %masked_sort3A_324 = arith.constant -2147483648 : i32
        %masked_sort3A_325 = vector.broadcast %masked_sort3A_324 : i32 to vector<16xi32>
        %masked_sort3A_326 = arith.xori %select_n3A_323, %masked_sort3A_325 : vector<16xi32>
        %masked_sort3A_327, %masked_sort3A_328, %masked_sort3A_329 = tpu.sort %masked_sort3A_326, %or3A masked %masked_sort3A : (vector<16xi32>, vector<16xi32>, vector<16xi1>) -> (vector<16xi1>, vector<16xi32>, vector<16xi32>)
        %masked_sort3A_330 = arith.xori %masked_sort3A_328, %masked_sort3A_325 : vector<16xi32>
        %add3A_331 = vector.broadcast %while3A_303 : i32 to vector<16xi32>
        %add3A_332 = arith.addi %add3A_331, %iota3A : vector<16xi32>
        tpu.vector_store_idx %arg8[%add3A_332], %masked_sort3A_329 : memref<16512xi32, #tpu.memory_space<vmem>>[vector<16xi32>], vector<16xi32>,
        %all_reduce_population_count3A = tpu.all_reduce %and3A_314 {dim = 0 : i64, kind = #tpu.reduction_kind<sum>} : vector<16xi1> -> vector<16xi32>
        %slice3A = vector.extract_strided_slice %all_reduce_population_count3A {offsets = [0], sizes = [1], strides = [1]} : vector<16xi32> to vector<1xi32>
        %squeeze3A = vector.extract %slice3A[0] : i32 from vector<1xi32>
        %add3A_333 = arith.addi %while3A_303, %squeeze3A : i32
        scf.yield %add3A_333 : i32
      }
      %while3A_253 = arith.constant 1 : i32
      %while3A_254 = scf.for %while3A_302 = %while3A_250 to %while3A_246 step %while3A_253 iter_args(%while3A_303 = %while3A_252) -> (i32)  : i32 {
        %mul3A_304 = arith.constant 16 : i32
        %mul3A_305 = arith.muli %while3A_302, %mul3A_304 : i32
        %get3A = arith.index_cast %mul3A_305 : i32 to index
        %get3A_306 = tpu.vector_load %arg6[%get3A] {strides = array<i32>} : memref<16512xi32, #tpu.memory_space<vmem>>, vector<16xi32>,
        %and3A_307 = arith.constant 32767 : i32
        %and3A_308 = vector.broadcast %and3A_307 : i32 to vector<16xi32>
        %and3A_309 = arith.andi %get3A_306, %and3A_308 : vector<16xi32>
        %ge3A = vector.broadcast %sub3A : i32 to vector<16xi32>
        %ge3A_310 = arith.cmpi sge, %and3A_309, %ge3A : vector<16xi32>
        %add3A_311 = arith.addi %sub3A, %select_n3A_200 : i32
        %lt3A_312 = vector.broadcast %add3A_311 : i32 to vector<16xi32>
        %lt3A_313 = arith.cmpi slt, %and3A_309, %lt3A_312 : vector<16xi32>
        %and3A_314 = arith.andi %ge3A_310, %lt3A_313 : vector<16xi1>
        %shift_right_arithmetic3A = arith.constant 15 : i32
        %shift_right_arithmetic3A_315 = vector.broadcast %shift_right_arithmetic3A : i32 to vector<16xi32>
        %shift_right_arithmetic3A_316 = arith.shrsi %get3A_306, %shift_right_arithmetic3A_315 : vector<16xi32>
        %shift_left3A_317 = arith.constant 10 : i32
        %shift_left3A_318 = vector.broadcast %shift_left3A_317 : i32 to vector<16xi32>
        %shift_left3A_319 = arith.shli %shift_right_arithmetic3A_316, %shift_left3A_318 : vector<16xi32>
        %sub3A_320 = vector.broadcast %sub3A : i32 to vector<16xi32>
        %sub3A_321 = arith.subi %and3A_309, %sub3A_320 : vector<16xi32>
        %or3A = arith.ori %shift_left3A_319, %sub3A_321 : vector<16xi32>
        %jit3A_322 = arith.constant 9999 : i32
        %broadcast_in_dim3A = vector.broadcast %jit3A_322 : i32 to vector<16xi32>
        %select_n3A_323 = arith.select %and3A_314, %iota3A, %broadcast_in_dim3A : vector<16xi1>, vector<16xi32>
        %masked_sort3A = arith.constant dense<true> : vector<16xi1>
        %masked_sort3A_324 = arith.constant -2147483648 : i32
        %masked_sort3A_325 = vector.broadcast %masked_sort3A_324 : i32 to vector<16xi32>
        %masked_sort3A_326 = arith.xori %select_n3A_323, %masked_sort3A_325 : vector<16xi32>
        %masked_sort3A_327, %masked_sort3A_328, %masked_sort3A_329 = tpu.sort %masked_sort3A_326, %or3A masked %masked_sort3A : (vector<16xi32>, vector<16xi32>, vector<16xi1>) -> (vector<16xi1>, vector<16xi32>, vector<16xi32>)
        %masked_sort3A_330 = arith.xori %masked_sort3A_328, %masked_sort3A_325 : vector<16xi32>
        %add3A_331 = vector.broadcast %while3A_303 : i32 to vector<16xi32>
        %add3A_332 = arith.addi %add3A_331, %iota3A : vector<16xi32>
        tpu.vector_store_idx %arg8[%add3A_332], %masked_sort3A_329 : memref<16512xi32, #tpu.memory_space<vmem>>[vector<16xi32>], vector<16xi32>,
        %all_reduce_population_count3A = tpu.all_reduce %and3A_314 {dim = 0 : i64, kind = #tpu.reduction_kind<sum>} : vector<16xi1> -> vector<16xi32>
        %slice3A = vector.extract_strided_slice %all_reduce_population_count3A {offsets = [0], sizes = [1], strides = [1]} : vector<16xi32> to vector<1xi32>
        %squeeze3A = vector.extract %slice3A[0] : i32 from vector<1xi32>
        %add3A_333 = arith.addi %while3A_303, %squeeze3A : i32
        scf.yield %add3A_333 : i32
      }
      %add3A_255 = vector.broadcast %while3A_254 : i32 to vector<16xi32>
      %add3A_256 = arith.addi %add3A_255, %iota3A : vector<16xi32>
      %mul3A_257 = arith.constant 0 : i32
      %mul3A_258 = vector.broadcast %mul3A_257 : i32 to vector<16xi32>
      %mul3A_259 = arith.muli %iota3A, %mul3A_258 : vector<16xi32>
      %add3A_260 = arith.constant 16384 : i32
      %add3A_261 = arith.addi %add3A_260, %add3A : i32
      %shift_left3A = arith.constant 10 : i32
      %shift_left3A_262 = arith.shli %add3A_261, %shift_left3A : i32
      %add3A_263 = vector.broadcast %shift_left3A_262 : i32 to vector<16xi32>
      %add3A_264 = arith.addi %mul3A_259, %add3A_263 : vector<16xi32>
      tpu.vector_store_idx %arg8[%add3A_256], %add3A_264 : memref<16512xi32, #tpu.memory_space<vmem>>[vector<16xi32>], vector<16xi32>,
      %add3A_265 = arith.constant 15 : i32
      %add3A_266 = arith.addi %while3A_254, %add3A_265 : i32
      %jit3A_267 = arith.constant 16 : i32
      %div3A_268 = arith.divsi %add3A_266, %jit3A_267 : i32
      %sign3A_269 = arith.constant 0 : i32
      %sign3A_270 = arith.cmpi sgt, %add3A_266, %sign3A_269 : i32
      %sign3A_271 = arith.extui %sign3A_270 : i1 to i32
      %sign3A_272 = arith.constant 0 : i32
      %sign3A_273 = arith.cmpi slt, %add3A_266, %sign3A_272 : i32
      %sign3A_274 = arith.extui %sign3A_273 : i1 to i32
      %sign3A_275 = arith.subi %sign3A_271, %sign3A_274 : i32
      %sign3A_276 = arith.constant 0 : i32
      %sign3A_277 = arith.cmpi sgt, %jit3A_267, %sign3A_276 : i32
      %sign3A_278 = arith.extui %sign3A_277 : i1 to i32
      %sign3A_279 = arith.constant 0 : i32
      %sign3A_280 = arith.cmpi slt, %jit3A_267, %sign3A_279 : i32
      %sign3A_281 = arith.extui %sign3A_280 : i1 to i32
      %sign3A_282 = arith.subi %sign3A_278, %sign3A_281 : i32
      %ne3A_283 = arith.cmpi ne, %sign3A_275, %sign3A_282 : i32
      %rem3A_284 = arith.remsi %add3A_266, %jit3A_267 : i32
      %ne3A_285 = arith.constant 0 : i32
      %ne3A_286 = arith.cmpi ne, %rem3A_284, %ne3A_285 : i32
      %and3A_287 = arith.andi %ne3A_283, %ne3A_286 : i1
      %sub3A_288 = arith.constant 1 : i32
      %sub3A_289 = arith.subi %div3A_268, %sub3A_288 : i32
      %select_n3A_290 = arith.select %and3A_287, %sub3A_289, %div3A_268 : i32
      %while3A_291 = arith.constant 0 : i32
      %while3A_292 = arith.subi %select_n3A_290, %while3A_291 : i32
      %while3A_293 = arith.addi %while3A_291, %while3A_292 : i32
      %while3A_294 = arith.constant 1 : i32
      %while3A_295 = arith.divsi %while3A_292, %while3A_294 : i32
      %while3A_296 = arith.muli %while3A_295, %while3A_294 : i32
      %while3A_297 = arith.addi %while3A_291, %while3A_296 : i32
      %while3A_298 = arith.constant 1 : i32
      %while3A_299 = scf.for %while3A_302 = %while3A_291 to %while3A_297 step %while3A_298 iter_args(%while3A_303 = %while3A_91) -> (i32)  : i32 {
        %mul3A_304 = arith.constant 16 : i32
        %mul3A_305 = arith.muli %while3A_302, %mul3A_304 : i32
        %get3A = arith.index_cast %mul3A_305 : i32 to index
        %get3A_306 = tpu.vector_load %arg8[%get3A] {strides = array<i32>} : memref<16512xi32, #tpu.memory_space<vmem>>, vector<16xi32>,
        %and3A_307 = arith.constant 1023 : i32
        %and3A_308 = vector.broadcast %and3A_307 : i32 to vector<16xi32>
        %and3A_309 = arith.andi %get3A_306, %and3A_308 : vector<16xi32>
        %shift_right_arithmetic3A = arith.constant 10 : i32
        %shift_right_arithmetic3A_310 = vector.broadcast %shift_right_arithmetic3A : i32 to vector<16xi32>
        %shift_right_arithmetic3A_311 = arith.shrsi %get3A_306, %shift_right_arithmetic3A_310 : vector<16xi32>
        %jit3A_312 = arith.constant 4 : i32
        %eq3A_313 = arith.constant 0 : i32
        %eq3A_314 = arith.cmpi eq, %jit3A_312, %eq3A_313 : i32
        %jit3A_315 = arith.constant 1 : i32
        %select_n3A_316 = arith.select %eq3A_314, %jit3A_315, %jit3A_312 : i32
        %rem3A_317 = arith.remsi %while3A_303, %select_n3A_316 : i32
        %ne3A_318 = arith.constant 0 : i32
        %ne3A_319 = arith.cmpi ne, %rem3A_317, %ne3A_318 : i32
        %lt3A_320 = arith.constant 0 : i32
        %lt3A_321 = arith.cmpi slt, %rem3A_317, %lt3A_320 : i32
        %lt3A_322 = arith.constant 0 : i32
        %lt3A_323 = arith.cmpi slt, %select_n3A_316, %lt3A_322 : i32
        %ne3A_324 = arith.xori %lt3A_321, %lt3A_323 : i1
        %and3A_325 = arith.andi %ne3A_324, %ne3A_319 : i1
        %add3A_326 = arith.addi %rem3A_317, %select_n3A_316 : i32
        %select_n3A_327 = arith.select %and3A_325, %add3A_326, %rem3A_317 : i32
        %eq3A_328 = arith.constant 0 : i32
        %eq3A_329 = arith.cmpi eq, %select_n3A_327, %eq3A_328 : i32
        %ge3A = arith.constant 4 : i32
        %ge3A_330 = arith.cmpi sge, %while3A_303, %ge3A : i32
        %and3A_331 = arith.andi %eq3A_329, %ge3A_330 : i1
        %convert_element_type3A_332 = arith.extui %and3A_331 : i1 to i32
        %cond3A_333 = arith.constant 0 : i32
        %cond3A_334 = arith.cmpi ne, %convert_element_type3A_332, %cond3A_333 : i32
        scf.if %cond3A_334 {
          %dma_wait3A = arith.constant 0 : i32
          %dma_wait3A_956 = arith.constant 0 : i32
          %dma_wait3A_957 = tpu.memref_slice %arg9[%dma_wait3A, %dma_wait3A_956] : memref<64x128xf32, #tpu.memory_space<vmem>> -> memref<16x128xf32, #tpu.memory_space<vmem>>
          %dma_wait3A_958 = arith.constant 0 : i32
          %dma_wait3A_959 = arith.constant 0 : i32
          %dma_wait3A_960 = tpu.memref_slice %arg4[%dma_wait3A_958, %dma_wait3A_959] : memref<16512x128xf32, #tpu.memory_space<hbm>> -> memref<16512x128xf32, #tpu.memory_space<hbm>>
          tpu.wait_indirect_dma semaphore(%arg12 : memref<!tpu.dma_semaphore, #tpu.memory_space<semaphore_mem>>) src(%dma_wait3A_957 : memref<16x128xf32, #tpu.memory_space<vmem>>) dst(%dma_wait3A_960 : memref<16512x128xf32, #tpu.memory_space<hbm>>)
        } else {
        }
        %eq3A_335 = arith.constant 1 : i32
        %eq3A_336 = arith.cmpi eq, %select_n3A_327, %eq3A_335 : i32
        %ge3A_337 = arith.constant 4 : i32
        %ge3A_338 = arith.cmpi sge, %while3A_303, %ge3A_337 : i32
        %and3A_339 = arith.andi %eq3A_336, %ge3A_338 : i1
        %convert_element_type3A_340 = arith.extui %and3A_339 : i1 to i32
        %cond3A_341 = arith.constant 0 : i32
        %cond3A_342 = arith.cmpi ne, %convert_element_type3A_340, %cond3A_341 : i32
        scf.if %cond3A_342 {
          %dma_wait3A = arith.constant 16 : i32
          %dma_wait3A_956 = arith.constant 0 : i32
          %dma_wait3A_957 = tpu.memref_slice %arg9[%dma_wait3A, %dma_wait3A_956] : memref<64x128xf32, #tpu.memory_space<vmem>> -> memref<16x128xf32, #tpu.memory_space<vmem>>
          %dma_wait3A_958 = arith.constant 0 : i32
          %dma_wait3A_959 = arith.constant 0 : i32
          %dma_wait3A_960 = tpu.memref_slice %arg4[%dma_wait3A_958, %dma_wait3A_959] : memref<16512x128xf32, #tpu.memory_space<hbm>> -> memref<16512x128xf32, #tpu.memory_space<hbm>>
          tpu.wait_indirect_dma semaphore(%arg13 : memref<!tpu.dma_semaphore, #tpu.memory_space<semaphore_mem>>) src(%dma_wait3A_957 : memref<16x128xf32, #tpu.memory_space<vmem>>) dst(%dma_wait3A_960 : memref<16512x128xf32, #tpu.memory_space<hbm>>)
        } else {
        }
        %eq3A_343 = arith.constant 2 : i32
        %eq3A_344 = arith.cmpi eq, %select_n3A_327, %eq3A_343 : i32
        %ge3A_345 = arith.constant 4 : i32
        %ge3A_346 = arith.cmpi sge, %while3A_303, %ge3A_345 : i32
        %and3A_347 = arith.andi %eq3A_344, %ge3A_346 : i1
        %convert_element_type3A_348 = arith.extui %and3A_347 : i1 to i32
        %cond3A_349 = arith.constant 0 : i32
        %cond3A_350 = arith.cmpi ne, %convert_element_type3A_348, %cond3A_349 : i32
        scf.if %cond3A_350 {
          %dma_wait3A = arith.constant 32 : i32
          %dma_wait3A_956 = arith.constant 0 : i32
          %dma_wait3A_957 = tpu.memref_slice %arg9[%dma_wait3A, %dma_wait3A_956] : memref<64x128xf32, #tpu.memory_space<vmem>> -> memref<16x128xf32, #tpu.memory_space<vmem>>
          %dma_wait3A_958 = arith.constant 0 : i32
          %dma_wait3A_959 = arith.constant 0 : i32
          %dma_wait3A_960 = tpu.memref_slice %arg4[%dma_wait3A_958, %dma_wait3A_959] : memref<16512x128xf32, #tpu.memory_space<hbm>> -> memref<16512x128xf32, #tpu.memory_space<hbm>>
          tpu.wait_indirect_dma semaphore(%arg14 : memref<!tpu.dma_semaphore, #tpu.memory_space<semaphore_mem>>) src(%dma_wait3A_957 : memref<16x128xf32, #tpu.memory_space<vmem>>) dst(%dma_wait3A_960 : memref<16512x128xf32, #tpu.memory_space<hbm>>)
        } else {
        }
        %eq3A_351 = arith.constant 3 : i32
        %eq3A_352 = arith.cmpi eq, %select_n3A_327, %eq3A_351 : i32
        %ge3A_353 = arith.constant 4 : i32
        %ge3A_354 = arith.cmpi sge, %while3A_303, %ge3A_353 : i32
        %and3A_355 = arith.andi %eq3A_352, %ge3A_354 : i1
        %convert_element_type3A_356 = arith.extui %and3A_355 : i1 to i32
        %cond3A_357 = arith.constant 0 : i32
        %cond3A_358 = arith.cmpi ne, %convert_element_type3A_356, %cond3A_357 : i32
        scf.if %cond3A_358 {
          %dma_wait3A = arith.constant 48 : i32
          %dma_wait3A_956 = arith.constant 0 : i32
          %dma_wait3A_957 = tpu.memref_slice %arg9[%dma_wait3A, %dma_wait3A_956] : memref<64x128xf32, #tpu.memory_space<vmem>> -> memref<16x128xf32, #tpu.memory_space<vmem>>
          %dma_wait3A_958 = arith.constant 0 : i32
          %dma_wait3A_959 = arith.constant 0 : i32
          %dma_wait3A_960 = tpu.memref_slice %arg4[%dma_wait3A_958, %dma_wait3A_959] : memref<16512x128xf32, #tpu.memory_space<hbm>> -> memref<16512x128xf32, #tpu.memory_space<hbm>>
          tpu.wait_indirect_dma semaphore(%arg15 : memref<!tpu.dma_semaphore, #tpu.memory_space<semaphore_mem>>) src(%dma_wait3A_957 : memref<16x128xf32, #tpu.memory_space<vmem>>) dst(%dma_wait3A_960 : memref<16512x128xf32, #tpu.memory_space<hbm>>)
        } else {
        }
        %mul3A_359 = arith.constant 0 : i32
        %mul3A_360 = vector.broadcast %mul3A_359 : i32 to vector<16xi32>
        %mul3A_361 = arith.muli %iota3A, %mul3A_360 : vector<16xi32>
        %add3A_362 = arith.constant 0 : i32
        %add3A_363 = arith.addi %mul3A_218, %add3A_362 : i32
        %add3A_364 = vector.broadcast %add3A_363 : i32 to vector<16xi32>
        %add3A_365 = arith.addi %mul3A_361, %add3A_364 : vector<16xi32>
        %gather3A = tpu.vector_load_idx %arg7[%add3A_365, %and3A_309] : memref<64x1024xf32, #tpu.memory_space<vmem>>[vector<16xi32>, vector<16xi32>], vector<16xf32>,
        %mul3A_366 = arith.constant 16 : i32
        %mul3A_367 = arith.muli %select_n3A_327, %mul3A_366 : i32
        %add3A_368 = vector.broadcast %mul3A_367 : i32 to vector<16xi32>
        %add3A_369 = arith.addi %add3A_368, %iota3A : vector<16xi32>
        %mul3A_370 = arith.constant 0 : i32
        %mul3A_371 = vector.broadcast %mul3A_370 : i32 to vector<16xi32>
        %mul3A_372 = arith.muli %add3A_365, %mul3A_371 : vector<16xi32>
        %add3A_373 = arith.constant 0 : i32
        %add3A_374 = vector.broadcast %add3A_373 : i32 to vector<16xi32>
        %add3A_375 = arith.addi %mul3A_372, %add3A_374 : vector<16xi32>
        tpu.vector_store_idx %arg9[%add3A_369, %add3A_375], %gather3A : memref<64x128xf32, #tpu.memory_space<vmem>>[vector<16xi32>, vector<16xi32>], vector<16xf32>,
        %mul3A_376 = arith.constant 0 : i32
        %mul3A_377 = vector.broadcast %mul3A_376 : i32 to vector<16xi32>
        %mul3A_378 = arith.muli %iota3A, %mul3A_377 : vector<16xi32>
        %add3A_379 = arith.constant 1 : i32
        %add3A_380 = arith.addi %mul3A_218, %add3A_379 : i32
        %add3A_381 = vector.broadcast %add3A_380 : i32 to vector<16xi32>
        %add3A_382 = arith.addi %mul3A_378, %add3A_381 : vector<16xi32>
        %gather3A_383 = tpu.vector_load_idx %arg7[%add3A_382, %and3A_309] : memref<64x1024xf32, #tpu.memory_space<vmem>>[vector<16xi32>, vector<16xi32>], vector<16xf32>,
        %mul3A_384 = arith.constant 16 : i32
        %mul3A_385 = arith.muli %select_n3A_327, %mul3A_384 : i32
        %add3A_386 = vector.broadcast %mul3A_385 : i32 to vector<16xi32>
        %add3A_387 = arith.addi %add3A_386, %iota3A : vector<16xi32>
        %mul3A_388 = arith.constant 0 : i32
        %mul3A_389 = vector.broadcast %mul3A_388 : i32 to vector<16xi32>
        %mul3A_390 = arith.muli %add3A_382, %mul3A_389 : vector<16xi32>
        %add3A_391 = arith.constant 1 : i32
        %add3A_392 = vector.broadcast %add3A_391 : i32 to vector<16xi32>
        %add3A_393 = arith.addi %mul3A_390, %add3A_392 : vector<16xi32>
        tpu.vector_store_idx %arg9[%add3A_387, %add3A_393], %gather3A_383 : memref<64x128xf32, #tpu.memory_space<vmem>>[vector<16xi32>, vector<16xi32>], vector<16xf32>,
        %mul3A_394 = arith.constant 0 : i32
        %mul3A_395 = vector.broadcast %mul3A_394 : i32 to vector<16xi32>
        %mul3A_396 = arith.muli %iota3A, %mul3A_395 : vector<16xi32>
        %add3A_397 = arith.constant 2 : i32
        %add3A_398 = arith.addi %mul3A_218, %add3A_397 : i32
        %add3A_399 = vector.broadcast %add3A_398 : i32 to vector<16xi32>
        %add3A_400 = arith.addi %mul3A_396, %add3A_399 : vector<16xi32>
        %gather3A_401 = tpu.vector_load_idx %arg7[%add3A_400, %and3A_309] : memref<64x1024xf32, #tpu.memory_space<vmem>>[vector<16xi32>, vector<16xi32>], vector<16xf32>,
        %mul3A_402 = arith.constant 16 : i32
        %mul3A_403 = arith.muli %select_n3A_327, %mul3A_402 : i32
        %add3A_404 = vector.broadcast %mul3A_403 : i32 to vector<16xi32>
        %add3A_405 = arith.addi %add3A_404, %iota3A : vector<16xi32>
        %mul3A_406 = arith.constant 0 : i32
        %mul3A_407 = vector.broadcast %mul3A_406 : i32 to vector<16xi32>
        %mul3A_408 = arith.muli %add3A_400, %mul3A_407 : vector<16xi32>
        %add3A_409 = arith.constant 2 : i32
        %add3A_410 = vector.broadcast %add3A_409 : i32 to vector<16xi32>
        %add3A_411 = arith.addi %mul3A_408, %add3A_410 : vector<16xi32>
        tpu.vector_store_idx %arg9[%add3A_405, %add3A_411], %gather3A_401 : memref<64x128xf32, #tpu.memory_space<vmem>>[vector<16xi32>, vector<16xi32>], vector<16xf32>,
        %mul3A_412 = arith.constant 0 : i32
        %mul3A_413 = vector.broadcast %mul3A_412 : i32 to vector<16xi32>
        %mul3A_414 = arith.muli %iota3A, %mul3A_413 : vector<16xi32>
        %add3A_415 = arith.constant 3 : i32
        %add3A_416 = arith.addi %mul3A_218, %add3A_415 : i32
        %add3A_417 = vector.broadcast %add3A_416 : i32 to vector<16xi32>
        %add3A_418 = arith.addi %mul3A_414, %add3A_417 : vector<16xi32>
        %gather3A_419 = tpu.vector_load_idx %arg7[%add3A_418, %and3A_309] : memref<64x1024xf32, #tpu.memory_space<vmem>>[vector<16xi32>, vector<16xi32>], vector<16xf32>,
        %mul3A_420 = arith.constant 16 : i32
        %mul3A_421 = arith.muli %select_n3A_327, %mul3A_420 : i32
        %add3A_422 = vector.broadcast %mul3A_421 : i32 to vector<16xi32>
        %add3A_423 = arith.addi %add3A_422, %iota3A : vector<16xi32>
        %mul3A_424 = arith.constant 0 : i32
        %mul3A_425 = vector.broadcast %mul3A_424 : i32 to vector<16xi32>
        %mul3A_426 = arith.muli %add3A_418, %mul3A_425 : vector<16xi32>
        %add3A_427 = arith.constant 3 : i32
        %add3A_428 = vector.broadcast %add3A_427 : i32 to vector<16xi32>
        %add3A_429 = arith.addi %mul3A_426, %add3A_428 : vector<16xi32>
        tpu.vector_store_idx %arg9[%add3A_423, %add3A_429], %gather3A_419 : memref<64x128xf32, #tpu.memory_space<vmem>>[vector<16xi32>, vector<16xi32>], vector<16xf32>,
        %mul3A_430 = arith.constant 0 : i32
        %mul3A_431 = vector.broadcast %mul3A_430 : i32 to vector<16xi32>
        %mul3A_432 = arith.muli %iota3A, %mul3A_431 : vector<16xi32>
        %add3A_433 = arith.constant 4 : i32
        %add3A_434 = arith.addi %mul3A_218, %add3A_433 : i32
        %add3A_435 = vector.broadcast %add3A_434 : i32 to vector<16xi32>
        %add3A_436 = arith.addi %mul3A_432, %add3A_435 : vector<16xi32>
        %gather3A_437 = tpu.vector_load_idx %arg7[%add3A_436, %and3A_309] : memref<64x1024xf32, #tpu.memory_space<vmem>>[vector<16xi32>, vector<16xi32>], vector<16xf32>,
        %mul3A_438 = arith.constant 16 : i32
        %mul3A_439 = arith.muli %select_n3A_327, %mul3A_438 : i32
        %add3A_440 = vector.broadcast %mul3A_439 : i32 to vector<16xi32>
        %add3A_441 = arith.addi %add3A_440, %iota3A : vector<16xi32>
        %mul3A_442 = arith.constant 0 : i32
        %mul3A_443 = vector.broadcast %mul3A_442 : i32 to vector<16xi32>
        %mul3A_444 = arith.muli %add3A_436, %mul3A_443 : vector<16xi32>
        %add3A_445 = arith.constant 4 : i32
        %add3A_446 = vector.broadcast %add3A_445 : i32 to vector<16xi32>
        %add3A_447 = arith.addi %mul3A_444, %add3A_446 : vector<16xi32>
        tpu.vector_store_idx %arg9[%add3A_441, %add3A_447], %gather3A_437 : memref<64x128xf32, #tpu.memory_space<vmem>>[vector<16xi32>, vector<16xi32>], vector<16xf32>,
        %mul3A_448 = arith.constant 0 : i32
        %mul3A_449 = vector.broadcast %mul3A_448 : i32 to vector<16xi32>
        %mul3A_450 = arith.muli %iota3A, %mul3A_449 : vector<16xi32>
        %add3A_451 = arith.constant 5 : i32
        %add3A_452 = arith.addi %mul3A_218, %add3A_451 : i32
        %add3A_453 = vector.broadcast %add3A_452 : i32 to vector<16xi32>
        %add3A_454 = arith.addi %mul3A_450, %add3A_453 : vector<16xi32>
        %gather3A_455 = tpu.vector_load_idx %arg7[%add3A_454, %and3A_309] : memref<64x1024xf32, #tpu.memory_space<vmem>>[vector<16xi32>, vector<16xi32>], vector<16xf32>,
        %mul3A_456 = arith.constant 16 : i32
        %mul3A_457 = arith.muli %select_n3A_327, %mul3A_456 : i32
        %add3A_458 = vector.broadcast %mul3A_457 : i32 to vector<16xi32>
        %add3A_459 = arith.addi %add3A_458, %iota3A : vector<16xi32>
        %mul3A_460 = arith.constant 0 : i32
        %mul3A_461 = vector.broadcast %mul3A_460 : i32 to vector<16xi32>
        %mul3A_462 = arith.muli %add3A_454, %mul3A_461 : vector<16xi32>
        %add3A_463 = arith.constant 5 : i32
        %add3A_464 = vector.broadcast %add3A_463 : i32 to vector<16xi32>
        %add3A_465 = arith.addi %mul3A_462, %add3A_464 : vector<16xi32>
        tpu.vector_store_idx %arg9[%add3A_459, %add3A_465], %gather3A_455 : memref<64x128xf32, #tpu.memory_space<vmem>>[vector<16xi32>, vector<16xi32>], vector<16xf32>,
        %mul3A_466 = arith.constant 0 : i32
        %mul3A_467 = vector.broadcast %mul3A_466 : i32 to vector<16xi32>
        %mul3A_468 = arith.muli %iota3A, %mul3A_467 : vector<16xi32>
        %add3A_469 = arith.constant 6 : i32
        %add3A_470 = arith.addi %mul3A_218, %add3A_469 : i32
        %add3A_471 = vector.broadcast %add3A_470 : i32 to vector<16xi32>
        %add3A_472 = arith.addi %mul3A_468, %add3A_471 : vector<16xi32>
        %gather3A_473 = tpu.vector_load_idx %arg7[%add3A_472, %and3A_309] : memref<64x1024xf32, #tpu.memory_space<vmem>>[vector<16xi32>, vector<16xi32>], vector<16xf32>,
        %mul3A_474 = arith.constant 16 : i32
        %mul3A_475 = arith.muli %select_n3A_327, %mul3A_474 : i32
        %add3A_476 = vector.broadcast %mul3A_475 : i32 to vector<16xi32>
        %add3A_477 = arith.addi %add3A_476, %iota3A : vector<16xi32>
        %mul3A_478 = arith.constant 0 : i32
        %mul3A_479 = vector.broadcast %mul3A_478 : i32 to vector<16xi32>
        %mul3A_480 = arith.muli %add3A_472, %mul3A_479 : vector<16xi32>
        %add3A_481 = arith.constant 6 : i32
        %add3A_482 = vector.broadcast %add3A_481 : i32 to vector<16xi32>
        %add3A_483 = arith.addi %mul3A_480, %add3A_482 : vector<16xi32>
        tpu.vector_store_idx %arg9[%add3A_477, %add3A_483], %gather3A_473 : memref<64x128xf32, #tpu.memory_space<vmem>>[vector<16xi32>, vector<16xi32>], vector<16xf32>,
        %mul3A_484 = arith.constant 0 : i32
        %mul3A_485 = vector.broadcast %mul3A_484 : i32 to vector<16xi32>
        %mul3A_486 = arith.muli %iota3A, %mul3A_485 : vector<16xi32>
        %add3A_487 = arith.constant 7 : i32
        %add3A_488 = arith.addi %mul3A_218, %add3A_487 : i32
        %add3A_489 = vector.broadcast %add3A_488 : i32 to vector<16xi32>
        %add3A_490 = arith.addi %mul3A_486, %add3A_489 : vector<16xi32>
        %gather3A_491 = tpu.vector_load_idx %arg7[%add3A_490, %and3A_309] : memref<64x1024xf32, #tpu.memory_space<vmem>>[vector<16xi32>, vector<16xi32>], vector<16xf32>,
        %mul3A_492 = arith.constant 16 : i32
        %mul3A_493 = arith.muli %select_n3A_327, %mul3A_492 : i32
        %add3A_494 = vector.broadcast %mul3A_493 : i32 to vector<16xi32>
        %add3A_495 = arith.addi %add3A_494, %iota3A : vector<16xi32>
        %mul3A_496 = arith.constant 0 : i32
        %mul3A_497 = vector.broadcast %mul3A_496 : i32 to vector<16xi32>
        %mul3A_498 = arith.muli %add3A_490, %mul3A_497 : vector<16xi32>
        %add3A_499 = arith.constant 7 : i32
        %add3A_500 = vector.broadcast %add3A_499 : i32 to vector<16xi32>
        %add3A_501 = arith.addi %mul3A_498, %add3A_500 : vector<16xi32>
        tpu.vector_store_idx %arg9[%add3A_495, %add3A_501], %gather3A_491 : memref<64x128xf32, #tpu.memory_space<vmem>>[vector<16xi32>, vector<16xi32>], vector<16xf32>,
        %mul3A_502 = arith.constant 0 : i32
        %mul3A_503 = vector.broadcast %mul3A_502 : i32 to vector<16xi32>
        %mul3A_504 = arith.muli %iota3A, %mul3A_503 : vector<16xi32>
        %add3A_505 = arith.constant 8 : i32
        %add3A_506 = arith.addi %mul3A_218, %add3A_505 : i32
        %add3A_507 = vector.broadcast %add3A_506 : i32 to vector<16xi32>
        %add3A_508 = arith.addi %mul3A_504, %add3A_507 : vector<16xi32>
        %gather3A_509 = tpu.vector_load_idx %arg7[%add3A_508, %and3A_309] : memref<64x1024xf32, #tpu.memory_space<vmem>>[vector<16xi32>, vector<16xi32>], vector<16xf32>,
        %mul3A_510 = arith.constant 16 : i32
        %mul3A_511 = arith.muli %select_n3A_327, %mul3A_510 : i32
        %add3A_512 = vector.broadcast %mul3A_511 : i32 to vector<16xi32>
        %add3A_513 = arith.addi %add3A_512, %iota3A : vector<16xi32>
        %mul3A_514 = arith.constant 0 : i32
        %mul3A_515 = vector.broadcast %mul3A_514 : i32 to vector<16xi32>
        %mul3A_516 = arith.muli %add3A_508, %mul3A_515 : vector<16xi32>
        %add3A_517 = arith.constant 8 : i32
        %add3A_518 = vector.broadcast %add3A_517 : i32 to vector<16xi32>
        %add3A_519 = arith.addi %mul3A_516, %add3A_518 : vector<16xi32>
        tpu.vector_store_idx %arg9[%add3A_513, %add3A_519], %gather3A_509 : memref<64x128xf32, #tpu.memory_space<vmem>>[vector<16xi32>, vector<16xi32>], vector<16xf32>,
        %mul3A_520 = arith.constant 0 : i32
        %mul3A_521 = vector.broadcast %mul3A_520 : i32 to vector<16xi32>
        %mul3A_522 = arith.muli %iota3A, %mul3A_521 : vector<16xi32>
        %add3A_523 = arith.constant 9 : i32
        %add3A_524 = arith.addi %mul3A_218, %add3A_523 : i32
        %add3A_525 = vector.broadcast %add3A_524 : i32 to vector<16xi32>
        %add3A_526 = arith.addi %mul3A_522, %add3A_525 : vector<16xi32>
        %gather3A_527 = tpu.vector_load_idx %arg7[%add3A_526, %and3A_309] : memref<64x1024xf32, #tpu.memory_space<vmem>>[vector<16xi32>, vector<16xi32>], vector<16xf32>,
        %mul3A_528 = arith.constant 16 : i32
        %mul3A_529 = arith.muli %select_n3A_327, %mul3A_528 : i32
        %add3A_530 = vector.broadcast %mul3A_529 : i32 to vector<16xi32>
        %add3A_531 = arith.addi %add3A_530, %iota3A : vector<16xi32>
        %mul3A_532 = arith.constant 0 : i32
        %mul3A_533 = vector.broadcast %mul3A_532 : i32 to vector<16xi32>
        %mul3A_534 = arith.muli %add3A_526, %mul3A_533 : vector<16xi32>
        %add3A_535 = arith.constant 9 : i32
        %add3A_536 = vector.broadcast %add3A_535 : i32 to vector<16xi32>
        %add3A_537 = arith.addi %mul3A_534, %add3A_536 : vector<16xi32>
        tpu.vector_store_idx %arg9[%add3A_531, %add3A_537], %gather3A_527 : memref<64x128xf32, #tpu.memory_space<vmem>>[vector<16xi32>, vector<16xi32>], vector<16xf32>,
        %mul3A_538 = arith.constant 0 : i32
        %mul3A_539 = vector.broadcast %mul3A_538 : i32 to vector<16xi32>
        %mul3A_540 = arith.muli %iota3A, %mul3A_539 : vector<16xi32>
        %add3A_541 = arith.constant 10 : i32
        %add3A_542 = arith.addi %mul3A_218, %add3A_541 : i32
        %add3A_543 = vector.broadcast %add3A_542 : i32 to vector<16xi32>
        %add3A_544 = arith.addi %mul3A_540, %add3A_543 : vector<16xi32>
        %gather3A_545 = tpu.vector_load_idx %arg7[%add3A_544, %and3A_309] : memref<64x1024xf32, #tpu.memory_space<vmem>>[vector<16xi32>, vector<16xi32>], vector<16xf32>,
        %mul3A_546 = arith.constant 16 : i32
        %mul3A_547 = arith.muli %select_n3A_327, %mul3A_546 : i32
        %add3A_548 = vector.broadcast %mul3A_547 : i32 to vector<16xi32>
        %add3A_549 = arith.addi %add3A_548, %iota3A : vector<16xi32>
        %mul3A_550 = arith.constant 0 : i32
        %mul3A_551 = vector.broadcast %mul3A_550 : i32 to vector<16xi32>
        %mul3A_552 = arith.muli %add3A_544, %mul3A_551 : vector<16xi32>
        %add3A_553 = arith.constant 10 : i32
        %add3A_554 = vector.broadcast %add3A_553 : i32 to vector<16xi32>
        %add3A_555 = arith.addi %mul3A_552, %add3A_554 : vector<16xi32>
        tpu.vector_store_idx %arg9[%add3A_549, %add3A_555], %gather3A_545 : memref<64x128xf32, #tpu.memory_space<vmem>>[vector<16xi32>, vector<16xi32>], vector<16xf32>,
        %mul3A_556 = arith.constant 0 : i32
        %mul3A_557 = vector.broadcast %mul3A_556 : i32 to vector<16xi32>
        %mul3A_558 = arith.muli %iota3A, %mul3A_557 : vector<16xi32>
        %add3A_559 = arith.constant 11 : i32
        %add3A_560 = arith.addi %mul3A_218, %add3A_559 : i32
        %add3A_561 = vector.broadcast %add3A_560 : i32 to vector<16xi32>
        %add3A_562 = arith.addi %mul3A_558, %add3A_561 : vector<16xi32>
        %gather3A_563 = tpu.vector_load_idx %arg7[%add3A_562, %and3A_309] : memref<64x1024xf32, #tpu.memory_space<vmem>>[vector<16xi32>, vector<16xi32>], vector<16xf32>,
        %mul3A_564 = arith.constant 16 : i32
        %mul3A_565 = arith.muli %select_n3A_327, %mul3A_564 : i32
        %add3A_566 = vector.broadcast %mul3A_565 : i32 to vector<16xi32>
        %add3A_567 = arith.addi %add3A_566, %iota3A : vector<16xi32>
        %mul3A_568 = arith.constant 0 : i32
        %mul3A_569 = vector.broadcast %mul3A_568 : i32 to vector<16xi32>
        %mul3A_570 = arith.muli %add3A_562, %mul3A_569 : vector<16xi32>
        %add3A_571 = arith.constant 11 : i32
        %add3A_572 = vector.broadcast %add3A_571 : i32 to vector<16xi32>
        %add3A_573 = arith.addi %mul3A_570, %add3A_572 : vector<16xi32>
        tpu.vector_store_idx %arg9[%add3A_567, %add3A_573], %gather3A_563 : memref<64x128xf32, #tpu.memory_space<vmem>>[vector<16xi32>, vector<16xi32>], vector<16xf32>,
        %mul3A_574 = arith.constant 0 : i32
        %mul3A_575 = vector.broadcast %mul3A_574 : i32 to vector<16xi32>
        %mul3A_576 = arith.muli %iota3A, %mul3A_575 : vector<16xi32>
        %add3A_577 = arith.constant 12 : i32
        %add3A_578 = arith.addi %mul3A_218, %add3A_577 : i32
        %add3A_579 = vector.broadcast %add3A_578 : i32 to vector<16xi32>
        %add3A_580 = arith.addi %mul3A_576, %add3A_579 : vector<16xi32>
        %gather3A_581 = tpu.vector_load_idx %arg7[%add3A_580, %and3A_309] : memref<64x1024xf32, #tpu.memory_space<vmem>>[vector<16xi32>, vector<16xi32>], vector<16xf32>,
        %mul3A_582 = arith.constant 16 : i32
        %mul3A_583 = arith.muli %select_n3A_327, %mul3A_582 : i32
        %add3A_584 = vector.broadcast %mul3A_583 : i32 to vector<16xi32>
        %add3A_585 = arith.addi %add3A_584, %iota3A : vector<16xi32>
        %mul3A_586 = arith.constant 0 : i32
        %mul3A_587 = vector.broadcast %mul3A_586 : i32 to vector<16xi32>
        %mul3A_588 = arith.muli %add3A_580, %mul3A_587 : vector<16xi32>
        %add3A_589 = arith.constant 12 : i32
        %add3A_590 = vector.broadcast %add3A_589 : i32 to vector<16xi32>
        %add3A_591 = arith.addi %mul3A_588, %add3A_590 : vector<16xi32>
        tpu.vector_store_idx %arg9[%add3A_585, %add3A_591], %gather3A_581 : memref<64x128xf32, #tpu.memory_space<vmem>>[vector<16xi32>, vector<16xi32>], vector<16xf32>,
        %mul3A_592 = arith.constant 0 : i32
        %mul3A_593 = vector.broadcast %mul3A_592 : i32 to vector<16xi32>
        %mul3A_594 = arith.muli %iota3A, %mul3A_593 : vector<16xi32>
        %add3A_595 = arith.constant 13 : i32
        %add3A_596 = arith.addi %mul3A_218, %add3A_595 : i32
        %add3A_597 = vector.broadcast %add3A_596 : i32 to vector<16xi32>
        %add3A_598 = arith.addi %mul3A_594, %add3A_597 : vector<16xi32>
        %gather3A_599 = tpu.vector_load_idx %arg7[%add3A_598, %and3A_309] : memref<64x1024xf32, #tpu.memory_space<vmem>>[vector<16xi32>, vector<16xi32>], vector<16xf32>,
        %mul3A_600 = arith.constant 16 : i32
        %mul3A_601 = arith.muli %select_n3A_327, %mul3A_600 : i32
        %add3A_602 = vector.broadcast %mul3A_601 : i32 to vector<16xi32>
        %add3A_603 = arith.addi %add3A_602, %iota3A : vector<16xi32>
        %mul3A_604 = arith.constant 0 : i32
        %mul3A_605 = vector.broadcast %mul3A_604 : i32 to vector<16xi32>
        %mul3A_606 = arith.muli %add3A_598, %mul3A_605 : vector<16xi32>
        %add3A_607 = arith.constant 13 : i32
        %add3A_608 = vector.broadcast %add3A_607 : i32 to vector<16xi32>
        %add3A_609 = arith.addi %mul3A_606, %add3A_608 : vector<16xi32>
        tpu.vector_store_idx %arg9[%add3A_603, %add3A_609], %gather3A_599 : memref<64x128xf32, #tpu.memory_space<vmem>>[vector<16xi32>, vector<16xi32>], vector<16xf32>,
        %mul3A_610 = arith.constant 0 : i32
        %mul3A_611 = vector.broadcast %mul3A_610 : i32 to vector<16xi32>
        %mul3A_612 = arith.muli %iota3A, %mul3A_611 : vector<16xi32>
        %add3A_613 = arith.constant 14 : i32
        %add3A_614 = arith.addi %mul3A_218, %add3A_613 : i32
        %add3A_615 = vector.broadcast %add3A_614 : i32 to vector<16xi32>
        %add3A_616 = arith.addi %mul3A_612, %add3A_615 : vector<16xi32>
        %gather3A_617 = tpu.vector_load_idx %arg7[%add3A_616, %and3A_309] : memref<64x1024xf32, #tpu.memory_space<vmem>>[vector<16xi32>, vector<16xi32>], vector<16xf32>,
        %mul3A_618 = arith.constant 16 : i32
        %mul3A_619 = arith.muli %select_n3A_327, %mul3A_618 : i32
        %add3A_620 = vector.broadcast %mul3A_619 : i32 to vector<16xi32>
        %add3A_621 = arith.addi %add3A_620, %iota3A : vector<16xi32>
        %mul3A_622 = arith.constant 0 : i32
        %mul3A_623 = vector.broadcast %mul3A_622 : i32 to vector<16xi32>
        %mul3A_624 = arith.muli %add3A_616, %mul3A_623 : vector<16xi32>
        %add3A_625 = arith.constant 14 : i32
        %add3A_626 = vector.broadcast %add3A_625 : i32 to vector<16xi32>
        %add3A_627 = arith.addi %mul3A_624, %add3A_626 : vector<16xi32>
        tpu.vector_store_idx %arg9[%add3A_621, %add3A_627], %gather3A_617 : memref<64x128xf32, #tpu.memory_space<vmem>>[vector<16xi32>, vector<16xi32>], vector<16xf32>,
        %mul3A_628 = arith.constant 0 : i32
        %mul3A_629 = vector.broadcast %mul3A_628 : i32 to vector<16xi32>
        %mul3A_630 = arith.muli %iota3A, %mul3A_629 : vector<16xi32>
        %add3A_631 = arith.constant 15 : i32
        %add3A_632 = arith.addi %mul3A_218, %add3A_631 : i32
        %add3A_633 = vector.broadcast %add3A_632 : i32 to vector<16xi32>
        %add3A_634 = arith.addi %mul3A_630, %add3A_633 : vector<16xi32>
        %gather3A_635 = tpu.vector_load_idx %arg7[%add3A_634, %and3A_309] : memref<64x1024xf32, #tpu.memory_space<vmem>>[vector<16xi32>, vector<16xi32>], vector<16xf32>,
        %mul3A_636 = arith.constant 16 : i32
        %mul3A_637 = arith.muli %select_n3A_327, %mul3A_636 : i32
        %add3A_638 = vector.broadcast %mul3A_637 : i32 to vector<16xi32>
        %add3A_639 = arith.addi %add3A_638, %iota3A : vector<16xi32>
        %mul3A_640 = arith.constant 0 : i32
        %mul3A_641 = vector.broadcast %mul3A_640 : i32 to vector<16xi32>
        %mul3A_642 = arith.muli %add3A_634, %mul3A_641 : vector<16xi32>
        %add3A_643 = arith.constant 15 : i32
        %add3A_644 = vector.broadcast %add3A_643 : i32 to vector<16xi32>
        %add3A_645 = arith.addi %mul3A_642, %add3A_644 : vector<16xi32>
        tpu.vector_store_idx %arg9[%add3A_639, %add3A_645], %gather3A_635 : memref<64x128xf32, #tpu.memory_space<vmem>>[vector<16xi32>, vector<16xi32>], vector<16xf32>,
        %mul3A_646 = arith.constant 0 : i32
        %mul3A_647 = vector.broadcast %mul3A_646 : i32 to vector<16xi32>
        %mul3A_648 = arith.muli %iota3A, %mul3A_647 : vector<16xi32>
        %add3A_649 = arith.constant 16 : i32
        %add3A_650 = arith.addi %mul3A_218, %add3A_649 : i32
        %add3A_651 = vector.broadcast %add3A_650 : i32 to vector<16xi32>
        %add3A_652 = arith.addi %mul3A_648, %add3A_651 : vector<16xi32>
        %gather3A_653 = tpu.vector_load_idx %arg7[%add3A_652, %and3A_309] : memref<64x1024xf32, #tpu.memory_space<vmem>>[vector<16xi32>, vector<16xi32>], vector<16xf32>,
        %mul3A_654 = arith.constant 16 : i32
        %mul3A_655 = arith.muli %select_n3A_327, %mul3A_654 : i32
        %add3A_656 = vector.broadcast %mul3A_655 : i32 to vector<16xi32>
        %add3A_657 = arith.addi %add3A_656, %iota3A : vector<16xi32>
        %mul3A_658 = arith.constant 0 : i32
        %mul3A_659 = vector.broadcast %mul3A_658 : i32 to vector<16xi32>
        %mul3A_660 = arith.muli %add3A_652, %mul3A_659 : vector<16xi32>
        %add3A_661 = arith.constant 16 : i32
        %add3A_662 = vector.broadcast %add3A_661 : i32 to vector<16xi32>
        %add3A_663 = arith.addi %mul3A_660, %add3A_662 : vector<16xi32>
        tpu.vector_store_idx %arg9[%add3A_657, %add3A_663], %gather3A_653 : memref<64x128xf32, #tpu.memory_space<vmem>>[vector<16xi32>, vector<16xi32>], vector<16xf32>,
        %mul3A_664 = arith.constant 0 : i32
        %mul3A_665 = vector.broadcast %mul3A_664 : i32 to vector<16xi32>
        %mul3A_666 = arith.muli %iota3A, %mul3A_665 : vector<16xi32>
        %add3A_667 = arith.constant 17 : i32
        %add3A_668 = arith.addi %mul3A_218, %add3A_667 : i32
        %add3A_669 = vector.broadcast %add3A_668 : i32 to vector<16xi32>
        %add3A_670 = arith.addi %mul3A_666, %add3A_669 : vector<16xi32>
        %gather3A_671 = tpu.vector_load_idx %arg7[%add3A_670, %and3A_309] : memref<64x1024xf32, #tpu.memory_space<vmem>>[vector<16xi32>, vector<16xi32>], vector<16xf32>,
        %mul3A_672 = arith.constant 16 : i32
        %mul3A_673 = arith.muli %select_n3A_327, %mul3A_672 : i32
        %add3A_674 = vector.broadcast %mul3A_673 : i32 to vector<16xi32>
        %add3A_675 = arith.addi %add3A_674, %iota3A : vector<16xi32>
        %mul3A_676 = arith.constant 0 : i32
        %mul3A_677 = vector.broadcast %mul3A_676 : i32 to vector<16xi32>
        %mul3A_678 = arith.muli %add3A_670, %mul3A_677 : vector<16xi32>
        %add3A_679 = arith.constant 17 : i32
        %add3A_680 = vector.broadcast %add3A_679 : i32 to vector<16xi32>
        %add3A_681 = arith.addi %mul3A_678, %add3A_680 : vector<16xi32>
        tpu.vector_store_idx %arg9[%add3A_675, %add3A_681], %gather3A_671 : memref<64x128xf32, #tpu.memory_space<vmem>>[vector<16xi32>, vector<16xi32>], vector<16xf32>,
        %mul3A_682 = arith.constant 0 : i32
        %mul3A_683 = vector.broadcast %mul3A_682 : i32 to vector<16xi32>
        %mul3A_684 = arith.muli %iota3A, %mul3A_683 : vector<16xi32>
        %add3A_685 = arith.constant 18 : i32
        %add3A_686 = arith.addi %mul3A_218, %add3A_685 : i32
        %add3A_687 = vector.broadcast %add3A_686 : i32 to vector<16xi32>
        %add3A_688 = arith.addi %mul3A_684, %add3A_687 : vector<16xi32>
        %gather3A_689 = tpu.vector_load_idx %arg7[%add3A_688, %and3A_309] : memref<64x1024xf32, #tpu.memory_space<vmem>>[vector<16xi32>, vector<16xi32>], vector<16xf32>,
        %mul3A_690 = arith.constant 16 : i32
        %mul3A_691 = arith.muli %select_n3A_327, %mul3A_690 : i32
        %add3A_692 = vector.broadcast %mul3A_691 : i32 to vector<16xi32>
        %add3A_693 = arith.addi %add3A_692, %iota3A : vector<16xi32>
        %mul3A_694 = arith.constant 0 : i32
        %mul3A_695 = vector.broadcast %mul3A_694 : i32 to vector<16xi32>
        %mul3A_696 = arith.muli %add3A_688, %mul3A_695 : vector<16xi32>
        %add3A_697 = arith.constant 18 : i32
        %add3A_698 = vector.broadcast %add3A_697 : i32 to vector<16xi32>
        %add3A_699 = arith.addi %mul3A_696, %add3A_698 : vector<16xi32>
        tpu.vector_store_idx %arg9[%add3A_693, %add3A_699], %gather3A_689 : memref<64x128xf32, #tpu.memory_space<vmem>>[vector<16xi32>, vector<16xi32>], vector<16xf32>,
        %mul3A_700 = arith.constant 0 : i32
        %mul3A_701 = vector.broadcast %mul3A_700 : i32 to vector<16xi32>
        %mul3A_702 = arith.muli %iota3A, %mul3A_701 : vector<16xi32>
        %add3A_703 = arith.constant 19 : i32
        %add3A_704 = arith.addi %mul3A_218, %add3A_703 : i32
        %add3A_705 = vector.broadcast %add3A_704 : i32 to vector<16xi32>
        %add3A_706 = arith.addi %mul3A_702, %add3A_705 : vector<16xi32>
        %gather3A_707 = tpu.vector_load_idx %arg7[%add3A_706, %and3A_309] : memref<64x1024xf32, #tpu.memory_space<vmem>>[vector<16xi32>, vector<16xi32>], vector<16xf32>,
        %mul3A_708 = arith.constant 16 : i32
        %mul3A_709 = arith.muli %select_n3A_327, %mul3A_708 : i32
        %add3A_710 = vector.broadcast %mul3A_709 : i32 to vector<16xi32>
        %add3A_711 = arith.addi %add3A_710, %iota3A : vector<16xi32>
        %mul3A_712 = arith.constant 0 : i32
        %mul3A_713 = vector.broadcast %mul3A_712 : i32 to vector<16xi32>
        %mul3A_714 = arith.muli %add3A_706, %mul3A_713 : vector<16xi32>
        %add3A_715 = arith.constant 19 : i32
        %add3A_716 = vector.broadcast %add3A_715 : i32 to vector<16xi32>
        %add3A_717 = arith.addi %mul3A_714, %add3A_716 : vector<16xi32>
        tpu.vector_store_idx %arg9[%add3A_711, %add3A_717], %gather3A_707 : memref<64x128xf32, #tpu.memory_space<vmem>>[vector<16xi32>, vector<16xi32>], vector<16xf32>,
        %mul3A_718 = arith.constant 0 : i32
        %mul3A_719 = vector.broadcast %mul3A_718 : i32 to vector<16xi32>
        %mul3A_720 = arith.muli %iota3A, %mul3A_719 : vector<16xi32>
        %add3A_721 = arith.constant 20 : i32
        %add3A_722 = arith.addi %mul3A_218, %add3A_721 : i32
        %add3A_723 = vector.broadcast %add3A_722 : i32 to vector<16xi32>
        %add3A_724 = arith.addi %mul3A_720, %add3A_723 : vector<16xi32>
        %gather3A_725 = tpu.vector_load_idx %arg7[%add3A_724, %and3A_309] : memref<64x1024xf32, #tpu.memory_space<vmem>>[vector<16xi32>, vector<16xi32>], vector<16xf32>,
        %mul3A_726 = arith.constant 16 : i32
        %mul3A_727 = arith.muli %select_n3A_327, %mul3A_726 : i32
        %add3A_728 = vector.broadcast %mul3A_727 : i32 to vector<16xi32>
        %add3A_729 = arith.addi %add3A_728, %iota3A : vector<16xi32>
        %mul3A_730 = arith.constant 0 : i32
        %mul3A_731 = vector.broadcast %mul3A_730 : i32 to vector<16xi32>
        %mul3A_732 = arith.muli %add3A_724, %mul3A_731 : vector<16xi32>
        %add3A_733 = arith.constant 20 : i32
        %add3A_734 = vector.broadcast %add3A_733 : i32 to vector<16xi32>
        %add3A_735 = arith.addi %mul3A_732, %add3A_734 : vector<16xi32>
        tpu.vector_store_idx %arg9[%add3A_729, %add3A_735], %gather3A_725 : memref<64x128xf32, #tpu.memory_space<vmem>>[vector<16xi32>, vector<16xi32>], vector<16xf32>,
        %mul3A_736 = arith.constant 0 : i32
        %mul3A_737 = vector.broadcast %mul3A_736 : i32 to vector<16xi32>
        %mul3A_738 = arith.muli %iota3A, %mul3A_737 : vector<16xi32>
        %add3A_739 = arith.constant 21 : i32
        %add3A_740 = arith.addi %mul3A_218, %add3A_739 : i32
        %add3A_741 = vector.broadcast %add3A_740 : i32 to vector<16xi32>
        %add3A_742 = arith.addi %mul3A_738, %add3A_741 : vector<16xi32>
        %gather3A_743 = tpu.vector_load_idx %arg7[%add3A_742, %and3A_309] : memref<64x1024xf32, #tpu.memory_space<vmem>>[vector<16xi32>, vector<16xi32>], vector<16xf32>,
        %mul3A_744 = arith.constant 16 : i32
        %mul3A_745 = arith.muli %select_n3A_327, %mul3A_744 : i32
        %add3A_746 = vector.broadcast %mul3A_745 : i32 to vector<16xi32>
        %add3A_747 = arith.addi %add3A_746, %iota3A : vector<16xi32>
        %mul3A_748 = arith.constant 0 : i32
        %mul3A_749 = vector.broadcast %mul3A_748 : i32 to vector<16xi32>
        %mul3A_750 = arith.muli %add3A_742, %mul3A_749 : vector<16xi32>
        %add3A_751 = arith.constant 21 : i32
        %add3A_752 = vector.broadcast %add3A_751 : i32 to vector<16xi32>
        %add3A_753 = arith.addi %mul3A_750, %add3A_752 : vector<16xi32>
        tpu.vector_store_idx %arg9[%add3A_747, %add3A_753], %gather3A_743 : memref<64x128xf32, #tpu.memory_space<vmem>>[vector<16xi32>, vector<16xi32>], vector<16xf32>,
        %mul3A_754 = arith.constant 0 : i32
        %mul3A_755 = vector.broadcast %mul3A_754 : i32 to vector<16xi32>
        %mul3A_756 = arith.muli %iota3A, %mul3A_755 : vector<16xi32>
        %add3A_757 = arith.constant 22 : i32
        %add3A_758 = arith.addi %mul3A_218, %add3A_757 : i32
        %add3A_759 = vector.broadcast %add3A_758 : i32 to vector<16xi32>
        %add3A_760 = arith.addi %mul3A_756, %add3A_759 : vector<16xi32>
        %gather3A_761 = tpu.vector_load_idx %arg7[%add3A_760, %and3A_309] : memref<64x1024xf32, #tpu.memory_space<vmem>>[vector<16xi32>, vector<16xi32>], vector<16xf32>,
        %mul3A_762 = arith.constant 16 : i32
        %mul3A_763 = arith.muli %select_n3A_327, %mul3A_762 : i32
        %add3A_764 = vector.broadcast %mul3A_763 : i32 to vector<16xi32>
        %add3A_765 = arith.addi %add3A_764, %iota3A : vector<16xi32>
        %mul3A_766 = arith.constant 0 : i32
        %mul3A_767 = vector.broadcast %mul3A_766 : i32 to vector<16xi32>
        %mul3A_768 = arith.muli %add3A_760, %mul3A_767 : vector<16xi32>
        %add3A_769 = arith.constant 22 : i32
        %add3A_770 = vector.broadcast %add3A_769 : i32 to vector<16xi32>
        %add3A_771 = arith.addi %mul3A_768, %add3A_770 : vector<16xi32>
        tpu.vector_store_idx %arg9[%add3A_765, %add3A_771], %gather3A_761 : memref<64x128xf32, #tpu.memory_space<vmem>>[vector<16xi32>, vector<16xi32>], vector<16xf32>,
        %mul3A_772 = arith.constant 0 : i32
        %mul3A_773 = vector.broadcast %mul3A_772 : i32 to vector<16xi32>
        %mul3A_774 = arith.muli %iota3A, %mul3A_773 : vector<16xi32>
        %add3A_775 = arith.constant 23 : i32
        %add3A_776 = arith.addi %mul3A_218, %add3A_775 : i32
        %add3A_777 = vector.broadcast %add3A_776 : i32 to vector<16xi32>
        %add3A_778 = arith.addi %mul3A_774, %add3A_777 : vector<16xi32>
        %gather3A_779 = tpu.vector_load_idx %arg7[%add3A_778, %and3A_309] : memref<64x1024xf32, #tpu.memory_space<vmem>>[vector<16xi32>, vector<16xi32>], vector<16xf32>,
        %mul3A_780 = arith.constant 16 : i32
        %mul3A_781 = arith.muli %select_n3A_327, %mul3A_780 : i32
        %add3A_782 = vector.broadcast %mul3A_781 : i32 to vector<16xi32>
        %add3A_783 = arith.addi %add3A_782, %iota3A : vector<16xi32>
        %mul3A_784 = arith.constant 0 : i32
        %mul3A_785 = vector.broadcast %mul3A_784 : i32 to vector<16xi32>
        %mul3A_786 = arith.muli %add3A_778, %mul3A_785 : vector<16xi32>
        %add3A_787 = arith.constant 23 : i32
        %add3A_788 = vector.broadcast %add3A_787 : i32 to vector<16xi32>
        %add3A_789 = arith.addi %mul3A_786, %add3A_788 : vector<16xi32>
        tpu.vector_store_idx %arg9[%add3A_783, %add3A_789], %gather3A_779 : memref<64x128xf32, #tpu.memory_space<vmem>>[vector<16xi32>, vector<16xi32>], vector<16xf32>,
        %mul3A_790 = arith.constant 0 : i32
        %mul3A_791 = vector.broadcast %mul3A_790 : i32 to vector<16xi32>
        %mul3A_792 = arith.muli %iota3A, %mul3A_791 : vector<16xi32>
        %add3A_793 = arith.constant 24 : i32
        %add3A_794 = arith.addi %mul3A_218, %add3A_793 : i32
        %add3A_795 = vector.broadcast %add3A_794 : i32 to vector<16xi32>
        %add3A_796 = arith.addi %mul3A_792, %add3A_795 : vector<16xi32>
        %gather3A_797 = tpu.vector_load_idx %arg7[%add3A_796, %and3A_309] : memref<64x1024xf32, #tpu.memory_space<vmem>>[vector<16xi32>, vector<16xi32>], vector<16xf32>,
        %mul3A_798 = arith.constant 16 : i32
        %mul3A_799 = arith.muli %select_n3A_327, %mul3A_798 : i32
        %add3A_800 = vector.broadcast %mul3A_799 : i32 to vector<16xi32>
        %add3A_801 = arith.addi %add3A_800, %iota3A : vector<16xi32>
        %mul3A_802 = arith.constant 0 : i32
        %mul3A_803 = vector.broadcast %mul3A_802 : i32 to vector<16xi32>
        %mul3A_804 = arith.muli %add3A_796, %mul3A_803 : vector<16xi32>
        %add3A_805 = arith.constant 24 : i32
        %add3A_806 = vector.broadcast %add3A_805 : i32 to vector<16xi32>
        %add3A_807 = arith.addi %mul3A_804, %add3A_806 : vector<16xi32>
        tpu.vector_store_idx %arg9[%add3A_801, %add3A_807], %gather3A_797 : memref<64x128xf32, #tpu.memory_space<vmem>>[vector<16xi32>, vector<16xi32>], vector<16xf32>,
        %mul3A_808 = arith.constant 0 : i32
        %mul3A_809 = vector.broadcast %mul3A_808 : i32 to vector<16xi32>
        %mul3A_810 = arith.muli %iota3A, %mul3A_809 : vector<16xi32>
        %add3A_811 = arith.constant 25 : i32
        %add3A_812 = arith.addi %mul3A_218, %add3A_811 : i32
        %add3A_813 = vector.broadcast %add3A_812 : i32 to vector<16xi32>
        %add3A_814 = arith.addi %mul3A_810, %add3A_813 : vector<16xi32>
        %gather3A_815 = tpu.vector_load_idx %arg7[%add3A_814, %and3A_309] : memref<64x1024xf32, #tpu.memory_space<vmem>>[vector<16xi32>, vector<16xi32>], vector<16xf32>,
        %mul3A_816 = arith.constant 16 : i32
        %mul3A_817 = arith.muli %select_n3A_327, %mul3A_816 : i32
        %add3A_818 = vector.broadcast %mul3A_817 : i32 to vector<16xi32>
        %add3A_819 = arith.addi %add3A_818, %iota3A : vector<16xi32>
        %mul3A_820 = arith.constant 0 : i32
        %mul3A_821 = vector.broadcast %mul3A_820 : i32 to vector<16xi32>
        %mul3A_822 = arith.muli %add3A_814, %mul3A_821 : vector<16xi32>
        %add3A_823 = arith.constant 25 : i32
        %add3A_824 = vector.broadcast %add3A_823 : i32 to vector<16xi32>
        %add3A_825 = arith.addi %mul3A_822, %add3A_824 : vector<16xi32>
        tpu.vector_store_idx %arg9[%add3A_819, %add3A_825], %gather3A_815 : memref<64x128xf32, #tpu.memory_space<vmem>>[vector<16xi32>, vector<16xi32>], vector<16xf32>,
        %mul3A_826 = arith.constant 0 : i32
        %mul3A_827 = vector.broadcast %mul3A_826 : i32 to vector<16xi32>
        %mul3A_828 = arith.muli %iota3A, %mul3A_827 : vector<16xi32>
        %add3A_829 = arith.constant 26 : i32
        %add3A_830 = arith.addi %mul3A_218, %add3A_829 : i32
        %add3A_831 = vector.broadcast %add3A_830 : i32 to vector<16xi32>
        %add3A_832 = arith.addi %mul3A_828, %add3A_831 : vector<16xi32>
        %gather3A_833 = tpu.vector_load_idx %arg7[%add3A_832, %and3A_309] : memref<64x1024xf32, #tpu.memory_space<vmem>>[vector<16xi32>, vector<16xi32>], vector<16xf32>,
        %mul3A_834 = arith.constant 16 : i32
        %mul3A_835 = arith.muli %select_n3A_327, %mul3A_834 : i32
        %add3A_836 = vector.broadcast %mul3A_835 : i32 to vector<16xi32>
        %add3A_837 = arith.addi %add3A_836, %iota3A : vector<16xi32>
        %mul3A_838 = arith.constant 0 : i32
        %mul3A_839 = vector.broadcast %mul3A_838 : i32 to vector<16xi32>
        %mul3A_840 = arith.muli %add3A_832, %mul3A_839 : vector<16xi32>
        %add3A_841 = arith.constant 26 : i32
        %add3A_842 = vector.broadcast %add3A_841 : i32 to vector<16xi32>
        %add3A_843 = arith.addi %mul3A_840, %add3A_842 : vector<16xi32>
        tpu.vector_store_idx %arg9[%add3A_837, %add3A_843], %gather3A_833 : memref<64x128xf32, #tpu.memory_space<vmem>>[vector<16xi32>, vector<16xi32>], vector<16xf32>,
        %mul3A_844 = arith.constant 0 : i32
        %mul3A_845 = vector.broadcast %mul3A_844 : i32 to vector<16xi32>
        %mul3A_846 = arith.muli %iota3A, %mul3A_845 : vector<16xi32>
        %add3A_847 = arith.constant 27 : i32
        %add3A_848 = arith.addi %mul3A_218, %add3A_847 : i32
        %add3A_849 = vector.broadcast %add3A_848 : i32 to vector<16xi32>
        %add3A_850 = arith.addi %mul3A_846, %add3A_849 : vector<16xi32>
        %gather3A_851 = tpu.vector_load_idx %arg7[%add3A_850, %and3A_309] : memref<64x1024xf32, #tpu.memory_space<vmem>>[vector<16xi32>, vector<16xi32>], vector<16xf32>,
        %mul3A_852 = arith.constant 16 : i32
        %mul3A_853 = arith.muli %select_n3A_327, %mul3A_852 : i32
        %add3A_854 = vector.broadcast %mul3A_853 : i32 to vector<16xi32>
        %add3A_855 = arith.addi %add3A_854, %iota3A : vector<16xi32>
        %mul3A_856 = arith.constant 0 : i32
        %mul3A_857 = vector.broadcast %mul3A_856 : i32 to vector<16xi32>
        %mul3A_858 = arith.muli %add3A_850, %mul3A_857 : vector<16xi32>
        %add3A_859 = arith.constant 27 : i32
        %add3A_860 = vector.broadcast %add3A_859 : i32 to vector<16xi32>
        %add3A_861 = arith.addi %mul3A_858, %add3A_860 : vector<16xi32>
        tpu.vector_store_idx %arg9[%add3A_855, %add3A_861], %gather3A_851 : memref<64x128xf32, #tpu.memory_space<vmem>>[vector<16xi32>, vector<16xi32>], vector<16xf32>,
        %mul3A_862 = arith.constant 0 : i32
        %mul3A_863 = vector.broadcast %mul3A_862 : i32 to vector<16xi32>
        %mul3A_864 = arith.muli %iota3A, %mul3A_863 : vector<16xi32>
        %add3A_865 = arith.constant 28 : i32
        %add3A_866 = arith.addi %mul3A_218, %add3A_865 : i32
        %add3A_867 = vector.broadcast %add3A_866 : i32 to vector<16xi32>
        %add3A_868 = arith.addi %mul3A_864, %add3A_867 : vector<16xi32>
        %gather3A_869 = tpu.vector_load_idx %arg7[%add3A_868, %and3A_309] : memref<64x1024xf32, #tpu.memory_space<vmem>>[vector<16xi32>, vector<16xi32>], vector<16xf32>,
        %mul3A_870 = arith.constant 16 : i32
        %mul3A_871 = arith.muli %select_n3A_327, %mul3A_870 : i32
        %add3A_872 = vector.broadcast %mul3A_871 : i32 to vector<16xi32>
        %add3A_873 = arith.addi %add3A_872, %iota3A : vector<16xi32>
        %mul3A_874 = arith.constant 0 : i32
        %mul3A_875 = vector.broadcast %mul3A_874 : i32 to vector<16xi32>
        %mul3A_876 = arith.muli %add3A_868, %mul3A_875 : vector<16xi32>
        %add3A_877 = arith.constant 28 : i32
        %add3A_878 = vector.broadcast %add3A_877 : i32 to vector<16xi32>
        %add3A_879 = arith.addi %mul3A_876, %add3A_878 : vector<16xi32>
        tpu.vector_store_idx %arg9[%add3A_873, %add3A_879], %gather3A_869 : memref<64x128xf32, #tpu.memory_space<vmem>>[vector<16xi32>, vector<16xi32>], vector<16xf32>,
        %mul3A_880 = arith.constant 0 : i32
        %mul3A_881 = vector.broadcast %mul3A_880 : i32 to vector<16xi32>
        %mul3A_882 = arith.muli %iota3A, %mul3A_881 : vector<16xi32>
        %add3A_883 = arith.constant 29 : i32
        %add3A_884 = arith.addi %mul3A_218, %add3A_883 : i32
        %add3A_885 = vector.broadcast %add3A_884 : i32 to vector<16xi32>
        %add3A_886 = arith.addi %mul3A_882, %add3A_885 : vector<16xi32>
        %gather3A_887 = tpu.vector_load_idx %arg7[%add3A_886, %and3A_309] : memref<64x1024xf32, #tpu.memory_space<vmem>>[vector<16xi32>, vector<16xi32>], vector<16xf32>,
        %mul3A_888 = arith.constant 16 : i32
        %mul3A_889 = arith.muli %select_n3A_327, %mul3A_888 : i32
        %add3A_890 = vector.broadcast %mul3A_889 : i32 to vector<16xi32>
        %add3A_891 = arith.addi %add3A_890, %iota3A : vector<16xi32>
        %mul3A_892 = arith.constant 0 : i32
        %mul3A_893 = vector.broadcast %mul3A_892 : i32 to vector<16xi32>
        %mul3A_894 = arith.muli %add3A_886, %mul3A_893 : vector<16xi32>
        %add3A_895 = arith.constant 29 : i32
        %add3A_896 = vector.broadcast %add3A_895 : i32 to vector<16xi32>
        %add3A_897 = arith.addi %mul3A_894, %add3A_896 : vector<16xi32>
        tpu.vector_store_idx %arg9[%add3A_891, %add3A_897], %gather3A_887 : memref<64x128xf32, #tpu.memory_space<vmem>>[vector<16xi32>, vector<16xi32>], vector<16xf32>,
        %mul3A_898 = arith.constant 0 : i32
        %mul3A_899 = vector.broadcast %mul3A_898 : i32 to vector<16xi32>
        %mul3A_900 = arith.muli %iota3A, %mul3A_899 : vector<16xi32>
        %add3A_901 = arith.constant 30 : i32
        %add3A_902 = arith.addi %mul3A_218, %add3A_901 : i32
        %add3A_903 = vector.broadcast %add3A_902 : i32 to vector<16xi32>
        %add3A_904 = arith.addi %mul3A_900, %add3A_903 : vector<16xi32>
        %gather3A_905 = tpu.vector_load_idx %arg7[%add3A_904, %and3A_309] : memref<64x1024xf32, #tpu.memory_space<vmem>>[vector<16xi32>, vector<16xi32>], vector<16xf32>,
        %mul3A_906 = arith.constant 16 : i32
        %mul3A_907 = arith.muli %select_n3A_327, %mul3A_906 : i32
        %add3A_908 = vector.broadcast %mul3A_907 : i32 to vector<16xi32>
        %add3A_909 = arith.addi %add3A_908, %iota3A : vector<16xi32>
        %mul3A_910 = arith.constant 0 : i32
        %mul3A_911 = vector.broadcast %mul3A_910 : i32 to vector<16xi32>
        %mul3A_912 = arith.muli %add3A_904, %mul3A_911 : vector<16xi32>
        %add3A_913 = arith.constant 30 : i32
        %add3A_914 = vector.broadcast %add3A_913 : i32 to vector<16xi32>
        %add3A_915 = arith.addi %mul3A_912, %add3A_914 : vector<16xi32>
        tpu.vector_store_idx %arg9[%add3A_909, %add3A_915], %gather3A_905 : memref<64x128xf32, #tpu.memory_space<vmem>>[vector<16xi32>, vector<16xi32>], vector<16xf32>,
        %mul3A_916 = arith.constant 0 : i32
        %mul3A_917 = vector.broadcast %mul3A_916 : i32 to vector<16xi32>
        %mul3A_918 = arith.muli %iota3A, %mul3A_917 : vector<16xi32>
        %add3A_919 = arith.constant 31 : i32
        %add3A_920 = arith.addi %mul3A_218, %add3A_919 : i32
        %add3A_921 = vector.broadcast %add3A_920 : i32 to vector<16xi32>
        %add3A_922 = arith.addi %mul3A_918, %add3A_921 : vector<16xi32>
        %gather3A_923 = tpu.vector_load_idx %arg7[%add3A_922, %and3A_309] : memref<64x1024xf32, #tpu.memory_space<vmem>>[vector<16xi32>, vector<16xi32>], vector<16xf32>,
        %mul3A_924 = arith.constant 16 : i32
        %mul3A_925 = arith.muli %select_n3A_327, %mul3A_924 : i32
        %add3A_926 = vector.broadcast %mul3A_925 : i32 to vector<16xi32>
        %add3A_927 = arith.addi %add3A_926, %iota3A : vector<16xi32>
        %mul3A_928 = arith.constant 0 : i32
        %mul3A_929 = vector.broadcast %mul3A_928 : i32 to vector<16xi32>
        %mul3A_930 = arith.muli %add3A_922, %mul3A_929 : vector<16xi32>
        %add3A_931 = arith.constant 31 : i32
        %add3A_932 = vector.broadcast %add3A_931 : i32 to vector<16xi32>
        %add3A_933 = arith.addi %mul3A_930, %add3A_932 : vector<16xi32>
        tpu.vector_store_idx %arg9[%add3A_927, %add3A_933], %gather3A_923 : memref<64x128xf32, #tpu.memory_space<vmem>>[vector<16xi32>, vector<16xi32>], vector<16xf32>,
        %eq3A_934 = arith.constant 0 : i32
        %eq3A_935 = arith.cmpi eq, %select_n3A_327, %eq3A_934 : i32
        %convert_element_type3A_936 = arith.extui %eq3A_935 : i1 to i32
        %cond3A_937 = arith.constant 0 : i32
        %cond3A_938 = arith.cmpi ne, %convert_element_type3A_936, %cond3A_937 : i32
        scf.if %cond3A_938 {
          %dma_start3A = arith.constant 0 : i32
          %dma_start3A_956 = arith.constant 0 : i32
          %dma_start3A_957 = tpu.memref_slice %arg9[%dma_start3A, %dma_start3A_956] : memref<64x128xf32, #tpu.memory_space<vmem>> -> memref<16x128xf32, #tpu.memory_space<vmem>>
          %dma_start3A_958 = arith.constant 0 : i32
          %dma_start3A_959 = arith.constant 0 : i32
          %dma_start3A_960 = tpu.memref_slice %arg4[%dma_start3A_958, %dma_start3A_959] : memref<16512x128xf32, #tpu.memory_space<hbm>> -> memref<16512x128xf32, #tpu.memory_space<hbm>>
          tpu.enqueue_indirect_dma source(%dma_start3A_957 : memref<16x128xf32, #tpu.memory_space<vmem>>) target(%dma_start3A_960 : memref<16512x128xf32, #tpu.memory_space<hbm>>) offsets(%shift_right_arithmetic3A_311 : vector<16xi32>) semaphore(%arg12 : memref<!tpu.dma_semaphore, #tpu.memory_space<semaphore_mem>>)
        } else {
        }
        %eq3A_939 = arith.constant 1 : i32
        %eq3A_940 = arith.cmpi eq, %select_n3A_327, %eq3A_939 : i32
        %convert_element_type3A_941 = arith.extui %eq3A_940 : i1 to i32
        %cond3A_942 = arith.constant 0 : i32
        %cond3A_943 = arith.cmpi ne, %convert_element_type3A_941, %cond3A_942 : i32
        scf.if %cond3A_943 {
          %dma_start3A = arith.constant 16 : i32
          %dma_start3A_956 = arith.constant 0 : i32
          %dma_start3A_957 = tpu.memref_slice %arg9[%dma_start3A, %dma_start3A_956] : memref<64x128xf32, #tpu.memory_space<vmem>> -> memref<16x128xf32, #tpu.memory_space<vmem>>
          %dma_start3A_958 = arith.constant 0 : i32
          %dma_start3A_959 = arith.constant 0 : i32
          %dma_start3A_960 = tpu.memref_slice %arg4[%dma_start3A_958, %dma_start3A_959] : memref<16512x128xf32, #tpu.memory_space<hbm>> -> memref<16512x128xf32, #tpu.memory_space<hbm>>
          tpu.enqueue_indirect_dma source(%dma_start3A_957 : memref<16x128xf32, #tpu.memory_space<vmem>>) target(%dma_start3A_960 : memref<16512x128xf32, #tpu.memory_space<hbm>>) offsets(%shift_right_arithmetic3A_311 : vector<16xi32>) semaphore(%arg13 : memref<!tpu.dma_semaphore, #tpu.memory_space<semaphore_mem>>)
        } else {
        }
        %eq3A_944 = arith.constant 2 : i32
        %eq3A_945 = arith.cmpi eq, %select_n3A_327, %eq3A_944 : i32
        %convert_element_type3A_946 = arith.extui %eq3A_945 : i1 to i32
        %cond3A_947 = arith.constant 0 : i32
        %cond3A_948 = arith.cmpi ne, %convert_element_type3A_946, %cond3A_947 : i32
        scf.if %cond3A_948 {
          %dma_start3A = arith.constant 32 : i32
          %dma_start3A_956 = arith.constant 0 : i32
          %dma_start3A_957 = tpu.memref_slice %arg9[%dma_start3A, %dma_start3A_956] : memref<64x128xf32, #tpu.memory_space<vmem>> -> memref<16x128xf32, #tpu.memory_space<vmem>>
          %dma_start3A_958 = arith.constant 0 : i32
          %dma_start3A_959 = arith.constant 0 : i32
          %dma_start3A_960 = tpu.memref_slice %arg4[%dma_start3A_958, %dma_start3A_959] : memref<16512x128xf32, #tpu.memory_space<hbm>> -> memref<16512x128xf32, #tpu.memory_space<hbm>>
          tpu.enqueue_indirect_dma source(%dma_start3A_957 : memref<16x128xf32, #tpu.memory_space<vmem>>) target(%dma_start3A_960 : memref<16512x128xf32, #tpu.memory_space<hbm>>) offsets(%shift_right_arithmetic3A_311 : vector<16xi32>) semaphore(%arg14 : memref<!tpu.dma_semaphore, #tpu.memory_space<semaphore_mem>>)
        } else {
        }
        %eq3A_949 = arith.constant 3 : i32
        %eq3A_950 = arith.cmpi eq, %select_n3A_327, %eq3A_949 : i32
        %convert_element_type3A_951 = arith.extui %eq3A_950 : i1 to i32
        %cond3A_952 = arith.constant 0 : i32
        %cond3A_953 = arith.cmpi ne, %convert_element_type3A_951, %cond3A_952 : i32
        scf.if %cond3A_953 {
          %dma_start3A = arith.constant 48 : i32
          %dma_start3A_956 = arith.constant 0 : i32
          %dma_start3A_957 = tpu.memref_slice %arg9[%dma_start3A, %dma_start3A_956] : memref<64x128xf32, #tpu.memory_space<vmem>> -> memref<16x128xf32, #tpu.memory_space<vmem>>
          %dma_start3A_958 = arith.constant 0 : i32
          %dma_start3A_959 = arith.constant 0 : i32
          %dma_start3A_960 = tpu.memref_slice %arg4[%dma_start3A_958, %dma_start3A_959] : memref<16512x128xf32, #tpu.memory_space<hbm>> -> memref<16512x128xf32, #tpu.memory_space<hbm>>
          tpu.enqueue_indirect_dma source(%dma_start3A_957 : memref<16x128xf32, #tpu.memory_space<vmem>>) target(%dma_start3A_960 : memref<16512x128xf32, #tpu.memory_space<hbm>>) offsets(%shift_right_arithmetic3A_311 : vector<16xi32>) semaphore(%arg15 : memref<!tpu.dma_semaphore, #tpu.memory_space<semaphore_mem>>)
        } else {
        }
        %add3A_954 = arith.constant 1 : i32
        %add3A_955 = arith.addi %while3A_303, %add3A_954 : i32
        scf.yield %add3A_955 : i32
      }
      %while3A_300 = arith.constant 1 : i32
      %while3A_301 = scf.for %while3A_302 = %while3A_297 to %while3A_293 step %while3A_300 iter_args(%while3A_303 = %while3A_299) -> (i32)  : i32 {
        %mul3A_304 = arith.constant 16 : i32
        %mul3A_305 = arith.muli %while3A_302, %mul3A_304 : i32
        %get3A = arith.index_cast %mul3A_305 : i32 to index
        %get3A_306 = tpu.vector_load %arg8[%get3A] {strides = array<i32>} : memref<16512xi32, #tpu.memory_space<vmem>>, vector<16xi32>,
        %and3A_307 = arith.constant 1023 : i32
        %and3A_308 = vector.broadcast %and3A_307 : i32 to vector<16xi32>
        %and3A_309 = arith.andi %get3A_306, %and3A_308 : vector<16xi32>
        %shift_right_arithmetic3A = arith.constant 10 : i32
        %shift_right_arithmetic3A_310 = vector.broadcast %shift_right_arithmetic3A : i32 to vector<16xi32>
        %shift_right_arithmetic3A_311 = arith.shrsi %get3A_306, %shift_right_arithmetic3A_310 : vector<16xi32>
        %jit3A_312 = arith.constant 4 : i32
        %eq3A_313 = arith.constant 0 : i32
        %eq3A_314 = arith.cmpi eq, %jit3A_312, %eq3A_313 : i32
        %jit3A_315 = arith.constant 1 : i32
        %select_n3A_316 = arith.select %eq3A_314, %jit3A_315, %jit3A_312 : i32
        %rem3A_317 = arith.remsi %while3A_303, %select_n3A_316 : i32
        %ne3A_318 = arith.constant 0 : i32
        %ne3A_319 = arith.cmpi ne, %rem3A_317, %ne3A_318 : i32
        %lt3A_320 = arith.constant 0 : i32
        %lt3A_321 = arith.cmpi slt, %rem3A_317, %lt3A_320 : i32
        %lt3A_322 = arith.constant 0 : i32
        %lt3A_323 = arith.cmpi slt, %select_n3A_316, %lt3A_322 : i32
        %ne3A_324 = arith.xori %lt3A_321, %lt3A_323 : i1
        %and3A_325 = arith.andi %ne3A_324, %ne3A_319 : i1
        %add3A_326 = arith.addi %rem3A_317, %select_n3A_316 : i32
        %select_n3A_327 = arith.select %and3A_325, %add3A_326, %rem3A_317 : i32
        %eq3A_328 = arith.constant 0 : i32
        %eq3A_329 = arith.cmpi eq, %select_n3A_327, %eq3A_328 : i32
        %ge3A = arith.constant 4 : i32
        %ge3A_330 = arith.cmpi sge, %while3A_303, %ge3A : i32
        %and3A_331 = arith.andi %eq3A_329, %ge3A_330 : i1
        %convert_element_type3A_332 = arith.extui %and3A_331 : i1 to i32
        %cond3A_333 = arith.constant 0 : i32
        %cond3A_334 = arith.cmpi ne, %convert_element_type3A_332, %cond3A_333 : i32
        scf.if %cond3A_334 {
          %dma_wait3A = arith.constant 0 : i32
          %dma_wait3A_956 = arith.constant 0 : i32
          %dma_wait3A_957 = tpu.memref_slice %arg9[%dma_wait3A, %dma_wait3A_956] : memref<64x128xf32, #tpu.memory_space<vmem>> -> memref<16x128xf32, #tpu.memory_space<vmem>>
          %dma_wait3A_958 = arith.constant 0 : i32
          %dma_wait3A_959 = arith.constant 0 : i32
          %dma_wait3A_960 = tpu.memref_slice %arg4[%dma_wait3A_958, %dma_wait3A_959] : memref<16512x128xf32, #tpu.memory_space<hbm>> -> memref<16512x128xf32, #tpu.memory_space<hbm>>
          tpu.wait_indirect_dma semaphore(%arg12 : memref<!tpu.dma_semaphore, #tpu.memory_space<semaphore_mem>>) src(%dma_wait3A_957 : memref<16x128xf32, #tpu.memory_space<vmem>>) dst(%dma_wait3A_960 : memref<16512x128xf32, #tpu.memory_space<hbm>>)
        } else {
        }
        %eq3A_335 = arith.constant 1 : i32
        %eq3A_336 = arith.cmpi eq, %select_n3A_327, %eq3A_335 : i32
        %ge3A_337 = arith.constant 4 : i32
        %ge3A_338 = arith.cmpi sge, %while3A_303, %ge3A_337 : i32
        %and3A_339 = arith.andi %eq3A_336, %ge3A_338 : i1
        %convert_element_type3A_340 = arith.extui %and3A_339 : i1 to i32
        %cond3A_341 = arith.constant 0 : i32
        %cond3A_342 = arith.cmpi ne, %convert_element_type3A_340, %cond3A_341 : i32
        scf.if %cond3A_342 {
          %dma_wait3A = arith.constant 16 : i32
          %dma_wait3A_956 = arith.constant 0 : i32
          %dma_wait3A_957 = tpu.memref_slice %arg9[%dma_wait3A, %dma_wait3A_956] : memref<64x128xf32, #tpu.memory_space<vmem>> -> memref<16x128xf32, #tpu.memory_space<vmem>>
          %dma_wait3A_958 = arith.constant 0 : i32
          %dma_wait3A_959 = arith.constant 0 : i32
          %dma_wait3A_960 = tpu.memref_slice %arg4[%dma_wait3A_958, %dma_wait3A_959] : memref<16512x128xf32, #tpu.memory_space<hbm>> -> memref<16512x128xf32, #tpu.memory_space<hbm>>
          tpu.wait_indirect_dma semaphore(%arg13 : memref<!tpu.dma_semaphore, #tpu.memory_space<semaphore_mem>>) src(%dma_wait3A_957 : memref<16x128xf32, #tpu.memory_space<vmem>>) dst(%dma_wait3A_960 : memref<16512x128xf32, #tpu.memory_space<hbm>>)
        } else {
        }
        %eq3A_343 = arith.constant 2 : i32
        %eq3A_344 = arith.cmpi eq, %select_n3A_327, %eq3A_343 : i32
        %ge3A_345 = arith.constant 4 : i32
        %ge3A_346 = arith.cmpi sge, %while3A_303, %ge3A_345 : i32
        %and3A_347 = arith.andi %eq3A_344, %ge3A_346 : i1
        %convert_element_type3A_348 = arith.extui %and3A_347 : i1 to i32
        %cond3A_349 = arith.constant 0 : i32
        %cond3A_350 = arith.cmpi ne, %convert_element_type3A_348, %cond3A_349 : i32
        scf.if %cond3A_350 {
          %dma_wait3A = arith.constant 32 : i32
          %dma_wait3A_956 = arith.constant 0 : i32
          %dma_wait3A_957 = tpu.memref_slice %arg9[%dma_wait3A, %dma_wait3A_956] : memref<64x128xf32, #tpu.memory_space<vmem>> -> memref<16x128xf32, #tpu.memory_space<vmem>>
          %dma_wait3A_958 = arith.constant 0 : i32
          %dma_wait3A_959 = arith.constant 0 : i32
          %dma_wait3A_960 = tpu.memref_slice %arg4[%dma_wait3A_958, %dma_wait3A_959] : memref<16512x128xf32, #tpu.memory_space<hbm>> -> memref<16512x128xf32, #tpu.memory_space<hbm>>
          tpu.wait_indirect_dma semaphore(%arg14 : memref<!tpu.dma_semaphore, #tpu.memory_space<semaphore_mem>>) src(%dma_wait3A_957 : memref<16x128xf32, #tpu.memory_space<vmem>>) dst(%dma_wait3A_960 : memref<16512x128xf32, #tpu.memory_space<hbm>>)
        } else {
        }
        %eq3A_351 = arith.constant 3 : i32
        %eq3A_352 = arith.cmpi eq, %select_n3A_327, %eq3A_351 : i32
        %ge3A_353 = arith.constant 4 : i32
        %ge3A_354 = arith.cmpi sge, %while3A_303, %ge3A_353 : i32
        %and3A_355 = arith.andi %eq3A_352, %ge3A_354 : i1
        %convert_element_type3A_356 = arith.extui %and3A_355 : i1 to i32
        %cond3A_357 = arith.constant 0 : i32
        %cond3A_358 = arith.cmpi ne, %convert_element_type3A_356, %cond3A_357 : i32
        scf.if %cond3A_358 {
          %dma_wait3A = arith.constant 48 : i32
          %dma_wait3A_956 = arith.constant 0 : i32
          %dma_wait3A_957 = tpu.memref_slice %arg9[%dma_wait3A, %dma_wait3A_956] : memref<64x128xf32, #tpu.memory_space<vmem>> -> memref<16x128xf32, #tpu.memory_space<vmem>>
          %dma_wait3A_958 = arith.constant 0 : i32
          %dma_wait3A_959 = arith.constant 0 : i32
          %dma_wait3A_960 = tpu.memref_slice %arg4[%dma_wait3A_958, %dma_wait3A_959] : memref<16512x128xf32, #tpu.memory_space<hbm>> -> memref<16512x128xf32, #tpu.memory_space<hbm>>
          tpu.wait_indirect_dma semaphore(%arg15 : memref<!tpu.dma_semaphore, #tpu.memory_space<semaphore_mem>>) src(%dma_wait3A_957 : memref<16x128xf32, #tpu.memory_space<vmem>>) dst(%dma_wait3A_960 : memref<16512x128xf32, #tpu.memory_space<hbm>>)
        } else {
        }
        %mul3A_359 = arith.constant 0 : i32
        %mul3A_360 = vector.broadcast %mul3A_359 : i32 to vector<16xi32>
        %mul3A_361 = arith.muli %iota3A, %mul3A_360 : vector<16xi32>
        %add3A_362 = arith.constant 0 : i32
        %add3A_363 = arith.addi %mul3A_218, %add3A_362 : i32
        %add3A_364 = vector.broadcast %add3A_363 : i32 to vector<16xi32>
        %add3A_365 = arith.addi %mul3A_361, %add3A_364 : vector<16xi32>
        %gather3A = tpu.vector_load_idx %arg7[%add3A_365, %and3A_309] : memref<64x1024xf32, #tpu.memory_space<vmem>>[vector<16xi32>, vector<16xi32>], vector<16xf32>,
        %mul3A_366 = arith.constant 16 : i32
        %mul3A_367 = arith.muli %select_n3A_327, %mul3A_366 : i32
        %add3A_368 = vector.broadcast %mul3A_367 : i32 to vector<16xi32>
        %add3A_369 = arith.addi %add3A_368, %iota3A : vector<16xi32>
        %mul3A_370 = arith.constant 0 : i32
        %mul3A_371 = vector.broadcast %mul3A_370 : i32 to vector<16xi32>
        %mul3A_372 = arith.muli %add3A_365, %mul3A_371 : vector<16xi32>
        %add3A_373 = arith.constant 0 : i32
        %add3A_374 = vector.broadcast %add3A_373 : i32 to vector<16xi32>
        %add3A_375 = arith.addi %mul3A_372, %add3A_374 : vector<16xi32>
        tpu.vector_store_idx %arg9[%add3A_369, %add3A_375], %gather3A : memref<64x128xf32, #tpu.memory_space<vmem>>[vector<16xi32>, vector<16xi32>], vector<16xf32>,
        %mul3A_376 = arith.constant 0 : i32
        %mul3A_377 = vector.broadcast %mul3A_376 : i32 to vector<16xi32>
        %mul3A_378 = arith.muli %iota3A, %mul3A_377 : vector<16xi32>
        %add3A_379 = arith.constant 1 : i32
        %add3A_380 = arith.addi %mul3A_218, %add3A_379 : i32
        %add3A_381 = vector.broadcast %add3A_380 : i32 to vector<16xi32>
        %add3A_382 = arith.addi %mul3A_378, %add3A_381 : vector<16xi32>
        %gather3A_383 = tpu.vector_load_idx %arg7[%add3A_382, %and3A_309] : memref<64x1024xf32, #tpu.memory_space<vmem>>[vector<16xi32>, vector<16xi32>], vector<16xf32>,
        %mul3A_384 = arith.constant 16 : i32
        %mul3A_385 = arith.muli %select_n3A_327, %mul3A_384 : i32
        %add3A_386 = vector.broadcast %mul3A_385 : i32 to vector<16xi32>
        %add3A_387 = arith.addi %add3A_386, %iota3A : vector<16xi32>
        %mul3A_388 = arith.constant 0 : i32
        %mul3A_389 = vector.broadcast %mul3A_388 : i32 to vector<16xi32>
        %mul3A_390 = arith.muli %add3A_382, %mul3A_389 : vector<16xi32>
        %add3A_391 = arith.constant 1 : i32
        %add3A_392 = vector.broadcast %add3A_391 : i32 to vector<16xi32>
        %add3A_393 = arith.addi %mul3A_390, %add3A_392 : vector<16xi32>
        tpu.vector_store_idx %arg9[%add3A_387, %add3A_393], %gather3A_383 : memref<64x128xf32, #tpu.memory_space<vmem>>[vector<16xi32>, vector<16xi32>], vector<16xf32>,
        %mul3A_394 = arith.constant 0 : i32
        %mul3A_395 = vector.broadcast %mul3A_394 : i32 to vector<16xi32>
        %mul3A_396 = arith.muli %iota3A, %mul3A_395 : vector<16xi32>
        %add3A_397 = arith.constant 2 : i32
        %add3A_398 = arith.addi %mul3A_218, %add3A_397 : i32
        %add3A_399 = vector.broadcast %add3A_398 : i32 to vector<16xi32>
        %add3A_400 = arith.addi %mul3A_396, %add3A_399 : vector<16xi32>
        %gather3A_401 = tpu.vector_load_idx %arg7[%add3A_400, %and3A_309] : memref<64x1024xf32, #tpu.memory_space<vmem>>[vector<16xi32>, vector<16xi32>], vector<16xf32>,
        %mul3A_402 = arith.constant 16 : i32
        %mul3A_403 = arith.muli %select_n3A_327, %mul3A_402 : i32
        %add3A_404 = vector.broadcast %mul3A_403 : i32 to vector<16xi32>
        %add3A_405 = arith.addi %add3A_404, %iota3A : vector<16xi32>
        %mul3A_406 = arith.constant 0 : i32
        %mul3A_407 = vector.broadcast %mul3A_406 : i32 to vector<16xi32>
        %mul3A_408 = arith.muli %add3A_400, %mul3A_407 : vector<16xi32>
        %add3A_409 = arith.constant 2 : i32
        %add3A_410 = vector.broadcast %add3A_409 : i32 to vector<16xi32>
        %add3A_411 = arith.addi %mul3A_408, %add3A_410 : vector<16xi32>
        tpu.vector_store_idx %arg9[%add3A_405, %add3A_411], %gather3A_401 : memref<64x128xf32, #tpu.memory_space<vmem>>[vector<16xi32>, vector<16xi32>], vector<16xf32>,
        %mul3A_412 = arith.constant 0 : i32
        %mul3A_413 = vector.broadcast %mul3A_412 : i32 to vector<16xi32>
        %mul3A_414 = arith.muli %iota3A, %mul3A_413 : vector<16xi32>
        %add3A_415 = arith.constant 3 : i32
        %add3A_416 = arith.addi %mul3A_218, %add3A_415 : i32
        %add3A_417 = vector.broadcast %add3A_416 : i32 to vector<16xi32>
        %add3A_418 = arith.addi %mul3A_414, %add3A_417 : vector<16xi32>
        %gather3A_419 = tpu.vector_load_idx %arg7[%add3A_418, %and3A_309] : memref<64x1024xf32, #tpu.memory_space<vmem>>[vector<16xi32>, vector<16xi32>], vector<16xf32>,
        %mul3A_420 = arith.constant 16 : i32
        %mul3A_421 = arith.muli %select_n3A_327, %mul3A_420 : i32
        %add3A_422 = vector.broadcast %mul3A_421 : i32 to vector<16xi32>
        %add3A_423 = arith.addi %add3A_422, %iota3A : vector<16xi32>
        %mul3A_424 = arith.constant 0 : i32
        %mul3A_425 = vector.broadcast %mul3A_424 : i32 to vector<16xi32>
        %mul3A_426 = arith.muli %add3A_418, %mul3A_425 : vector<16xi32>
        %add3A_427 = arith.constant 3 : i32
        %add3A_428 = vector.broadcast %add3A_427 : i32 to vector<16xi32>
        %add3A_429 = arith.addi %mul3A_426, %add3A_428 : vector<16xi32>
        tpu.vector_store_idx %arg9[%add3A_423, %add3A_429], %gather3A_419 : memref<64x128xf32, #tpu.memory_space<vmem>>[vector<16xi32>, vector<16xi32>], vector<16xf32>,
        %mul3A_430 = arith.constant 0 : i32
        %mul3A_431 = vector.broadcast %mul3A_430 : i32 to vector<16xi32>
        %mul3A_432 = arith.muli %iota3A, %mul3A_431 : vector<16xi32>
        %add3A_433 = arith.constant 4 : i32
        %add3A_434 = arith.addi %mul3A_218, %add3A_433 : i32
        %add3A_435 = vector.broadcast %add3A_434 : i32 to vector<16xi32>
        %add3A_436 = arith.addi %mul3A_432, %add3A_435 : vector<16xi32>
        %gather3A_437 = tpu.vector_load_idx %arg7[%add3A_436, %and3A_309] : memref<64x1024xf32, #tpu.memory_space<vmem>>[vector<16xi32>, vector<16xi32>], vector<16xf32>,
        %mul3A_438 = arith.constant 16 : i32
        %mul3A_439 = arith.muli %select_n3A_327, %mul3A_438 : i32
        %add3A_440 = vector.broadcast %mul3A_439 : i32 to vector<16xi32>
        %add3A_441 = arith.addi %add3A_440, %iota3A : vector<16xi32>
        %mul3A_442 = arith.constant 0 : i32
        %mul3A_443 = vector.broadcast %mul3A_442 : i32 to vector<16xi32>
        %mul3A_444 = arith.muli %add3A_436, %mul3A_443 : vector<16xi32>
        %add3A_445 = arith.constant 4 : i32
        %add3A_446 = vector.broadcast %add3A_445 : i32 to vector<16xi32>
        %add3A_447 = arith.addi %mul3A_444, %add3A_446 : vector<16xi32>
        tpu.vector_store_idx %arg9[%add3A_441, %add3A_447], %gather3A_437 : memref<64x128xf32, #tpu.memory_space<vmem>>[vector<16xi32>, vector<16xi32>], vector<16xf32>,
        %mul3A_448 = arith.constant 0 : i32
        %mul3A_449 = vector.broadcast %mul3A_448 : i32 to vector<16xi32>
        %mul3A_450 = arith.muli %iota3A, %mul3A_449 : vector<16xi32>
        %add3A_451 = arith.constant 5 : i32
        %add3A_452 = arith.addi %mul3A_218, %add3A_451 : i32
        %add3A_453 = vector.broadcast %add3A_452 : i32 to vector<16xi32>
        %add3A_454 = arith.addi %mul3A_450, %add3A_453 : vector<16xi32>
        %gather3A_455 = tpu.vector_load_idx %arg7[%add3A_454, %and3A_309] : memref<64x1024xf32, #tpu.memory_space<vmem>>[vector<16xi32>, vector<16xi32>], vector<16xf32>,
        %mul3A_456 = arith.constant 16 : i32
        %mul3A_457 = arith.muli %select_n3A_327, %mul3A_456 : i32
        %add3A_458 = vector.broadcast %mul3A_457 : i32 to vector<16xi32>
        %add3A_459 = arith.addi %add3A_458, %iota3A : vector<16xi32>
        %mul3A_460 = arith.constant 0 : i32
        %mul3A_461 = vector.broadcast %mul3A_460 : i32 to vector<16xi32>
        %mul3A_462 = arith.muli %add3A_454, %mul3A_461 : vector<16xi32>
        %add3A_463 = arith.constant 5 : i32
        %add3A_464 = vector.broadcast %add3A_463 : i32 to vector<16xi32>
        %add3A_465 = arith.addi %mul3A_462, %add3A_464 : vector<16xi32>
        tpu.vector_store_idx %arg9[%add3A_459, %add3A_465], %gather3A_455 : memref<64x128xf32, #tpu.memory_space<vmem>>[vector<16xi32>, vector<16xi32>], vector<16xf32>,
        %mul3A_466 = arith.constant 0 : i32
        %mul3A_467 = vector.broadcast %mul3A_466 : i32 to vector<16xi32>
        %mul3A_468 = arith.muli %iota3A, %mul3A_467 : vector<16xi32>
        %add3A_469 = arith.constant 6 : i32
        %add3A_470 = arith.addi %mul3A_218, %add3A_469 : i32
        %add3A_471 = vector.broadcast %add3A_470 : i32 to vector<16xi32>
        %add3A_472 = arith.addi %mul3A_468, %add3A_471 : vector<16xi32>
        %gather3A_473 = tpu.vector_load_idx %arg7[%add3A_472, %and3A_309] : memref<64x1024xf32, #tpu.memory_space<vmem>>[vector<16xi32>, vector<16xi32>], vector<16xf32>,
        %mul3A_474 = arith.constant 16 : i32
        %mul3A_475 = arith.muli %select_n3A_327, %mul3A_474 : i32
        %add3A_476 = vector.broadcast %mul3A_475 : i32 to vector<16xi32>
        %add3A_477 = arith.addi %add3A_476, %iota3A : vector<16xi32>
        %mul3A_478 = arith.constant 0 : i32
        %mul3A_479 = vector.broadcast %mul3A_478 : i32 to vector<16xi32>
        %mul3A_480 = arith.muli %add3A_472, %mul3A_479 : vector<16xi32>
        %add3A_481 = arith.constant 6 : i32
        %add3A_482 = vector.broadcast %add3A_481 : i32 to vector<16xi32>
        %add3A_483 = arith.addi %mul3A_480, %add3A_482 : vector<16xi32>
        tpu.vector_store_idx %arg9[%add3A_477, %add3A_483], %gather3A_473 : memref<64x128xf32, #tpu.memory_space<vmem>>[vector<16xi32>, vector<16xi32>], vector<16xf32>,
        %mul3A_484 = arith.constant 0 : i32
        %mul3A_485 = vector.broadcast %mul3A_484 : i32 to vector<16xi32>
        %mul3A_486 = arith.muli %iota3A, %mul3A_485 : vector<16xi32>
        %add3A_487 = arith.constant 7 : i32
        %add3A_488 = arith.addi %mul3A_218, %add3A_487 : i32
        %add3A_489 = vector.broadcast %add3A_488 : i32 to vector<16xi32>
        %add3A_490 = arith.addi %mul3A_486, %add3A_489 : vector<16xi32>
        %gather3A_491 = tpu.vector_load_idx %arg7[%add3A_490, %and3A_309] : memref<64x1024xf32, #tpu.memory_space<vmem>>[vector<16xi32>, vector<16xi32>], vector<16xf32>,
        %mul3A_492 = arith.constant 16 : i32
        %mul3A_493 = arith.muli %select_n3A_327, %mul3A_492 : i32
        %add3A_494 = vector.broadcast %mul3A_493 : i32 to vector<16xi32>
        %add3A_495 = arith.addi %add3A_494, %iota3A : vector<16xi32>
        %mul3A_496 = arith.constant 0 : i32
        %mul3A_497 = vector.broadcast %mul3A_496 : i32 to vector<16xi32>
        %mul3A_498 = arith.muli %add3A_490, %mul3A_497 : vector<16xi32>
        %add3A_499 = arith.constant 7 : i32
        %add3A_500 = vector.broadcast %add3A_499 : i32 to vector<16xi32>
        %add3A_501 = arith.addi %mul3A_498, %add3A_500 : vector<16xi32>
        tpu.vector_store_idx %arg9[%add3A_495, %add3A_501], %gather3A_491 : memref<64x128xf32, #tpu.memory_space<vmem>>[vector<16xi32>, vector<16xi32>], vector<16xf32>,
        %mul3A_502 = arith.constant 0 : i32
        %mul3A_503 = vector.broadcast %mul3A_502 : i32 to vector<16xi32>
        %mul3A_504 = arith.muli %iota3A, %mul3A_503 : vector<16xi32>
        %add3A_505 = arith.constant 8 : i32
        %add3A_506 = arith.addi %mul3A_218, %add3A_505 : i32
        %add3A_507 = vector.broadcast %add3A_506 : i32 to vector<16xi32>
        %add3A_508 = arith.addi %mul3A_504, %add3A_507 : vector<16xi32>
        %gather3A_509 = tpu.vector_load_idx %arg7[%add3A_508, %and3A_309] : memref<64x1024xf32, #tpu.memory_space<vmem>>[vector<16xi32>, vector<16xi32>], vector<16xf32>,
        %mul3A_510 = arith.constant 16 : i32
        %mul3A_511 = arith.muli %select_n3A_327, %mul3A_510 : i32
        %add3A_512 = vector.broadcast %mul3A_511 : i32 to vector<16xi32>
        %add3A_513 = arith.addi %add3A_512, %iota3A : vector<16xi32>
        %mul3A_514 = arith.constant 0 : i32
        %mul3A_515 = vector.broadcast %mul3A_514 : i32 to vector<16xi32>
        %mul3A_516 = arith.muli %add3A_508, %mul3A_515 : vector<16xi32>
        %add3A_517 = arith.constant 8 : i32
        %add3A_518 = vector.broadcast %add3A_517 : i32 to vector<16xi32>
        %add3A_519 = arith.addi %mul3A_516, %add3A_518 : vector<16xi32>
        tpu.vector_store_idx %arg9[%add3A_513, %add3A_519], %gather3A_509 : memref<64x128xf32, #tpu.memory_space<vmem>>[vector<16xi32>, vector<16xi32>], vector<16xf32>,
        %mul3A_520 = arith.constant 0 : i32
        %mul3A_521 = vector.broadcast %mul3A_520 : i32 to vector<16xi32>
        %mul3A_522 = arith.muli %iota3A, %mul3A_521 : vector<16xi32>
        %add3A_523 = arith.constant 9 : i32
        %add3A_524 = arith.addi %mul3A_218, %add3A_523 : i32
        %add3A_525 = vector.broadcast %add3A_524 : i32 to vector<16xi32>
        %add3A_526 = arith.addi %mul3A_522, %add3A_525 : vector<16xi32>
        %gather3A_527 = tpu.vector_load_idx %arg7[%add3A_526, %and3A_309] : memref<64x1024xf32, #tpu.memory_space<vmem>>[vector<16xi32>, vector<16xi32>], vector<16xf32>,
        %mul3A_528 = arith.constant 16 : i32
        %mul3A_529 = arith.muli %select_n3A_327, %mul3A_528 : i32
        %add3A_530 = vector.broadcast %mul3A_529 : i32 to vector<16xi32>
        %add3A_531 = arith.addi %add3A_530, %iota3A : vector<16xi32>
        %mul3A_532 = arith.constant 0 : i32
        %mul3A_533 = vector.broadcast %mul3A_532 : i32 to vector<16xi32>
        %mul3A_534 = arith.muli %add3A_526, %mul3A_533 : vector<16xi32>
        %add3A_535 = arith.constant 9 : i32
        %add3A_536 = vector.broadcast %add3A_535 : i32 to vector<16xi32>
        %add3A_537 = arith.addi %mul3A_534, %add3A_536 : vector<16xi32>
        tpu.vector_store_idx %arg9[%add3A_531, %add3A_537], %gather3A_527 : memref<64x128xf32, #tpu.memory_space<vmem>>[vector<16xi32>, vector<16xi32>], vector<16xf32>,
        %mul3A_538 = arith.constant 0 : i32
        %mul3A_539 = vector.broadcast %mul3A_538 : i32 to vector<16xi32>
        %mul3A_540 = arith.muli %iota3A, %mul3A_539 : vector<16xi32>
        %add3A_541 = arith.constant 10 : i32
        %add3A_542 = arith.addi %mul3A_218, %add3A_541 : i32
        %add3A_543 = vector.broadcast %add3A_542 : i32 to vector<16xi32>
        %add3A_544 = arith.addi %mul3A_540, %add3A_543 : vector<16xi32>
        %gather3A_545 = tpu.vector_load_idx %arg7[%add3A_544, %and3A_309] : memref<64x1024xf32, #tpu.memory_space<vmem>>[vector<16xi32>, vector<16xi32>], vector<16xf32>,
        %mul3A_546 = arith.constant 16 : i32
        %mul3A_547 = arith.muli %select_n3A_327, %mul3A_546 : i32
        %add3A_548 = vector.broadcast %mul3A_547 : i32 to vector<16xi32>
        %add3A_549 = arith.addi %add3A_548, %iota3A : vector<16xi32>
        %mul3A_550 = arith.constant 0 : i32
        %mul3A_551 = vector.broadcast %mul3A_550 : i32 to vector<16xi32>
        %mul3A_552 = arith.muli %add3A_544, %mul3A_551 : vector<16xi32>
        %add3A_553 = arith.constant 10 : i32
        %add3A_554 = vector.broadcast %add3A_553 : i32 to vector<16xi32>
        %add3A_555 = arith.addi %mul3A_552, %add3A_554 : vector<16xi32>
        tpu.vector_store_idx %arg9[%add3A_549, %add3A_555], %gather3A_545 : memref<64x128xf32, #tpu.memory_space<vmem>>[vector<16xi32>, vector<16xi32>], vector<16xf32>,
        %mul3A_556 = arith.constant 0 : i32
        %mul3A_557 = vector.broadcast %mul3A_556 : i32 to vector<16xi32>
        %mul3A_558 = arith.muli %iota3A, %mul3A_557 : vector<16xi32>
        %add3A_559 = arith.constant 11 : i32
        %add3A_560 = arith.addi %mul3A_218, %add3A_559 : i32
        %add3A_561 = vector.broadcast %add3A_560 : i32 to vector<16xi32>
        %add3A_562 = arith.addi %mul3A_558, %add3A_561 : vector<16xi32>
        %gather3A_563 = tpu.vector_load_idx %arg7[%add3A_562, %and3A_309] : memref<64x1024xf32, #tpu.memory_space<vmem>>[vector<16xi32>, vector<16xi32>], vector<16xf32>,
        %mul3A_564 = arith.constant 16 : i32
        %mul3A_565 = arith.muli %select_n3A_327, %mul3A_564 : i32
        %add3A_566 = vector.broadcast %mul3A_565 : i32 to vector<16xi32>
        %add3A_567 = arith.addi %add3A_566, %iota3A : vector<16xi32>
        %mul3A_568 = arith.constant 0 : i32
        %mul3A_569 = vector.broadcast %mul3A_568 : i32 to vector<16xi32>
        %mul3A_570 = arith.muli %add3A_562, %mul3A_569 : vector<16xi32>
        %add3A_571 = arith.constant 11 : i32
        %add3A_572 = vector.broadcast %add3A_571 : i32 to vector<16xi32>
        %add3A_573 = arith.addi %mul3A_570, %add3A_572 : vector<16xi32>
        tpu.vector_store_idx %arg9[%add3A_567, %add3A_573], %gather3A_563 : memref<64x128xf32, #tpu.memory_space<vmem>>[vector<16xi32>, vector<16xi32>], vector<16xf32>,
        %mul3A_574 = arith.constant 0 : i32
        %mul3A_575 = vector.broadcast %mul3A_574 : i32 to vector<16xi32>
        %mul3A_576 = arith.muli %iota3A, %mul3A_575 : vector<16xi32>
        %add3A_577 = arith.constant 12 : i32
        %add3A_578 = arith.addi %mul3A_218, %add3A_577 : i32
        %add3A_579 = vector.broadcast %add3A_578 : i32 to vector<16xi32>
        %add3A_580 = arith.addi %mul3A_576, %add3A_579 : vector<16xi32>
        %gather3A_581 = tpu.vector_load_idx %arg7[%add3A_580, %and3A_309] : memref<64x1024xf32, #tpu.memory_space<vmem>>[vector<16xi32>, vector<16xi32>], vector<16xf32>,
        %mul3A_582 = arith.constant 16 : i32
        %mul3A_583 = arith.muli %select_n3A_327, %mul3A_582 : i32
        %add3A_584 = vector.broadcast %mul3A_583 : i32 to vector<16xi32>
        %add3A_585 = arith.addi %add3A_584, %iota3A : vector<16xi32>
        %mul3A_586 = arith.constant 0 : i32
        %mul3A_587 = vector.broadcast %mul3A_586 : i32 to vector<16xi32>
        %mul3A_588 = arith.muli %add3A_580, %mul3A_587 : vector<16xi32>
        %add3A_589 = arith.constant 12 : i32
        %add3A_590 = vector.broadcast %add3A_589 : i32 to vector<16xi32>
        %add3A_591 = arith.addi %mul3A_588, %add3A_590 : vector<16xi32>
        tpu.vector_store_idx %arg9[%add3A_585, %add3A_591], %gather3A_581 : memref<64x128xf32, #tpu.memory_space<vmem>>[vector<16xi32>, vector<16xi32>], vector<16xf32>,
        %mul3A_592 = arith.constant 0 : i32
        %mul3A_593 = vector.broadcast %mul3A_592 : i32 to vector<16xi32>
        %mul3A_594 = arith.muli %iota3A, %mul3A_593 : vector<16xi32>
        %add3A_595 = arith.constant 13 : i32
        %add3A_596 = arith.addi %mul3A_218, %add3A_595 : i32
        %add3A_597 = vector.broadcast %add3A_596 : i32 to vector<16xi32>
        %add3A_598 = arith.addi %mul3A_594, %add3A_597 : vector<16xi32>
        %gather3A_599 = tpu.vector_load_idx %arg7[%add3A_598, %and3A_309] : memref<64x1024xf32, #tpu.memory_space<vmem>>[vector<16xi32>, vector<16xi32>], vector<16xf32>,
        %mul3A_600 = arith.constant 16 : i32
        %mul3A_601 = arith.muli %select_n3A_327, %mul3A_600 : i32
        %add3A_602 = vector.broadcast %mul3A_601 : i32 to vector<16xi32>
        %add3A_603 = arith.addi %add3A_602, %iota3A : vector<16xi32>
        %mul3A_604 = arith.constant 0 : i32
        %mul3A_605 = vector.broadcast %mul3A_604 : i32 to vector<16xi32>
        %mul3A_606 = arith.muli %add3A_598, %mul3A_605 : vector<16xi32>
        %add3A_607 = arith.constant 13 : i32
        %add3A_608 = vector.broadcast %add3A_607 : i32 to vector<16xi32>
        %add3A_609 = arith.addi %mul3A_606, %add3A_608 : vector<16xi32>
        tpu.vector_store_idx %arg9[%add3A_603, %add3A_609], %gather3A_599 : memref<64x128xf32, #tpu.memory_space<vmem>>[vector<16xi32>, vector<16xi32>], vector<16xf32>,
        %mul3A_610 = arith.constant 0 : i32
        %mul3A_611 = vector.broadcast %mul3A_610 : i32 to vector<16xi32>
        %mul3A_612 = arith.muli %iota3A, %mul3A_611 : vector<16xi32>
        %add3A_613 = arith.constant 14 : i32
        %add3A_614 = arith.addi %mul3A_218, %add3A_613 : i32
        %add3A_615 = vector.broadcast %add3A_614 : i32 to vector<16xi32>
        %add3A_616 = arith.addi %mul3A_612, %add3A_615 : vector<16xi32>
        %gather3A_617 = tpu.vector_load_idx %arg7[%add3A_616, %and3A_309] : memref<64x1024xf32, #tpu.memory_space<vmem>>[vector<16xi32>, vector<16xi32>], vector<16xf32>,
        %mul3A_618 = arith.constant 16 : i32
        %mul3A_619 = arith.muli %select_n3A_327, %mul3A_618 : i32
        %add3A_620 = vector.broadcast %mul3A_619 : i32 to vector<16xi32>
        %add3A_621 = arith.addi %add3A_620, %iota3A : vector<16xi32>
        %mul3A_622 = arith.constant 0 : i32
        %mul3A_623 = vector.broadcast %mul3A_622 : i32 to vector<16xi32>
        %mul3A_624 = arith.muli %add3A_616, %mul3A_623 : vector<16xi32>
        %add3A_625 = arith.constant 14 : i32
        %add3A_626 = vector.broadcast %add3A_625 : i32 to vector<16xi32>
        %add3A_627 = arith.addi %mul3A_624, %add3A_626 : vector<16xi32>
        tpu.vector_store_idx %arg9[%add3A_621, %add3A_627], %gather3A_617 : memref<64x128xf32, #tpu.memory_space<vmem>>[vector<16xi32>, vector<16xi32>], vector<16xf32>,
        %mul3A_628 = arith.constant 0 : i32
        %mul3A_629 = vector.broadcast %mul3A_628 : i32 to vector<16xi32>
        %mul3A_630 = arith.muli %iota3A, %mul3A_629 : vector<16xi32>
        %add3A_631 = arith.constant 15 : i32
        %add3A_632 = arith.addi %mul3A_218, %add3A_631 : i32
        %add3A_633 = vector.broadcast %add3A_632 : i32 to vector<16xi32>
        %add3A_634 = arith.addi %mul3A_630, %add3A_633 : vector<16xi32>
        %gather3A_635 = tpu.vector_load_idx %arg7[%add3A_634, %and3A_309] : memref<64x1024xf32, #tpu.memory_space<vmem>>[vector<16xi32>, vector<16xi32>], vector<16xf32>,
        %mul3A_636 = arith.constant 16 : i32
        %mul3A_637 = arith.muli %select_n3A_327, %mul3A_636 : i32
        %add3A_638 = vector.broadcast %mul3A_637 : i32 to vector<16xi32>
        %add3A_639 = arith.addi %add3A_638, %iota3A : vector<16xi32>
        %mul3A_640 = arith.constant 0 : i32
        %mul3A_641 = vector.broadcast %mul3A_640 : i32 to vector<16xi32>
        %mul3A_642 = arith.muli %add3A_634, %mul3A_641 : vector<16xi32>
        %add3A_643 = arith.constant 15 : i32
        %add3A_644 = vector.broadcast %add3A_643 : i32 to vector<16xi32>
        %add3A_645 = arith.addi %mul3A_642, %add3A_644 : vector<16xi32>
        tpu.vector_store_idx %arg9[%add3A_639, %add3A_645], %gather3A_635 : memref<64x128xf32, #tpu.memory_space<vmem>>[vector<16xi32>, vector<16xi32>], vector<16xf32>,
        %mul3A_646 = arith.constant 0 : i32
        %mul3A_647 = vector.broadcast %mul3A_646 : i32 to vector<16xi32>
        %mul3A_648 = arith.muli %iota3A, %mul3A_647 : vector<16xi32>
        %add3A_649 = arith.constant 16 : i32
        %add3A_650 = arith.addi %mul3A_218, %add3A_649 : i32
        %add3A_651 = vector.broadcast %add3A_650 : i32 to vector<16xi32>
        %add3A_652 = arith.addi %mul3A_648, %add3A_651 : vector<16xi32>
        %gather3A_653 = tpu.vector_load_idx %arg7[%add3A_652, %and3A_309] : memref<64x1024xf32, #tpu.memory_space<vmem>>[vector<16xi32>, vector<16xi32>], vector<16xf32>,
        %mul3A_654 = arith.constant 16 : i32
        %mul3A_655 = arith.muli %select_n3A_327, %mul3A_654 : i32
        %add3A_656 = vector.broadcast %mul3A_655 : i32 to vector<16xi32>
        %add3A_657 = arith.addi %add3A_656, %iota3A : vector<16xi32>
        %mul3A_658 = arith.constant 0 : i32
        %mul3A_659 = vector.broadcast %mul3A_658 : i32 to vector<16xi32>
        %mul3A_660 = arith.muli %add3A_652, %mul3A_659 : vector<16xi32>
        %add3A_661 = arith.constant 16 : i32
        %add3A_662 = vector.broadcast %add3A_661 : i32 to vector<16xi32>
        %add3A_663 = arith.addi %mul3A_660, %add3A_662 : vector<16xi32>
        tpu.vector_store_idx %arg9[%add3A_657, %add3A_663], %gather3A_653 : memref<64x128xf32, #tpu.memory_space<vmem>>[vector<16xi32>, vector<16xi32>], vector<16xf32>,
        %mul3A_664 = arith.constant 0 : i32
        %mul3A_665 = vector.broadcast %mul3A_664 : i32 to vector<16xi32>
        %mul3A_666 = arith.muli %iota3A, %mul3A_665 : vector<16xi32>
        %add3A_667 = arith.constant 17 : i32
        %add3A_668 = arith.addi %mul3A_218, %add3A_667 : i32
        %add3A_669 = vector.broadcast %add3A_668 : i32 to vector<16xi32>
        %add3A_670 = arith.addi %mul3A_666, %add3A_669 : vector<16xi32>
        %gather3A_671 = tpu.vector_load_idx %arg7[%add3A_670, %and3A_309] : memref<64x1024xf32, #tpu.memory_space<vmem>>[vector<16xi32>, vector<16xi32>], vector<16xf32>,
        %mul3A_672 = arith.constant 16 : i32
        %mul3A_673 = arith.muli %select_n3A_327, %mul3A_672 : i32
        %add3A_674 = vector.broadcast %mul3A_673 : i32 to vector<16xi32>
        %add3A_675 = arith.addi %add3A_674, %iota3A : vector<16xi32>
        %mul3A_676 = arith.constant 0 : i32
        %mul3A_677 = vector.broadcast %mul3A_676 : i32 to vector<16xi32>
        %mul3A_678 = arith.muli %add3A_670, %mul3A_677 : vector<16xi32>
        %add3A_679 = arith.constant 17 : i32
        %add3A_680 = vector.broadcast %add3A_679 : i32 to vector<16xi32>
        %add3A_681 = arith.addi %mul3A_678, %add3A_680 : vector<16xi32>
        tpu.vector_store_idx %arg9[%add3A_675, %add3A_681], %gather3A_671 : memref<64x128xf32, #tpu.memory_space<vmem>>[vector<16xi32>, vector<16xi32>], vector<16xf32>,
        %mul3A_682 = arith.constant 0 : i32
        %mul3A_683 = vector.broadcast %mul3A_682 : i32 to vector<16xi32>
        %mul3A_684 = arith.muli %iota3A, %mul3A_683 : vector<16xi32>
        %add3A_685 = arith.constant 18 : i32
        %add3A_686 = arith.addi %mul3A_218, %add3A_685 : i32
        %add3A_687 = vector.broadcast %add3A_686 : i32 to vector<16xi32>
        %add3A_688 = arith.addi %mul3A_684, %add3A_687 : vector<16xi32>
        %gather3A_689 = tpu.vector_load_idx %arg7[%add3A_688, %and3A_309] : memref<64x1024xf32, #tpu.memory_space<vmem>>[vector<16xi32>, vector<16xi32>], vector<16xf32>,
        %mul3A_690 = arith.constant 16 : i32
        %mul3A_691 = arith.muli %select_n3A_327, %mul3A_690 : i32
        %add3A_692 = vector.broadcast %mul3A_691 : i32 to vector<16xi32>
        %add3A_693 = arith.addi %add3A_692, %iota3A : vector<16xi32>
        %mul3A_694 = arith.constant 0 : i32
        %mul3A_695 = vector.broadcast %mul3A_694 : i32 to vector<16xi32>
        %mul3A_696 = arith.muli %add3A_688, %mul3A_695 : vector<16xi32>
        %add3A_697 = arith.constant 18 : i32
        %add3A_698 = vector.broadcast %add3A_697 : i32 to vector<16xi32>
        %add3A_699 = arith.addi %mul3A_696, %add3A_698 : vector<16xi32>
        tpu.vector_store_idx %arg9[%add3A_693, %add3A_699], %gather3A_689 : memref<64x128xf32, #tpu.memory_space<vmem>>[vector<16xi32>, vector<16xi32>], vector<16xf32>,
        %mul3A_700 = arith.constant 0 : i32
        %mul3A_701 = vector.broadcast %mul3A_700 : i32 to vector<16xi32>
        %mul3A_702 = arith.muli %iota3A, %mul3A_701 : vector<16xi32>
        %add3A_703 = arith.constant 19 : i32
        %add3A_704 = arith.addi %mul3A_218, %add3A_703 : i32
        %add3A_705 = vector.broadcast %add3A_704 : i32 to vector<16xi32>
        %add3A_706 = arith.addi %mul3A_702, %add3A_705 : vector<16xi32>
        %gather3A_707 = tpu.vector_load_idx %arg7[%add3A_706, %and3A_309] : memref<64x1024xf32, #tpu.memory_space<vmem>>[vector<16xi32>, vector<16xi32>], vector<16xf32>,
        %mul3A_708 = arith.constant 16 : i32
        %mul3A_709 = arith.muli %select_n3A_327, %mul3A_708 : i32
        %add3A_710 = vector.broadcast %mul3A_709 : i32 to vector<16xi32>
        %add3A_711 = arith.addi %add3A_710, %iota3A : vector<16xi32>
        %mul3A_712 = arith.constant 0 : i32
        %mul3A_713 = vector.broadcast %mul3A_712 : i32 to vector<16xi32>
        %mul3A_714 = arith.muli %add3A_706, %mul3A_713 : vector<16xi32>
        %add3A_715 = arith.constant 19 : i32
        %add3A_716 = vector.broadcast %add3A_715 : i32 to vector<16xi32>
        %add3A_717 = arith.addi %mul3A_714, %add3A_716 : vector<16xi32>
        tpu.vector_store_idx %arg9[%add3A_711, %add3A_717], %gather3A_707 : memref<64x128xf32, #tpu.memory_space<vmem>>[vector<16xi32>, vector<16xi32>], vector<16xf32>,
        %mul3A_718 = arith.constant 0 : i32
        %mul3A_719 = vector.broadcast %mul3A_718 : i32 to vector<16xi32>
        %mul3A_720 = arith.muli %iota3A, %mul3A_719 : vector<16xi32>
        %add3A_721 = arith.constant 20 : i32
        %add3A_722 = arith.addi %mul3A_218, %add3A_721 : i32
        %add3A_723 = vector.broadcast %add3A_722 : i32 to vector<16xi32>
        %add3A_724 = arith.addi %mul3A_720, %add3A_723 : vector<16xi32>
        %gather3A_725 = tpu.vector_load_idx %arg7[%add3A_724, %and3A_309] : memref<64x1024xf32, #tpu.memory_space<vmem>>[vector<16xi32>, vector<16xi32>], vector<16xf32>,
        %mul3A_726 = arith.constant 16 : i32
        %mul3A_727 = arith.muli %select_n3A_327, %mul3A_726 : i32
        %add3A_728 = vector.broadcast %mul3A_727 : i32 to vector<16xi32>
        %add3A_729 = arith.addi %add3A_728, %iota3A : vector<16xi32>
        %mul3A_730 = arith.constant 0 : i32
        %mul3A_731 = vector.broadcast %mul3A_730 : i32 to vector<16xi32>
        %mul3A_732 = arith.muli %add3A_724, %mul3A_731 : vector<16xi32>
        %add3A_733 = arith.constant 20 : i32
        %add3A_734 = vector.broadcast %add3A_733 : i32 to vector<16xi32>
        %add3A_735 = arith.addi %mul3A_732, %add3A_734 : vector<16xi32>
        tpu.vector_store_idx %arg9[%add3A_729, %add3A_735], %gather3A_725 : memref<64x128xf32, #tpu.memory_space<vmem>>[vector<16xi32>, vector<16xi32>], vector<16xf32>,
        %mul3A_736 = arith.constant 0 : i32
        %mul3A_737 = vector.broadcast %mul3A_736 : i32 to vector<16xi32>
        %mul3A_738 = arith.muli %iota3A, %mul3A_737 : vector<16xi32>
        %add3A_739 = arith.constant 21 : i32
        %add3A_740 = arith.addi %mul3A_218, %add3A_739 : i32
        %add3A_741 = vector.broadcast %add3A_740 : i32 to vector<16xi32>
        %add3A_742 = arith.addi %mul3A_738, %add3A_741 : vector<16xi32>
        %gather3A_743 = tpu.vector_load_idx %arg7[%add3A_742, %and3A_309] : memref<64x1024xf32, #tpu.memory_space<vmem>>[vector<16xi32>, vector<16xi32>], vector<16xf32>,
        %mul3A_744 = arith.constant 16 : i32
        %mul3A_745 = arith.muli %select_n3A_327, %mul3A_744 : i32
        %add3A_746 = vector.broadcast %mul3A_745 : i32 to vector<16xi32>
        %add3A_747 = arith.addi %add3A_746, %iota3A : vector<16xi32>
        %mul3A_748 = arith.constant 0 : i32
        %mul3A_749 = vector.broadcast %mul3A_748 : i32 to vector<16xi32>
        %mul3A_750 = arith.muli %add3A_742, %mul3A_749 : vector<16xi32>
        %add3A_751 = arith.constant 21 : i32
        %add3A_752 = vector.broadcast %add3A_751 : i32 to vector<16xi32>
        %add3A_753 = arith.addi %mul3A_750, %add3A_752 : vector<16xi32>
        tpu.vector_store_idx %arg9[%add3A_747, %add3A_753], %gather3A_743 : memref<64x128xf32, #tpu.memory_space<vmem>>[vector<16xi32>, vector<16xi32>], vector<16xf32>,
        %mul3A_754 = arith.constant 0 : i32
        %mul3A_755 = vector.broadcast %mul3A_754 : i32 to vector<16xi32>
        %mul3A_756 = arith.muli %iota3A, %mul3A_755 : vector<16xi32>
        %add3A_757 = arith.constant 22 : i32
        %add3A_758 = arith.addi %mul3A_218, %add3A_757 : i32
        %add3A_759 = vector.broadcast %add3A_758 : i32 to vector<16xi32>
        %add3A_760 = arith.addi %mul3A_756, %add3A_759 : vector<16xi32>
        %gather3A_761 = tpu.vector_load_idx %arg7[%add3A_760, %and3A_309] : memref<64x1024xf32, #tpu.memory_space<vmem>>[vector<16xi32>, vector<16xi32>], vector<16xf32>,
        %mul3A_762 = arith.constant 16 : i32
        %mul3A_763 = arith.muli %select_n3A_327, %mul3A_762 : i32
        %add3A_764 = vector.broadcast %mul3A_763 : i32 to vector<16xi32>
        %add3A_765 = arith.addi %add3A_764, %iota3A : vector<16xi32>
        %mul3A_766 = arith.constant 0 : i32
        %mul3A_767 = vector.broadcast %mul3A_766 : i32 to vector<16xi32>
        %mul3A_768 = arith.muli %add3A_760, %mul3A_767 : vector<16xi32>
        %add3A_769 = arith.constant 22 : i32
        %add3A_770 = vector.broadcast %add3A_769 : i32 to vector<16xi32>
        %add3A_771 = arith.addi %mul3A_768, %add3A_770 : vector<16xi32>
        tpu.vector_store_idx %arg9[%add3A_765, %add3A_771], %gather3A_761 : memref<64x128xf32, #tpu.memory_space<vmem>>[vector<16xi32>, vector<16xi32>], vector<16xf32>,
        %mul3A_772 = arith.constant 0 : i32
        %mul3A_773 = vector.broadcast %mul3A_772 : i32 to vector<16xi32>
        %mul3A_774 = arith.muli %iota3A, %mul3A_773 : vector<16xi32>
        %add3A_775 = arith.constant 23 : i32
        %add3A_776 = arith.addi %mul3A_218, %add3A_775 : i32
        %add3A_777 = vector.broadcast %add3A_776 : i32 to vector<16xi32>
        %add3A_778 = arith.addi %mul3A_774, %add3A_777 : vector<16xi32>
        %gather3A_779 = tpu.vector_load_idx %arg7[%add3A_778, %and3A_309] : memref<64x1024xf32, #tpu.memory_space<vmem>>[vector<16xi32>, vector<16xi32>], vector<16xf32>,
        %mul3A_780 = arith.constant 16 : i32
        %mul3A_781 = arith.muli %select_n3A_327, %mul3A_780 : i32
        %add3A_782 = vector.broadcast %mul3A_781 : i32 to vector<16xi32>
        %add3A_783 = arith.addi %add3A_782, %iota3A : vector<16xi32>
        %mul3A_784 = arith.constant 0 : i32
        %mul3A_785 = vector.broadcast %mul3A_784 : i32 to vector<16xi32>
        %mul3A_786 = arith.muli %add3A_778, %mul3A_785 : vector<16xi32>
        %add3A_787 = arith.constant 23 : i32
        %add3A_788 = vector.broadcast %add3A_787 : i32 to vector<16xi32>
        %add3A_789 = arith.addi %mul3A_786, %add3A_788 : vector<16xi32>
        tpu.vector_store_idx %arg9[%add3A_783, %add3A_789], %gather3A_779 : memref<64x128xf32, #tpu.memory_space<vmem>>[vector<16xi32>, vector<16xi32>], vector<16xf32>,
        %mul3A_790 = arith.constant 0 : i32
        %mul3A_791 = vector.broadcast %mul3A_790 : i32 to vector<16xi32>
        %mul3A_792 = arith.muli %iota3A, %mul3A_791 : vector<16xi32>
        %add3A_793 = arith.constant 24 : i32
        %add3A_794 = arith.addi %mul3A_218, %add3A_793 : i32
        %add3A_795 = vector.broadcast %add3A_794 : i32 to vector<16xi32>
        %add3A_796 = arith.addi %mul3A_792, %add3A_795 : vector<16xi32>
        %gather3A_797 = tpu.vector_load_idx %arg7[%add3A_796, %and3A_309] : memref<64x1024xf32, #tpu.memory_space<vmem>>[vector<16xi32>, vector<16xi32>], vector<16xf32>,
        %mul3A_798 = arith.constant 16 : i32
        %mul3A_799 = arith.muli %select_n3A_327, %mul3A_798 : i32
        %add3A_800 = vector.broadcast %mul3A_799 : i32 to vector<16xi32>
        %add3A_801 = arith.addi %add3A_800, %iota3A : vector<16xi32>
        %mul3A_802 = arith.constant 0 : i32
        %mul3A_803 = vector.broadcast %mul3A_802 : i32 to vector<16xi32>
        %mul3A_804 = arith.muli %add3A_796, %mul3A_803 : vector<16xi32>
        %add3A_805 = arith.constant 24 : i32
        %add3A_806 = vector.broadcast %add3A_805 : i32 to vector<16xi32>
        %add3A_807 = arith.addi %mul3A_804, %add3A_806 : vector<16xi32>
        tpu.vector_store_idx %arg9[%add3A_801, %add3A_807], %gather3A_797 : memref<64x128xf32, #tpu.memory_space<vmem>>[vector<16xi32>, vector<16xi32>], vector<16xf32>,
        %mul3A_808 = arith.constant 0 : i32
        %mul3A_809 = vector.broadcast %mul3A_808 : i32 to vector<16xi32>
        %mul3A_810 = arith.muli %iota3A, %mul3A_809 : vector<16xi32>
        %add3A_811 = arith.constant 25 : i32
        %add3A_812 = arith.addi %mul3A_218, %add3A_811 : i32
        %add3A_813 = vector.broadcast %add3A_812 : i32 to vector<16xi32>
        %add3A_814 = arith.addi %mul3A_810, %add3A_813 : vector<16xi32>
        %gather3A_815 = tpu.vector_load_idx %arg7[%add3A_814, %and3A_309] : memref<64x1024xf32, #tpu.memory_space<vmem>>[vector<16xi32>, vector<16xi32>], vector<16xf32>,
        %mul3A_816 = arith.constant 16 : i32
        %mul3A_817 = arith.muli %select_n3A_327, %mul3A_816 : i32
        %add3A_818 = vector.broadcast %mul3A_817 : i32 to vector<16xi32>
        %add3A_819 = arith.addi %add3A_818, %iota3A : vector<16xi32>
        %mul3A_820 = arith.constant 0 : i32
        %mul3A_821 = vector.broadcast %mul3A_820 : i32 to vector<16xi32>
        %mul3A_822 = arith.muli %add3A_814, %mul3A_821 : vector<16xi32>
        %add3A_823 = arith.constant 25 : i32
        %add3A_824 = vector.broadcast %add3A_823 : i32 to vector<16xi32>
        %add3A_825 = arith.addi %mul3A_822, %add3A_824 : vector<16xi32>
        tpu.vector_store_idx %arg9[%add3A_819, %add3A_825], %gather3A_815 : memref<64x128xf32, #tpu.memory_space<vmem>>[vector<16xi32>, vector<16xi32>], vector<16xf32>,
        %mul3A_826 = arith.constant 0 : i32
        %mul3A_827 = vector.broadcast %mul3A_826 : i32 to vector<16xi32>
        %mul3A_828 = arith.muli %iota3A, %mul3A_827 : vector<16xi32>
        %add3A_829 = arith.constant 26 : i32
        %add3A_830 = arith.addi %mul3A_218, %add3A_829 : i32
        %add3A_831 = vector.broadcast %add3A_830 : i32 to vector<16xi32>
        %add3A_832 = arith.addi %mul3A_828, %add3A_831 : vector<16xi32>
        %gather3A_833 = tpu.vector_load_idx %arg7[%add3A_832, %and3A_309] : memref<64x1024xf32, #tpu.memory_space<vmem>>[vector<16xi32>, vector<16xi32>], vector<16xf32>,
        %mul3A_834 = arith.constant 16 : i32
        %mul3A_835 = arith.muli %select_n3A_327, %mul3A_834 : i32
        %add3A_836 = vector.broadcast %mul3A_835 : i32 to vector<16xi32>
        %add3A_837 = arith.addi %add3A_836, %iota3A : vector<16xi32>
        %mul3A_838 = arith.constant 0 : i32
        %mul3A_839 = vector.broadcast %mul3A_838 : i32 to vector<16xi32>
        %mul3A_840 = arith.muli %add3A_832, %mul3A_839 : vector<16xi32>
        %add3A_841 = arith.constant 26 : i32
        %add3A_842 = vector.broadcast %add3A_841 : i32 to vector<16xi32>
        %add3A_843 = arith.addi %mul3A_840, %add3A_842 : vector<16xi32>
        tpu.vector_store_idx %arg9[%add3A_837, %add3A_843], %gather3A_833 : memref<64x128xf32, #tpu.memory_space<vmem>>[vector<16xi32>, vector<16xi32>], vector<16xf32>,
        %mul3A_844 = arith.constant 0 : i32
        %mul3A_845 = vector.broadcast %mul3A_844 : i32 to vector<16xi32>
        %mul3A_846 = arith.muli %iota3A, %mul3A_845 : vector<16xi32>
        %add3A_847 = arith.constant 27 : i32
        %add3A_848 = arith.addi %mul3A_218, %add3A_847 : i32
        %add3A_849 = vector.broadcast %add3A_848 : i32 to vector<16xi32>
        %add3A_850 = arith.addi %mul3A_846, %add3A_849 : vector<16xi32>
        %gather3A_851 = tpu.vector_load_idx %arg7[%add3A_850, %and3A_309] : memref<64x1024xf32, #tpu.memory_space<vmem>>[vector<16xi32>, vector<16xi32>], vector<16xf32>,
        %mul3A_852 = arith.constant 16 : i32
        %mul3A_853 = arith.muli %select_n3A_327, %mul3A_852 : i32
        %add3A_854 = vector.broadcast %mul3A_853 : i32 to vector<16xi32>
        %add3A_855 = arith.addi %add3A_854, %iota3A : vector<16xi32>
        %mul3A_856 = arith.constant 0 : i32
        %mul3A_857 = vector.broadcast %mul3A_856 : i32 to vector<16xi32>
        %mul3A_858 = arith.muli %add3A_850, %mul3A_857 : vector<16xi32>
        %add3A_859 = arith.constant 27 : i32
        %add3A_860 = vector.broadcast %add3A_859 : i32 to vector<16xi32>
        %add3A_861 = arith.addi %mul3A_858, %add3A_860 : vector<16xi32>
        tpu.vector_store_idx %arg9[%add3A_855, %add3A_861], %gather3A_851 : memref<64x128xf32, #tpu.memory_space<vmem>>[vector<16xi32>, vector<16xi32>], vector<16xf32>,
        %mul3A_862 = arith.constant 0 : i32
        %mul3A_863 = vector.broadcast %mul3A_862 : i32 to vector<16xi32>
        %mul3A_864 = arith.muli %iota3A, %mul3A_863 : vector<16xi32>
        %add3A_865 = arith.constant 28 : i32
        %add3A_866 = arith.addi %mul3A_218, %add3A_865 : i32
        %add3A_867 = vector.broadcast %add3A_866 : i32 to vector<16xi32>
        %add3A_868 = arith.addi %mul3A_864, %add3A_867 : vector<16xi32>
        %gather3A_869 = tpu.vector_load_idx %arg7[%add3A_868, %and3A_309] : memref<64x1024xf32, #tpu.memory_space<vmem>>[vector<16xi32>, vector<16xi32>], vector<16xf32>,
        %mul3A_870 = arith.constant 16 : i32
        %mul3A_871 = arith.muli %select_n3A_327, %mul3A_870 : i32
        %add3A_872 = vector.broadcast %mul3A_871 : i32 to vector<16xi32>
        %add3A_873 = arith.addi %add3A_872, %iota3A : vector<16xi32>
        %mul3A_874 = arith.constant 0 : i32
        %mul3A_875 = vector.broadcast %mul3A_874 : i32 to vector<16xi32>
        %mul3A_876 = arith.muli %add3A_868, %mul3A_875 : vector<16xi32>
        %add3A_877 = arith.constant 28 : i32
        %add3A_878 = vector.broadcast %add3A_877 : i32 to vector<16xi32>
        %add3A_879 = arith.addi %mul3A_876, %add3A_878 : vector<16xi32>
        tpu.vector_store_idx %arg9[%add3A_873, %add3A_879], %gather3A_869 : memref<64x128xf32, #tpu.memory_space<vmem>>[vector<16xi32>, vector<16xi32>], vector<16xf32>,
        %mul3A_880 = arith.constant 0 : i32
        %mul3A_881 = vector.broadcast %mul3A_880 : i32 to vector<16xi32>
        %mul3A_882 = arith.muli %iota3A, %mul3A_881 : vector<16xi32>
        %add3A_883 = arith.constant 29 : i32
        %add3A_884 = arith.addi %mul3A_218, %add3A_883 : i32
        %add3A_885 = vector.broadcast %add3A_884 : i32 to vector<16xi32>
        %add3A_886 = arith.addi %mul3A_882, %add3A_885 : vector<16xi32>
        %gather3A_887 = tpu.vector_load_idx %arg7[%add3A_886, %and3A_309] : memref<64x1024xf32, #tpu.memory_space<vmem>>[vector<16xi32>, vector<16xi32>], vector<16xf32>,
        %mul3A_888 = arith.constant 16 : i32
        %mul3A_889 = arith.muli %select_n3A_327, %mul3A_888 : i32
        %add3A_890 = vector.broadcast %mul3A_889 : i32 to vector<16xi32>
        %add3A_891 = arith.addi %add3A_890, %iota3A : vector<16xi32>
        %mul3A_892 = arith.constant 0 : i32
        %mul3A_893 = vector.broadcast %mul3A_892 : i32 to vector<16xi32>
        %mul3A_894 = arith.muli %add3A_886, %mul3A_893 : vector<16xi32>
        %add3A_895 = arith.constant 29 : i32
        %add3A_896 = vector.broadcast %add3A_895 : i32 to vector<16xi32>
        %add3A_897 = arith.addi %mul3A_894, %add3A_896 : vector<16xi32>
        tpu.vector_store_idx %arg9[%add3A_891, %add3A_897], %gather3A_887 : memref<64x128xf32, #tpu.memory_space<vmem>>[vector<16xi32>, vector<16xi32>], vector<16xf32>,
        %mul3A_898 = arith.constant 0 : i32
        %mul3A_899 = vector.broadcast %mul3A_898 : i32 to vector<16xi32>
        %mul3A_900 = arith.muli %iota3A, %mul3A_899 : vector<16xi32>
        %add3A_901 = arith.constant 30 : i32
        %add3A_902 = arith.addi %mul3A_218, %add3A_901 : i32
        %add3A_903 = vector.broadcast %add3A_902 : i32 to vector<16xi32>
        %add3A_904 = arith.addi %mul3A_900, %add3A_903 : vector<16xi32>
        %gather3A_905 = tpu.vector_load_idx %arg7[%add3A_904, %and3A_309] : memref<64x1024xf32, #tpu.memory_space<vmem>>[vector<16xi32>, vector<16xi32>], vector<16xf32>,
        %mul3A_906 = arith.constant 16 : i32
        %mul3A_907 = arith.muli %select_n3A_327, %mul3A_906 : i32
        %add3A_908 = vector.broadcast %mul3A_907 : i32 to vector<16xi32>
        %add3A_909 = arith.addi %add3A_908, %iota3A : vector<16xi32>
        %mul3A_910 = arith.constant 0 : i32
        %mul3A_911 = vector.broadcast %mul3A_910 : i32 to vector<16xi32>
        %mul3A_912 = arith.muli %add3A_904, %mul3A_911 : vector<16xi32>
        %add3A_913 = arith.constant 30 : i32
        %add3A_914 = vector.broadcast %add3A_913 : i32 to vector<16xi32>
        %add3A_915 = arith.addi %mul3A_912, %add3A_914 : vector<16xi32>
        tpu.vector_store_idx %arg9[%add3A_909, %add3A_915], %gather3A_905 : memref<64x128xf32, #tpu.memory_space<vmem>>[vector<16xi32>, vector<16xi32>], vector<16xf32>,
        %mul3A_916 = arith.constant 0 : i32
        %mul3A_917 = vector.broadcast %mul3A_916 : i32 to vector<16xi32>
        %mul3A_918 = arith.muli %iota3A, %mul3A_917 : vector<16xi32>
        %add3A_919 = arith.constant 31 : i32
        %add3A_920 = arith.addi %mul3A_218, %add3A_919 : i32
        %add3A_921 = vector.broadcast %add3A_920 : i32 to vector<16xi32>
        %add3A_922 = arith.addi %mul3A_918, %add3A_921 : vector<16xi32>
        %gather3A_923 = tpu.vector_load_idx %arg7[%add3A_922, %and3A_309] : memref<64x1024xf32, #tpu.memory_space<vmem>>[vector<16xi32>, vector<16xi32>], vector<16xf32>,
        %mul3A_924 = arith.constant 16 : i32
        %mul3A_925 = arith.muli %select_n3A_327, %mul3A_924 : i32
        %add3A_926 = vector.broadcast %mul3A_925 : i32 to vector<16xi32>
        %add3A_927 = arith.addi %add3A_926, %iota3A : vector<16xi32>
        %mul3A_928 = arith.constant 0 : i32
        %mul3A_929 = vector.broadcast %mul3A_928 : i32 to vector<16xi32>
        %mul3A_930 = arith.muli %add3A_922, %mul3A_929 : vector<16xi32>
        %add3A_931 = arith.constant 31 : i32
        %add3A_932 = vector.broadcast %add3A_931 : i32 to vector<16xi32>
        %add3A_933 = arith.addi %mul3A_930, %add3A_932 : vector<16xi32>
        tpu.vector_store_idx %arg9[%add3A_927, %add3A_933], %gather3A_923 : memref<64x128xf32, #tpu.memory_space<vmem>>[vector<16xi32>, vector<16xi32>], vector<16xf32>,
        %eq3A_934 = arith.constant 0 : i32
        %eq3A_935 = arith.cmpi eq, %select_n3A_327, %eq3A_934 : i32
        %convert_element_type3A_936 = arith.extui %eq3A_935 : i1 to i32
        %cond3A_937 = arith.constant 0 : i32
        %cond3A_938 = arith.cmpi ne, %convert_element_type3A_936, %cond3A_937 : i32
        scf.if %cond3A_938 {
          %dma_start3A = arith.constant 0 : i32
          %dma_start3A_956 = arith.constant 0 : i32
          %dma_start3A_957 = tpu.memref_slice %arg9[%dma_start3A, %dma_start3A_956] : memref<64x128xf32, #tpu.memory_space<vmem>> -> memref<16x128xf32, #tpu.memory_space<vmem>>
          %dma_start3A_958 = arith.constant 0 : i32
          %dma_start3A_959 = arith.constant 0 : i32
          %dma_start3A_960 = tpu.memref_slice %arg4[%dma_start3A_958, %dma_start3A_959] : memref<16512x128xf32, #tpu.memory_space<hbm>> -> memref<16512x128xf32, #tpu.memory_space<hbm>>
          tpu.enqueue_indirect_dma source(%dma_start3A_957 : memref<16x128xf32, #tpu.memory_space<vmem>>) target(%dma_start3A_960 : memref<16512x128xf32, #tpu.memory_space<hbm>>) offsets(%shift_right_arithmetic3A_311 : vector<16xi32>) semaphore(%arg12 : memref<!tpu.dma_semaphore, #tpu.memory_space<semaphore_mem>>)
        } else {
        }
        %eq3A_939 = arith.constant 1 : i32
        %eq3A_940 = arith.cmpi eq, %select_n3A_327, %eq3A_939 : i32
        %convert_element_type3A_941 = arith.extui %eq3A_940 : i1 to i32
        %cond3A_942 = arith.constant 0 : i32
        %cond3A_943 = arith.cmpi ne, %convert_element_type3A_941, %cond3A_942 : i32
        scf.if %cond3A_943 {
          %dma_start3A = arith.constant 16 : i32
          %dma_start3A_956 = arith.constant 0 : i32
          %dma_start3A_957 = tpu.memref_slice %arg9[%dma_start3A, %dma_start3A_956] : memref<64x128xf32, #tpu.memory_space<vmem>> -> memref<16x128xf32, #tpu.memory_space<vmem>>
          %dma_start3A_958 = arith.constant 0 : i32
          %dma_start3A_959 = arith.constant 0 : i32
          %dma_start3A_960 = tpu.memref_slice %arg4[%dma_start3A_958, %dma_start3A_959] : memref<16512x128xf32, #tpu.memory_space<hbm>> -> memref<16512x128xf32, #tpu.memory_space<hbm>>
          tpu.enqueue_indirect_dma source(%dma_start3A_957 : memref<16x128xf32, #tpu.memory_space<vmem>>) target(%dma_start3A_960 : memref<16512x128xf32, #tpu.memory_space<hbm>>) offsets(%shift_right_arithmetic3A_311 : vector<16xi32>) semaphore(%arg13 : memref<!tpu.dma_semaphore, #tpu.memory_space<semaphore_mem>>)
        } else {
        }
        %eq3A_944 = arith.constant 2 : i32
        %eq3A_945 = arith.cmpi eq, %select_n3A_327, %eq3A_944 : i32
        %convert_element_type3A_946 = arith.extui %eq3A_945 : i1 to i32
        %cond3A_947 = arith.constant 0 : i32
        %cond3A_948 = arith.cmpi ne, %convert_element_type3A_946, %cond3A_947 : i32
        scf.if %cond3A_948 {
          %dma_start3A = arith.constant 32 : i32
          %dma_start3A_956 = arith.constant 0 : i32
          %dma_start3A_957 = tpu.memref_slice %arg9[%dma_start3A, %dma_start3A_956] : memref<64x128xf32, #tpu.memory_space<vmem>> -> memref<16x128xf32, #tpu.memory_space<vmem>>
          %dma_start3A_958 = arith.constant 0 : i32
          %dma_start3A_959 = arith.constant 0 : i32
          %dma_start3A_960 = tpu.memref_slice %arg4[%dma_start3A_958, %dma_start3A_959] : memref<16512x128xf32, #tpu.memory_space<hbm>> -> memref<16512x128xf32, #tpu.memory_space<hbm>>
          tpu.enqueue_indirect_dma source(%dma_start3A_957 : memref<16x128xf32, #tpu.memory_space<vmem>>) target(%dma_start3A_960 : memref<16512x128xf32, #tpu.memory_space<hbm>>) offsets(%shift_right_arithmetic3A_311 : vector<16xi32>) semaphore(%arg14 : memref<!tpu.dma_semaphore, #tpu.memory_space<semaphore_mem>>)
        } else {
        }
        %eq3A_949 = arith.constant 3 : i32
        %eq3A_950 = arith.cmpi eq, %select_n3A_327, %eq3A_949 : i32
        %convert_element_type3A_951 = arith.extui %eq3A_950 : i1 to i32
        %cond3A_952 = arith.constant 0 : i32
        %cond3A_953 = arith.cmpi ne, %convert_element_type3A_951, %cond3A_952 : i32
        scf.if %cond3A_953 {
          %dma_start3A = arith.constant 48 : i32
          %dma_start3A_956 = arith.constant 0 : i32
          %dma_start3A_957 = tpu.memref_slice %arg9[%dma_start3A, %dma_start3A_956] : memref<64x128xf32, #tpu.memory_space<vmem>> -> memref<16x128xf32, #tpu.memory_space<vmem>>
          %dma_start3A_958 = arith.constant 0 : i32
          %dma_start3A_959 = arith.constant 0 : i32
          %dma_start3A_960 = tpu.memref_slice %arg4[%dma_start3A_958, %dma_start3A_959] : memref<16512x128xf32, #tpu.memory_space<hbm>> -> memref<16512x128xf32, #tpu.memory_space<hbm>>
          tpu.enqueue_indirect_dma source(%dma_start3A_957 : memref<16x128xf32, #tpu.memory_space<vmem>>) target(%dma_start3A_960 : memref<16512x128xf32, #tpu.memory_space<hbm>>) offsets(%shift_right_arithmetic3A_311 : vector<16xi32>) semaphore(%arg15 : memref<!tpu.dma_semaphore, #tpu.memory_space<semaphore_mem>>)
        } else {
        }
        %add3A_954 = arith.constant 1 : i32
        %add3A_955 = arith.addi %while3A_303, %add3A_954 : i32
        scf.yield %add3A_955 : i32
      }
      scf.yield %while3A_301 : i32
    }
    %mul3A_64 = arith.constant 0 : i32
    %mul3A_65 = vector.broadcast %mul3A_64 : i32 to vector<16xi32>
    %mul3A_66 = arith.muli %iota3A, %mul3A_65 : vector<16xi32>
    %add3A_67 = arith.constant 16384 : i32
    %add3A_68 = arith.addi %add3A_67, %add3A : i32
    %add3A_69 = vector.broadcast %add3A_68 : i32 to vector<16xi32>
    %add3A_70 = arith.addi %mul3A_66, %add3A_69 : vector<16xi32>
    %gt3A = arith.constant 0 : i32
    %gt3A_71 = arith.cmpi sgt, %while3A_63, %gt3A : i32
    %convert_element_type3A_72 = arith.extui %gt3A_71 : i1 to i32
    %cond3A_73 = arith.constant 0 : i32
    %cond3A_74 = arith.cmpi ne, %convert_element_type3A_72, %cond3A_73 : i32
    scf.if %cond3A_74 {
      %dma_wait3A = arith.constant 0 : i32
      %dma_wait3A_90 = arith.constant 0 : i32
      %dma_wait3A_91 = tpu.memref_slice %arg9[%dma_wait3A, %dma_wait3A_90] : memref<64x128xf32, #tpu.memory_space<vmem>> -> memref<16x128xf32, #tpu.memory_space<vmem>>
      %dma_wait3A_92 = arith.constant 0 : i32
      %dma_wait3A_93 = arith.constant 0 : i32
      %dma_wait3A_94 = tpu.memref_slice %arg4[%dma_wait3A_92, %dma_wait3A_93] : memref<16512x128xf32, #tpu.memory_space<hbm>> -> memref<16512x128xf32, #tpu.memory_space<hbm>>
      tpu.wait_indirect_dma semaphore(%arg12 : memref<!tpu.dma_semaphore, #tpu.memory_space<semaphore_mem>>) src(%dma_wait3A_91 : memref<16x128xf32, #tpu.memory_space<vmem>>) dst(%dma_wait3A_94 : memref<16512x128xf32, #tpu.memory_space<hbm>>)
    } else {
    }
    %gt3A_75 = arith.constant 1 : i32
    %gt3A_76 = arith.cmpi sgt, %while3A_63, %gt3A_75 : i32
    %convert_element_type3A_77 = arith.extui %gt3A_76 : i1 to i32
    %cond3A_78 = arith.constant 0 : i32
    %cond3A_79 = arith.cmpi ne, %convert_element_type3A_77, %cond3A_78 : i32
    scf.if %cond3A_79 {
      %dma_wait3A = arith.constant 16 : i32
      %dma_wait3A_90 = arith.constant 0 : i32
      %dma_wait3A_91 = tpu.memref_slice %arg9[%dma_wait3A, %dma_wait3A_90] : memref<64x128xf32, #tpu.memory_space<vmem>> -> memref<16x128xf32, #tpu.memory_space<vmem>>
      %dma_wait3A_92 = arith.constant 0 : i32
      %dma_wait3A_93 = arith.constant 0 : i32
      %dma_wait3A_94 = tpu.memref_slice %arg4[%dma_wait3A_92, %dma_wait3A_93] : memref<16512x128xf32, #tpu.memory_space<hbm>> -> memref<16512x128xf32, #tpu.memory_space<hbm>>
      tpu.wait_indirect_dma semaphore(%arg13 : memref<!tpu.dma_semaphore, #tpu.memory_space<semaphore_mem>>) src(%dma_wait3A_91 : memref<16x128xf32, #tpu.memory_space<vmem>>) dst(%dma_wait3A_94 : memref<16512x128xf32, #tpu.memory_space<hbm>>)
    } else {
    }
    %gt3A_80 = arith.constant 2 : i32
    %gt3A_81 = arith.cmpi sgt, %while3A_63, %gt3A_80 : i32
    %convert_element_type3A_82 = arith.extui %gt3A_81 : i1 to i32
    %cond3A_83 = arith.constant 0 : i32
    %cond3A_84 = arith.cmpi ne, %convert_element_type3A_82, %cond3A_83 : i32
    scf.if %cond3A_84 {
      %dma_wait3A = arith.constant 32 : i32
      %dma_wait3A_90 = arith.constant 0 : i32
      %dma_wait3A_91 = tpu.memref_slice %arg9[%dma_wait3A, %dma_wait3A_90] : memref<64x128xf32, #tpu.memory_space<vmem>> -> memref<16x128xf32, #tpu.memory_space<vmem>>
      %dma_wait3A_92 = arith.constant 0 : i32
      %dma_wait3A_93 = arith.constant 0 : i32
      %dma_wait3A_94 = tpu.memref_slice %arg4[%dma_wait3A_92, %dma_wait3A_93] : memref<16512x128xf32, #tpu.memory_space<hbm>> -> memref<16512x128xf32, #tpu.memory_space<hbm>>
      tpu.wait_indirect_dma semaphore(%arg14 : memref<!tpu.dma_semaphore, #tpu.memory_space<semaphore_mem>>) src(%dma_wait3A_91 : memref<16x128xf32, #tpu.memory_space<vmem>>) dst(%dma_wait3A_94 : memref<16512x128xf32, #tpu.memory_space<hbm>>)
    } else {
    }
    %gt3A_85 = arith.constant 3 : i32
    %gt3A_86 = arith.cmpi sgt, %while3A_63, %gt3A_85 : i32
    %convert_element_type3A_87 = arith.extui %gt3A_86 : i1 to i32
    %cond3A_88 = arith.constant 0 : i32
    %cond3A_89 = arith.cmpi ne, %convert_element_type3A_87, %cond3A_88 : i32
    scf.if %cond3A_89 {
      %dma_wait3A = arith.constant 48 : i32
      %dma_wait3A_90 = arith.constant 0 : i32
      %dma_wait3A_91 = tpu.memref_slice %arg9[%dma_wait3A, %dma_wait3A_90] : memref<64x128xf32, #tpu.memory_space<vmem>> -> memref<16x128xf32, #tpu.memory_space<vmem>>
      %dma_wait3A_92 = arith.constant 0 : i32
      %dma_wait3A_93 = arith.constant 0 : i32
      %dma_wait3A_94 = tpu.memref_slice %arg4[%dma_wait3A_92, %dma_wait3A_93] : memref<16512x128xf32, #tpu.memory_space<hbm>> -> memref<16512x128xf32, #tpu.memory_space<hbm>>
      tpu.wait_indirect_dma semaphore(%arg15 : memref<!tpu.dma_semaphore, #tpu.memory_space<semaphore_mem>>) src(%dma_wait3A_91 : memref<16x128xf32, #tpu.memory_space<vmem>>) dst(%dma_wait3A_94 : memref<16512x128xf32, #tpu.memory_space<hbm>>)
    } else {
    }
    return
  }
}

module attributes {stable_mosaic.version = 14 : i64} {
  func.func @_mm_body(%arg0: i32, %arg1: memref<8192x128xf32, #tpu.memory_space<vmem>>, %arg2: memref<8192x1xi32, #tpu.memory_space<vmem>>, %arg3: memref<64x32xf32, #tpu.memory_space<vmem>>, %arg4: memref<128x32xf32, #tpu.memory_space<vmem>>, %arg5: memref<1x128xf32, #tpu.memory_space<vmem>>, %arg6: memref<8192x128xf32, #tpu.memory_space<vmem>>) attributes {dimension_semantics = [#tpu.dimension_semantics<arbitrary>], iteration_bounds = array<i64: 2>, scalar_prefetch = 0 : i64, scratch_operands = 0 : i64, tpu.core_type = #tpu.core_type<tc>, window_params = [{transform_indices = @transform_0, window_bounds = array<i64: 8192, 128>}, {transform_indices = @transform_1, window_bounds = array<i64: 8192, 1>}, {pipeline_mode = #tpu.pipeline_mode<synchronous>, transform_indices = @transform_2, window_bounds = array<i64: 64, 32>}, {pipeline_mode = #tpu.pipeline_mode<synchronous>, transform_indices = @transform_3, window_bounds = array<i64: 128, 32>}, {pipeline_mode = #tpu.pipeline_mode<synchronous>, transform_indices = @transform_4, window_bounds = array<i64: 1, 128>}, {transform_indices = @transform_5, window_bounds = array<i64: 8192, 128>}]} {
    %get3A = arith.constant 0 : index
    %get3A_0 = arith.constant 0 : index
    %get3A_1 = vector.load %arg1[%get3A, %get3A_0] : memref<8192x128xf32, #tpu.memory_space<vmem>>, vector<8192x32xf32>
    %get3A_2 = arith.constant 0 : index
    %get3A_3 = arith.constant 0 : index
    %get3A_4 = vector.load %arg2[%get3A_2, %get3A_3] : memref<8192x1xi32, #tpu.memory_space<vmem>>, vector<8192x1xi32>
    %ge3A = arith.constant 999936 : i32
    %ge3A_5 = vector.broadcast %ge3A : i32 to vector<8192x1xi32>
    %ge3A_6 = arith.cmpi sge, %get3A_4, %ge3A_5 : vector<8192x1xi32>
    %sub3A = arith.constant 999936 : i32
    %sub3A_7 = vector.broadcast %sub3A : i32 to vector<8192x1xi32>
    %sub3A_8 = arith.subi %get3A_4, %sub3A_7 : vector<8192x1xi32>
    %iota3A = tpu.iota {dimensions = array<i32: 1>} : vector<8192x64xi32>
    %eq3A = vector.broadcast %sub3A_8 : vector<8192x1xi32> to vector<8192x64xi32>
    %eq3A_9 = arith.cmpi eq, %eq3A, %iota3A : vector<8192x64xi32>
    %and3A = vector.broadcast %ge3A_6 : vector<8192x1xi1> to vector<8192x64xi1>
    %and3A_10 = arith.andi %eq3A_9, %and3A : vector<8192x64xi1>
    %convert_element_type3A = arith.extui %and3A_10 : vector<8192x64xi1> to vector<8192x64xi32>
    %convert_element_type3A_11 = arith.sitofp %convert_element_type3A : vector<8192x64xi32> to vector<8192x64xf32>
    %get3A_12 = arith.constant 0 : index
    %get3A_13 = arith.constant 0 : index
    %get3A_14 = vector.load %arg3[%get3A_12, %get3A_13] : memref<64x32xf32, #tpu.memory_space<vmem>>, vector<64x32xf32>
    %dot_general3A = arith.constant dense<0.000000e+00> : vector<8192x32xf32>
    %dot_general3A_15 = tpu.matmul %convert_element_type3A_11, %get3A_14, %dot_general3A {dimension_numbers = #tpu.dot_dimension_numbers<[1], [0], [0], [1], [0, 0, 1, 1], [], []>, transpose_lhs_hint = false} : vector<8192x64xf32>, vector<64x32xf32>, vector<8192x32xf32> -> vector<8192x32xf32>
    %broadcast_in_dim3A = vector.shape_cast %ge3A_6 : vector<8192x1xi1> to vector<8192x1xi1>
    %broadcast_in_dim3A_16 = vector.broadcast %broadcast_in_dim3A : vector<8192x1xi1> to vector<8192x32xi1>
    %select_n3A = arith.select %broadcast_in_dim3A_16, %dot_general3A_15, %get3A_1 : vector<8192x32xi1>, vector<8192x32xf32>
    %get3A_17 = arith.constant 0 : index
    %get3A_18 = arith.constant 0 : index
    %get3A_19 = vector.load %arg4[%get3A_17, %get3A_18] : memref<128x32xf32, #tpu.memory_space<vmem>>, vector<128x32xf32>
    %dot_general3A_20 = arith.constant dense<0.000000e+00> : vector<8192x128xf32>
    %dot_general3A_21 = tpu.matmul %select_n3A, %get3A_19, %dot_general3A_20 {dimension_numbers = #tpu.dot_dimension_numbers<[1], [1], [0], [0], [0, 0, 1, 0], [], []>, transpose_lhs_hint = false} : vector<8192x32xf32>, vector<128x32xf32>, vector<8192x128xf32> -> vector<8192x128xf32>
    %get3A_22 = arith.constant 0 : index
    %get3A_23 = arith.constant 0 : index
    %get3A_24 = vector.load %arg5[%get3A_22, %get3A_23] : memref<1x128xf32, #tpu.memory_space<vmem>>, vector<1x128xf32>
    %add3A = vector.broadcast %get3A_24 : vector<1x128xf32> to vector<8192x128xf32>
    %add3A_25 = arith.addf %dot_general3A_21, %add3A : vector<8192x128xf32>
    %swap3A = arith.constant 0 : index
    %swap3A_26 = arith.constant 0 : index
    %swap3A_27 = vector.load %arg6[%swap3A, %swap3A_26] : memref<8192x128xf32, #tpu.memory_space<vmem>>, vector<8192x128xf32>
    tpu.vector_store %arg6[%swap3A, %swap3A_26], %add3A_25 {strides = array<i32>} : memref<8192x128xf32, #tpu.memory_space<vmem>>, vector<8192x128xf32>,
    return
  }
  func.func @transform_0(%arg0: i32) -> (i32, i32) {
    %c0_i32 = arith.constant 0 : i32
    %c0_i32_0 = arith.constant 0 : i32
    return %arg0, %c0_i32 : i32, i32
  }
  func.func @transform_1(%arg0: i32) -> (i32, i32) {
    %c0_i32 = arith.constant 0 : i32
    %c0_i32_0 = arith.constant 0 : i32
    return %arg0, %c0_i32 : i32, i32
  }
  func.func @transform_2(%arg0: i32) -> (i32, i32) {
    %c0_i32 = arith.constant 0 : i32
    %c0_i32_0 = arith.constant 0 : i32
    %c0_i32_1 = arith.constant 0 : i32
    return %c0_i32, %c0_i32_0 : i32, i32
  }
  func.func @transform_3(%arg0: i32) -> (i32, i32) {
    %c0_i32 = arith.constant 0 : i32
    %c0_i32_0 = arith.constant 0 : i32
    %c0_i32_1 = arith.constant 0 : i32
    return %c0_i32, %c0_i32_0 : i32, i32
  }
  func.func @transform_4(%arg0: i32) -> (i32, i32) {
    %c0_i32 = arith.constant 0 : i32
    %c0_i32_0 = arith.constant 0 : i32
    %c0_i32_1 = arith.constant 0 : i32
    return %c0_i32, %c0_i32_0 : i32, i32
  }
  func.func @transform_5(%arg0: i32) -> (i32, i32) {
    %c0_i32 = arith.constant 0 : i32
    %c0_i32_0 = arith.constant 0 : i32
    return %arg0, %c0_i32 : i32, i32
  }
}

</mosaic_0001>

<sc_bundles>
// kernel: kernel.4.cloned.1.call-start
scs
__scs_entry_jumppad:
0x0: {  	(pc) =	sbr.rel $0x88, $3  }
0x1: {  	(tag) =	ssettag $0x0;
	lr =	simm.s32 $0x1  }
0x2: {  	[smem:$0x3F9D] =	sst lr;
	_ =	strace $0xD0000000  }
0x3: {  	_ = 	snop  }
0x4: {  	_ = 	snop  }
0x5: {  	_ = 	snop  }
0x6: {  	_ = 	snop  }
0x7: {  	_ = 	snop  }
__scs_overlays_trampoline_lowered:
0x8: {  	[smem:$0x3FAC] =	sst s0  }
0x9: {  	[smem:$0x3FAD] =	sst s1  }
0xa: {  	[smem:$0x3FAE] =	sst s2  }
0xb: {  	[smem:$0x3FAF] =	sst s3  }
0xc: {  	[smem:$0x3FB0] =	sst s4  }
0xd: {  	[smem:$0x3FB1] =	sst s5  }
0xe: {  	[smem:$0x3FB2] =	sst s6  }
0xf: {  	[smem:$0x3FB3] =	sst s7  }
0x10: {  	[smem:$0x3FB4] =	sst s8  }
0x11: {  	[smem:$0x3FB5] =	sst s9;
	s0 =	simm.s32 @!p0 $0x0  }
0x12: {  	s1 =	sld [smem:$0x3F9B];
	s0 =	simm.s32 @p0 $0x1  }
0x13: {  	[smem:$0x3FB6] =	sst s0;
	s0 =	simm.s32 @!p1 $0x0  }
0x14: {  	s2 =	sld [smem:$0x3F9A];
	s0 =	simm.s32 @p1 $0x1  }
0x15: {  	[smem:$0x3FB7] =	sst s0;
	s0 =	simm.s32 @!p2 $0x0  }
0x16: {  	s3 =	sld [smem:$0x3FDB];
	s0 =	simm.s32 @p2 $0x1  }
0x17: {  	s4 =	simm.s32 $0x1BF5;
	[smem:$0x3FB9] =	sst s0  }
0x18: {  	s0 =	sld [smem:$0x3F9C];
	_ =	swait.ge [sflag:s4], $0x0  }
0x19: {  	s7 =	sld [smem:$0x3F9D]  }
0x1a: {  	s8 =	sadd.s32 $0xFFFFE003, lr  }
0x1b: {  	s9 =	sadd.s32 $0xFFFFFEF7, lr;
	s5 =	simm.s32 $0xFFFFFFFF;
	p2 =	slt.u32 s8, $0xFFFFF086  }
0x1c: {  	p1 =	slt.u32 s9, $0xF7A;
	s5 =	simm.s32 @!p2 $0x0  }
0x1d: {  	s5 =	simm.s32 @p1 $0x1;
	p0 =	seq.s32 s7, s2  }
0x1e: {  	s7 =	smul.u32 @!p0 $0xF7A, s2;
	p2 =	seq.s32 @!p0 s5, $0x0  }
0x1f: {  	s9 =	smul.u32 $0xF7A, s1;
	s8 =	simm.s32 @!p0 $0x1BF5;
	p2 =	por !p2, p0  }
0x20: {  	[sflag:s8] =	ssyncset.s32 @!p0 $0xFFFFF086;
	s6 =	sadd.s32 @!p0 s3, s7;
	s7 =	simm.s32 @!p0 $0x108  }
0x21: {  	s3 =	sadd.s32 s3, s9;
	s6 =	sadd.s32 @!p0 $0x88, s6;
	s7 =	simm.s32 @p2 $0x1082  }
0x22: {  	[simem:s7], [sflag:s8] =	dma.local @!p0 [hbm:s6], $0xF7A  }
0x23: {  	s9 =	sor.u32 $0xD0000000, s2;
	s6 =	simm.s32 $0x108;
	_ =	swait.ge @!p0 [sflag:s8], $0x0  }
0x24: {  	s3 =	sadd.s32 $0x88, s3;
	s6 =	simm.s32 @!p1 $0x1082;
	[sflag:s4] =	ssyncset.s32 $0xFFFFF086  }
0x25: {  	[simem:s6], [sflag:s4] =	dma.local [hbm:s3], $0xF7A  }
0x26: {  	[smem:$0x3F9D] =	sst s1;
	(tag) =	ssettag s2;
	_ =	strace s9  }
0x27: {  	s1 =	sld [smem:$0x3FAD]  }
0x28: {  	s2 =	sld [smem:$0x3FAE]  }
0x29: {  	s4 =	sld [smem:$0x3FB0]  }
0x2a: {  	p0 =	seq.s32 s5, $0x0;
	s5 =	sld [smem:$0x3FB1]  }
0x2b: {  	s6 =	sld [smem:$0x3FB2]  }
0x2c: {  	s7 =	sld [smem:$0x3FB3]  }
0x2d: {  	s3 =	simm.s32 $0x108;
	s8 =	sld [smem:$0x3FB4]  }
0x2e: {  	s3 =	simm.s32 @!p0 $0x1082;
	s9 =	sld [smem:$0x3FB5]  }
0x2f: {  	lr =	sadd.s32 s0, s3;
	s0 =	sld [smem:$0x3FAC]  }
0x30: {  	s3 =	sld [smem:$0x3FAF]  }
0x31: {  	[smem:$0x3FB8] =	sst s10  }
0x32: {  	s10 =	sld [smem:$0x3FB6];
	_ =	sdelay $0x3  }
0x33: {  	p0 =	seq.s32 s10, $0x1;
	s10 =	sld [smem:$0x3FB8];
	_ =	sdelay $0x3  }
0x34: {  	[smem:$0x3FB8] =	sst s10  }
0x35: {  	s10 =	sld [smem:$0x3FB7];
	_ =	sdelay $0x3  }
0x36: {  	p1 =	seq.s32 s10, $0x1;
	s10 =	sld [smem:$0x3FB8];
	_ =	sdelay $0x3  }
0x37: {  	[smem:$0x3FB8] =	sst s10  }
0x38: {  	s10 =	sld [smem:$0x3FB9]  }
0x39: {  	_ = 	snop;
	(pc) =	sbr.ind lr, $3  }
0x3a: {  	_ = 	snop  }
0x3b: {  	_ = 	snop  }
0x3c: {  	p2 =	seq.s32 s10, $0x1;
	s10 =	sld [smem:$0x3FB8]  }
0x3d: {  	_ =	shalt  }
0x3e: {  	_ =	shalt  }
0x3f: {  	_ =	shalt  }
0x40: {  	_ =	shalt  }
0x41: {  	_ =	shalt  }
0x42: {  	_ =	shalt  }
0x43: {  	_ =	shalt  }
0x44: {  	_ =	shalt  }
0x45: {  	_ =	shalt  }
0x46: {  	_ =	shalt  }
0x47: {  	_ =	shalt  }
0x48: {  	_ =	shalt  }
0x49: {  	_ =	shalt  }
0x4a: {  	_ =	shalt  }
0x4b: {  	_ =	shalt  }
0x4c: {  	_ =	shalt  }
0x4d: {  	_ =	shalt  }
0x4e: {  	_ =	shalt  }
0x4f: {  	_ =	shalt  }
0x50: {  	_ =	shalt  }
0x51: {  	_ =	shalt  }
0x52: {  	_ =	shalt  }
0x53: {  	_ =	shalt  }
0x54: {  	_ =	shalt  }
0x55: {  	_ =	shalt  }
0x56: {  	_ =	shalt  }
0x57: {  	_ =	shalt  }
0x58: {  	_ =	shalt  }
0x59: {  	_ =	shalt  }
0x5a: {  	_ =	shalt  }
0x5b: {  	_ =	shalt  }
0x5c: {  	_ =	shalt  }
0x5d: {  	_ =	shalt  }
0x5e: {  	_ =	shalt  }
0x5f: {  	_ =	shalt  }
0x60: {  	_ =	shalt  }
0x61: {  	_ =	shalt  }
0x62: {  	_ =	shalt  }
0x63: {  	_ =	shalt  }
0x64: {  	_ =	shalt  }
0x65: {  	_ =	shalt  }
0x66: {  	_ =	shalt  }
0x67: {  	_ =	shalt  }
0x68: {  	_ =	shalt  }
0x69: {  	_ =	shalt  }
0x6a: {  	_ =	shalt  }
0x6b: {  	_ =	shalt  }
0x6c: {  	_ =	shalt  }
0x6d: {  	_ =	shalt  }
0x6e: {  	_ =	shalt  }
0x6f: {  	_ =	shalt  }
0x70: {  	_ =	shalt  }
0x71: {  	_ =	shalt  }
0x72: {  	_ =	shalt  }
0x73: {  	_ =	shalt  }
0x74: {  	_ =	shalt  }
0x75: {  	_ =	shalt  }
0x76: {  	_ =	shalt  }
0x77: {  	_ =	shalt  }
0x78: {  	_ =	shalt  }
0x79: {  	_ =	shalt  }
0x7a: {  	_ =	shalt  }
0x7b: {  	_ =	shalt  }
0x7c: {  	_ =	shalt  }
0x7d: {  	_ =	shalt  }
0x7e: {  	_ =	shalt  }
0x7f: {  	_ =	shalt  }
0x80: {  	_ =	shalt  }
0x81: {  	_ =	shalt  }
0x82: {  	_ =	shalt  }
0x83: {  	_ =	shalt  }
0x84: {  	_ =	shalt  }
0x85: {  	_ =	shalt  }
0x86: {  	_ =	shalt  }
0x87: {  	_ =	shalt  }
.Lfunc_end0:
.L_simem_size_0:
called_computation_lowered:
.L_overlay_start_0:
0x88: {  	s2 =	sld [smem:$0x3FD9]  }
0x89: {  	s3 =	sld [smem:$0x3FFE];
	_ =	sdelay $0x1  }
0x8a: {  	s1 =	srdreg.scid  }
0x8b: {  	s0 =	sand.u32 $0x1, s1  }
0x8c: {  	s17 =	sshll.u32 s0, $0xA;
	s2 =	sadd.s32 s3, s2  }
0x8d: {  	s2 =	sadd.s32 s2, s17  }
0x8e: {  	[smem:$0x3FC4] =	sst s2  }
0x8f: {  	_ = 	snop  }
0x90: {  	s2 =	sld [smem:$0x3FC9]  }
0x91: {  	s18 =	sld [smem:$0x3FC8];
	(tm) =	ssettm $0x1  }
0x92: {  	s4 =	sld [smem:$0x3FFB];
	_ =	sdelay $0x3  }
0x93: {  	_ =	strace s4  }
0x94: {  	s4 =	sld [smem:$0x3FFC];
	_ =	sdelay $0x3  }
0x95: {  	_ =	strace s4  }
0x96: {  	s4 =	sld [smem:$0x3FFD];
	_ =	sdelay $0x3  }
0x97: {  	_ =	strace s4  }
0x98: {  	_ =	strace $0x8FFFFFFF  }
0x99: {  	s19 =	sld [smem:$0x3FDB];
	_ =	sdelay $0x1  }
0x9a: {  	s5 =	simm.s32 $_scs_section_size  }
0x9b: {  	s6 =	simm.s32 $_size__tile_overlayer_lowered;
	s7 =	simm.s32 $_tile_overlayer_lowered  }
0x9c: {  	s22 =	simm.s32 $0x1BFF;
	s21 =	sshll.u32 s7, $0x1;
	s4 =	sadd.s32 s5, s19  }
0x9d: {  	s8 =	simm.s32 $0x0;
	s20 =	sshll.u32 s6, $0x1;
	s6 =	sadd.s32 s21, s4  }
0x9e: {  	[timem:s8], [sflag:s22] =	dma.local [hbm:s6], s20  }
0x9f: {  	_ =	swait.ge [sflag:s22], s20  }
0xa0: {  	s5 =	ssub.s32 $0x0, s20;
	[sflag:s22] =	ssyncset.done $0x0  }
0xa1: {  	[sflag:s22] =	ssyncadd.s32 s5;
	_ =	sdelay $0x1  }
0xa2: {  	s23 =	simm.s32 $0x1B8B  }
0xa3: {  	_ =	swait.ge [sflag:s23], $0x1  }
0xa4: {  	[sflag:s23] =	ssyncset.done $0x0  }
0xa5: {  	s25 =	simm.s32 $0x1B8E;
	s24 =	sld [smem:$0x3FFE];
	[sflag:s23] =	ssyncadd.s32 $0xFFFFFFFF  }
0xa6: {  	s26 =	simm.s32 $execute0_lowered;
	[smem:$0x3FD2] =	sst s25  }
0xa7: {  	s6 =	sshll.u32 s26, $0x1;
	_ =	strace $0x80000046;
	[dreg:$0x1] =	wrdreg $0xFFFFFFFF  }
0xa8: {  	s28 =	simm.s32 $_size_execute0_lowered;
	s4 =	sadd.s32 s4, s6;
	[dreg:$0x0] =	wrdreg $0x0  }
0xa9: {  	s6 =	sshll.u32 s28, $0x1;
	[dreg:$0x2] =	wrdreg s4  }
0xaa: {  	[dreg:$0x3] =	wrdreg s6  }
0xab: {  	[dreg:$0x4] =	wrdreg $0xC0  }
0xac: {  	_ =	task [dreg:s8], $0x5FFFF  }
0xad: {  	[dreg:$0x1] =	wrdreg $0xFFFFFFFF  }
0xae: {  	[dreg:$0x0] =	wrdreg $0x60  }
0xaf: {  	[dreg:$0x2] =	wrdreg s2  }
0xb0: {  	[dreg:$0x3] =	wrdreg s18  }
0xb1: {  	[dreg:$0x4] =	wrdreg s24  }
0xb2: {  	[dreg:$0x5] =	wrdreg $0x9  }
0xb3: {  	_ =	task.clear_ibuf [dreg:s8], $0x6FFFF;
	_ =	strace $0x90000046  }
0xb4: {  	s29 =	simm.s32 $0x9;
	_ =	strace $0x80000048  }
0xb5: {  	_ =	swait.ge [sflag:s29], $0x1  }
0xb6: {  	[sflag:s29] =	ssyncadd.s32 $0xFFFFFFFF  }
0xb7: {  	_ =	strace $0x90000048  }
0xb8: {  	_ =	sfence  }
0xb9: {  	s30 =	sld [smem:$0x0];
	_ =	sdelay $0x2  }
0xba: {  	s31 =	sshll.u32 s1, $0xD;
	s1 =	sshrl.u32 s1, $0x2  }
0xbb: {  	s3 =	sand.u32 $0x4000, s31;
	s1 =	sadd.s32 s1, s30  }
0xbc: {  	s0 =	sor.u32 s3, s0;
	s1 =	sshll.u32 s1, $0x11  }
0xbd: {  	s0 =	sor.u32 s1, s0  }
0xbe: {  	s0 =	sadd.s32 $0x8F2B, s0  }
0xbf: {  	[sflag:s0] =	ssyncadd.remote.s32 $0x1  }
0xc0: {  	_ =	sfence.sel $0xFFFF  }
0xc1: {  	[dreg:$0x0] =	wrdreg $0xFFFFFFFF;
	(pc) =	sbr.abs _section_cstart, $3  }
0xc2: {  	[dreg:$0x1] =	wrdreg $0xFFFFFFFF  }
0xc3: {  	_ =	task.clear_ibuf [dreg:s8], $0x2FFFF;
	_ =	strace $0x9FFFFFFF  }
0xc4: {  	(tm) =	ssettm $0x7FFFFFFF  }
0xc5: {  	_ =	shalt  }
tec
execute0_lowered:
.L_overlay_start_1:
0x0: {  	(tag) =	ssettag $0x1  }
0x1: {  	s0 =	srdreg.scid  }
0x2: {  	s1 =	stileid.u32;
	s3 =	rddreg [dreg:$0x1]  }
0x3: {  	s2 =	rddreg [dreg:$0x2];
	s4 =	simm.s32 $0x0;
	s5 =	simm.s32 $0x1F  }
0x4: {  	s11 =	simm.s32 $0x2000;
	s12 =	simm.s32 $0x7A1400;
	s13 =	simm.s32 $0x8080  }
0x5: {  	s14 =	simm.s32 $0x7;
	s15 =	simm.s32 $0x4000;
	s16 =	simm.s32 $0x1  }
0x6: {  	s18 =	simm.s32 $0xA080;
	s19 =	simm.s32 $0xC080;
	s20 =	simm.s32 $0xE080  }
0x7: {  	s21 =	simm.s32 $0x10080;
	s22 =	simm.s32 $0x2;
	s23 =	simm.s32 $0x18080  }
0x8: {  	s24 =	simm.s32 $0x1C100;
	s0 =	sand.u32 $0x1, s0;
	s1 =	sshll.u32 s1, $0x1  }
0x9: {  	s25 =	simm.s32 $0x0;
	[smem:$0x7FF] =	sst s4;
	s1 =	sor.u32 s0, s1  }
0xa: {  	_ =	strace $0x80000047;
	s0 =	ssub.s32 $0x2, s0;
	s6 =	smul.u32 $0x1E, s1  }
0xb: {  	s7 =	smin.u32 s1, $0x11;
	p0 =	slt.u32 s1, $0x11;
	s30 =	sshrl.u32 s0, $0x1  }
0xc: {  	s1 =	sshll.u32 s1, $0xA;
	s5 =	simm.s32 @!p0 $0x1E;
	s0 =	ssub.s32 s0, s30  }
.Ltmp0:
0xd: {  	s1 =	sor.u32 $0x1000000, s1;
	s6 =	sadd.s32 s7, s6;
	(pc) =	sbr.rel .LBB2_1-.Ltmp0, $4  }
0xe: {  	v1 =	vlaneseq.u32;
	v7 =	vimm.s32 $0x0;
	p0 =	por $0x0, $0x0;
	s8 =	sadd.s32 s5, s6;
	s31 =	sshll.u32 s6, $0xA  }
0xf: {  	vm0 =	vcmask $0x300;
	v6 =	vimm.s32 $0x7FFF;
	v4 =	vmul.u32 $0x8000, v1;
	s0 =	smax.u32 s0, $0x1;
	s8 =	sshll.u32 s8, $0xA;
	s9 =	sadd.s32 s3, s31  }
0x10: {  	v5 =	vor.u32 $0x80000000, v1;
	v7 =	vsel vm0, $0xD, v7;
	v8 =	vmul.u32 $0x80, v1;
	s8 =	smin.u32 s8, $0xF4200;
	[dreg:$0x4] =	wrdreg s9;
	s9 =	sadd.s32 $0xF4000, s3  }
0x11: {  	s7 =	sadd.s32 $0xC00, s2;
	v3 =	vmov s1;
	[dreg:$0x5] =	wrdreg s0;
	v0 =	vmov s31;
	s17 =	sadd.s32 $0xF4280, s9;
	v2 =	vmov s8  }
.LBB2_31:
0x12: {  	p1 =	slt.s32 s26, $0x1  }
0x13: {  	s0 =	simm.s32 @!p1 $0x3;
	p2 =	seq.s32 @!p1 s26, $0x1  }
0x14: {  	_ =	swait.ge @!p1 [sflag:s0], $0x800;
	p3 =	por p2, p1  }
0x15: {  	[sflag:s0] =	ssyncset.done @!p1 $0x0;
	p4 =	slt.u32 @!p3 s26, $0x3  }
0x16: {  	[sflag:s0] =	ssyncadd.s32 @!p1 $0xFFFFF800;
	s0 =	simm.s32 @!p3 $0x4;
	p5 =	por @!p1 p4, p2  }
0x17: {  	_ =	swait.ge @!p3 [sflag:s0], $0x800;
	p5 =	por p5, p1  }
0x18: {  	[sflag:s0] =	ssyncset.done @!p3 $0x0;
	p6 =	seq.s32 @!p5 s26, $0x3  }
0x19: {  	p4 =	por @!p3 p6, p4;
	[sflag:s0] =	ssyncadd.s32 @!p3 $0xFFFFF800;
	s0 =	simm.s32 @!p5 $0x5  }
0x1a: {  	_ =	swait.ge @!p5 [sflag:s0], $0x800;
	p2 =	por @!p1 p4, p2  }
0x1b: {  	[sflag:s0] =	ssyncset.done @!p5 $0x0;
	p1 =	por p2, p1  }
0x1c: {  	[sflag:s0] =	ssyncadd.s32 @!p5 $0xFFFFF800;
	s0 =	simm.s32 @!p1 $0x6  }
0x1d: {  	_ =	swait.ge @!p1 [sflag:s0], $0x800  }
0x1e: {  	s25 =	sadd.s32 $0x1, s25;
	s1 =	rddreg [dreg:$0x5]  }
0x1f: {  	p2 =	sne.s32 s25, s1  }
.Ltmp1:
0x20: {  	_ = 	snop;
	(pc) =	sbr.rel @!p2 .LBB2_32-.Ltmp1, $3  }
0x21: {  	_ =	sdelay $0x1  }
0x22: {  	[sflag:s0] =	ssyncset.done @!p1 $0x0  }
0x23: {  	[sflag:s0] =	ssyncadd.s32 @!p1 $0xFFFFF800  }
.LBB2_1:
0x24: {  	s0 =	rddreg [dreg:$0x4]  }
0x25: {  	[tilespmem:s13], [sflag:$0x1] =	stream.strided.gather [hbm4b:s0+s11], $0x8000, s12, s11, $0x38;
	[tilespmem:$0x1E100] =	vst v63  }
0x26: {  	s31 =	rddreg [dreg:$0x0]  }
0x27: {  	[tilespmem:s4], [sflag:$0x7] =	stream.linear.gather [hbm4b:s31+s4], $0x4000, $0x38;
	[tilespmem:$0x1E100] =	vst v63  }
0x28: {  	_ =	swait.ge [sflag:s14], $0x4000  }
0x29: {  	[sflag:s14] =	ssyncset.done $0x0  }
0x2a: {  	[sflag:s14] =	ssyncadd.s32 $0xFFFFC000  }
0x2b: {  	v9 =	vld [tilespmem:s4+$0x0];
	_ =	sdelay $0x3  }
0x2c: {  	v10 =	vmov s4  }
0x2d: {  	v10 =	vshll.u32 v10, $0xF;
	vm0 =	vge.s32 v9, v0;
	vm1 =	vlt.s32 v9, v2  }
0x2e: {  	v10 =	vor.u32 v4, v10;
	v9 =	vsub.s32 v9, v0;
	vm0 =	vmand vm0, vm1  }
0x2f: {  	v9 =	vor.u32 v10, v9;
	v10 =	vnsel vm0, $0x8000270F, v5;
	v11 =	vmpcnt.ones.xlane vm0  }
0x30: {  	(xrf1) =	vsort.ascd.msk.u32 $0xffff, v10, v9  }
0x31: {  	(v2sf) =	vpush v11, $0x0;
	_ =	sdelay $0x8  }
0x32: {  	v9 =	vadd.s32 s4, v1;
	_ =	sdelay $0x3  }
0x33: {  	_, v10, _ =	vpop (xrf1)  }
0x34: {  	s2 =	simm.s32 $0x10;
	s1 =	simm.s32 $0x20;
	[tilespmem:v9+s15+$0x0] =	vst.idx.msk $0xffff, v10  }
0x35: {  	s8 =	simm.s32 $0x10;
	s0 =	simm.s32 $0x0;
	v9 =	vld [tilespmem:s2+$0x0];
	s26 =	spop (v2sf)  }
.LBB2_2:
0x36: {  	p1 =	sne.s32 s1, $0x3FF0  }
0x37: {  	s0 =	sadd.s32 s0, s26;
	s26 =	smov.u32 s1;
	s1 =	sadd.s32 $0x10, s1  }
0x38: {  	_ =	sdelay $0x1  }
0x39: {  	v10 =	vmov s2;
	s2 =	smov.u32 s26  }
0x3a: {  	v10 =	vshll.u32 v10, $0xF;
	vm0 =	vge.s32 v9, v0;
	vm1 =	vlt.s32 v9, v2  }
0x3b: {  	v10 =	vor.u32 v4, v10;
	v9 =	vsub.s32 v9, v0;
	vm0 =	vmand vm0, vm1  }
0x3c: {  	v9 =	vor.u32 v10, v9;
	v10 =	vnsel vm0, $0x8000270F, v5;
	v11 =	vmpcnt.ones.xlane vm0  }
0x3d: {  	(xrf1) =	vsort.ascd.msk.u32 $0xffff, v10, v9  }
0x3e: {  	(v2sf) =	vpush v11, $0x0;
	_ =	sdelay $0x8  }
0x3f: {  	v9 =	vadd.s32 s0, v1;
	_ =	sdelay $0x1  }
.Ltmp2:
0x40: {  	(pc) =	sbr.rel @p1 .LBB2_2-.Ltmp2, $4  }
0x41: {  	_ = 	snop  }
0x42: {  	_, v10, _ =	vpop (xrf1)  }
0x43: {  	s8 =	sadd.s32 $0x10, s8;
	[tilespmem:v9+s15+$0x0] =	vst.idx.msk $0xffff, v10  }
0x44: {  	v9 =	vld [tilespmem:s8+$0x0];
	s26 =	spop (v2sf)  }
0x45: {  	_ =	sdelay $0x3  }
0x46: {  	vm0 =	vge.s32 v9, v0;
	vm1 =	vlt.s32 v9, v2  }
0x47: {  	vm0 =	vmand vm0, vm1  }
0x48: {  	v10 =	vmpcnt.ones.xlane vm0;
	_ =	sdelay $0x1  }
0x49: {  	(v2sf) =	vpush v10, $0x0;
	_ =	sdelay $0x6  }
0x4a: {  	v10 =	vmov s2  }
0x4b: {  	v10 =	vshll.u32 v10, $0xF  }
0x4c: {  	v9 =	vsub.s32 v9, v0;
	v10 =	vor.u32 v4, v10  }
0x4d: {  	v9 =	vor.u32 v10, v9;
	v10 =	vnsel vm0, $0x8000270F, v5  }
0x4e: {  	(xrf1) =	vsort.ascd.msk.u32 $0xffff, v10, v9;
	_ =	sdelay $0x3  }
0x4f: {  	s0 =	sadd.s32 s0, s26;
	s1 =	spop (v2sf)  }
0x50: {  	s1 =	sadd.s32 s0, s1  }
0x51: {  	s10 =	sadd.s32 $0xF, s1  }
0x52: {  	s26 =	sand.u32 $0xF, s10  }
0x53: {  	s30 =	sshra.s32 s10, $0x1F;
	p1 =	slt.s32 s10, $0x1;
	p2 =	sne.s32 s26, $0x0  }
0x54: {  	s31 =	sshrl.u32 s30, $0x1C;
	p1 =	por !p1, !p2  }
0x55: {  	v9 =	vadd.s32 s0, v1;
	v10 =	vadd.s32 s1, v1;
	s1 =	simm.s32 $0x1;
	s0 =	sadd.s32 s31, s10;
	p1 =	por !p1, !p1  }
0x56: {  	s0 =	sshra.s32 s0, $0x4;
	s1 =	simm.s32 @!p1 $0x0  }
.Ltmp3:
0x57: {  	s28 =	ssub.s32 s0, s1;
	(pc) =	sbr.rel .LBB2_5-.Ltmp3, $4  }
0x58: {  	p1 =	slt.s32 s28, $0x1  }
0x59: {  	_, v11, _ =	vpop (xrf1);
	s0 =	simm.s32 @!p1 $0x0  }
0x5a: {  	[tilespmem:v9+s15+$0x0] =	vst.idx.msk $0xffff, v11;
	s0 =	simm.s32 @p1 $0x1  }
0x5b: {  	s29 =	simm.s32 $0x0;
	s26 =	simm.s32 $0x0;
	[tilespmem:v10+s15+$0x0] =	vst.idx.msk $0xffff, v6;
	[smem:$0x7FD] =	sst s0  }
.LBB2_4:
0x5c: {  	p1 =	seq.s32 s29, s5  }
.Ltmp4:
0x5d: {  	_ = 	snop;
	(pc) =	sbr.rel @p1 .LBB2_31-.Ltmp4, $1  }
0x5e: {  	_ =	sdelay $0x3  }
.LBB2_5:
0x5f: {  	s2 =	smov.u32 s29;
	s29 =	sadd.s32 $0x1, s29  }
0x60: {  	p1 =	sge.u32 s29, s5  }
.Ltmp5:
0x61: {  	_ = 	snop;
	(pc) =	sbr.rel @p1 .LBB2_11-.Ltmp5, $3  }
0x62: {  	_ =	sdelay $0x1  }
0x63: {  	s31 =	sand.u32 $0x1, s2  }
0x64: {  	p2 =	seq.s32 s31, $0x1  }
0x65: {  	s0 =	sadd.s32 s6, s29  }
0x66: {  	p3 =	seq.s32 s0, $0x3D0  }
0x67: {  	p1 =	por !p2, p3  }
0x68: {  	s1 =	sshll.u32 @!p1 s0, $0xA  }
0x69: {  	s8 =	simm.s32 @!p1 $0x2000;
	s1 =	sand.u32 @!p1 $0x1FFFFC00, s1  }
0x6a: {  	s30 =	simm.s32 @!p1 $0x7A1400;
	s10 =	simm.s32 @!p1 $0x8080;
	s1 =	sadd.s32 @!p1 s3, s1  }
0x6b: {  	[tilespmem:s10], [sflag:$0x1] =	stream.strided.gather @!p1 [hbm4b:s1+s8], $0x8000, s30, s8, $0x38;
	[tilespmem:$0x1E100] =	vst v63  }
0x6c: {  	p4 =	por !p2, !p2;
	p1 =	sne.s32 s0, $0x3D0  }
0x6d: {  	p4 =	por p1, p4  }
.Ltmp6:
0x6e: {  	_ = 	snop;
	(pc) =	sbr.rel @p4 .LBB2_8-.Ltmp6, $1  }
0x6f: {  	_ =	sdelay $0x3  }
0x70: {  	[tilespmem:s13], [sflag:$0x1] =	stream.linear.gather [hbm4b:s9+s4], $0x1000, $0x38;
	[tilespmem:$0x1E100] =	vst v63  }
0x71: {  	_ = 	snop  }
0x72: {  	[tilespmem:s18], [sflag:$0x1] =	stream.linear.gather [hbm4b:s17+s4], $0x1000, $0x38;
	[tilespmem:$0x1E100] =	vst v63  }
.Ltmp7:
0x73: {  	_ = 	snop;
	(pc) =	sbr.rel .LBB2_10-.Ltmp7, $4  }
0x74: {  	s0 =	sadd.s32 $0x1E8500, s9  }
0x75: {  	[tilespmem:s19], [sflag:$0x1] =	stream.linear.gather [hbm4b:s0+s4], $0x1000, $0x38;
	[tilespmem:$0x1E100] =	vst v63  }
0x76: {  	s30 =	sadd.s32 $0x2DC780, s9;
	p4 =	por $0x0, $0x0  }
0x77: {  	[tilespmem:s20], [sflag:$0x1] =	stream.linear.gather [hbm4b:s30+s4], $0x1000, $0x38;
	[tilespmem:$0x1E100] =	vst v63  }
.LBB2_8:
0x78: {  	s1 =	sand.u32 $0x1, s29  }
0x79: {  	p4 =	seq.s32 s1, $0x1  }
0x7a: {  	p5 =	por p3, !p4  }
.Ltmp8:
0x7b: {  	_ = 	snop;
	(pc) =	sbr.rel @p5 .LBB2_9-.Ltmp8, $1  }
0x7c: {  	_ =	sdelay $0x3  }
.Ltmp9:
0x7d: {  	(pc) =	sbr.rel .LBB2_11-.Ltmp9, $4  }
0x7e: {  	s0 =	sshll.u32 s0, $0xA  }
0x7f: {  	s0 =	sand.u32 $0x1FFFFC00, s0  }
0x80: {  	s0 =	sadd.s32 s3, s0  }
0x81: {  	[tilespmem:s21], [sflag:$0x2] =	stream.strided.gather [hbm4b:s0+s11], $0x8000, s12, s11, $0x38;
	[tilespmem:$0x1E100] =	vst v63  }
.LBB2_9:
0x82: {  	p4 =	por @!p3 p4, p4  }
.LBB2_10:
0x83: {  	p1 =	por !p4, p1  }
0x84: {  	s0 =	simm.s32 @!p1 $0x0;
	s1 =	simm.s32 @!p1 $0x10080  }
0x85: {  	[tilespmem:s1], [sflag:$0x2] =	stream.linear.gather @!p1 [hbm4b:s9+s0], $0x1000, $0x38;
	[tilespmem:$0x1E100] =	vst v63  }
0x86: {  	s8 =	simm.s32 @!p1 $0x12080;
	s1 =	sadd.s32 @!p1 $0xF4280, s9  }
0x87: {  	[tilespmem:s8], [sflag:$0x2] =	stream.linear.gather @!p1 [hbm4b:s1+s0], $0x1000, $0x38;
	[tilespmem:$0x1E100] =	vst v63  }
0x88: {  	s1 =	sadd.s32 @!p1 $0x1E8500, s9;
	s8 =	simm.s32 @!p1 $0x14080  }
0x89: {  	[tilespmem:s8], [sflag:$0x2] =	stream.linear.gather @!p1 [hbm4b:s1+s0], $0x1000, $0x38;
	[tilespmem:$0x1E100] =	vst v63  }
0x8a: {  	s1 =	sadd.s32 @!p1 $0x2DC780, s9;
	s8 =	simm.s32 @!p1 $0x16080  }
0x8b: {  	[tilespmem:s8], [sflag:$0x2] =	stream.linear.gather @!p1 [hbm4b:s1+s0], $0x1000, $0x38;
	[tilespmem:$0x1E100] =	vst v63  }
.LBB2_11:
0x8c: {  	s0 =	sadd.s32 s6, s2  }
0x8d: {  	p1 =	seq.s32 @!p2 s0, $0x3D0  }
0x8e: {  	p1 =	por p2, p1  }
.Ltmp10:
0x8f: {  	_ = 	snop;
	(pc) =	sbr.rel @p1 .LBB2_15-.Ltmp10, $1  }
0x90: {  	_ =	sdelay $0x3  }
0x91: {  	_ =	swait.ge [sflag:s16], $0x8000  }
0x92: {  	[sflag:s16] =	ssyncset.done $0x0  }
0x93: {  	[sflag:s16] =	ssyncadd.s32 $0xFFFF8000  }
.LBB2_13:
0x94: {  	p1 =	seq.s32 s0, $0x3D0  }
0x95: {  	p1 =	por p1, !p2  }
.Ltmp11:
0x96: {  	_ = 	snop;
	(pc) =	sbr.rel @p1 .LBB2_17-.Ltmp11, $1  }
0x97: {  	_ =	sdelay $0x3  }
.Ltmp12:
0x98: {  	(pc) =	sbr.rel .LBB2_18-.Ltmp12, $4  }
0x99: {  	_ = 	snop  }
0x9a: {  	_ =	swait.ge [sflag:s22], $0x8000  }
0x9b: {  	[sflag:s22] =	ssyncset.done $0x0  }
0x9c: {  	[sflag:s22] =	ssyncadd.s32 $0xFFFF8000  }
.LBB2_15:
0x9d: {  	p1 =	sne.s32 s31, $0x0  }
0x9e: {  	p3 =	sne.s32 @!p1 s0, $0x3D0  }
0x9f: {  	p1 =	por p1, p3  }
.Ltmp13:
0xa0: {  	_ = 	snop;
	(pc) =	sbr.rel @p1 .LBB2_13-.Ltmp13, $1  }
0xa1: {  	_ =	sdelay $0x3  }
.Ltmp14:
0xa2: {  	(pc) =	sbr.rel .LBB2_18-.Ltmp14, $4  }
0xa3: {  	_ = 	snop  }
0xa4: {  	_ =	swait.ge [sflag:s16], $0x4000  }
0xa5: {  	[sflag:s16] =	ssyncset.done $0x0  }
0xa6: {  	[sflag:s16] =	ssyncadd.s32 $0xFFFFC000  }
.LBB2_17:
0xa7: {  	p1 =	sne.s32 s0, $0x3D0;
	p2 =	por !p2, !p2  }
0xa8: {  	p1 =	por p1, p2  }
0xa9: {  	s1 =	simm.s32 @!p1 $0x2  }
0xaa: {  	_ =	swait.ge @!p1 [sflag:s1], $0x4000  }
0xab: {  	[sflag:s1] =	ssyncset.done @!p1 $0x0  }
0xac: {  	[sflag:s1] =	ssyncadd.s32 @!p1 $0xFFFFC000  }
.LBB2_18:
0xad: {  	s1 =	sld [smem:$0x7FD];
	_ =	sdelay $0x2  }
0xae: {  	p1 =	seq.s32 s1, $0x1  }
.Ltmp15:
0xaf: {  	_ = 	snop;
	(pc) =	sbr.rel @p1 .LBB2_19-.Ltmp15, $1  }
0xb0: {  	_ =	sdelay $0x3  }
0xb1: {  	p1 =	seq.s32 s0, $0x3D0;
	s0 =	simm.s32 $0x200  }
0xb2: {  	s0 =	simm.s32 @!p1 $0x400;
	p1 =	sne.s32 s28, $0x1  }
.Ltmp16:
0xb3: {  	_ = 	snop;
	(pc) =	sbr.rel @!p1 .LBB2_24-.Ltmp16, $4  }
0xb4: {  	_ = 	snop  }
0xb5: {  	s1 =	sshll.u32 s2, $0xA;
	s2 =	simm.s32 $0x0  }
0xb6: {  	s30 =	simm.s32 $0x4000;
	s8 =	sadd.s32 $0xFFFFFFFF, s28;
	s0 =	sadd.s32 s1, s0  }
0xb7: {  	p2 =	por $0x0, $0x0;
	v9 =	vmov s1;
	s1 =	simm.s32 $0x4000;
	v10 =	vmov s0;
	s0 =	simm.s32 $0x0  }
0xb8: {  	v11 =	vld [tilespmem:s30+$0x0];
	_ =	sdelay $0x4  }
0xb9: {  	v12 =	vand.u32 $0x7FFF, v11  }
0xba: {  	v11 =	vshra.s32 v11, $0x5;
	vm0 =	vge.s32 v12, v9;
	vm1 =	vlt.s32 v12, v10  }
0xbb: {  	v11 =	vand.u32 $0xFFFFFC00, v11;
	v12 =	vsub.s32 v12, v9;
	vm0 =	vmand vm0, vm1  }
0xbc: {  	v11 =	vor.u32 v12, v11;
	v12 =	vnsel vm0, $0x8000270F, v5  }
0xbd: {  	(xrf1) =	vsort.ascd.msk.u32 $0xffff, v12, v11;
	v11 =	vmpcnt.ones.xlane vm0;
	_ =	sdelay $0x1  }
0xbe: {  	(v2sf) =	vpush v11, $0x0;
	_ =	sdelay $0x7  }
0xbf: {  	p1 =	sne.s32 s8, $0x1  }
.Ltmp17:
0xc0: {  	v11 =	vadd.s32 s2, v1;
	(pc) =	sbr.rel @!p1 .LBB2_22-.Ltmp17, $3  }
0xc1: {  	_ =	sdelay $0x1  }
0xc2: {  	s8 =	sadd.s32 $0xFFFFFFFF, s8  }
0xc3: {  	p2 =	por $0x1, $0x1;
	s1 =	simm.s32 $0x4000;
	s0 =	simm.s32 $0x0;
	_, v12, _ =	vpop (xrf1)  }
.LBB2_23:
0xc4: {  	p3 =	sne.s32 s8, $0x1;
	[tilespmem:v11+s23+$0x0] =	vst.idx.msk $0xffff, v12;
	s1 =	sadd.s32 $0x10, s1  }
0xc5: {  	v11 =	vld [tilespmem:s1+$0x0];
	s10 =	spop (v2sf)  }
0xc6: {  	s0 =	sadd.s32 s0, s10;
	_ =	sdelay $0x3  }
0xc7: {  	v12 =	vand.u32 $0x7FFF, v11  }
0xc8: {  	v11 =	vshra.s32 v11, $0x5;
	vm0 =	vge.s32 v12, v9;
	vm1 =	vlt.s32 v12, v10  }
0xc9: {  	v11 =	vand.u32 $0xFFFFFC00, v11;
	v12 =	vsub.s32 v12, v9;
	vm0 =	vmand vm0, vm1  }
0xca: {  	v11 =	vor.u32 v12, v11;
	v12 =	vnsel vm0, $0x8000270F, v5;
	v13 =	vmpcnt.ones.xlane vm0  }
0xcb: {  	(xrf1) =	vsort.ascd.msk.u32 $0xffff, v12, v11  }
0xcc: {  	(v2sf) =	vpush v13, $0x0;
	_ =	sdelay $0x8  }
.Ltmp18:
0xcd: {  	v11 =	vadd.s32 s0, v1;
	(pc) =	sbr.rel @p3 .LBB2_23-.Ltmp18, $2  }
0xce: {  	_ =	sdelay $0x2  }
0xcf: {  	s8 =	sadd.s32 $0xFFFFFFFF, s8;
	_, v12, _ =	vpop (xrf1)  }
.LBB2_24:
0xd0: {  	_ =	sdelay $0x2  }
0xd1: {  	s1 =	sadd.s32 @p2 $0x10, s1  }
0xd2: {  	[tilespmem:v11+s23+$0x0] =	vst.idx.msk @p2 $0xffff, v12;
	s30 =	smov.u32 @p2 s1  }
0xd3: {  	v11 =	vld [tilespmem:s30+$0x0];
	_ =	sdelay $0x4  }
0xd4: {  	v63 =	vand.u32 $0x7FFF, v11  }
0xd5: {  	vm0 =	vge.s32 v63, v9;
	vm1 =	vlt.s32 v63, v10  }
0xd6: {  	vm0 =	vmand vm0, vm1  }
0xd7: {  	v10 =	vshra.s32 v11, $0x5;
	v11 =	vmpcnt.ones.xlane vm0  }
0xd8: {  	v9 =	vsub.s32 v63, v9;
	v10 =	vand.u32 $0xFFFFFC00, v10  }
0xd9: {  	v9 =	vor.u32 v9, v10;
	v10 =	vnsel vm0, $0x8000270F, v5;
	(v2sf) =	vpush v11, $0x0  }
0xda: {  	(xrf1) =	vsort.ascd.msk.u32 $0xffff, v10, v9;
	_ =	sdelay $0x6  }
0xdb: {  	s1 =	spop @p2 (v2sf)  }
0xdc: {  	s0 =	sadd.s32 @p2 s0, s1  }
0xdd: {  	s2 =	smov.u32 @p2 s0  }
0xde: {  	v9 =	vadd.s32 s2, v1  }
.Ltmp19:
0xdf: {  	_ = 	snop;
	(pc) =	sbr.rel .LBB2_25-.Ltmp19, $3  }
0xe0: {  	_ =	sdelay $0x1  }
0xe1: {  	_, v10, _ =	vpop (xrf1);
	s30 =	spop (v2sf)  }
0xe2: {  	[tilespmem:v9+s23+$0x0] =	vst.idx.msk $0xffff, v10;
	s0 =	sadd.s32 s2, s30  }
.LBB2_19:
0xe3: {  	s0 =	simm.s32 $0x0  }
.LBB2_25:
0xe4: {  	s1 =	sadd.s32 $0xF, s0  }
0xe5: {  	s2 =	sand.u32 $0xF, s1  }
0xe6: {  	s8 =	sshra.s32 s1, $0x1F;
	p2 =	slt.s32 s1, $0x1;
	p1 =	sne.s32 s2, $0x0  }
0xe7: {  	s10 =	sshrl.u32 s8, $0x1C;
	p1 =	por !p2, !p1  }
0xe8: {  	v9 =	vadd.s32 s0, v1;
	s0 =	sadd.s32 s10, s1;
	s1 =	simm.s32 $0x1;
	p1 =	por !p1, !p1  }
0xe9: {  	s0 =	sshra.s32 s0, $0x4;
	s1 =	simm.s32 @!p1 $0x0  }
0xea: {  	s30 =	ssub.s32 s0, s1  }
0xeb: {  	p1 =	slt.s32 s30, $0x1  }
.Ltmp20:
0xec: {  	_ = 	snop;
	(pc) =	sbr.rel @p1 .LBB2_4-.Ltmp20, $2  }
0xed: {  	_ =	sdelay $0x2  }
0xee: {  	[tilespmem:v9+s23+$0x0] =	vst.idx.msk $0xffff, v3  }
0xef: {  	s2 =	sshll.u32 s31, $0x5  }
0xf0: {  	v9 =	vmov s2;
	s0 =	sor.u32 $0x8, s2;
	s10 =	sor.u32 $0x9, s2  }
0xf1: {  	s1 =	sor.u32 $0xA, s2;
	s8 =	sor.u32 $0xB, s2;
	v9 =	vshrl.u32 v9, $0x3;
	v17 =	vmov s0;
	v18 =	vmov s10  }
0xf2: {  	v19 =	vmov s1;
	v20 =	vmov s8;
	v16 =	vshll.u32 v9, v7  }
0xf3: {  	s10 =	sor.u32 $0xC, s2;
	s1 =	sor.u32 $0xD, s2;
	v17 =	vshrl.u32 v17, $0x3;
	v18 =	vshrl.u32 v18, $0x3;
	v19 =	vshrl.u32 v19, $0x3  }
0xf4: {  	s8 =	sor.u32 $0xE, s2;
	v20 =	vshrl.u32 v20, $0x3;
	v21 =	vmov s10;
	v22 =	vmov s1  }
0xf5: {  	v23 =	vmov s8;
	v10 =	vor.u32 $0x80, v16;
	v9 =	vbroadcast v16, $0x0  }
0xf6: {  	v11 =	vor.u32 $0x100, v16;
	v12 =	vor.u32 $0x180, v16;
	v13 =	vor.u32 $0x200, v16  }
0xf7: {  	v14 =	vor.u32 $0x280, v16;
	v15 =	vor.u32 $0x300, v16;
	v16 =	vor.u32 $0x380, v16  }
0xf8: {  	v17 =	vshll.u32 v17, v7;
	v18 =	vshll.u32 v18, v7;
	v19 =	vshll.u32 v19, v7  }
0xf9: {  	v20 =	vshll.u32 v20, v7;
	v21 =	vshrl.u32 v21, $0x3;
	v22 =	vshrl.u32 v22, $0x3  }
0xfa: {  	s10 =	sor.u32 $0xF, s2;
	v23 =	vshrl.u32 v23, $0x3;
	v10 =	vbroadcast v10, $0x0;
	v11 =	vbroadcast v11, $0x0  }
0xfb: {  	s1 =	sor.u32 $0x10, s2;
	v24 =	vmov s10;
	v12 =	vbroadcast v12, $0x0;
	v13 =	vbroadcast v13, $0x0  }
0xfc: {  	s8 =	sor.u32 $0x11, s2;
	v25 =	vmov s1;
	v14 =	vbroadcast v14, $0x0;
	v15 =	vbroadcast v15, $0x0  }
0xfd: {  	v26 =	vmov s8;
	v16 =	vbroadcast v16, $0x0;
	v17 =	vbroadcast v17, $0x0  }
0xfe: {  	v18 =	vor.u32 $0x80, v18;
	v19 =	vor.u32 $0x100, v19;
	v20 =	vor.u32 $0x180, v20  }
0xff: {  	v21 =	vshll.u32 v21, v7;
	v22 =	vshll.u32 v22, v7;
	v23 =	vshll.u32 v23, v7  }
0x100: {  	s10 =	sor.u32 $0x12, s2;
	s1 =	sor.u32 $0x13, s2;
	v24 =	vshrl.u32 v24, $0x3;
	v25 =	vshrl.u32 v25, $0x3;
	v26 =	vshrl.u32 v26, $0x3  }
0x101: {  	s8 =	sor.u32 $0x14, s2;
	v27 =	vmov s10;
	v28 =	vmov s1;
	v18 =	vbroadcast v18, $0x0  }
0x102: {  	v29 =	vmov s8;
	v19 =	vbroadcast v19, $0x0;
	v20 =	vbroadcast v20, $0x0  }
0x103: {  	v21 =	vor.u32 $0x200, v21;
	v22 =	vor.u32 $0x280, v22;
	v23 =	vor.u32 $0x300, v23  }
0x104: {  	v24 =	vshll.u32 v24, v7;
	v25 =	vshll.u32 v25, v7;
	v26 =	vshll.u32 v26, v7  }
0x105: {  	s10 =	sor.u32 $0x15, s2;
	s1 =	sor.u32 $0x16, s2;
	v27 =	vshrl.u32 v27, $0x3;
	v28 =	vshrl.u32 v28, $0x3;
	v29 =	vshrl.u32 v29, $0x3  }
0x106: {  	s8 =	sor.u32 $0x17, s2;
	v30 =	vmov s10;
	v31 =	vmov s1;
	v21 =	vbroadcast v21, $0x0  }
0x107: {  	v32 =	vmov s8;
	v22 =	vbroadcast v22, $0x0;
	v23 =	vbroadcast v23, $0x0  }
0x108: {  	v24 =	vor.u32 $0x380, v24;
	v25 =	vbroadcast v25, $0x0;
	v26 =	vor.u32 $0x80, v26  }
0x109: {  	v27 =	vshll.u32 v27, v7;
	v28 =	vshll.u32 v28, v7;
	v29 =	vshll.u32 v29, v7  }
0x10a: {  	s10 =	sor.u32 $0x18, s2;
	s1 =	sor.u32 $0x19, s2;
	s8 =	sor.u32 $0x1A, s2;
	v30 =	vshrl.u32 v30, $0x3;
	v31 =	vshrl.u32 v31, $0x3;
	v32 =	vshrl.u32 v32, $0x3  }
0x10b: {  	v33 =	vmov s10;
	v34 =	vmov s1;
	v35 =	vmov s8  }
0x10c: {  	v24 =	vbroadcast v24, $0x0;
	v26 =	vbroadcast v26, $0x0;
	v27 =	vor.u32 $0x100, v27  }
0x10d: {  	v28 =	vor.u32 $0x180, v28;
	v29 =	vor.u32 $0x200, v29;
	v30 =	vshll.u32 v30, v7  }
0x10e: {  	s10 =	sor.u32 $0x1B, s2;
	v31 =	vshll.u32 v31, v7;
	v32 =	vshll.u32 v32, v7;
	v33 =	vshrl.u32 v33, $0x3  }
0x10f: {  	s1 =	sor.u32 $0x1C, s2;
	s8 =	sor.u32 $0x1D, s2;
	v34 =	vshrl.u32 v34, $0x3;
	v36 =	vmov s10;
	v35 =	vshrl.u32 v35, $0x3  }
0x110: {  	v37 =	vmov s1;
	v38 =	vmov s8;
	v27 =	vbroadcast v27, $0x0  }
0x111: {  	v28 =	vbroadcast v28, $0x0;
	v29 =	vbroadcast v29, $0x0;
	v30 =	vor.u32 $0x280, v30  }
0x112: {  	v31 =	vor.u32 $0x300, v31;
	v32 =	vor.u32 $0x380, v32;
	v33 =	vshll.u32 v33, v7  }
0x113: {  	s10 =	sor.u32 $0x1E, s2;
	v34 =	vshll.u32 v34, v7;
	v35 =	vshll.u32 v35, v7;
	v36 =	vshrl.u32 v36, $0x3  }
0x114: {  	s1 =	sor.u32 $0x1F, s2;
	v37 =	vshrl.u32 v37, $0x3;
	v38 =	vshrl.u32 v38, $0x3;
	v39 =	vmov s10  }
0x115: {  	v40 =	vmov s1;
	v30 =	vbroadcast v30, $0x0;
	v31 =	vbroadcast v31, $0x0  }
0x116: {  	v32 =	vbroadcast v32, $0x0;
	v33 =	vbroadcast v33, $0x0;
	v34 =	vor.u32 $0x80, v34  }
0x117: {  	v35 =	vor.u32 $0x100, v35;
	v36 =	vshll.u32 v36, v7;
	v37 =	vshll.u32 v37, v7  }
0x118: {  	v38 =	vshll.u32 v38, v7;
	v39 =	vshrl.u32 v39, $0x3;
	v40 =	vshrl.u32 v40, $0x3  }
.Ltmp21:
0x119: {  	v34 =	vbroadcast v34, $0x0;
	v35 =	vbroadcast v35, $0x0;
	v36 =	vor.u32 $0x180, v36;
	(pc) =	sbr.rel .LBB2_27-.Ltmp21, $4  }
0x11a: {  	v37 =	vor.u32 $0x200, v37;
	v38 =	vor.u32 $0x280, v38;
	v39 =	vshll.u32 v39, v7  }
0x11b: {  	v40 =	vshll.u32 v40, v7;
	v36 =	vbroadcast v36, $0x0;
	v37 =	vbroadcast v37, $0x0  }
0x11c: {  	v38 =	vbroadcast v38, $0x0;
	v39 =	vor.u32 $0x300, v39;
	v40 =	vor.u32 $0x380, v40  }
0x11d: {  	s31 =	simm.s32 $0x18080;
	v39 =	vbroadcast v39, $0x0;
	v40 =	vbroadcast v40, $0x0  }
.LBB2_29:
0x11e: {  	p3 =	por @p1 $0x0, $0x0  }
0x11f: {  	p4 =	por @p1 $0x1, $0x1;
	s0 =	simm.s32 $0x3;
	p3 =	por @!p1 p0, p0  }
0x120: {  	s0 =	simm.s32 @p1 $0x4;
	p4 =	por @!p1 p0, p0;
	p1 =	por @!p5 $0x0, $0x0  }
0x121: {  	p2 =	por p3, p3;
	s0 =	simm.s32 @!p5 $0x5;
	p4 =	por @!p5 p1, p1  }
0x122: {  	p2 =	por @!p5 p1, p1;
	p1 =	por @!p5 $0x1, $0x1;
	s0 =	simm.s32 @!p6 $0x6  }
0x123: {  	p3 =	por @!p5 p1, p1;
	p1 =	por @!p6 $0x1, $0x1;
	_ =	swait.ge [sflag:s0], $0x800  }
0x124: {  	p2 =	por @!p6 p1, p1;
	p1 =	por @!p6 $0x0, $0x0;
	[sflag:s0] =	ssyncset.done $0x0  }
0x125: {  	p4 =	por @!p6 p1, p1;
	p3 =	por @!p6 p1, p1;
	[sflag:s0] =	ssyncadd.s32 $0xFFFFF800  }
.LBB2_30:
0x126: {  	v42 =	vand.u32 $0x7F, v41;
	v43 =	vshll.u32 v41, $0x3  }
0x127: {  	v43 =	vand.u32 $0x1C00, v43;
	v44 =	vor.u32 v9, v42  }
0x128: {  	v44 =	vor.u32 v43, v44;
	_ =	sdelay $0x1  }
0x129: {  	s0 =	sshll.u32 s2, $0x4  }
0x12a: {  	v45 =	vmov s0  }
0x12b: {  	v45 =	vshll.u32 v45, $0x7  }
0x12c: {  	v52 =	vor.u32 v10, v42;
	v46 =	vld.idx.msk [tilespmem:v44+s13+$0x0], $0xffff;
	v44 =	vor.u32 v8, v45  }
0x12d: {  	v45 =	vor.u32 v43, v52;
	_ =	sdelay $0x3  }
0x12e: {  	[tilespmem:v44+s24+$0x0] =	vst.idx.msk $0xffff, v46  }
0x12f: {  	v47 =	vor.u32 v11, v42;
	v53 =	vor.u32 $0x1, v44;
	v45 =	vld.idx.msk [tilespmem:v45+s13+$0x0], $0xffff  }
0x130: {  	v47 =	vor.u32 v43, v47;
	_ =	sdelay $0x3  }
0x131: {  	[tilespmem:v53+s24+$0x0] =	vst.idx.msk $0xffff, v45  }
0x132: {  	v55 =	vor.u32 v12, v42;
	v54 =	vor.u32 $0x2, v44;
	v45 =	vld.idx.msk [tilespmem:v47+s13+$0x0], $0xffff  }
0x133: {  	v47 =	vor.u32 v43, v55;
	_ =	sdelay $0x3  }
0x134: {  	[tilespmem:v54+s24+$0x0] =	vst.idx.msk $0xffff, v45  }
0x135: {  	v57 =	vor.u32 v13, v42;
	v56 =	vor.u32 $0x3, v44;
	v45 =	vld.idx.msk [tilespmem:v47+s13+$0x0], $0xffff  }
0x136: {  	v47 =	vor.u32 v43, v57;
	_ =	sdelay $0x3  }
0x137: {  	[tilespmem:v56+s24+$0x0] =	vst.idx.msk $0xffff, v45  }
0x138: {  	v59 =	vor.u32 v14, v42;
	v58 =	vor.u32 $0x4, v44;
	v45 =	vld.idx.msk [tilespmem:v47+s13+$0x0], $0xffff  }
0x139: {  	v47 =	vor.u32 v43, v59;
	_ =	sdelay $0x3  }
0x13a: {  	[tilespmem:v58+s24+$0x0] =	vst.idx.msk $0xffff, v45  }
0x13b: {  	v61 =	vor.u32 v15, v42;
	v60 =	vor.u32 $0x5, v44;
	v45 =	vld.idx.msk [tilespmem:v47+s13+$0x0], $0xffff  }
0x13c: {  	v47 =	vor.u32 v43, v61;
	_ =	sdelay $0x3  }
0x13d: {  	[tilespmem:v60+s24+$0x0] =	vst.idx.msk $0xffff, v45  }
0x13e: {  	v63 =	vor.u32 v16, v42;
	v62 =	vor.u32 $0x6, v44;
	v45 =	vld.idx.msk [tilespmem:v47+s13+$0x0], $0xffff  }
0x13f: {  	v47 =	vor.u32 v43, v63;
	_ =	sdelay $0x3  }
0x140: {  	[tilespmem:v62+s24+$0x0] =	vst.idx.msk $0xffff, v45  }
0x141: {  	v49 =	vor.u32 v17, v42;
	v48 =	vor.u32 $0x7, v44;
	v45 =	vld.idx.msk [tilespmem:v47+s13+$0x0], $0xffff  }
0x142: {  	v47 =	vor.u32 v43, v49;
	_ =	sdelay $0x3  }
0x143: {  	[tilespmem:v48+s24+$0x0] =	vst.idx.msk $0xffff, v45  }
0x144: {  	v51 =	vor.u32 v18, v42;
	v50 =	vor.u32 $0x8, v44;
	v45 =	vld.idx.msk [tilespmem:v47+s13+$0x0], $0xffff  }
0x145: {  	v47 =	vor.u32 v43, v51;
	_ =	sdelay $0x3  }
0x146: {  	[tilespmem:v50+s24+$0x0] =	vst.idx.msk $0xffff, v45  }
0x147: {  	v52 =	vor.u32 $0x9, v44;
	v53 =	vor.u32 v19, v42;
	v45 =	vld.idx.msk [tilespmem:v47+s13+$0x0], $0xffff  }
0x148: {  	v47 =	vor.u32 v43, v53;
	_ =	sdelay $0x3  }
0x149: {  	[tilespmem:v52+s24+$0x0] =	vst.idx.msk $0xffff, v45  }
0x14a: {  	v55 =	vor.u32 v20, v42;
	v54 =	vor.u32 $0xA, v44;
	v45 =	vld.idx.msk [tilespmem:v47+s13+$0x0], $0xffff  }
0x14b: {  	v47 =	vor.u32 v43, v55;
	_ =	sdelay $0x3  }
0x14c: {  	[tilespmem:v54+s24+$0x0] =	vst.idx.msk $0xffff, v45  }
0x14d: {  	v57 =	vor.u32 v21, v42;
	v56 =	vor.u32 $0xB, v44;
	v45 =	vld.idx.msk [tilespmem:v47+s13+$0x0], $0xffff  }
0x14e: {  	v47 =	vor.u32 v43, v57;
	_ =	sdelay $0x3  }
0x14f: {  	[tilespmem:v56+s24+$0x0] =	vst.idx.msk $0xffff, v45  }
0x150: {  	v59 =	vor.u32 v22, v42;
	v58 =	vor.u32 $0xC, v44;
	v45 =	vld.idx.msk [tilespmem:v47+s13+$0x0], $0xffff  }
0x151: {  	v47 =	vor.u32 v43, v59;
	_ =	sdelay $0x3  }
0x152: {  	[tilespmem:v58+s24+$0x0] =	vst.idx.msk $0xffff, v45  }
0x153: {  	v61 =	vor.u32 v23, v42;
	v60 =	vor.u32 $0xD, v44;
	v45 =	vld.idx.msk [tilespmem:v47+s13+$0x0], $0xffff  }
0x154: {  	v47 =	vor.u32 v43, v61;
	_ =	sdelay $0x3  }
0x155: {  	[tilespmem:v60+s24+$0x0] =	vst.idx.msk $0xffff, v45  }
0x156: {  	v63 =	vor.u32 v24, v42;
	v62 =	vor.u32 $0xE, v44;
	v45 =	vld.idx.msk [tilespmem:v47+s13+$0x0], $0xffff  }
0x157: {  	v47 =	vor.u32 v43, v63;
	_ =	sdelay $0x3  }
0x158: {  	[tilespmem:v62+s24+$0x0] =	vst.idx.msk $0xffff, v45  }
0x159: {  	v49 =	vor.u32 v25, v42;
	v48 =	vor.u32 $0xF, v44;
	v45 =	vld.idx.msk [tilespmem:v47+s13+$0x0], $0xffff  }
0x15a: {  	v47 =	vor.u32 v43, v49;
	_ =	sdelay $0x3  }
0x15b: {  	[tilespmem:v48+s24+$0x0] =	vst.idx.msk $0xffff, v45  }
0x15c: {  	v51 =	vor.u32 v26, v42;
	v50 =	vor.u32 $0x10, v44;
	v45 =	vld.idx.msk [tilespmem:v47+s13+$0x0], $0xffff  }
0x15d: {  	v47 =	vor.u32 v43, v51;
	_ =	sdelay $0x3  }
0x15e: {  	[tilespmem:v50+s24+$0x0] =	vst.idx.msk $0xffff, v45  }
0x15f: {  	v53 =	vor.u32 v27, v42;
	v52 =	vor.u32 $0x11, v44;
	v45 =	vld.idx.msk [tilespmem:v47+s13+$0x0], $0xffff  }
0x160: {  	v47 =	vor.u32 v43, v53;
	_ =	sdelay $0x3  }
0x161: {  	[tilespmem:v52+s24+$0x0] =	vst.idx.msk $0xffff, v45  }
0x162: {  	v55 =	vor.u32 v28, v42;
	v54 =	vor.u32 $0x12, v44;
	v45 =	vld.idx.msk [tilespmem:v47+s13+$0x0], $0xffff  }
0x163: {  	v47 =	vor.u32 v43, v55;
	_ =	sdelay $0x3  }
0x164: {  	[tilespmem:v54+s24+$0x0] =	vst.idx.msk $0xffff, v45  }
0x165: {  	v57 =	vor.u32 v29, v42;
	v56 =	vor.u32 $0x13, v44;
	v45 =	vld.idx.msk [tilespmem:v47+s13+$0x0], $0xffff  }
0x166: {  	v47 =	vor.u32 v43, v57;
	_ =	sdelay $0x3  }
0x167: {  	[tilespmem:v56+s24+$0x0] =	vst.idx.msk $0xffff, v45  }
0x168: {  	v59 =	vor.u32 v30, v42;
	v58 =	vor.u32 $0x14, v44;
	v45 =	vld.idx.msk [tilespmem:v47+s13+$0x0], $0xffff  }
0x169: {  	v47 =	vor.u32 v43, v59;
	_ =	sdelay $0x3  }
0x16a: {  	[tilespmem:v58+s24+$0x0] =	vst.idx.msk $0xffff, v45  }
0x16b: {  	v61 =	vor.u32 v31, v42;
	v60 =	vor.u32 $0x15, v44;
	v45 =	vld.idx.msk [tilespmem:v47+s13+$0x0], $0xffff  }
0x16c: {  	v47 =	vor.u32 v43, v61;
	_ =	sdelay $0x3  }
0x16d: {  	[tilespmem:v60+s24+$0x0] =	vst.idx.msk $0xffff, v45  }
0x16e: {  	v63 =	vor.u32 v32, v42;
	v62 =	vor.u32 $0x16, v44;
	v45 =	vld.idx.msk [tilespmem:v47+s13+$0x0], $0xffff  }
0x16f: {  	v47 =	vor.u32 v43, v63;
	_ =	sdelay $0x3  }
0x170: {  	[tilespmem:v62+s24+$0x0] =	vst.idx.msk $0xffff, v45  }
0x171: {  	v49 =	vor.u32 v33, v42;
	v48 =	vor.u32 $0x17, v44;
	v45 =	vld.idx.msk [tilespmem:v47+s13+$0x0], $0xffff  }
0x172: {  	v47 =	vor.u32 v43, v49;
	_ =	sdelay $0x3  }
0x173: {  	[tilespmem:v48+s24+$0x0] =	vst.idx.msk $0xffff, v45  }
0x174: {  	v51 =	vor.u32 v34, v42;
	v50 =	vor.u32 $0x18, v44;
	v45 =	vld.idx.msk [tilespmem:v47+s13+$0x0], $0xffff  }
0x175: {  	v47 =	vor.u32 v43, v51;
	_ =	sdelay $0x3  }
0x176: {  	[tilespmem:v50+s24+$0x0] =	vst.idx.msk $0xffff, v45  }
0x177: {  	v53 =	vor.u32 v35, v42;
	v52 =	vor.u32 $0x19, v44;
	v45 =	vld.idx.msk [tilespmem:v47+s13+$0x0], $0xffff  }
0x178: {  	v47 =	vor.u32 v43, v53;
	_ =	sdelay $0x3  }
0x179: {  	[tilespmem:v52+s24+$0x0] =	vst.idx.msk $0xffff, v45  }
0x17a: {  	v55 =	vor.u32 v36, v42;
	v54 =	vor.u32 $0x1A, v44;
	v45 =	vld.idx.msk [tilespmem:v47+s13+$0x0], $0xffff  }
0x17b: {  	v47 =	vor.u32 v43, v55;
	_ =	sdelay $0x3  }
0x17c: {  	[tilespmem:v54+s24+$0x0] =	vst.idx.msk $0xffff, v45  }
0x17d: {  	v57 =	vor.u32 v37, v42;
	v56 =	vor.u32 $0x1B, v44;
	v45 =	vld.idx.msk [tilespmem:v47+s13+$0x0], $0xffff  }
0x17e: {  	v47 =	vor.u32 v43, v57;
	_ =	sdelay $0x3  }
0x17f: {  	[tilespmem:v56+s24+$0x0] =	vst.idx.msk $0xffff, v45  }
0x180: {  	v59 =	vor.u32 v38, v42;
	v58 =	vor.u32 $0x1C, v44;
	v45 =	vld.idx.msk [tilespmem:v47+s13+$0x0], $0xffff  }
0x181: {  	v47 =	vor.u32 v43, v59;
	_ =	sdelay $0x3  }
0x182: {  	[tilespmem:v58+s24+$0x0] =	vst.idx.msk $0xffff, v45  }
0x183: {  	v61 =	vor.u32 v39, v42;
	v60 =	vor.u32 $0x1D, v44;
	v45 =	vld.idx.msk [tilespmem:v47+s13+$0x0], $0xffff  }
0x184: {  	v47 =	vor.u32 v43, v61;
	_ =	sdelay $0x3  }
0x185: {  	[tilespmem:v60+s24+$0x0] =	vst.idx.msk $0xffff, v45  }
0x186: {  	v42 =	vor.u32 v40, v42;
	v62 =	vor.u32 $0x1E, v44;
	v45 =	vld.idx.msk [tilespmem:v47+s13+$0x0], $0xffff  }
0x187: {  	v42 =	vor.u32 v43, v42;
	_ =	sdelay $0x3  }
0x188: {  	[tilespmem:v62+s24+$0x0] =	vst.idx.msk $0xffff, v45  }
0x189: {  	v63 =	vor.u32 $0x1F, v44;
	v42 =	vld.idx.msk [tilespmem:v42+s13+$0x0], $0xffff  }
0x18a: {  	v41 =	vshra.s32 v41, $0xA;
	_ =	sdelay $0x2  }
0x18b: {  	p1 =	sne.s32 s2, $0x0  }
0x18c: {  	s30 =	sadd.s32 $0xFFFFFFFF, s30;
	vm0 =	vmmov @!p1 $0xffff;
	s0 =	simm.s32 @!p1 $0x0;
	s1 =	simm.s32 @!p1 $0x1C100;
	[tilespmem:v63+s24+$0x0] =	vst.idx.msk $0xffff, v42  }
0x18d: {  	[hbm4b:s7+s0] =	stream.indirect_vreg.scatter @!p1 [tilespmem:s1], [sflag:$0x3], $0x80, v41, vm0, $0xb8;
	[tilespmem:$0x1E100] =	vst v63  }
0x18e: {  	vm0 =	vmmov @p4 $0xffff;
	s0 =	simm.s32 @p4 $0x0;
	s1 =	simm.s32 @p4 $0x1C900;
	p1 =	seq.s32 s30, $0x0  }
0x18f: {  	[hbm4b:s7+s0] =	stream.indirect_vreg.scatter @p4 [tilespmem:s1], [sflag:$0x4], $0x80, v41, vm0, $0xb8;
	[tilespmem:$0x1E100] =	vst v63  }
.Ltmp22:
0x190: {  	_ = 	snop;
	(pc) =	sbr.rel @p1 .LBB2_4-.Ltmp22, $4  }
0x191: {  	s26 =	sadd.s32 $0x1, s26;
	vm0 =	vmmov @p3 $0xffff;
	s0 =	simm.s32 @p3 $0x0;
	s1 =	simm.s32 @p3 $0x1D100  }
0x192: {  	[hbm4b:s7+s0] =	stream.indirect_vreg.scatter @p3 [tilespmem:s1], [sflag:$0x5], $0x80, v41, vm0, $0xb8;
	[tilespmem:$0x1E100] =	vst v63  }
0x193: {  	s31 =	sadd.s32 $0x10, s31;
	vm0 =	vmmov @p2 $0xffff;
	s0 =	simm.s32 @p2 $0x0;
	s1 =	simm.s32 @p2 $0x1D900  }
0x194: {  	[hbm4b:s7+s0] =	stream.indirect_vreg.scatter @p2 [tilespmem:s1], [sflag:$0x6], $0x80, v41, vm0, $0xb8;
	[tilespmem:$0x1E100] =	vst v63  }
.LBB2_27:
0x195: {  	s2 =	sand.u32 $0x3, s26;
	p1 =	slt.s32 s26, $0x4  }
0x196: {  	p2 =	seq.s32 @!p1 s2, $0x0  }
0x197: {  	p1 =	por p1, !p2  }
0x198: {  	p2 =	slt.s32 @p1 s26, $0x4  }
0x199: {  	p3 =	por p2, !p1  }
0x19a: {  	p3 =	seq.s32 @!p3 s2, $0x1  }
0x19b: {  	p2 =	por @p1 p2, !p3  }
0x19c: {  	p5 =	por !p1, !p2  }
0x19d: {  	p2 =	slt.s32 @!p5 s26, $0x4  }
0x19e: {  	p3 =	por p2, p5  }
0x19f: {  	p3 =	seq.s32 @!p3 s2, $0x2  }
0x1a0: {  	p2 =	por @!p5 p2, !p3  }
0x1a1: {  	p6 =	por p5, !p2  }
0x1a2: {  	p3 =	slt.s32 @!p6 s26, $0x4  }
0x1a3: {  	p2 =	por p3, p6  }
0x1a4: {  	p2 =	sne.s32 @!p2 s2, $0x3  }
0x1a5: {  	p2 =	por @!p6 p3, p2  }
0x1a6: {  	p2 =	por p6, !p2  }
.Ltmp23:
0x1a7: {  	_ = 	snop;
	(pc) =	sbr.rel @p2 .LBB2_29-.Ltmp23, $2  }
0x1a8: {  	_ =	sdelay $0x2  }
0x1a9: {  	v41 =	vld [tilespmem:s31+$0x0]  }
.Ltmp24:
0x1aa: {  	(pc) =	sbr.rel .LBB2_30-.Ltmp24, $4  }
0x1ab: {  	_ = 	snop  }
0x1ac: {  	p2 =	seq.s32 @!p6 s2, $0x3  }
0x1ad: {  	p6 =	por !p3, p6;
	p4 =	seq.s32 @p1 s2, $0x1;
	p3 =	seq.s32 @!p5 s2, $0x2  }
0x1ae: {  	p2 =	por @!p6 p2, p2;
	p4 =	por @!p6 p4, p4;
	p3 =	por @!p6 p3, p3  }
.LBB2_22:
.Ltmp25:
0x1af: {  	(pc) =	sbr.rel .LBB2_24-.Ltmp25, $2  }
0x1b0: {  	_ =	sdelay $0x2  }
0x1b1: {  	s1 =	simm.s32 $0x4000;
	s0 =	simm.s32 $0x0  }
.LBB2_32:
0x1b2: {  	_ =	sfence.sel $0x180000  }
0x1b3: {  	[bflag:$0x0] =	sbarrier.arrive $0xFFFF  }
0x1b4: {  	_ =	strace $0x90000047  }
0x1b5: {  	s0 =	stileid.u32;
	[bflag:$0x2] =	sbarrier.arrive $0xFFFF  }
0x1b6: {  	p0 =	sne.s32 s0, $0x0;
	s0 =	rddreg [dreg:$0x3]  }
0x1b7: {  	s0 =	sadd.s32 @!p0 $0x100000, s0  }
0x1b8: {  	[sflag:s0] =	ssyncadd.tile.s32 @!p0 $0x1;
	_ =	shalt  }
.Lfunc_end2:
_tile_overlayer_lowered:
.L_overlay_start_2:
0x1b9: {  	(tag) =	ssettag $0x2  }
0x1ba: {  	s0 =	rddreg [dreg:$0x0];
	s2 =	stileid.u32  }
0x1bb: {  	s1 =	rddreg [dreg:$0x1];
	p0 =	sne.s32 s2, $0x0  }
0x1bc: {  	s3 =	rddreg [dreg:$0x2];
	[bflag:$0x3] =	sbarrier.arrive $0xFFFF;
	s2 =	simm.s32 @!p0 $0x1C07  }
0x1bd: {  	[timem:s3], [sflag:s2] =	dma.local @!p0 [hbm:s0], s1  }
0x1be: {  	s0 =	simm.s32 @!p0 $0x7  }
0x1bf: {  	_ =	swait.ge @!p0 [sflag:s0], s1  }
0x1c0: {  	s1 =	ssub.s32 @!p0 $0x0, s1;
	[sflag:s0] =	ssyncset.done @!p0 $0x0  }
0x1c1: {  	[sflag:s0] =	ssyncadd.s32 @!p0 s1  }
0x1c2: {  	[bflag:$0x3] =	sbarrier.arrive $0xFFFF  }
0x1c3: {  	_ =	shalt  }

</sc_bundles>
